<compile_context>
chip_gen: v7x
topology: tpu7x:2x2x1
jax: 0.10.2.dev20260603
libtpu: 0.0.44.dev20260713+nightly
codegen_flags: <defaults>
</compile_context>

<pallas_src>
import functools
import jax
import jax.numpy as jnp
from jax import lax
from jax.experimental import pallas as pl
from jax.experimental.pallas import tpu as pltpu
from jax.experimental.pallas import tpu_sc as plsc

N = 10000
NPAD = 10240
E = 320000
DIN = 128
HEADS = 4
DPH = 32
DH = 128
DEXT = 144
DSTW = 16
TDIM = 32

NC, NS = 2, 16
NW = NC * NS
CH = 128
NCHUNK = 79
EPT = NCHUNK * CH
EPAD = NW * EPT
RPT = NPAD // NS

RB = 128
GRID = NPAD // RB



def _attention_coeffs(z, te_ref, at_ref, As_ref, Ad_ref):
    te = jnp.cos(te_ref[...])
    asrc = jnp.dot(z, As_ref[...], preferred_element_type=jnp.float32) + \
        jnp.dot(te, at_ref[...], preferred_element_type=jnp.float32)
    adst = jnp.dot(z, Ad_ref[...], preferred_element_type=jnp.float32)
    return asrc, adst


def _tc_pro_body(x_ref, targ_ref, W_ref, As_ref, Ad_ref, at_ref,
                 zext_ref, adst_ref):
    z = jnp.dot(x_ref[...], W_ref[...], preferred_element_type=jnp.float32)
    asrc, adst = _attention_coeffs(z, targ_ref, at_ref, As_ref, Ad_ref)
    zext_ref[...] = jnp.concatenate(
        [z, asrc, jnp.zeros((RB, DEXT - DH - HEADS), jnp.float32)], axis=1)
    adst_ref[...] = jnp.concatenate(
        [adst, jnp.zeros((RB, DSTW - HEADS), jnp.float32)], axis=1)


def _combine_elu(n0, n1):
    ns = n0 + n1
    den = ns[:, DH:DH + HEADS]
    num = ns[:, :DH]
    denb = jnp.reshape(
        jnp.broadcast_to(den[:, :, None], (RB, HEADS, DPH)), (RB, DH))
    h = num / (denb + 1e-16)
    return jnp.where(h > 0, h, jnp.exp(jnp.minimum(h, 0.0)) - 1.0)


def _tc_mid_body(n0_ref, n1_ref, targ_ref, W_ref, As_ref, Ad_ref, at_ref,
                 zext_ref, adst_ref):
    h = _combine_elu(n0_ref[0], n1_ref[0])
    z = jnp.dot(h, W_ref[...], preferred_element_type=jnp.float32)
    asrc, adst = _attention_coeffs(z, targ_ref, at_ref, As_ref, Ad_ref)
    zext_ref[...] = jnp.concatenate(
        [z, asrc, jnp.zeros((RB, DEXT - DH - HEADS), jnp.float32)], axis=1)
    adst_ref[...] = jnp.concatenate(
        [adst, jnp.zeros((RB, DSTW - HEADS), jnp.float32)], axis=1)


def _tc_epi_body(n0_ref, n1_ref, Wh_ref, out_ref):
    h = _combine_elu(n0_ref[0], n1_ref[0])
    out_ref[...] = jnp.dot(h, Wh_ref[...], preferred_element_type=jnp.float32)


def _full(shape):
    return pl.BlockSpec(shape, lambda i: tuple(0 for _ in shape))


def _tc_prologue(x_p, targ, W, As, Ad, at):
    return pl.pallas_call(
        _tc_pro_body,
        grid=(GRID,),
        in_specs=[
            pl.BlockSpec((RB, DIN), lambda i: (i, 0)),
            pl.BlockSpec((RB, TDIM), lambda i: (i, 0)),
            _full((DIN, DH)), _full((DH, HEADS)), _full((DH, HEADS)),
            _full((TDIM, HEADS)),
        ],
        out_specs=[
            pl.BlockSpec((RB, DEXT), lambda i: (i, 0)),
            pl.BlockSpec((RB, DSTW), lambda i: (i, 0)),
        ],
        out_shape=[
            jax.ShapeDtypeStruct((NPAD, DEXT), jnp.float32),
            jax.ShapeDtypeStruct((NPAD, DSTW), jnp.float32),
        ],
    )(x_p, targ, W, As, Ad, at)


def _tc_mid(parts, targ, W, As, Ad, at):
    return pl.pallas_call(
        _tc_mid_body,
        grid=(GRID,),
        in_specs=[
            pl.BlockSpec((1, RB, DEXT), lambda i: (0, i, 0)),
            pl.BlockSpec((1, RB, DEXT), lambda i: (1, i, 0)),
            pl.BlockSpec((RB, TDIM), lambda i: (i, 0)),
            _full((DH, DH)), _full((DH, HEADS)), _full((DH, HEADS)),
            _full((TDIM, HEADS)),
        ],
        out_specs=[
            pl.BlockSpec((RB, DEXT), lambda i: (i, 0)),
            pl.BlockSpec((RB, DSTW), lambda i: (i, 0)),
        ],
        out_shape=[
            jax.ShapeDtypeStruct((NPAD, DEXT), jnp.float32),
            jax.ShapeDtypeStruct((NPAD, DSTW), jnp.float32),
        ],
    )(parts, parts, targ, W, As, Ad, at)


def _tc_epilogue(parts, Whp):
    return pl.pallas_call(
        _tc_epi_body,
        grid=(GRID,),
        in_specs=[
            pl.BlockSpec((1, RB, DEXT), lambda i: (0, i, 0)),
            pl.BlockSpec((1, RB, DEXT), lambda i: (1, i, 0)),
            _full((DH, DH)),
        ],
        out_specs=pl.BlockSpec((RB, DH), lambda i: (i, 0)),
        out_shape=jax.ShapeDtypeStruct((NPAD, DH), jnp.float32),
    )(parts, parts, Whp)



@functools.cache
def _sc_pass_fn():
    mesh = plsc.VectorSubcoreMesh(
        core_axis_name="c", subcore_axis_name="s",
        num_cores=NC, num_subcores=NS)
    return functools.partial(
        pl.kernel,
        out_type=jax.ShapeDtypeStruct((NC, NPAD, DEXT), jnp.float32),
        mesh=mesh,
        compiler_params=pltpu.CompilerParams(
            needs_layout_passes=False, use_tc_tiling_on_sc=False),
        scratch_types=[
            pltpu.VMEM((CH,), jnp.int32),
            pltpu.VMEM((CH,), jnp.int32),
            pltpu.VMEM((CH,), jnp.float32),
            pltpu.VMEM((CH, DEXT), jnp.float32),
            pltpu.VMEM((CH, DSTW), jnp.float32),
            pltpu.VMEM((CH * HEADS,), jnp.float32),
            pltpu.VMEM_SHARED((NPAD, DEXT), jnp.float32),
            pltpu.SemaphoreType.DMA,
            pltpu.SemaphoreType.DMA,
        ],
    )(_sc_body)


def _sc_body(zext_hbm, adst_hbm, src_hbm, dst_hbm, w_hbm,
             out_hbm, srcv, dstv, wv, zbuf, abuf, cbuf, acc_sh, sem, sem2):
    cid = lax.axis_index("c")
    sid = lax.axis_index("s")
    wid = cid * NS + sid

    def _zrow(i, _):
        for k in range(DEXT // 16):
            zbuf[i, pl.ds(k * 16, 16)] = jnp.zeros((16,), jnp.float32)
        return 0
    lax.fori_loop(0, CH, _zrow, 0)
    base = sid * RPT
    for j in range(RPT // CH):
        pltpu.sync_copy(zbuf, acc_sh.at[pl.ds(base + j * CH, CH)])
    plsc.subcore_barrier()

    ebase = wid * EPT
    lane = lax.iota(jnp.int32, 16)

    def _chunk(t, _):
        off = ebase + t * CH
        pltpu.sync_copy(src_hbm.at[pl.ds(off, CH)], srcv)
        pltpu.sync_copy(dst_hbm.at[pl.ds(off, CH)], dstv)
        pltpu.sync_copy(w_hbm.at[pl.ds(off, CH)], wv)
        zcp = pltpu.async_copy(zext_hbm.at[srcv], zbuf, sem)
        acp = pltpu.async_copy(adst_hbm.at[dstv], abuf, sem2)
        zcp.wait()
        acp.wait()

        for j in range(CH // 16):
            wvj = wv[pl.ds(j * 16, 16)]
            eids = lane + (j * 16)
            for h in range(HEADS):
                e = plsc.load_gather(
                        zbuf, [eids, jnp.full((16,), DH + h, jnp.int32)]) + \
                    plsc.load_gather(
                        abuf, [eids, jnp.full((16,), h, jnp.int32)])
                e = jnp.where(e >= 0.0, e, e * 0.2)
                c = jnp.exp(e) * wvj
                plsc.store_scatter(cbuf, [eids * HEADS + h], c)
                plsc.store_scatter(
                    zbuf, [eids, jnp.full((16,), DH + h, jnp.int32)], c)

        def _srow(e, _):
            for h in range(HEADS):
                cv = plsc.load_gather(
                    cbuf, [jnp.full((16,), e * HEADS + h, jnp.int32)])
                for k in range(DPH // 16):
                    col = h * DPH + k * 16
                    zbuf[e, pl.ds(col, 16)] = zbuf[e, pl.ds(col, 16)] * cv
            return 0
        lax.fori_loop(0, CH, _srow, 0)

        pltpu.sync_copy(zbuf, acc_sh.at[dstv], add=True)
        return 0

    lax.fori_loop(0, NCHUNK, _chunk, 0)
    plsc.subcore_barrier()

    pltpu.sync_copy(acc_sh.at[pl.ds(base, RPT)],
                    out_hbm.at[cid, pl.ds(base, RPT)])



def kernel(x, edge_index, edge_weight, time, W0, a_src0, a_dst0, a_t0,
           W1, a_src1, a_dst1, a_t1, t_w, t_b, W_head, b_head):
    f32 = jnp.float32
    x_p = jnp.zeros((NPAD, DIN), f32).at[:N].set(x)
    targ = jnp.zeros((NPAD, TDIM), f32).at[:N].set(
        time[:, None] * t_w[None, :] + t_b[None, :])

    pad = EPAD - E
    src_p = jnp.concatenate([edge_index[0], jnp.zeros((pad,), jnp.int32)])
    dst_p = jnp.concatenate([edge_index[1], jnp.zeros((pad,), jnp.int32)])
    w_p = jnp.concatenate([edge_weight, jnp.zeros((pad,), f32)])

    eye = jnp.eye(HEADS, dtype=f32)
    def proj(a):
        return (a[:, :, None] * eye[:, None, :]).reshape(DH, HEADS)
    As0, Ad0, As1, Ad1 = proj(a_src0), proj(a_dst0), proj(a_src1), proj(a_dst1)
    Whp = jnp.zeros((DH, DH), f32).at[:, 0].set(W_head[:, 0])

    zext0, adst0 = _tc_prologue(x_p, targ, W0, As0, Ad0, a_t0)
    num0 = _sc_pass_fn()(zext0, adst0, src_p, dst_p, w_p)
    zext1, adst1 = _tc_mid(num0, targ, W1, As1, Ad1, a_t1)
    num1 = _sc_pass_fn()(zext1, adst1, src_p, dst_p, w_p)
    outp = _tc_epilogue(num1, Whp)
    return outp[:N, 0] + b_head[0]

# --- scband reference (transcript-rebuilt; emitter-appended) ---
"""Pipeline reference for scband-tgatmodel-73512660238835 (READ-ONLY COPY).

The authoritative reference and input builder live on the scoring server;
editing this copy changes nothing except your own understanding.
"""

import jax, jax.numpy as jnp
import numpy as np

N = 10000
E = 320000
D_IN = 128
HEADS = 4
D_PH = 32
D_H = HEADS * D_PH
TDIM = 32


def setup_inputs(seed: int = 0):
    key = jax.random.key(seed)
    ks = jax.random.split(key, 18)
    x = jax.random.normal(ks[0], (N, D_IN), dtype=jnp.float32)
    edge_index = jax.random.randint(ks[1], (2, E), 0, N, dtype=jnp.int32)
    edge_weight = jax.random.uniform(ks[2], (E,), dtype=jnp.float32)
    time = jax.random.uniform(ks[3], (N,), dtype=jnp.float32) * 1000.0
    W0 = jax.random.normal(ks[4], (D_IN, D_H), dtype=jnp.float32) * 0.05
    a_src0 = jax.random.normal(ks[5], (HEADS, D_PH), dtype=jnp.float32) * 0.05
    a_dst0 = jax.random.normal(ks[6], (HEADS, D_PH), dtype=jnp.float32) * 0.05
    a_t0 = jax.random.normal(ks[7], (TDIM, HEADS), dtype=jnp.float32) * 0.05
    W1 = jax.random.normal(ks[8], (D_H, D_H), dtype=jnp.float32) * 0.05
    a_src1 = jax.random.normal(ks[9], (HEADS, D_PH), dtype=jnp.float32) * 0.05
    a_dst1 = jax.random.normal(ks[10], (HEADS, D_PH), dtype=jnp.float32) * 0.05
    a_t1 = jax.random.normal(ks[11], (TDIM, HEADS), dtype=jnp.float32) * 0.05
    t_w = jax.random.normal(ks[12], (TDIM,), dtype=jnp.float32) * 0.05
    t_b = jax.random.normal(ks[13], (TDIM,), dtype=jnp.float32) * 0.05
    W_head = jax.random.normal(ks[14], (D_H, 1), dtype=jnp.float32) * 0.05
    b_head = jnp.zeros((1,), dtype=jnp.float32)
    return {"x": x, "edge_index": edge_index, "edge_weight": edge_weight, "time": time,
            "W0": W0, "a_src0": a_src0, "a_dst0": a_dst0, "a_t0": a_t0,
            "W1": W1, "a_src1": a_src1, "a_dst1": a_dst1, "a_t1": a_t1,
            "t_w": t_w, "t_b": t_b, "W_head": W_head, "b_head": b_head}


def _tgat_layer(h, te, edge_index, edge_weight, W, a_s, a_d, a_t):
    src = edge_index[0]
    dst = edge_index[1]
    z = (h @ W).reshape(-1, HEADS, D_PH)
    alpha_s = jnp.einsum('nhd,hd->nh', z, a_s)
    alpha_d = jnp.einsum('nhd,hd->nh', z, a_d)
    alpha_t = te @ a_t
    e = jax.nn.leaky_relu(alpha_s[src] + alpha_d[dst] + alpha_t[src], negative_slope=0.2)
    m = jax.ops.segment_max(e, dst, num_segments=N)
    m = jnp.where(jnp.isfinite(m), m, 0.0)
    e_exp = jnp.exp(e - m[dst]) * edge_weight[:, None]
    denom = jax.ops.segment_sum(e_exp, dst, num_segments=N)
    alpha = e_exp / (denom[dst] + 1e-16)
    out = jax.ops.segment_sum(alpha[:, :, None] * z[src], dst, num_segments=N)
    return jax.nn.elu(out.reshape(-1, D_H))


def reference(x, edge_index, edge_weight, time, W0, a_src0, a_dst0, a_t0, W1, a_src1, a_dst1, a_t1, t_w, t_b, W_head, b_head):
    te = jnp.cos(time[:, None] * t_w[None, :] + t_b[None, :])
    h = _tgat_layer(x, te, edge_index, edge_weight, W0, a_src0, a_dst0, a_t0)
    h = _tgat_layer(h, te, edge_index, edge_weight, W1, a_src1, a_dst1, a_t1)
    out = (h @ W_head + b_head[None, :]).squeeze(-1)
    return out

if __name__ == "__main__":
    import jax
    _d = setup_inputs()
    print(jax.jit(kernel)(*tuple(_d.values())))

</pallas_src>

<mosaic_0001>
#map = affine_map<(d0, d1) -> (0, 0)>
#map1 = affine_map<(d0, d1) -> (0)>
#map2 = affine_map<(d0, d1) -> (0, 0, 0)>
module attributes {stable_mosaic.version = 14 : i64} {
  func.func @_sc_body(%arg0: i32, %arg1: i32, %arg2: memref<10240x144xf32, #tpu.memory_space<hbm>>, %arg3: memref<10240x16xf32, #tpu.memory_space<hbm>>, %arg4: memref<323584xi32, #tpu.memory_space<hbm>>, %arg5: memref<323584xi32, #tpu.memory_space<hbm>>, %arg6: memref<323584xf32, #tpu.memory_space<hbm>>, %arg7: memref<2x10240x144xf32, #tpu.memory_space<hbm>>, %arg8: memref<128xi32, #tpu.memory_space<vmem>>, %arg9: memref<128xi32, #tpu.memory_space<vmem>>, %arg10: memref<128xf32, #tpu.memory_space<vmem>>, %arg11: memref<128x144xf32, #tpu.memory_space<vmem>>, %arg12: memref<128x16xf32, #tpu.memory_space<vmem>>, %arg13: memref<512xf32, #tpu.memory_space<vmem>>, %arg14: memref<10240x144xf32, #tpu.memory_space<vmem_shared>>, %arg15: memref<!tpu.dma_semaphore, #tpu.memory_space<semaphore_mem>>, %arg16: memref<!tpu.dma_semaphore, #tpu.memory_space<semaphore_mem>>) attributes {dimension_semantics = [#tpu.dimension_semantics<core_parallel>, #tpu.dimension_semantics<subcore_parallel>], iteration_bounds = array<i64: 2, 16>, scalar_prefetch = 0 : i64, scratch_operands = 9 : i64, tpu.core_type = #tpu.core_type<sc_vector_subcore>, window_params = [{transform_indices = #map}, {transform_indices = #map}, {transform_indices = #map1}, {transform_indices = #map1}, {transform_indices = #map1}, {transform_indices = #map2}]} {
    %mul3A = arith.constant 16 : i32
    %mul3A_0 = arith.muli %arg0, %mul3A : i32
    %add3A = arith.addi %mul3A_0, %arg1 : i32
    %scan3A = arith.constant 0 : i32
    %scan3A_1 = arith.constant 0 : i32
    %scan3A_2 = arith.constant 128 : i32
    %scan3A_3 = arith.addi %scan3A_1, %scan3A_2 : i32
    %scan3A_4 = arith.constant 1 : i32
    %scan3A_5 = scf.for %scan3A_29 = %scan3A_1 to %scan3A_3 step %scan3A_4 iter_args(%scan3A_30 = %scan3A) -> (i32)  : i32 {
      %broadcast_in_dim3A = arith.constant 0.000000e+00 : f32
      %broadcast_in_dim3A_31 = vector.broadcast %broadcast_in_dim3A : f32 to vector<16xf32>
      %swap3A = arith.index_cast %scan3A_29 : i32 to index
      %swap3A_32 = arith.constant 0 : index
      %swap3A_33 = tpu.vector_load %arg11[%swap3A, %swap3A_32] {strides = array<i32>} : memref<128x144xf32, #tpu.memory_space<vmem>>, vector<16xf32>,
      tpu.vector_store %arg11[%swap3A, %swap3A_32], %broadcast_in_dim3A_31 {strides = array<i32>} : memref<128x144xf32, #tpu.memory_space<vmem>>, vector<16xf32>,
      %broadcast_in_dim3A_34 = arith.constant 0.000000e+00 : f32
      %broadcast_in_dim3A_35 = vector.broadcast %broadcast_in_dim3A_34 : f32 to vector<16xf32>
      %swap3A_36 = arith.index_cast %scan3A_29 : i32 to index
      %swap3A_37 = arith.constant 16 : index
      %swap3A_38 = tpu.vector_load %arg11[%swap3A_36, %swap3A_37] {strides = array<i32>} : memref<128x144xf32, #tpu.memory_space<vmem>>, vector<16xf32>,
      tpu.vector_store %arg11[%swap3A_36, %swap3A_37], %broadcast_in_dim3A_35 {strides = array<i32>} : memref<128x144xf32, #tpu.memory_space<vmem>>, vector<16xf32>,
      %broadcast_in_dim3A_39 = arith.constant 0.000000e+00 : f32
      %broadcast_in_dim3A_40 = vector.broadcast %broadcast_in_dim3A_39 : f32 to vector<16xf32>
      %swap3A_41 = arith.index_cast %scan3A_29 : i32 to index
      %swap3A_42 = arith.constant 32 : index
      %swap3A_43 = tpu.vector_load %arg11[%swap3A_41, %swap3A_42] {strides = array<i32>} : memref<128x144xf32, #tpu.memory_space<vmem>>, vector<16xf32>,
      tpu.vector_store %arg11[%swap3A_41, %swap3A_42], %broadcast_in_dim3A_40 {strides = array<i32>} : memref<128x144xf32, #tpu.memory_space<vmem>>, vector<16xf32>,
      %broadcast_in_dim3A_44 = arith.constant 0.000000e+00 : f32
      %broadcast_in_dim3A_45 = vector.broadcast %broadcast_in_dim3A_44 : f32 to vector<16xf32>
      %swap3A_46 = arith.index_cast %scan3A_29 : i32 to index
      %swap3A_47 = arith.constant 48 : index
      %swap3A_48 = tpu.vector_load %arg11[%swap3A_46, %swap3A_47] {strides = array<i32>} : memref<128x144xf32, #tpu.memory_space<vmem>>, vector<16xf32>,
      tpu.vector_store %arg11[%swap3A_46, %swap3A_47], %broadcast_in_dim3A_45 {strides = array<i32>} : memref<128x144xf32, #tpu.memory_space<vmem>>, vector<16xf32>,
      %broadcast_in_dim3A_49 = arith.constant 0.000000e+00 : f32
      %broadcast_in_dim3A_50 = vector.broadcast %broadcast_in_dim3A_49 : f32 to vector<16xf32>
      %swap3A_51 = arith.index_cast %scan3A_29 : i32 to index
      %swap3A_52 = arith.constant 64 : index
      %swap3A_53 = tpu.vector_load %arg11[%swap3A_51, %swap3A_52] {strides = array<i32>} : memref<128x144xf32, #tpu.memory_space<vmem>>, vector<16xf32>,
      tpu.vector_store %arg11[%swap3A_51, %swap3A_52], %broadcast_in_dim3A_50 {strides = array<i32>} : memref<128x144xf32, #tpu.memory_space<vmem>>, vector<16xf32>,
      %broadcast_in_dim3A_54 = arith.constant 0.000000e+00 : f32
      %broadcast_in_dim3A_55 = vector.broadcast %broadcast_in_dim3A_54 : f32 to vector<16xf32>
      %swap3A_56 = arith.index_cast %scan3A_29 : i32 to index
      %swap3A_57 = arith.constant 80 : index
      %swap3A_58 = tpu.vector_load %arg11[%swap3A_56, %swap3A_57] {strides = array<i32>} : memref<128x144xf32, #tpu.memory_space<vmem>>, vector<16xf32>,
      tpu.vector_store %arg11[%swap3A_56, %swap3A_57], %broadcast_in_dim3A_55 {strides = array<i32>} : memref<128x144xf32, #tpu.memory_space<vmem>>, vector<16xf32>,
      %broadcast_in_dim3A_59 = arith.constant 0.000000e+00 : f32
      %broadcast_in_dim3A_60 = vector.broadcast %broadcast_in_dim3A_59 : f32 to vector<16xf32>
      %swap3A_61 = arith.index_cast %scan3A_29 : i32 to index
      %swap3A_62 = arith.constant 96 : index
      %swap3A_63 = tpu.vector_load %arg11[%swap3A_61, %swap3A_62] {strides = array<i32>} : memref<128x144xf32, #tpu.memory_space<vmem>>, vector<16xf32>,
      tpu.vector_store %arg11[%swap3A_61, %swap3A_62], %broadcast_in_dim3A_60 {strides = array<i32>} : memref<128x144xf32, #tpu.memory_space<vmem>>, vector<16xf32>,
      %broadcast_in_dim3A_64 = arith.constant 0.000000e+00 : f32
      %broadcast_in_dim3A_65 = vector.broadcast %broadcast_in_dim3A_64 : f32 to vector<16xf32>
      %swap3A_66 = arith.index_cast %scan3A_29 : i32 to index
      %swap3A_67 = arith.constant 112 : index
      %swap3A_68 = tpu.vector_load %arg11[%swap3A_66, %swap3A_67] {strides = array<i32>} : memref<128x144xf32, #tpu.memory_space<vmem>>, vector<16xf32>,
      tpu.vector_store %arg11[%swap3A_66, %swap3A_67], %broadcast_in_dim3A_65 {strides = array<i32>} : memref<128x144xf32, #tpu.memory_space<vmem>>, vector<16xf32>,
      %broadcast_in_dim3A_69 = arith.constant 0.000000e+00 : f32
      %broadcast_in_dim3A_70 = vector.broadcast %broadcast_in_dim3A_69 : f32 to vector<16xf32>
      %swap3A_71 = arith.index_cast %scan3A_29 : i32 to index
      %swap3A_72 = arith.constant 128 : index
      %swap3A_73 = tpu.vector_load %arg11[%swap3A_71, %swap3A_72] {strides = array<i32>} : memref<128x144xf32, #tpu.memory_space<vmem>>, vector<16xf32>,
      tpu.vector_store %arg11[%swap3A_71, %swap3A_72], %broadcast_in_dim3A_70 {strides = array<i32>} : memref<128x144xf32, #tpu.memory_space<vmem>>, vector<16xf32>,
      %scan3A_74 = arith.constant 0 : i32
      scf.yield %scan3A_74 : i32
    }
    %scan3A_6 = arith.constant 128 : i32
    %mul3A_7 = arith.constant 640 : i32
    %mul3A_8 = arith.muli %arg1, %mul3A_7 : i32
    %add3A_9 = arith.constant 0 : i32
    %add3A_10 = arith.addi %mul3A_8, %add3A_9 : i32
    "tpu.region"() ({
      %run_scoped3A = tpu.sem_alloc : memref<!tpu.dma_semaphore, #tpu.memory_space<semaphore_mem>>
      %dma_start3A = arith.constant 0 : i32
      %dma_start3A_29 = tpu.memref_slice %arg14[%add3A_10, %dma_start3A] : memref<10240x144xf32, #tpu.memory_space<vmem_shared>> -> memref<128x144xf32, #tpu.memory_space<vmem_shared>>
      %dma_start3A_30 = arith.constant 0 : i32
      %dma_start3A_31 = tpu.memref_slice %arg14[%add3A_10, %dma_start3A_30] : memref<10240x144xf32, #tpu.memory_space<vmem_shared>> -> memref<128x144xf32, #tpu.memory_space<vmem_shared>>
      tpu.enqueue_dma source(%arg11 : memref<128x144xf32, #tpu.memory_space<vmem>>) target(%dma_start3A_31 : memref<128x144xf32, #tpu.memory_space<vmem_shared>>) target_semaphore(%run_scoped3A : memref<!tpu.dma_semaphore, #tpu.memory_space<semaphore_mem>>)
      %dma_wait3A = arith.constant 0 : i32
      %dma_wait3A_32 = tpu.memref_slice %arg14[%add3A_10, %dma_wait3A] : memref<10240x144xf32, #tpu.memory_space<vmem_shared>> -> memref<128x144xf32, #tpu.memory_space<vmem_shared>>
      %dma_wait3A_33 = arith.constant 0 : i32
      %dma_wait3A_34 = tpu.memref_slice %arg14[%add3A_10, %dma_wait3A_33] : memref<10240x144xf32, #tpu.memory_space<vmem_shared>> -> memref<128x144xf32, #tpu.memory_space<vmem_shared>>
      tpu.wait_dma2 semaphore(%run_scoped3A : memref<!tpu.dma_semaphore, #tpu.memory_space<semaphore_mem>>) src(%arg11 : memref<128x144xf32, #tpu.memory_space<vmem>>) dst(%dma_wait3A_34 : memref<128x144xf32, #tpu.memory_space<vmem_shared>>)
      tpu.yield
    }) : () -> ()
    %add3A_11 = arith.constant 128 : i32
    %add3A_12 = arith.addi %mul3A_8, %add3A_11 : i32
    "tpu.region"() ({
      %run_scoped3A = tpu.sem_alloc : memref<!tpu.dma_semaphore, #tpu.memory_space<semaphore_mem>>
      %dma_start3A = arith.constant 0 : i32
      %dma_start3A_29 = tpu.memref_slice %arg14[%add3A_12, %dma_start3A] : memref<10240x144xf32, #tpu.memory_space<vmem_shared>> -> memref<128x144xf32, #tpu.memory_space<vmem_shared>>
      %dma_start3A_30 = arith.constant 0 : i32
      %dma_start3A_31 = tpu.memref_slice %arg14[%add3A_12, %dma_start3A_30] : memref<10240x144xf32, #tpu.memory_space<vmem_shared>> -> memref<128x144xf32, #tpu.memory_space<vmem_shared>>
      tpu.enqueue_dma source(%arg11 : memref<128x144xf32, #tpu.memory_space<vmem>>) target(%dma_start3A_31 : memref<128x144xf32, #tpu.memory_space<vmem_shared>>) target_semaphore(%run_scoped3A : memref<!tpu.dma_semaphore, #tpu.memory_space<semaphore_mem>>)
      %dma_wait3A = arith.constant 0 : i32
      %dma_wait3A_32 = tpu.memref_slice %arg14[%add3A_12, %dma_wait3A] : memref<10240x144xf32, #tpu.memory_space<vmem_shared>> -> memref<128x144xf32, #tpu.memory_space<vmem_shared>>
      %dma_wait3A_33 = arith.constant 0 : i32
      %dma_wait3A_34 = tpu.memref_slice %arg14[%add3A_12, %dma_wait3A_33] : memref<10240x144xf32, #tpu.memory_space<vmem_shared>> -> memref<128x144xf32, #tpu.memory_space<vmem_shared>>
      tpu.wait_dma2 semaphore(%run_scoped3A : memref<!tpu.dma_semaphore, #tpu.memory_space<semaphore_mem>>) src(%arg11 : memref<128x144xf32, #tpu.memory_space<vmem>>) dst(%dma_wait3A_34 : memref<128x144xf32, #tpu.memory_space<vmem_shared>>)
      tpu.yield
    }) : () -> ()
    %add3A_13 = arith.constant 256 : i32
    %add3A_14 = arith.addi %mul3A_8, %add3A_13 : i32
    "tpu.region"() ({
      %run_scoped3A = tpu.sem_alloc : memref<!tpu.dma_semaphore, #tpu.memory_space<semaphore_mem>>
      %dma_start3A = arith.constant 0 : i32
      %dma_start3A_29 = tpu.memref_slice %arg14[%add3A_14, %dma_start3A] : memref<10240x144xf32, #tpu.memory_space<vmem_shared>> -> memref<128x144xf32, #tpu.memory_space<vmem_shared>>
      %dma_start3A_30 = arith.constant 0 : i32
      %dma_start3A_31 = tpu.memref_slice %arg14[%add3A_14, %dma_start3A_30] : memref<10240x144xf32, #tpu.memory_space<vmem_shared>> -> memref<128x144xf32, #tpu.memory_space<vmem_shared>>
      tpu.enqueue_dma source(%arg11 : memref<128x144xf32, #tpu.memory_space<vmem>>) target(%dma_start3A_31 : memref<128x144xf32, #tpu.memory_space<vmem_shared>>) target_semaphore(%run_scoped3A : memref<!tpu.dma_semaphore, #tpu.memory_space<semaphore_mem>>)
      %dma_wait3A = arith.constant 0 : i32
      %dma_wait3A_32 = tpu.memref_slice %arg14[%add3A_14, %dma_wait3A] : memref<10240x144xf32, #tpu.memory_space<vmem_shared>> -> memref<128x144xf32, #tpu.memory_space<vmem_shared>>
      %dma_wait3A_33 = arith.constant 0 : i32
      %dma_wait3A_34 = tpu.memref_slice %arg14[%add3A_14, %dma_wait3A_33] : memref<10240x144xf32, #tpu.memory_space<vmem_shared>> -> memref<128x144xf32, #tpu.memory_space<vmem_shared>>
      tpu.wait_dma2 semaphore(%run_scoped3A : memref<!tpu.dma_semaphore, #tpu.memory_space<semaphore_mem>>) src(%arg11 : memref<128x144xf32, #tpu.memory_space<vmem>>) dst(%dma_wait3A_34 : memref<128x144xf32, #tpu.memory_space<vmem_shared>>)
      tpu.yield
    }) : () -> ()
    %add3A_15 = arith.constant 384 : i32
    %add3A_16 = arith.addi %mul3A_8, %add3A_15 : i32
    "tpu.region"() ({
      %run_scoped3A = tpu.sem_alloc : memref<!tpu.dma_semaphore, #tpu.memory_space<semaphore_mem>>
      %dma_start3A = arith.constant 0 : i32
      %dma_start3A_29 = tpu.memref_slice %arg14[%add3A_16, %dma_start3A] : memref<10240x144xf32, #tpu.memory_space<vmem_shared>> -> memref<128x144xf32, #tpu.memory_space<vmem_shared>>
      %dma_start3A_30 = arith.constant 0 : i32
      %dma_start3A_31 = tpu.memref_slice %arg14[%add3A_16, %dma_start3A_30] : memref<10240x144xf32, #tpu.memory_space<vmem_shared>> -> memref<128x144xf32, #tpu.memory_space<vmem_shared>>
      tpu.enqueue_dma source(%arg11 : memref<128x144xf32, #tpu.memory_space<vmem>>) target(%dma_start3A_31 : memref<128x144xf32, #tpu.memory_space<vmem_shared>>) target_semaphore(%run_scoped3A : memref<!tpu.dma_semaphore, #tpu.memory_space<semaphore_mem>>)
      %dma_wait3A = arith.constant 0 : i32
      %dma_wait3A_32 = tpu.memref_slice %arg14[%add3A_16, %dma_wait3A] : memref<10240x144xf32, #tpu.memory_space<vmem_shared>> -> memref<128x144xf32, #tpu.memory_space<vmem_shared>>
      %dma_wait3A_33 = arith.constant 0 : i32
      %dma_wait3A_34 = tpu.memref_slice %arg14[%add3A_16, %dma_wait3A_33] : memref<10240x144xf32, #tpu.memory_space<vmem_shared>> -> memref<128x144xf32, #tpu.memory_space<vmem_shared>>
      tpu.wait_dma2 semaphore(%run_scoped3A : memref<!tpu.dma_semaphore, #tpu.memory_space<semaphore_mem>>) src(%arg11 : memref<128x144xf32, #tpu.memory_space<vmem>>) dst(%dma_wait3A_34 : memref<128x144xf32, #tpu.memory_space<vmem_shared>>)
      tpu.yield
    }) : () -> ()
    %add3A_17 = arith.constant 512 : i32
    %add3A_18 = arith.addi %mul3A_8, %add3A_17 : i32
    "tpu.region"() ({
      %run_scoped3A = tpu.sem_alloc : memref<!tpu.dma_semaphore, #tpu.memory_space<semaphore_mem>>
      %dma_start3A = arith.constant 0 : i32
      %dma_start3A_29 = tpu.memref_slice %arg14[%add3A_18, %dma_start3A] : memref<10240x144xf32, #tpu.memory_space<vmem_shared>> -> memref<128x144xf32, #tpu.memory_space<vmem_shared>>
      %dma_start3A_30 = arith.constant 0 : i32
      %dma_start3A_31 = tpu.memref_slice %arg14[%add3A_18, %dma_start3A_30] : memref<10240x144xf32, #tpu.memory_space<vmem_shared>> -> memref<128x144xf32, #tpu.memory_space<vmem_shared>>
      tpu.enqueue_dma source(%arg11 : memref<128x144xf32, #tpu.memory_space<vmem>>) target(%dma_start3A_31 : memref<128x144xf32, #tpu.memory_space<vmem_shared>>) target_semaphore(%run_scoped3A : memref<!tpu.dma_semaphore, #tpu.memory_space<semaphore_mem>>)
      %dma_wait3A = arith.constant 0 : i32
      %dma_wait3A_32 = tpu.memref_slice %arg14[%add3A_18, %dma_wait3A] : memref<10240x144xf32, #tpu.memory_space<vmem_shared>> -> memref<128x144xf32, #tpu.memory_space<vmem_shared>>
      %dma_wait3A_33 = arith.constant 0 : i32
      %dma_wait3A_34 = tpu.memref_slice %arg14[%add3A_18, %dma_wait3A_33] : memref<10240x144xf32, #tpu.memory_space<vmem_shared>> -> memref<128x144xf32, #tpu.memory_space<vmem_shared>>
      tpu.wait_dma2 semaphore(%run_scoped3A : memref<!tpu.dma_semaphore, #tpu.memory_space<semaphore_mem>>) src(%arg11 : memref<128x144xf32, #tpu.memory_space<vmem>>) dst(%dma_wait3A_34 : memref<128x144xf32, #tpu.memory_space<vmem_shared>>)
      tpu.yield
    }) : () -> ()
    %barrier3A = arith.constant 0 : index
    tpu.barrier barrier_id(%barrier3A)
    %mul3A_19 = arith.constant 10112 : i32
    %mul3A_20 = arith.muli %add3A, %mul3A_19 : i32
    %iota3A = tpu.iota {dimensions = array<i32: 0>} : vector<16xi32>
    %scan3A_21 = arith.constant 0 : i32
    %scan3A_22 = arith.constant 0 : i32
    %scan3A_23 = arith.constant 79 : i32
    %scan3A_24 = arith.addi %scan3A_22, %scan3A_23 : i32
    %scan3A_25 = arith.constant 1 : i32
    %scan3A_26 = scf.for %scan3A_29 = %scan3A_22 to %scan3A_24 step %scan3A_25 iter_args(%scan3A_30 = %scan3A_21) -> (i32)  : i32 {
      %mul3A_31 = arith.constant 128 : i32
      %mul3A_32 = arith.muli %scan3A_29, %mul3A_31 : i32
      %add3A_33 = arith.addi %mul3A_20, %mul3A_32 : i32
      "tpu.region"() ({
        %run_scoped3A = tpu.sem_alloc : memref<!tpu.dma_semaphore, #tpu.memory_space<semaphore_mem>>
        %dma_start3A_854 = tpu.memref_slice %arg4[%add3A_33] : memref<323584xi32, #tpu.memory_space<hbm>> -> memref<128xi32, #tpu.memory_space<hbm>>
        %dma_start3A_855 = tpu.memref_slice %arg4[%add3A_33] : memref<323584xi32, #tpu.memory_space<hbm>> -> memref<128xi32, #tpu.memory_space<hbm>>
        tpu.enqueue_dma source(%dma_start3A_855 : memref<128xi32, #tpu.memory_space<hbm>>) target(%arg8 : memref<128xi32, #tpu.memory_space<vmem>>) target_semaphore(%run_scoped3A : memref<!tpu.dma_semaphore, #tpu.memory_space<semaphore_mem>>)
        %dma_wait3A_856 = tpu.memref_slice %arg4[%add3A_33] : memref<323584xi32, #tpu.memory_space<hbm>> -> memref<128xi32, #tpu.memory_space<hbm>>
        %dma_wait3A_857 = tpu.memref_slice %arg4[%add3A_33] : memref<323584xi32, #tpu.memory_space<hbm>> -> memref<128xi32, #tpu.memory_space<hbm>>
        tpu.wait_dma2 semaphore(%run_scoped3A : memref<!tpu.dma_semaphore, #tpu.memory_space<semaphore_mem>>) src(%dma_wait3A_857 : memref<128xi32, #tpu.memory_space<hbm>>) dst(%arg8 : memref<128xi32, #tpu.memory_space<vmem>>)
        tpu.yield
      }) : () -> ()
      "tpu.region"() ({
        %run_scoped3A = tpu.sem_alloc : memref<!tpu.dma_semaphore, #tpu.memory_space<semaphore_mem>>
        %dma_start3A_854 = tpu.memref_slice %arg5[%add3A_33] : memref<323584xi32, #tpu.memory_space<hbm>> -> memref<128xi32, #tpu.memory_space<hbm>>
        %dma_start3A_855 = tpu.memref_slice %arg5[%add3A_33] : memref<323584xi32, #tpu.memory_space<hbm>> -> memref<128xi32, #tpu.memory_space<hbm>>
        tpu.enqueue_dma source(%dma_start3A_855 : memref<128xi32, #tpu.memory_space<hbm>>) target(%arg9 : memref<128xi32, #tpu.memory_space<vmem>>) target_semaphore(%run_scoped3A : memref<!tpu.dma_semaphore, #tpu.memory_space<semaphore_mem>>)
        %dma_wait3A_856 = tpu.memref_slice %arg5[%add3A_33] : memref<323584xi32, #tpu.memory_space<hbm>> -> memref<128xi32, #tpu.memory_space<hbm>>
        %dma_wait3A_857 = tpu.memref_slice %arg5[%add3A_33] : memref<323584xi32, #tpu.memory_space<hbm>> -> memref<128xi32, #tpu.memory_space<hbm>>
        tpu.wait_dma2 semaphore(%run_scoped3A : memref<!tpu.dma_semaphore, #tpu.memory_space<semaphore_mem>>) src(%dma_wait3A_857 : memref<128xi32, #tpu.memory_space<hbm>>) dst(%arg9 : memref<128xi32, #tpu.memory_space<vmem>>)
        tpu.yield
      }) : () -> ()
      "tpu.region"() ({
        %run_scoped3A = tpu.sem_alloc : memref<!tpu.dma_semaphore, #tpu.memory_space<semaphore_mem>>
        %dma_start3A_854 = tpu.memref_slice %arg6[%add3A_33] : memref<323584xf32, #tpu.memory_space<hbm>> -> memref<128xf32, #tpu.memory_space<hbm>>
        %dma_start3A_855 = tpu.memref_slice %arg6[%add3A_33] : memref<323584xf32, #tpu.memory_space<hbm>> -> memref<128xf32, #tpu.memory_space<hbm>>
        tpu.enqueue_dma source(%dma_start3A_855 : memref<128xf32, #tpu.memory_space<hbm>>) target(%arg10 : memref<128xf32, #tpu.memory_space<vmem>>) target_semaphore(%run_scoped3A : memref<!tpu.dma_semaphore, #tpu.memory_space<semaphore_mem>>)
        %dma_wait3A_856 = tpu.memref_slice %arg6[%add3A_33] : memref<323584xf32, #tpu.memory_space<hbm>> -> memref<128xf32, #tpu.memory_space<hbm>>
        %dma_wait3A_857 = tpu.memref_slice %arg6[%add3A_33] : memref<323584xf32, #tpu.memory_space<hbm>> -> memref<128xf32, #tpu.memory_space<hbm>>
        tpu.wait_dma2 semaphore(%run_scoped3A : memref<!tpu.dma_semaphore, #tpu.memory_space<semaphore_mem>>) src(%dma_wait3A_857 : memref<128xf32, #tpu.memory_space<hbm>>) dst(%arg10 : memref<128xf32, #tpu.memory_space<vmem>>)
        tpu.yield
      }) : () -> ()
      %dma_start3A = arith.constant 0 : i32
      %dma_start3A_34 = arith.constant 0 : i32
      %dma_start3A_35 = tpu.memref_slice %arg2[%dma_start3A, %dma_start3A_34] : memref<10240x144xf32, #tpu.memory_space<hbm>> -> memref<10240x144xf32, #tpu.memory_space<hbm>>
      tpu.enqueue_indirect_dma source(%dma_start3A_35 : memref<10240x144xf32, #tpu.memory_space<hbm>>) target(%arg11 : memref<128x144xf32, #tpu.memory_space<vmem>>) offsets(%arg8 : memref<128xi32, #tpu.memory_space<vmem>>) semaphore(%arg15 : memref<!tpu.dma_semaphore, #tpu.memory_space<semaphore_mem>>)
      %dma_start3A_36 = arith.constant 0 : i32
      %dma_start3A_37 = arith.constant 0 : i32
      %dma_start3A_38 = tpu.memref_slice %arg3[%dma_start3A_36, %dma_start3A_37] : memref<10240x16xf32, #tpu.memory_space<hbm>> -> memref<10240x16xf32, #tpu.memory_space<hbm>>
      tpu.enqueue_indirect_dma source(%dma_start3A_38 : memref<10240x16xf32, #tpu.memory_space<hbm>>) target(%arg12 : memref<128x16xf32, #tpu.memory_space<vmem>>) offsets(%arg9 : memref<128xi32, #tpu.memory_space<vmem>>) semaphore(%arg16 : memref<!tpu.dma_semaphore, #tpu.memory_space<semaphore_mem>>)
      %dma_wait3A = arith.constant 0 : i32
      %dma_wait3A_39 = arith.constant 0 : i32
      %dma_wait3A_40 = tpu.memref_slice %arg2[%dma_wait3A, %dma_wait3A_39] : memref<10240x144xf32, #tpu.memory_space<hbm>> -> memref<10240x144xf32, #tpu.memory_space<hbm>>
      tpu.wait_indirect_dma semaphore(%arg15 : memref<!tpu.dma_semaphore, #tpu.memory_space<semaphore_mem>>) src(%dma_wait3A_40 : memref<10240x144xf32, #tpu.memory_space<hbm>>) dst(%arg11 : memref<128x144xf32, #tpu.memory_space<vmem>>)
      %dma_wait3A_41 = arith.constant 0 : i32
      %dma_wait3A_42 = arith.constant 0 : i32
      %dma_wait3A_43 = tpu.memref_slice %arg3[%dma_wait3A_41, %dma_wait3A_42] : memref<10240x16xf32, #tpu.memory_space<hbm>> -> memref<10240x16xf32, #tpu.memory_space<hbm>>
      tpu.wait_indirect_dma semaphore(%arg16 : memref<!tpu.dma_semaphore, #tpu.memory_space<semaphore_mem>>) src(%dma_wait3A_43 : memref<10240x16xf32, #tpu.memory_space<hbm>>) dst(%arg12 : memref<128x16xf32, #tpu.memory_space<vmem>>)
      %get3A = arith.constant 0 : index
      %get3A_44 = tpu.vector_load %arg10[%get3A] {strides = array<i32>} : memref<128xf32, #tpu.memory_space<vmem>>, vector<16xf32>,
      %add3A_45 = arith.constant 0 : i32
      %add3A_46 = vector.broadcast %add3A_45 : i32 to vector<16xi32>
      %add3A_47 = arith.addi %iota3A, %add3A_46 : vector<16xi32>
      %broadcast_in_dim3A = arith.constant 128 : i32
      %broadcast_in_dim3A_48 = vector.broadcast %broadcast_in_dim3A : i32 to vector<16xi32>
      %gather3A = tpu.vector_load_idx %arg11[%add3A_47, %broadcast_in_dim3A_48] : memref<128x144xf32, #tpu.memory_space<vmem>>[vector<16xi32>, vector<16xi32>], vector<16xf32>,
      %broadcast_in_dim3A_49 = arith.constant 0 : i32
      %broadcast_in_dim3A_50 = vector.broadcast %broadcast_in_dim3A_49 : i32 to vector<16xi32>
      %gather3A_51 = tpu.vector_load_idx %arg12[%add3A_47, %broadcast_in_dim3A_50] : memref<128x16xf32, #tpu.memory_space<vmem>>[vector<16xi32>, vector<16xi32>], vector<16xf32>,
      %add3A_52 = arith.addf %gather3A, %gather3A_51 : vector<16xf32>
      %ge3A = arith.constant 0.000000e+00 : f32
      %ge3A_53 = vector.broadcast %ge3A : f32 to vector<16xf32>
      %ge3A_54 = arith.cmpf oge, %add3A_52, %ge3A_53 : vector<16xf32>
      %mul3A_55 = arith.constant 2.000000e-01 : f32
      %mul3A_56 = vector.broadcast %mul3A_55 : f32 to vector<16xf32>
      %mul3A_57 = arith.mulf %add3A_52, %mul3A_56 : vector<16xf32>
      %select_n3A = arith.select %ge3A_54, %add3A_52, %mul3A_57 : vector<16xi1>, vector<16xf32>
      %exp3A = math.exp %select_n3A : vector<16xf32>
      %mul3A_58 = arith.mulf %exp3A, %get3A_44 : vector<16xf32>
      %mul3A_59 = arith.constant 4 : i32
      %mul3A_60 = vector.broadcast %mul3A_59 : i32 to vector<16xi32>
      %mul3A_61 = arith.muli %add3A_47, %mul3A_60 : vector<16xi32>
      %add3A_62 = arith.constant 0 : i32
      %add3A_63 = vector.broadcast %add3A_62 : i32 to vector<16xi32>
      %add3A_64 = arith.addi %mul3A_61, %add3A_63 : vector<16xi32>
      tpu.vector_store_idx %arg13[%add3A_64], %mul3A_58 : memref<512xf32, #tpu.memory_space<vmem>>[vector<16xi32>], vector<16xf32>,
      %broadcast_in_dim3A_65 = arith.constant 128 : i32
      %broadcast_in_dim3A_66 = vector.broadcast %broadcast_in_dim3A_65 : i32 to vector<16xi32>
      tpu.vector_store_idx %arg11[%add3A_47, %broadcast_in_dim3A_66], %mul3A_58 : memref<128x144xf32, #tpu.memory_space<vmem>>[vector<16xi32>, vector<16xi32>], vector<16xf32>,
      %broadcast_in_dim3A_67 = arith.constant 129 : i32
      %broadcast_in_dim3A_68 = vector.broadcast %broadcast_in_dim3A_67 : i32 to vector<16xi32>
      %gather3A_69 = tpu.vector_load_idx %arg11[%add3A_47, %broadcast_in_dim3A_68] : memref<128x144xf32, #tpu.memory_space<vmem>>[vector<16xi32>, vector<16xi32>], vector<16xf32>,
      %broadcast_in_dim3A_70 = arith.constant 1 : i32
      %broadcast_in_dim3A_71 = vector.broadcast %broadcast_in_dim3A_70 : i32 to vector<16xi32>
      %gather3A_72 = tpu.vector_load_idx %arg12[%add3A_47, %broadcast_in_dim3A_71] : memref<128x16xf32, #tpu.memory_space<vmem>>[vector<16xi32>, vector<16xi32>], vector<16xf32>,
      %add3A_73 = arith.addf %gather3A_69, %gather3A_72 : vector<16xf32>
      %ge3A_74 = arith.constant 0.000000e+00 : f32
      %ge3A_75 = vector.broadcast %ge3A_74 : f32 to vector<16xf32>
      %ge3A_76 = arith.cmpf oge, %add3A_73, %ge3A_75 : vector<16xf32>
      %mul3A_77 = arith.constant 2.000000e-01 : f32
      %mul3A_78 = vector.broadcast %mul3A_77 : f32 to vector<16xf32>
      %mul3A_79 = arith.mulf %add3A_73, %mul3A_78 : vector<16xf32>
      %select_n3A_80 = arith.select %ge3A_76, %add3A_73, %mul3A_79 : vector<16xi1>, vector<16xf32>
      %exp3A_81 = math.exp %select_n3A_80 : vector<16xf32>
      %mul3A_82 = arith.mulf %exp3A_81, %get3A_44 : vector<16xf32>
      %mul3A_83 = arith.constant 4 : i32
      %mul3A_84 = vector.broadcast %mul3A_83 : i32 to vector<16xi32>
      %mul3A_85 = arith.muli %add3A_47, %mul3A_84 : vector<16xi32>
      %add3A_86 = arith.constant 1 : i32
      %add3A_87 = vector.broadcast %add3A_86 : i32 to vector<16xi32>
      %add3A_88 = arith.addi %mul3A_85, %add3A_87 : vector<16xi32>
      tpu.vector_store_idx %arg13[%add3A_88], %mul3A_82 : memref<512xf32, #tpu.memory_space<vmem>>[vector<16xi32>], vector<16xf32>,
      %broadcast_in_dim3A_89 = arith.constant 129 : i32
      %broadcast_in_dim3A_90 = vector.broadcast %broadcast_in_dim3A_89 : i32 to vector<16xi32>
      tpu.vector_store_idx %arg11[%add3A_47, %broadcast_in_dim3A_90], %mul3A_82 : memref<128x144xf32, #tpu.memory_space<vmem>>[vector<16xi32>, vector<16xi32>], vector<16xf32>,
      %broadcast_in_dim3A_91 = arith.constant 130 : i32
      %broadcast_in_dim3A_92 = vector.broadcast %broadcast_in_dim3A_91 : i32 to vector<16xi32>
      %gather3A_93 = tpu.vector_load_idx %arg11[%add3A_47, %broadcast_in_dim3A_92] : memref<128x144xf32, #tpu.memory_space<vmem>>[vector<16xi32>, vector<16xi32>], vector<16xf32>,
      %broadcast_in_dim3A_94 = arith.constant 2 : i32
      %broadcast_in_dim3A_95 = vector.broadcast %broadcast_in_dim3A_94 : i32 to vector<16xi32>
      %gather3A_96 = tpu.vector_load_idx %arg12[%add3A_47, %broadcast_in_dim3A_95] : memref<128x16xf32, #tpu.memory_space<vmem>>[vector<16xi32>, vector<16xi32>], vector<16xf32>,
      %add3A_97 = arith.addf %gather3A_93, %gather3A_96 : vector<16xf32>
      %ge3A_98 = arith.constant 0.000000e+00 : f32
      %ge3A_99 = vector.broadcast %ge3A_98 : f32 to vector<16xf32>
      %ge3A_100 = arith.cmpf oge, %add3A_97, %ge3A_99 : vector<16xf32>
      %mul3A_101 = arith.constant 2.000000e-01 : f32
      %mul3A_102 = vector.broadcast %mul3A_101 : f32 to vector<16xf32>
      %mul3A_103 = arith.mulf %add3A_97, %mul3A_102 : vector<16xf32>
      %select_n3A_104 = arith.select %ge3A_100, %add3A_97, %mul3A_103 : vector<16xi1>, vector<16xf32>
      %exp3A_105 = math.exp %select_n3A_104 : vector<16xf32>
      %mul3A_106 = arith.mulf %exp3A_105, %get3A_44 : vector<16xf32>
      %mul3A_107 = arith.constant 4 : i32
      %mul3A_108 = vector.broadcast %mul3A_107 : i32 to vector<16xi32>
      %mul3A_109 = arith.muli %add3A_47, %mul3A_108 : vector<16xi32>
      %add3A_110 = arith.constant 2 : i32
      %add3A_111 = vector.broadcast %add3A_110 : i32 to vector<16xi32>
      %add3A_112 = arith.addi %mul3A_109, %add3A_111 : vector<16xi32>
      tpu.vector_store_idx %arg13[%add3A_112], %mul3A_106 : memref<512xf32, #tpu.memory_space<vmem>>[vector<16xi32>], vector<16xf32>,
      %broadcast_in_dim3A_113 = arith.constant 130 : i32
      %broadcast_in_dim3A_114 = vector.broadcast %broadcast_in_dim3A_113 : i32 to vector<16xi32>
      tpu.vector_store_idx %arg11[%add3A_47, %broadcast_in_dim3A_114], %mul3A_106 : memref<128x144xf32, #tpu.memory_space<vmem>>[vector<16xi32>, vector<16xi32>], vector<16xf32>,
      %broadcast_in_dim3A_115 = arith.constant 131 : i32
      %broadcast_in_dim3A_116 = vector.broadcast %broadcast_in_dim3A_115 : i32 to vector<16xi32>
      %gather3A_117 = tpu.vector_load_idx %arg11[%add3A_47, %broadcast_in_dim3A_116] : memref<128x144xf32, #tpu.memory_space<vmem>>[vector<16xi32>, vector<16xi32>], vector<16xf32>,
      %broadcast_in_dim3A_118 = arith.constant 3 : i32
      %broadcast_in_dim3A_119 = vector.broadcast %broadcast_in_dim3A_118 : i32 to vector<16xi32>
      %gather3A_120 = tpu.vector_load_idx %arg12[%add3A_47, %broadcast_in_dim3A_119] : memref<128x16xf32, #tpu.memory_space<vmem>>[vector<16xi32>, vector<16xi32>], vector<16xf32>,
      %add3A_121 = arith.addf %gather3A_117, %gather3A_120 : vector<16xf32>
      %ge3A_122 = arith.constant 0.000000e+00 : f32
      %ge3A_123 = vector.broadcast %ge3A_122 : f32 to vector<16xf32>
      %ge3A_124 = arith.cmpf oge, %add3A_121, %ge3A_123 : vector<16xf32>
      %mul3A_125 = arith.constant 2.000000e-01 : f32
      %mul3A_126 = vector.broadcast %mul3A_125 : f32 to vector<16xf32>
      %mul3A_127 = arith.mulf %add3A_121, %mul3A_126 : vector<16xf32>
      %select_n3A_128 = arith.select %ge3A_124, %add3A_121, %mul3A_127 : vector<16xi1>, vector<16xf32>
      %exp3A_129 = math.exp %select_n3A_128 : vector<16xf32>
      %mul3A_130 = arith.mulf %exp3A_129, %get3A_44 : vector<16xf32>
      %mul3A_131 = arith.constant 4 : i32
      %mul3A_132 = vector.broadcast %mul3A_131 : i32 to vector<16xi32>
      %mul3A_133 = arith.muli %add3A_47, %mul3A_132 : vector<16xi32>
      %add3A_134 = arith.constant 3 : i32
      %add3A_135 = vector.broadcast %add3A_134 : i32 to vector<16xi32>
      %add3A_136 = arith.addi %mul3A_133, %add3A_135 : vector<16xi32>
      tpu.vector_store_idx %arg13[%add3A_136], %mul3A_130 : memref<512xf32, #tpu.memory_space<vmem>>[vector<16xi32>], vector<16xf32>,
      %broadcast_in_dim3A_137 = arith.constant 131 : i32
      %broadcast_in_dim3A_138 = vector.broadcast %broadcast_in_dim3A_137 : i32 to vector<16xi32>
      tpu.vector_store_idx %arg11[%add3A_47, %broadcast_in_dim3A_138], %mul3A_130 : memref<128x144xf32, #tpu.memory_space<vmem>>[vector<16xi32>, vector<16xi32>], vector<16xf32>,
      %get3A_139 = arith.constant 16 : index
      %get3A_140 = tpu.vector_load %arg10[%get3A_139] {strides = array<i32>} : memref<128xf32, #tpu.memory_space<vmem>>, vector<16xf32>,
      %add3A_141 = arith.constant 16 : i32
      %add3A_142 = vector.broadcast %add3A_141 : i32 to vector<16xi32>
      %add3A_143 = arith.addi %iota3A, %add3A_142 : vector<16xi32>
      %broadcast_in_dim3A_144 = arith.constant 128 : i32
      %broadcast_in_dim3A_145 = vector.broadcast %broadcast_in_dim3A_144 : i32 to vector<16xi32>
      %gather3A_146 = tpu.vector_load_idx %arg11[%add3A_143, %broadcast_in_dim3A_145] : memref<128x144xf32, #tpu.memory_space<vmem>>[vector<16xi32>, vector<16xi32>], vector<16xf32>,
      %broadcast_in_dim3A_147 = arith.constant 0 : i32
      %broadcast_in_dim3A_148 = vector.broadcast %broadcast_in_dim3A_147 : i32 to vector<16xi32>
      %gather3A_149 = tpu.vector_load_idx %arg12[%add3A_143, %broadcast_in_dim3A_148] : memref<128x16xf32, #tpu.memory_space<vmem>>[vector<16xi32>, vector<16xi32>], vector<16xf32>,
      %add3A_150 = arith.addf %gather3A_146, %gather3A_149 : vector<16xf32>
      %ge3A_151 = arith.constant 0.000000e+00 : f32
      %ge3A_152 = vector.broadcast %ge3A_151 : f32 to vector<16xf32>
      %ge3A_153 = arith.cmpf oge, %add3A_150, %ge3A_152 : vector<16xf32>
      %mul3A_154 = arith.constant 2.000000e-01 : f32
      %mul3A_155 = vector.broadcast %mul3A_154 : f32 to vector<16xf32>
      %mul3A_156 = arith.mulf %add3A_150, %mul3A_155 : vector<16xf32>
      %select_n3A_157 = arith.select %ge3A_153, %add3A_150, %mul3A_156 : vector<16xi1>, vector<16xf32>
      %exp3A_158 = math.exp %select_n3A_157 : vector<16xf32>
      %mul3A_159 = arith.mulf %exp3A_158, %get3A_140 : vector<16xf32>
      %mul3A_160 = arith.constant 4 : i32
      %mul3A_161 = vector.broadcast %mul3A_160 : i32 to vector<16xi32>
      %mul3A_162 = arith.muli %add3A_143, %mul3A_161 : vector<16xi32>
      %add3A_163 = arith.constant 0 : i32
      %add3A_164 = vector.broadcast %add3A_163 : i32 to vector<16xi32>
      %add3A_165 = arith.addi %mul3A_162, %add3A_164 : vector<16xi32>
      tpu.vector_store_idx %arg13[%add3A_165], %mul3A_159 : memref<512xf32, #tpu.memory_space<vmem>>[vector<16xi32>], vector<16xf32>,
      %broadcast_in_dim3A_166 = arith.constant 128 : i32
      %broadcast_in_dim3A_167 = vector.broadcast %broadcast_in_dim3A_166 : i32 to vector<16xi32>
      tpu.vector_store_idx %arg11[%add3A_143, %broadcast_in_dim3A_167], %mul3A_159 : memref<128x144xf32, #tpu.memory_space<vmem>>[vector<16xi32>, vector<16xi32>], vector<16xf32>,
      %broadcast_in_dim3A_168 = arith.constant 129 : i32
      %broadcast_in_dim3A_169 = vector.broadcast %broadcast_in_dim3A_168 : i32 to vector<16xi32>
      %gather3A_170 = tpu.vector_load_idx %arg11[%add3A_143, %broadcast_in_dim3A_169] : memref<128x144xf32, #tpu.memory_space<vmem>>[vector<16xi32>, vector<16xi32>], vector<16xf32>,
      %broadcast_in_dim3A_171 = arith.constant 1 : i32
      %broadcast_in_dim3A_172 = vector.broadcast %broadcast_in_dim3A_171 : i32 to vector<16xi32>
      %gather3A_173 = tpu.vector_load_idx %arg12[%add3A_143, %broadcast_in_dim3A_172] : memref<128x16xf32, #tpu.memory_space<vmem>>[vector<16xi32>, vector<16xi32>], vector<16xf32>,
      %add3A_174 = arith.addf %gather3A_170, %gather3A_173 : vector<16xf32>
      %ge3A_175 = arith.constant 0.000000e+00 : f32
      %ge3A_176 = vector.broadcast %ge3A_175 : f32 to vector<16xf32>
      %ge3A_177 = arith.cmpf oge, %add3A_174, %ge3A_176 : vector<16xf32>
      %mul3A_178 = arith.constant 2.000000e-01 : f32
      %mul3A_179 = vector.broadcast %mul3A_178 : f32 to vector<16xf32>
      %mul3A_180 = arith.mulf %add3A_174, %mul3A_179 : vector<16xf32>
      %select_n3A_181 = arith.select %ge3A_177, %add3A_174, %mul3A_180 : vector<16xi1>, vector<16xf32>
      %exp3A_182 = math.exp %select_n3A_181 : vector<16xf32>
      %mul3A_183 = arith.mulf %exp3A_182, %get3A_140 : vector<16xf32>
      %mul3A_184 = arith.constant 4 : i32
      %mul3A_185 = vector.broadcast %mul3A_184 : i32 to vector<16xi32>
      %mul3A_186 = arith.muli %add3A_143, %mul3A_185 : vector<16xi32>
      %add3A_187 = arith.constant 1 : i32
      %add3A_188 = vector.broadcast %add3A_187 : i32 to vector<16xi32>
      %add3A_189 = arith.addi %mul3A_186, %add3A_188 : vector<16xi32>
      tpu.vector_store_idx %arg13[%add3A_189], %mul3A_183 : memref<512xf32, #tpu.memory_space<vmem>>[vector<16xi32>], vector<16xf32>,
      %broadcast_in_dim3A_190 = arith.constant 129 : i32
      %broadcast_in_dim3A_191 = vector.broadcast %broadcast_in_dim3A_190 : i32 to vector<16xi32>
      tpu.vector_store_idx %arg11[%add3A_143, %broadcast_in_dim3A_191], %mul3A_183 : memref<128x144xf32, #tpu.memory_space<vmem>>[vector<16xi32>, vector<16xi32>], vector<16xf32>,
      %broadcast_in_dim3A_192 = arith.constant 130 : i32
      %broadcast_in_dim3A_193 = vector.broadcast %broadcast_in_dim3A_192 : i32 to vector<16xi32>
      %gather3A_194 = tpu.vector_load_idx %arg11[%add3A_143, %broadcast_in_dim3A_193] : memref<128x144xf32, #tpu.memory_space<vmem>>[vector<16xi32>, vector<16xi32>], vector<16xf32>,
      %broadcast_in_dim3A_195 = arith.constant 2 : i32
      %broadcast_in_dim3A_196 = vector.broadcast %broadcast_in_dim3A_195 : i32 to vector<16xi32>
      %gather3A_197 = tpu.vector_load_idx %arg12[%add3A_143, %broadcast_in_dim3A_196] : memref<128x16xf32, #tpu.memory_space<vmem>>[vector<16xi32>, vector<16xi32>], vector<16xf32>,
      %add3A_198 = arith.addf %gather3A_194, %gather3A_197 : vector<16xf32>
      %ge3A_199 = arith.constant 0.000000e+00 : f32
      %ge3A_200 = vector.broadcast %ge3A_199 : f32 to vector<16xf32>
      %ge3A_201 = arith.cmpf oge, %add3A_198, %ge3A_200 : vector<16xf32>
      %mul3A_202 = arith.constant 2.000000e-01 : f32
      %mul3A_203 = vector.broadcast %mul3A_202 : f32 to vector<16xf32>
      %mul3A_204 = arith.mulf %add3A_198, %mul3A_203 : vector<16xf32>
      %select_n3A_205 = arith.select %ge3A_201, %add3A_198, %mul3A_204 : vector<16xi1>, vector<16xf32>
      %exp3A_206 = math.exp %select_n3A_205 : vector<16xf32>
      %mul3A_207 = arith.mulf %exp3A_206, %get3A_140 : vector<16xf32>
      %mul3A_208 = arith.constant 4 : i32
      %mul3A_209 = vector.broadcast %mul3A_208 : i32 to vector<16xi32>
      %mul3A_210 = arith.muli %add3A_143, %mul3A_209 : vector<16xi32>
      %add3A_211 = arith.constant 2 : i32
      %add3A_212 = vector.broadcast %add3A_211 : i32 to vector<16xi32>
      %add3A_213 = arith.addi %mul3A_210, %add3A_212 : vector<16xi32>
      tpu.vector_store_idx %arg13[%add3A_213], %mul3A_207 : memref<512xf32, #tpu.memory_space<vmem>>[vector<16xi32>], vector<16xf32>,
      %broadcast_in_dim3A_214 = arith.constant 130 : i32
      %broadcast_in_dim3A_215 = vector.broadcast %broadcast_in_dim3A_214 : i32 to vector<16xi32>
      tpu.vector_store_idx %arg11[%add3A_143, %broadcast_in_dim3A_215], %mul3A_207 : memref<128x144xf32, #tpu.memory_space<vmem>>[vector<16xi32>, vector<16xi32>], vector<16xf32>,
      %broadcast_in_dim3A_216 = arith.constant 131 : i32
      %broadcast_in_dim3A_217 = vector.broadcast %broadcast_in_dim3A_216 : i32 to vector<16xi32>
      %gather3A_218 = tpu.vector_load_idx %arg11[%add3A_143, %broadcast_in_dim3A_217] : memref<128x144xf32, #tpu.memory_space<vmem>>[vector<16xi32>, vector<16xi32>], vector<16xf32>,
      %broadcast_in_dim3A_219 = arith.constant 3 : i32
      %broadcast_in_dim3A_220 = vector.broadcast %broadcast_in_dim3A_219 : i32 to vector<16xi32>
      %gather3A_221 = tpu.vector_load_idx %arg12[%add3A_143, %broadcast_in_dim3A_220] : memref<128x16xf32, #tpu.memory_space<vmem>>[vector<16xi32>, vector<16xi32>], vector<16xf32>,
      %add3A_222 = arith.addf %gather3A_218, %gather3A_221 : vector<16xf32>
      %ge3A_223 = arith.constant 0.000000e+00 : f32
      %ge3A_224 = vector.broadcast %ge3A_223 : f32 to vector<16xf32>
      %ge3A_225 = arith.cmpf oge, %add3A_222, %ge3A_224 : vector<16xf32>
      %mul3A_226 = arith.constant 2.000000e-01 : f32
      %mul3A_227 = vector.broadcast %mul3A_226 : f32 to vector<16xf32>
      %mul3A_228 = arith.mulf %add3A_222, %mul3A_227 : vector<16xf32>
      %select_n3A_229 = arith.select %ge3A_225, %add3A_222, %mul3A_228 : vector<16xi1>, vector<16xf32>
      %exp3A_230 = math.exp %select_n3A_229 : vector<16xf32>
      %mul3A_231 = arith.mulf %exp3A_230, %get3A_140 : vector<16xf32>
      %mul3A_232 = arith.constant 4 : i32
      %mul3A_233 = vector.broadcast %mul3A_232 : i32 to vector<16xi32>
      %mul3A_234 = arith.muli %add3A_143, %mul3A_233 : vector<16xi32>
      %add3A_235 = arith.constant 3 : i32
      %add3A_236 = vector.broadcast %add3A_235 : i32 to vector<16xi32>
      %add3A_237 = arith.addi %mul3A_234, %add3A_236 : vector<16xi32>
      tpu.vector_store_idx %arg13[%add3A_237], %mul3A_231 : memref<512xf32, #tpu.memory_space<vmem>>[vector<16xi32>], vector<16xf32>,
      %broadcast_in_dim3A_238 = arith.constant 131 : i32
      %broadcast_in_dim3A_239 = vector.broadcast %broadcast_in_dim3A_238 : i32 to vector<16xi32>
      tpu.vector_store_idx %arg11[%add3A_143, %broadcast_in_dim3A_239], %mul3A_231 : memref<128x144xf32, #tpu.memory_space<vmem>>[vector<16xi32>, vector<16xi32>], vector<16xf32>,
      %get3A_240 = arith.constant 32 : index
      %get3A_241 = tpu.vector_load %arg10[%get3A_240] {strides = array<i32>} : memref<128xf32, #tpu.memory_space<vmem>>, vector<16xf32>,
      %add3A_242 = arith.constant 32 : i32
      %add3A_243 = vector.broadcast %add3A_242 : i32 to vector<16xi32>
      %add3A_244 = arith.addi %iota3A, %add3A_243 : vector<16xi32>
      %broadcast_in_dim3A_245 = arith.constant 128 : i32
      %broadcast_in_dim3A_246 = vector.broadcast %broadcast_in_dim3A_245 : i32 to vector<16xi32>
      %gather3A_247 = tpu.vector_load_idx %arg11[%add3A_244, %broadcast_in_dim3A_246] : memref<128x144xf32, #tpu.memory_space<vmem>>[vector<16xi32>, vector<16xi32>], vector<16xf32>,
      %broadcast_in_dim3A_248 = arith.constant 0 : i32
      %broadcast_in_dim3A_249 = vector.broadcast %broadcast_in_dim3A_248 : i32 to vector<16xi32>
      %gather3A_250 = tpu.vector_load_idx %arg12[%add3A_244, %broadcast_in_dim3A_249] : memref<128x16xf32, #tpu.memory_space<vmem>>[vector<16xi32>, vector<16xi32>], vector<16xf32>,
      %add3A_251 = arith.addf %gather3A_247, %gather3A_250 : vector<16xf32>
      %ge3A_252 = arith.constant 0.000000e+00 : f32
      %ge3A_253 = vector.broadcast %ge3A_252 : f32 to vector<16xf32>
      %ge3A_254 = arith.cmpf oge, %add3A_251, %ge3A_253 : vector<16xf32>
      %mul3A_255 = arith.constant 2.000000e-01 : f32
      %mul3A_256 = vector.broadcast %mul3A_255 : f32 to vector<16xf32>
      %mul3A_257 = arith.mulf %add3A_251, %mul3A_256 : vector<16xf32>
      %select_n3A_258 = arith.select %ge3A_254, %add3A_251, %mul3A_257 : vector<16xi1>, vector<16xf32>
      %exp3A_259 = math.exp %select_n3A_258 : vector<16xf32>
      %mul3A_260 = arith.mulf %exp3A_259, %get3A_241 : vector<16xf32>
      %mul3A_261 = arith.constant 4 : i32
      %mul3A_262 = vector.broadcast %mul3A_261 : i32 to vector<16xi32>
      %mul3A_263 = arith.muli %add3A_244, %mul3A_262 : vector<16xi32>
      %add3A_264 = arith.constant 0 : i32
      %add3A_265 = vector.broadcast %add3A_264 : i32 to vector<16xi32>
      %add3A_266 = arith.addi %mul3A_263, %add3A_265 : vector<16xi32>
      tpu.vector_store_idx %arg13[%add3A_266], %mul3A_260 : memref<512xf32, #tpu.memory_space<vmem>>[vector<16xi32>], vector<16xf32>,
      %broadcast_in_dim3A_267 = arith.constant 128 : i32
      %broadcast_in_dim3A_268 = vector.broadcast %broadcast_in_dim3A_267 : i32 to vector<16xi32>
      tpu.vector_store_idx %arg11[%add3A_244, %broadcast_in_dim3A_268], %mul3A_260 : memref<128x144xf32, #tpu.memory_space<vmem>>[vector<16xi32>, vector<16xi32>], vector<16xf32>,
      %broadcast_in_dim3A_269 = arith.constant 129 : i32
      %broadcast_in_dim3A_270 = vector.broadcast %broadcast_in_dim3A_269 : i32 to vector<16xi32>
      %gather3A_271 = tpu.vector_load_idx %arg11[%add3A_244, %broadcast_in_dim3A_270] : memref<128x144xf32, #tpu.memory_space<vmem>>[vector<16xi32>, vector<16xi32>], vector<16xf32>,
      %broadcast_in_dim3A_272 = arith.constant 1 : i32
      %broadcast_in_dim3A_273 = vector.broadcast %broadcast_in_dim3A_272 : i32 to vector<16xi32>
      %gather3A_274 = tpu.vector_load_idx %arg12[%add3A_244, %broadcast_in_dim3A_273] : memref<128x16xf32, #tpu.memory_space<vmem>>[vector<16xi32>, vector<16xi32>], vector<16xf32>,
      %add3A_275 = arith.addf %gather3A_271, %gather3A_274 : vector<16xf32>
      %ge3A_276 = arith.constant 0.000000e+00 : f32
      %ge3A_277 = vector.broadcast %ge3A_276 : f32 to vector<16xf32>
      %ge3A_278 = arith.cmpf oge, %add3A_275, %ge3A_277 : vector<16xf32>
      %mul3A_279 = arith.constant 2.000000e-01 : f32
      %mul3A_280 = vector.broadcast %mul3A_279 : f32 to vector<16xf32>
      %mul3A_281 = arith.mulf %add3A_275, %mul3A_280 : vector<16xf32>
      %select_n3A_282 = arith.select %ge3A_278, %add3A_275, %mul3A_281 : vector<16xi1>, vector<16xf32>
      %exp3A_283 = math.exp %select_n3A_282 : vector<16xf32>
      %mul3A_284 = arith.mulf %exp3A_283, %get3A_241 : vector<16xf32>
      %mul3A_285 = arith.constant 4 : i32
      %mul3A_286 = vector.broadcast %mul3A_285 : i32 to vector<16xi32>
      %mul3A_287 = arith.muli %add3A_244, %mul3A_286 : vector<16xi32>
      %add3A_288 = arith.constant 1 : i32
      %add3A_289 = vector.broadcast %add3A_288 : i32 to vector<16xi32>
      %add3A_290 = arith.addi %mul3A_287, %add3A_289 : vector<16xi32>
      tpu.vector_store_idx %arg13[%add3A_290], %mul3A_284 : memref<512xf32, #tpu.memory_space<vmem>>[vector<16xi32>], vector<16xf32>,
      %broadcast_in_dim3A_291 = arith.constant 129 : i32
      %broadcast_in_dim3A_292 = vector.broadcast %broadcast_in_dim3A_291 : i32 to vector<16xi32>
      tpu.vector_store_idx %arg11[%add3A_244, %broadcast_in_dim3A_292], %mul3A_284 : memref<128x144xf32, #tpu.memory_space<vmem>>[vector<16xi32>, vector<16xi32>], vector<16xf32>,
      %broadcast_in_dim3A_293 = arith.constant 130 : i32
      %broadcast_in_dim3A_294 = vector.broadcast %broadcast_in_dim3A_293 : i32 to vector<16xi32>
      %gather3A_295 = tpu.vector_load_idx %arg11[%add3A_244, %broadcast_in_dim3A_294] : memref<128x144xf32, #tpu.memory_space<vmem>>[vector<16xi32>, vector<16xi32>], vector<16xf32>,
      %broadcast_in_dim3A_296 = arith.constant 2 : i32
      %broadcast_in_dim3A_297 = vector.broadcast %broadcast_in_dim3A_296 : i32 to vector<16xi32>
      %gather3A_298 = tpu.vector_load_idx %arg12[%add3A_244, %broadcast_in_dim3A_297] : memref<128x16xf32, #tpu.memory_space<vmem>>[vector<16xi32>, vector<16xi32>], vector<16xf32>,
      %add3A_299 = arith.addf %gather3A_295, %gather3A_298 : vector<16xf32>
      %ge3A_300 = arith.constant 0.000000e+00 : f32
      %ge3A_301 = vector.broadcast %ge3A_300 : f32 to vector<16xf32>
      %ge3A_302 = arith.cmpf oge, %add3A_299, %ge3A_301 : vector<16xf32>
      %mul3A_303 = arith.constant 2.000000e-01 : f32
      %mul3A_304 = vector.broadcast %mul3A_303 : f32 to vector<16xf32>
      %mul3A_305 = arith.mulf %add3A_299, %mul3A_304 : vector<16xf32>
      %select_n3A_306 = arith.select %ge3A_302, %add3A_299, %mul3A_305 : vector<16xi1>, vector<16xf32>
      %exp3A_307 = math.exp %select_n3A_306 : vector<16xf32>
      %mul3A_308 = arith.mulf %exp3A_307, %get3A_241 : vector<16xf32>
      %mul3A_309 = arith.constant 4 : i32
      %mul3A_310 = vector.broadcast %mul3A_309 : i32 to vector<16xi32>
      %mul3A_311 = arith.muli %add3A_244, %mul3A_310 : vector<16xi32>
      %add3A_312 = arith.constant 2 : i32
      %add3A_313 = vector.broadcast %add3A_312 : i32 to vector<16xi32>
      %add3A_314 = arith.addi %mul3A_311, %add3A_313 : vector<16xi32>
      tpu.vector_store_idx %arg13[%add3A_314], %mul3A_308 : memref<512xf32, #tpu.memory_space<vmem>>[vector<16xi32>], vector<16xf32>,
      %broadcast_in_dim3A_315 = arith.constant 130 : i32
      %broadcast_in_dim3A_316 = vector.broadcast %broadcast_in_dim3A_315 : i32 to vector<16xi32>
      tpu.vector_store_idx %arg11[%add3A_244, %broadcast_in_dim3A_316], %mul3A_308 : memref<128x144xf32, #tpu.memory_space<vmem>>[vector<16xi32>, vector<16xi32>], vector<16xf32>,
      %broadcast_in_dim3A_317 = arith.constant 131 : i32
      %broadcast_in_dim3A_318 = vector.broadcast %broadcast_in_dim3A_317 : i32 to vector<16xi32>
      %gather3A_319 = tpu.vector_load_idx %arg11[%add3A_244, %broadcast_in_dim3A_318] : memref<128x144xf32, #tpu.memory_space<vmem>>[vector<16xi32>, vector<16xi32>], vector<16xf32>,
      %broadcast_in_dim3A_320 = arith.constant 3 : i32
      %broadcast_in_dim3A_321 = vector.broadcast %broadcast_in_dim3A_320 : i32 to vector<16xi32>
      %gather3A_322 = tpu.vector_load_idx %arg12[%add3A_244, %broadcast_in_dim3A_321] : memref<128x16xf32, #tpu.memory_space<vmem>>[vector<16xi32>, vector<16xi32>], vector<16xf32>,
      %add3A_323 = arith.addf %gather3A_319, %gather3A_322 : vector<16xf32>
      %ge3A_324 = arith.constant 0.000000e+00 : f32
      %ge3A_325 = vector.broadcast %ge3A_324 : f32 to vector<16xf32>
      %ge3A_326 = arith.cmpf oge, %add3A_323, %ge3A_325 : vector<16xf32>
      %mul3A_327 = arith.constant 2.000000e-01 : f32
      %mul3A_328 = vector.broadcast %mul3A_327 : f32 to vector<16xf32>
      %mul3A_329 = arith.mulf %add3A_323, %mul3A_328 : vector<16xf32>
      %select_n3A_330 = arith.select %ge3A_326, %add3A_323, %mul3A_329 : vector<16xi1>, vector<16xf32>
      %exp3A_331 = math.exp %select_n3A_330 : vector<16xf32>
      %mul3A_332 = arith.mulf %exp3A_331, %get3A_241 : vector<16xf32>
      %mul3A_333 = arith.constant 4 : i32
      %mul3A_334 = vector.broadcast %mul3A_333 : i32 to vector<16xi32>
      %mul3A_335 = arith.muli %add3A_244, %mul3A_334 : vector<16xi32>
      %add3A_336 = arith.constant 3 : i32
      %add3A_337 = vector.broadcast %add3A_336 : i32 to vector<16xi32>
      %add3A_338 = arith.addi %mul3A_335, %add3A_337 : vector<16xi32>
      tpu.vector_store_idx %arg13[%add3A_338], %mul3A_332 : memref<512xf32, #tpu.memory_space<vmem>>[vector<16xi32>], vector<16xf32>,
      %broadcast_in_dim3A_339 = arith.constant 131 : i32
      %broadcast_in_dim3A_340 = vector.broadcast %broadcast_in_dim3A_339 : i32 to vector<16xi32>
      tpu.vector_store_idx %arg11[%add3A_244, %broadcast_in_dim3A_340], %mul3A_332 : memref<128x144xf32, #tpu.memory_space<vmem>>[vector<16xi32>, vector<16xi32>], vector<16xf32>,
      %get3A_341 = arith.constant 48 : index
      %get3A_342 = tpu.vector_load %arg10[%get3A_341] {strides = array<i32>} : memref<128xf32, #tpu.memory_space<vmem>>, vector<16xf32>,
      %add3A_343 = arith.constant 48 : i32
      %add3A_344 = vector.broadcast %add3A_343 : i32 to vector<16xi32>
      %add3A_345 = arith.addi %iota3A, %add3A_344 : vector<16xi32>
      %broadcast_in_dim3A_346 = arith.constant 128 : i32
      %broadcast_in_dim3A_347 = vector.broadcast %broadcast_in_dim3A_346 : i32 to vector<16xi32>
      %gather3A_348 = tpu.vector_load_idx %arg11[%add3A_345, %broadcast_in_dim3A_347] : memref<128x144xf32, #tpu.memory_space<vmem>>[vector<16xi32>, vector<16xi32>], vector<16xf32>,
      %broadcast_in_dim3A_349 = arith.constant 0 : i32
      %broadcast_in_dim3A_350 = vector.broadcast %broadcast_in_dim3A_349 : i32 to vector<16xi32>
      %gather3A_351 = tpu.vector_load_idx %arg12[%add3A_345, %broadcast_in_dim3A_350] : memref<128x16xf32, #tpu.memory_space<vmem>>[vector<16xi32>, vector<16xi32>], vector<16xf32>,
      %add3A_352 = arith.addf %gather3A_348, %gather3A_351 : vector<16xf32>
      %ge3A_353 = arith.constant 0.000000e+00 : f32
      %ge3A_354 = vector.broadcast %ge3A_353 : f32 to vector<16xf32>
      %ge3A_355 = arith.cmpf oge, %add3A_352, %ge3A_354 : vector<16xf32>
      %mul3A_356 = arith.constant 2.000000e-01 : f32
      %mul3A_357 = vector.broadcast %mul3A_356 : f32 to vector<16xf32>
      %mul3A_358 = arith.mulf %add3A_352, %mul3A_357 : vector<16xf32>
      %select_n3A_359 = arith.select %ge3A_355, %add3A_352, %mul3A_358 : vector<16xi1>, vector<16xf32>
      %exp3A_360 = math.exp %select_n3A_359 : vector<16xf32>
      %mul3A_361 = arith.mulf %exp3A_360, %get3A_342 : vector<16xf32>
      %mul3A_362 = arith.constant 4 : i32
      %mul3A_363 = vector.broadcast %mul3A_362 : i32 to vector<16xi32>
      %mul3A_364 = arith.muli %add3A_345, %mul3A_363 : vector<16xi32>
      %add3A_365 = arith.constant 0 : i32
      %add3A_366 = vector.broadcast %add3A_365 : i32 to vector<16xi32>
      %add3A_367 = arith.addi %mul3A_364, %add3A_366 : vector<16xi32>
      tpu.vector_store_idx %arg13[%add3A_367], %mul3A_361 : memref<512xf32, #tpu.memory_space<vmem>>[vector<16xi32>], vector<16xf32>,
      %broadcast_in_dim3A_368 = arith.constant 128 : i32
      %broadcast_in_dim3A_369 = vector.broadcast %broadcast_in_dim3A_368 : i32 to vector<16xi32>
      tpu.vector_store_idx %arg11[%add3A_345, %broadcast_in_dim3A_369], %mul3A_361 : memref<128x144xf32, #tpu.memory_space<vmem>>[vector<16xi32>, vector<16xi32>], vector<16xf32>,
      %broadcast_in_dim3A_370 = arith.constant 129 : i32
      %broadcast_in_dim3A_371 = vector.broadcast %broadcast_in_dim3A_370 : i32 to vector<16xi32>
      %gather3A_372 = tpu.vector_load_idx %arg11[%add3A_345, %broadcast_in_dim3A_371] : memref<128x144xf32, #tpu.memory_space<vmem>>[vector<16xi32>, vector<16xi32>], vector<16xf32>,
      %broadcast_in_dim3A_373 = arith.constant 1 : i32
      %broadcast_in_dim3A_374 = vector.broadcast %broadcast_in_dim3A_373 : i32 to vector<16xi32>
      %gather3A_375 = tpu.vector_load_idx %arg12[%add3A_345, %broadcast_in_dim3A_374] : memref<128x16xf32, #tpu.memory_space<vmem>>[vector<16xi32>, vector<16xi32>], vector<16xf32>,
      %add3A_376 = arith.addf %gather3A_372, %gather3A_375 : vector<16xf32>
      %ge3A_377 = arith.constant 0.000000e+00 : f32
      %ge3A_378 = vector.broadcast %ge3A_377 : f32 to vector<16xf32>
      %ge3A_379 = arith.cmpf oge, %add3A_376, %ge3A_378 : vector<16xf32>
      %mul3A_380 = arith.constant 2.000000e-01 : f32
      %mul3A_381 = vector.broadcast %mul3A_380 : f32 to vector<16xf32>
      %mul3A_382 = arith.mulf %add3A_376, %mul3A_381 : vector<16xf32>
      %select_n3A_383 = arith.select %ge3A_379, %add3A_376, %mul3A_382 : vector<16xi1>, vector<16xf32>
      %exp3A_384 = math.exp %select_n3A_383 : vector<16xf32>
      %mul3A_385 = arith.mulf %exp3A_384, %get3A_342 : vector<16xf32>
      %mul3A_386 = arith.constant 4 : i32
      %mul3A_387 = vector.broadcast %mul3A_386 : i32 to vector<16xi32>
      %mul3A_388 = arith.muli %add3A_345, %mul3A_387 : vector<16xi32>
      %add3A_389 = arith.constant 1 : i32
      %add3A_390 = vector.broadcast %add3A_389 : i32 to vector<16xi32>
      %add3A_391 = arith.addi %mul3A_388, %add3A_390 : vector<16xi32>
      tpu.vector_store_idx %arg13[%add3A_391], %mul3A_385 : memref<512xf32, #tpu.memory_space<vmem>>[vector<16xi32>], vector<16xf32>,
      %broadcast_in_dim3A_392 = arith.constant 129 : i32
      %broadcast_in_dim3A_393 = vector.broadcast %broadcast_in_dim3A_392 : i32 to vector<16xi32>
      tpu.vector_store_idx %arg11[%add3A_345, %broadcast_in_dim3A_393], %mul3A_385 : memref<128x144xf32, #tpu.memory_space<vmem>>[vector<16xi32>, vector<16xi32>], vector<16xf32>,
      %broadcast_in_dim3A_394 = arith.constant 130 : i32
      %broadcast_in_dim3A_395 = vector.broadcast %broadcast_in_dim3A_394 : i32 to vector<16xi32>
      %gather3A_396 = tpu.vector_load_idx %arg11[%add3A_345, %broadcast_in_dim3A_395] : memref<128x144xf32, #tpu.memory_space<vmem>>[vector<16xi32>, vector<16xi32>], vector<16xf32>,
      %broadcast_in_dim3A_397 = arith.constant 2 : i32
      %broadcast_in_dim3A_398 = vector.broadcast %broadcast_in_dim3A_397 : i32 to vector<16xi32>
      %gather3A_399 = tpu.vector_load_idx %arg12[%add3A_345, %broadcast_in_dim3A_398] : memref<128x16xf32, #tpu.memory_space<vmem>>[vector<16xi32>, vector<16xi32>], vector<16xf32>,
      %add3A_400 = arith.addf %gather3A_396, %gather3A_399 : vector<16xf32>
      %ge3A_401 = arith.constant 0.000000e+00 : f32
      %ge3A_402 = vector.broadcast %ge3A_401 : f32 to vector<16xf32>
      %ge3A_403 = arith.cmpf oge, %add3A_400, %ge3A_402 : vector<16xf32>
      %mul3A_404 = arith.constant 2.000000e-01 : f32
      %mul3A_405 = vector.broadcast %mul3A_404 : f32 to vector<16xf32>
      %mul3A_406 = arith.mulf %add3A_400, %mul3A_405 : vector<16xf32>
      %select_n3A_407 = arith.select %ge3A_403, %add3A_400, %mul3A_406 : vector<16xi1>, vector<16xf32>
      %exp3A_408 = math.exp %select_n3A_407 : vector<16xf32>
      %mul3A_409 = arith.mulf %exp3A_408, %get3A_342 : vector<16xf32>
      %mul3A_410 = arith.constant 4 : i32
      %mul3A_411 = vector.broadcast %mul3A_410 : i32 to vector<16xi32>
      %mul3A_412 = arith.muli %add3A_345, %mul3A_411 : vector<16xi32>
      %add3A_413 = arith.constant 2 : i32
      %add3A_414 = vector.broadcast %add3A_413 : i32 to vector<16xi32>
      %add3A_415 = arith.addi %mul3A_412, %add3A_414 : vector<16xi32>
      tpu.vector_store_idx %arg13[%add3A_415], %mul3A_409 : memref<512xf32, #tpu.memory_space<vmem>>[vector<16xi32>], vector<16xf32>,
      %broadcast_in_dim3A_416 = arith.constant 130 : i32
      %broadcast_in_dim3A_417 = vector.broadcast %broadcast_in_dim3A_416 : i32 to vector<16xi32>
      tpu.vector_store_idx %arg11[%add3A_345, %broadcast_in_dim3A_417], %mul3A_409 : memref<128x144xf32, #tpu.memory_space<vmem>>[vector<16xi32>, vector<16xi32>], vector<16xf32>,
      %broadcast_in_dim3A_418 = arith.constant 131 : i32
      %broadcast_in_dim3A_419 = vector.broadcast %broadcast_in_dim3A_418 : i32 to vector<16xi32>
      %gather3A_420 = tpu.vector_load_idx %arg11[%add3A_345, %broadcast_in_dim3A_419] : memref<128x144xf32, #tpu.memory_space<vmem>>[vector<16xi32>, vector<16xi32>], vector<16xf32>,
      %broadcast_in_dim3A_421 = arith.constant 3 : i32
      %broadcast_in_dim3A_422 = vector.broadcast %broadcast_in_dim3A_421 : i32 to vector<16xi32>
      %gather3A_423 = tpu.vector_load_idx %arg12[%add3A_345, %broadcast_in_dim3A_422] : memref<128x16xf32, #tpu.memory_space<vmem>>[vector<16xi32>, vector<16xi32>], vector<16xf32>,
      %add3A_424 = arith.addf %gather3A_420, %gather3A_423 : vector<16xf32>
      %ge3A_425 = arith.constant 0.000000e+00 : f32
      %ge3A_426 = vector.broadcast %ge3A_425 : f32 to vector<16xf32>
      %ge3A_427 = arith.cmpf oge, %add3A_424, %ge3A_426 : vector<16xf32>
      %mul3A_428 = arith.constant 2.000000e-01 : f32
      %mul3A_429 = vector.broadcast %mul3A_428 : f32 to vector<16xf32>
      %mul3A_430 = arith.mulf %add3A_424, %mul3A_429 : vector<16xf32>
      %select_n3A_431 = arith.select %ge3A_427, %add3A_424, %mul3A_430 : vector<16xi1>, vector<16xf32>
      %exp3A_432 = math.exp %select_n3A_431 : vector<16xf32>
      %mul3A_433 = arith.mulf %exp3A_432, %get3A_342 : vector<16xf32>
      %mul3A_434 = arith.constant 4 : i32
      %mul3A_435 = vector.broadcast %mul3A_434 : i32 to vector<16xi32>
      %mul3A_436 = arith.muli %add3A_345, %mul3A_435 : vector<16xi32>
      %add3A_437 = arith.constant 3 : i32
      %add3A_438 = vector.broadcast %add3A_437 : i32 to vector<16xi32>
      %add3A_439 = arith.addi %mul3A_436, %add3A_438 : vector<16xi32>
      tpu.vector_store_idx %arg13[%add3A_439], %mul3A_433 : memref<512xf32, #tpu.memory_space<vmem>>[vector<16xi32>], vector<16xf32>,
      %broadcast_in_dim3A_440 = arith.constant 131 : i32
      %broadcast_in_dim3A_441 = vector.broadcast %broadcast_in_dim3A_440 : i32 to vector<16xi32>
      tpu.vector_store_idx %arg11[%add3A_345, %broadcast_in_dim3A_441], %mul3A_433 : memref<128x144xf32, #tpu.memory_space<vmem>>[vector<16xi32>, vector<16xi32>], vector<16xf32>,
      %get3A_442 = arith.constant 64 : index
      %get3A_443 = tpu.vector_load %arg10[%get3A_442] {strides = array<i32>} : memref<128xf32, #tpu.memory_space<vmem>>, vector<16xf32>,
      %add3A_444 = arith.constant 64 : i32
      %add3A_445 = vector.broadcast %add3A_444 : i32 to vector<16xi32>
      %add3A_446 = arith.addi %iota3A, %add3A_445 : vector<16xi32>
      %broadcast_in_dim3A_447 = arith.constant 128 : i32
      %broadcast_in_dim3A_448 = vector.broadcast %broadcast_in_dim3A_447 : i32 to vector<16xi32>
      %gather3A_449 = tpu.vector_load_idx %arg11[%add3A_446, %broadcast_in_dim3A_448] : memref<128x144xf32, #tpu.memory_space<vmem>>[vector<16xi32>, vector<16xi32>], vector<16xf32>,
      %broadcast_in_dim3A_450 = arith.constant 0 : i32
      %broadcast_in_dim3A_451 = vector.broadcast %broadcast_in_dim3A_450 : i32 to vector<16xi32>
      %gather3A_452 = tpu.vector_load_idx %arg12[%add3A_446, %broadcast_in_dim3A_451] : memref<128x16xf32, #tpu.memory_space<vmem>>[vector<16xi32>, vector<16xi32>], vector<16xf32>,
      %add3A_453 = arith.addf %gather3A_449, %gather3A_452 : vector<16xf32>
      %ge3A_454 = arith.constant 0.000000e+00 : f32
      %ge3A_455 = vector.broadcast %ge3A_454 : f32 to vector<16xf32>
      %ge3A_456 = arith.cmpf oge, %add3A_453, %ge3A_455 : vector<16xf32>
      %mul3A_457 = arith.constant 2.000000e-01 : f32
      %mul3A_458 = vector.broadcast %mul3A_457 : f32 to vector<16xf32>
      %mul3A_459 = arith.mulf %add3A_453, %mul3A_458 : vector<16xf32>
      %select_n3A_460 = arith.select %ge3A_456, %add3A_453, %mul3A_459 : vector<16xi1>, vector<16xf32>
      %exp3A_461 = math.exp %select_n3A_460 : vector<16xf32>
      %mul3A_462 = arith.mulf %exp3A_461, %get3A_443 : vector<16xf32>
      %mul3A_463 = arith.constant 4 : i32
      %mul3A_464 = vector.broadcast %mul3A_463 : i32 to vector<16xi32>
      %mul3A_465 = arith.muli %add3A_446, %mul3A_464 : vector<16xi32>
      %add3A_466 = arith.constant 0 : i32
      %add3A_467 = vector.broadcast %add3A_466 : i32 to vector<16xi32>
      %add3A_468 = arith.addi %mul3A_465, %add3A_467 : vector<16xi32>
      tpu.vector_store_idx %arg13[%add3A_468], %mul3A_462 : memref<512xf32, #tpu.memory_space<vmem>>[vector<16xi32>], vector<16xf32>,
      %broadcast_in_dim3A_469 = arith.constant 128 : i32
      %broadcast_in_dim3A_470 = vector.broadcast %broadcast_in_dim3A_469 : i32 to vector<16xi32>
      tpu.vector_store_idx %arg11[%add3A_446, %broadcast_in_dim3A_470], %mul3A_462 : memref<128x144xf32, #tpu.memory_space<vmem>>[vector<16xi32>, vector<16xi32>], vector<16xf32>,
      %broadcast_in_dim3A_471 = arith.constant 129 : i32
      %broadcast_in_dim3A_472 = vector.broadcast %broadcast_in_dim3A_471 : i32 to vector<16xi32>
      %gather3A_473 = tpu.vector_load_idx %arg11[%add3A_446, %broadcast_in_dim3A_472] : memref<128x144xf32, #tpu.memory_space<vmem>>[vector<16xi32>, vector<16xi32>], vector<16xf32>,
      %broadcast_in_dim3A_474 = arith.constant 1 : i32
      %broadcast_in_dim3A_475 = vector.broadcast %broadcast_in_dim3A_474 : i32 to vector<16xi32>
      %gather3A_476 = tpu.vector_load_idx %arg12[%add3A_446, %broadcast_in_dim3A_475] : memref<128x16xf32, #tpu.memory_space<vmem>>[vector<16xi32>, vector<16xi32>], vector<16xf32>,
      %add3A_477 = arith.addf %gather3A_473, %gather3A_476 : vector<16xf32>
      %ge3A_478 = arith.constant 0.000000e+00 : f32
      %ge3A_479 = vector.broadcast %ge3A_478 : f32 to vector<16xf32>
      %ge3A_480 = arith.cmpf oge, %add3A_477, %ge3A_479 : vector<16xf32>
      %mul3A_481 = arith.constant 2.000000e-01 : f32
      %mul3A_482 = vector.broadcast %mul3A_481 : f32 to vector<16xf32>
      %mul3A_483 = arith.mulf %add3A_477, %mul3A_482 : vector<16xf32>
      %select_n3A_484 = arith.select %ge3A_480, %add3A_477, %mul3A_483 : vector<16xi1>, vector<16xf32>
      %exp3A_485 = math.exp %select_n3A_484 : vector<16xf32>
      %mul3A_486 = arith.mulf %exp3A_485, %get3A_443 : vector<16xf32>
      %mul3A_487 = arith.constant 4 : i32
      %mul3A_488 = vector.broadcast %mul3A_487 : i32 to vector<16xi32>
      %mul3A_489 = arith.muli %add3A_446, %mul3A_488 : vector<16xi32>
      %add3A_490 = arith.constant 1 : i32
      %add3A_491 = vector.broadcast %add3A_490 : i32 to vector<16xi32>
      %add3A_492 = arith.addi %mul3A_489, %add3A_491 : vector<16xi32>
      tpu.vector_store_idx %arg13[%add3A_492], %mul3A_486 : memref<512xf32, #tpu.memory_space<vmem>>[vector<16xi32>], vector<16xf32>,
      %broadcast_in_dim3A_493 = arith.constant 129 : i32
      %broadcast_in_dim3A_494 = vector.broadcast %broadcast_in_dim3A_493 : i32 to vector<16xi32>
      tpu.vector_store_idx %arg11[%add3A_446, %broadcast_in_dim3A_494], %mul3A_486 : memref<128x144xf32, #tpu.memory_space<vmem>>[vector<16xi32>, vector<16xi32>], vector<16xf32>,
      %broadcast_in_dim3A_495 = arith.constant 130 : i32
      %broadcast_in_dim3A_496 = vector.broadcast %broadcast_in_dim3A_495 : i32 to vector<16xi32>
      %gather3A_497 = tpu.vector_load_idx %arg11[%add3A_446, %broadcast_in_dim3A_496] : memref<128x144xf32, #tpu.memory_space<vmem>>[vector<16xi32>, vector<16xi32>], vector<16xf32>,
      %broadcast_in_dim3A_498 = arith.constant 2 : i32
      %broadcast_in_dim3A_499 = vector.broadcast %broadcast_in_dim3A_498 : i32 to vector<16xi32>
      %gather3A_500 = tpu.vector_load_idx %arg12[%add3A_446, %broadcast_in_dim3A_499] : memref<128x16xf32, #tpu.memory_space<vmem>>[vector<16xi32>, vector<16xi32>], vector<16xf32>,
      %add3A_501 = arith.addf %gather3A_497, %gather3A_500 : vector<16xf32>
      %ge3A_502 = arith.constant 0.000000e+00 : f32
      %ge3A_503 = vector.broadcast %ge3A_502 : f32 to vector<16xf32>
      %ge3A_504 = arith.cmpf oge, %add3A_501, %ge3A_503 : vector<16xf32>
      %mul3A_505 = arith.constant 2.000000e-01 : f32
      %mul3A_506 = vector.broadcast %mul3A_505 : f32 to vector<16xf32>
      %mul3A_507 = arith.mulf %add3A_501, %mul3A_506 : vector<16xf32>
      %select_n3A_508 = arith.select %ge3A_504, %add3A_501, %mul3A_507 : vector<16xi1>, vector<16xf32>
      %exp3A_509 = math.exp %select_n3A_508 : vector<16xf32>
      %mul3A_510 = arith.mulf %exp3A_509, %get3A_443 : vector<16xf32>
      %mul3A_511 = arith.constant 4 : i32
      %mul3A_512 = vector.broadcast %mul3A_511 : i32 to vector<16xi32>
      %mul3A_513 = arith.muli %add3A_446, %mul3A_512 : vector<16xi32>
      %add3A_514 = arith.constant 2 : i32
      %add3A_515 = vector.broadcast %add3A_514 : i32 to vector<16xi32>
      %add3A_516 = arith.addi %mul3A_513, %add3A_515 : vector<16xi32>
      tpu.vector_store_idx %arg13[%add3A_516], %mul3A_510 : memref<512xf32, #tpu.memory_space<vmem>>[vector<16xi32>], vector<16xf32>,
      %broadcast_in_dim3A_517 = arith.constant 130 : i32
      %broadcast_in_dim3A_518 = vector.broadcast %broadcast_in_dim3A_517 : i32 to vector<16xi32>
      tpu.vector_store_idx %arg11[%add3A_446, %broadcast_in_dim3A_518], %mul3A_510 : memref<128x144xf32, #tpu.memory_space<vmem>>[vector<16xi32>, vector<16xi32>], vector<16xf32>,
      %broadcast_in_dim3A_519 = arith.constant 131 : i32
      %broadcast_in_dim3A_520 = vector.broadcast %broadcast_in_dim3A_519 : i32 to vector<16xi32>
      %gather3A_521 = tpu.vector_load_idx %arg11[%add3A_446, %broadcast_in_dim3A_520] : memref<128x144xf32, #tpu.memory_space<vmem>>[vector<16xi32>, vector<16xi32>], vector<16xf32>,
      %broadcast_in_dim3A_522 = arith.constant 3 : i32
      %broadcast_in_dim3A_523 = vector.broadcast %broadcast_in_dim3A_522 : i32 to vector<16xi32>
      %gather3A_524 = tpu.vector_load_idx %arg12[%add3A_446, %broadcast_in_dim3A_523] : memref<128x16xf32, #tpu.memory_space<vmem>>[vector<16xi32>, vector<16xi32>], vector<16xf32>,
      %add3A_525 = arith.addf %gather3A_521, %gather3A_524 : vector<16xf32>
      %ge3A_526 = arith.constant 0.000000e+00 : f32
      %ge3A_527 = vector.broadcast %ge3A_526 : f32 to vector<16xf32>
      %ge3A_528 = arith.cmpf oge, %add3A_525, %ge3A_527 : vector<16xf32>
      %mul3A_529 = arith.constant 2.000000e-01 : f32
      %mul3A_530 = vector.broadcast %mul3A_529 : f32 to vector<16xf32>
      %mul3A_531 = arith.mulf %add3A_525, %mul3A_530 : vector<16xf32>
      %select_n3A_532 = arith.select %ge3A_528, %add3A_525, %mul3A_531 : vector<16xi1>, vector<16xf32>
      %exp3A_533 = math.exp %select_n3A_532 : vector<16xf32>
      %mul3A_534 = arith.mulf %exp3A_533, %get3A_443 : vector<16xf32>
      %mul3A_535 = arith.constant 4 : i32
      %mul3A_536 = vector.broadcast %mul3A_535 : i32 to vector<16xi32>
      %mul3A_537 = arith.muli %add3A_446, %mul3A_536 : vector<16xi32>
      %add3A_538 = arith.constant 3 : i32
      %add3A_539 = vector.broadcast %add3A_538 : i32 to vector<16xi32>
      %add3A_540 = arith.addi %mul3A_537, %add3A_539 : vector<16xi32>
      tpu.vector_store_idx %arg13[%add3A_540], %mul3A_534 : memref<512xf32, #tpu.memory_space<vmem>>[vector<16xi32>], vector<16xf32>,
      %broadcast_in_dim3A_541 = arith.constant 131 : i32
      %broadcast_in_dim3A_542 = vector.broadcast %broadcast_in_dim3A_541 : i32 to vector<16xi32>
      tpu.vector_store_idx %arg11[%add3A_446, %broadcast_in_dim3A_542], %mul3A_534 : memref<128x144xf32, #tpu.memory_space<vmem>>[vector<16xi32>, vector<16xi32>], vector<16xf32>,
      %get3A_543 = arith.constant 80 : index
      %get3A_544 = tpu.vector_load %arg10[%get3A_543] {strides = array<i32>} : memref<128xf32, #tpu.memory_space<vmem>>, vector<16xf32>,
      %add3A_545 = arith.constant 80 : i32
      %add3A_546 = vector.broadcast %add3A_545 : i32 to vector<16xi32>
      %add3A_547 = arith.addi %iota3A, %add3A_546 : vector<16xi32>
      %broadcast_in_dim3A_548 = arith.constant 128 : i32
      %broadcast_in_dim3A_549 = vector.broadcast %broadcast_in_dim3A_548 : i32 to vector<16xi32>
      %gather3A_550 = tpu.vector_load_idx %arg11[%add3A_547, %broadcast_in_dim3A_549] : memref<128x144xf32, #tpu.memory_space<vmem>>[vector<16xi32>, vector<16xi32>], vector<16xf32>,
      %broadcast_in_dim3A_551 = arith.constant 0 : i32
      %broadcast_in_dim3A_552 = vector.broadcast %broadcast_in_dim3A_551 : i32 to vector<16xi32>
      %gather3A_553 = tpu.vector_load_idx %arg12[%add3A_547, %broadcast_in_dim3A_552] : memref<128x16xf32, #tpu.memory_space<vmem>>[vector<16xi32>, vector<16xi32>], vector<16xf32>,
      %add3A_554 = arith.addf %gather3A_550, %gather3A_553 : vector<16xf32>
      %ge3A_555 = arith.constant 0.000000e+00 : f32
      %ge3A_556 = vector.broadcast %ge3A_555 : f32 to vector<16xf32>
      %ge3A_557 = arith.cmpf oge, %add3A_554, %ge3A_556 : vector<16xf32>
      %mul3A_558 = arith.constant 2.000000e-01 : f32
      %mul3A_559 = vector.broadcast %mul3A_558 : f32 to vector<16xf32>
      %mul3A_560 = arith.mulf %add3A_554, %mul3A_559 : vector<16xf32>
      %select_n3A_561 = arith.select %ge3A_557, %add3A_554, %mul3A_560 : vector<16xi1>, vector<16xf32>
      %exp3A_562 = math.exp %select_n3A_561 : vector<16xf32>
      %mul3A_563 = arith.mulf %exp3A_562, %get3A_544 : vector<16xf32>
      %mul3A_564 = arith.constant 4 : i32
      %mul3A_565 = vector.broadcast %mul3A_564 : i32 to vector<16xi32>
      %mul3A_566 = arith.muli %add3A_547, %mul3A_565 : vector<16xi32>
      %add3A_567 = arith.constant 0 : i32
      %add3A_568 = vector.broadcast %add3A_567 : i32 to vector<16xi32>
      %add3A_569 = arith.addi %mul3A_566, %add3A_568 : vector<16xi32>
      tpu.vector_store_idx %arg13[%add3A_569], %mul3A_563 : memref<512xf32, #tpu.memory_space<vmem>>[vector<16xi32>], vector<16xf32>,
      %broadcast_in_dim3A_570 = arith.constant 128 : i32
      %broadcast_in_dim3A_571 = vector.broadcast %broadcast_in_dim3A_570 : i32 to vector<16xi32>
      tpu.vector_store_idx %arg11[%add3A_547, %broadcast_in_dim3A_571], %mul3A_563 : memref<128x144xf32, #tpu.memory_space<vmem>>[vector<16xi32>, vector<16xi32>], vector<16xf32>,
      %broadcast_in_dim3A_572 = arith.constant 129 : i32
      %broadcast_in_dim3A_573 = vector.broadcast %broadcast_in_dim3A_572 : i32 to vector<16xi32>
      %gather3A_574 = tpu.vector_load_idx %arg11[%add3A_547, %broadcast_in_dim3A_573] : memref<128x144xf32, #tpu.memory_space<vmem>>[vector<16xi32>, vector<16xi32>], vector<16xf32>,
      %broadcast_in_dim3A_575 = arith.constant 1 : i32
      %broadcast_in_dim3A_576 = vector.broadcast %broadcast_in_dim3A_575 : i32 to vector<16xi32>
      %gather3A_577 = tpu.vector_load_idx %arg12[%add3A_547, %broadcast_in_dim3A_576] : memref<128x16xf32, #tpu.memory_space<vmem>>[vector<16xi32>, vector<16xi32>], vector<16xf32>,
      %add3A_578 = arith.addf %gather3A_574, %gather3A_577 : vector<16xf32>
      %ge3A_579 = arith.constant 0.000000e+00 : f32
      %ge3A_580 = vector.broadcast %ge3A_579 : f32 to vector<16xf32>
      %ge3A_581 = arith.cmpf oge, %add3A_578, %ge3A_580 : vector<16xf32>
      %mul3A_582 = arith.constant 2.000000e-01 : f32
      %mul3A_583 = vector.broadcast %mul3A_582 : f32 to vector<16xf32>
      %mul3A_584 = arith.mulf %add3A_578, %mul3A_583 : vector<16xf32>
      %select_n3A_585 = arith.select %ge3A_581, %add3A_578, %mul3A_584 : vector<16xi1>, vector<16xf32>
      %exp3A_586 = math.exp %select_n3A_585 : vector<16xf32>
      %mul3A_587 = arith.mulf %exp3A_586, %get3A_544 : vector<16xf32>
      %mul3A_588 = arith.constant 4 : i32
      %mul3A_589 = vector.broadcast %mul3A_588 : i32 to vector<16xi32>
      %mul3A_590 = arith.muli %add3A_547, %mul3A_589 : vector<16xi32>
      %add3A_591 = arith.constant 1 : i32
      %add3A_592 = vector.broadcast %add3A_591 : i32 to vector<16xi32>
      %add3A_593 = arith.addi %mul3A_590, %add3A_592 : vector<16xi32>
      tpu.vector_store_idx %arg13[%add3A_593], %mul3A_587 : memref<512xf32, #tpu.memory_space<vmem>>[vector<16xi32>], vector<16xf32>,
      %broadcast_in_dim3A_594 = arith.constant 129 : i32
      %broadcast_in_dim3A_595 = vector.broadcast %broadcast_in_dim3A_594 : i32 to vector<16xi32>
      tpu.vector_store_idx %arg11[%add3A_547, %broadcast_in_dim3A_595], %mul3A_587 : memref<128x144xf32, #tpu.memory_space<vmem>>[vector<16xi32>, vector<16xi32>], vector<16xf32>,
      %broadcast_in_dim3A_596 = arith.constant 130 : i32
      %broadcast_in_dim3A_597 = vector.broadcast %broadcast_in_dim3A_596 : i32 to vector<16xi32>
      %gather3A_598 = tpu.vector_load_idx %arg11[%add3A_547, %broadcast_in_dim3A_597] : memref<128x144xf32, #tpu.memory_space<vmem>>[vector<16xi32>, vector<16xi32>], vector<16xf32>,
      %broadcast_in_dim3A_599 = arith.constant 2 : i32
      %broadcast_in_dim3A_600 = vector.broadcast %broadcast_in_dim3A_599 : i32 to vector<16xi32>
      %gather3A_601 = tpu.vector_load_idx %arg12[%add3A_547, %broadcast_in_dim3A_600] : memref<128x16xf32, #tpu.memory_space<vmem>>[vector<16xi32>, vector<16xi32>], vector<16xf32>,
      %add3A_602 = arith.addf %gather3A_598, %gather3A_601 : vector<16xf32>
      %ge3A_603 = arith.constant 0.000000e+00 : f32
      %ge3A_604 = vector.broadcast %ge3A_603 : f32 to vector<16xf32>
      %ge3A_605 = arith.cmpf oge, %add3A_602, %ge3A_604 : vector<16xf32>
      %mul3A_606 = arith.constant 2.000000e-01 : f32
      %mul3A_607 = vector.broadcast %mul3A_606 : f32 to vector<16xf32>
      %mul3A_608 = arith.mulf %add3A_602, %mul3A_607 : vector<16xf32>
      %select_n3A_609 = arith.select %ge3A_605, %add3A_602, %mul3A_608 : vector<16xi1>, vector<16xf32>
      %exp3A_610 = math.exp %select_n3A_609 : vector<16xf32>
      %mul3A_611 = arith.mulf %exp3A_610, %get3A_544 : vector<16xf32>
      %mul3A_612 = arith.constant 4 : i32
      %mul3A_613 = vector.broadcast %mul3A_612 : i32 to vector<16xi32>
      %mul3A_614 = arith.muli %add3A_547, %mul3A_613 : vector<16xi32>
      %add3A_615 = arith.constant 2 : i32
      %add3A_616 = vector.broadcast %add3A_615 : i32 to vector<16xi32>
      %add3A_617 = arith.addi %mul3A_614, %add3A_616 : vector<16xi32>
      tpu.vector_store_idx %arg13[%add3A_617], %mul3A_611 : memref<512xf32, #tpu.memory_space<vmem>>[vector<16xi32>], vector<16xf32>,
      %broadcast_in_dim3A_618 = arith.constant 130 : i32
      %broadcast_in_dim3A_619 = vector.broadcast %broadcast_in_dim3A_618 : i32 to vector<16xi32>
      tpu.vector_store_idx %arg11[%add3A_547, %broadcast_in_dim3A_619], %mul3A_611 : memref<128x144xf32, #tpu.memory_space<vmem>>[vector<16xi32>, vector<16xi32>], vector<16xf32>,
      %broadcast_in_dim3A_620 = arith.constant 131 : i32
      %broadcast_in_dim3A_621 = vector.broadcast %broadcast_in_dim3A_620 : i32 to vector<16xi32>
      %gather3A_622 = tpu.vector_load_idx %arg11[%add3A_547, %broadcast_in_dim3A_621] : memref<128x144xf32, #tpu.memory_space<vmem>>[vector<16xi32>, vector<16xi32>], vector<16xf32>,
      %broadcast_in_dim3A_623 = arith.constant 3 : i32
      %broadcast_in_dim3A_624 = vector.broadcast %broadcast_in_dim3A_623 : i32 to vector<16xi32>
      %gather3A_625 = tpu.vector_load_idx %arg12[%add3A_547, %broadcast_in_dim3A_624] : memref<128x16xf32, #tpu.memory_space<vmem>>[vector<16xi32>, vector<16xi32>], vector<16xf32>,
      %add3A_626 = arith.addf %gather3A_622, %gather3A_625 : vector<16xf32>
      %ge3A_627 = arith.constant 0.000000e+00 : f32
      %ge3A_628 = vector.broadcast %ge3A_627 : f32 to vector<16xf32>
      %ge3A_629 = arith.cmpf oge, %add3A_626, %ge3A_628 : vector<16xf32>
      %mul3A_630 = arith.constant 2.000000e-01 : f32
      %mul3A_631 = vector.broadcast %mul3A_630 : f32 to vector<16xf32>
      %mul3A_632 = arith.mulf %add3A_626, %mul3A_631 : vector<16xf32>
      %select_n3A_633 = arith.select %ge3A_629, %add3A_626, %mul3A_632 : vector<16xi1>, vector<16xf32>
      %exp3A_634 = math.exp %select_n3A_633 : vector<16xf32>
      %mul3A_635 = arith.mulf %exp3A_634, %get3A_544 : vector<16xf32>
      %mul3A_636 = arith.constant 4 : i32
      %mul3A_637 = vector.broadcast %mul3A_636 : i32 to vector<16xi32>
      %mul3A_638 = arith.muli %add3A_547, %mul3A_637 : vector<16xi32>
      %add3A_639 = arith.constant 3 : i32
      %add3A_640 = vector.broadcast %add3A_639 : i32 to vector<16xi32>
      %add3A_641 = arith.addi %mul3A_638, %add3A_640 : vector<16xi32>
      tpu.vector_store_idx %arg13[%add3A_641], %mul3A_635 : memref<512xf32, #tpu.memory_space<vmem>>[vector<16xi32>], vector<16xf32>,
      %broadcast_in_dim3A_642 = arith.constant 131 : i32
      %broadcast_in_dim3A_643 = vector.broadcast %broadcast_in_dim3A_642 : i32 to vector<16xi32>
      tpu.vector_store_idx %arg11[%add3A_547, %broadcast_in_dim3A_643], %mul3A_635 : memref<128x144xf32, #tpu.memory_space<vmem>>[vector<16xi32>, vector<16xi32>], vector<16xf32>,
      %get3A_644 = arith.constant 96 : index
      %get3A_645 = tpu.vector_load %arg10[%get3A_644] {strides = array<i32>} : memref<128xf32, #tpu.memory_space<vmem>>, vector<16xf32>,
      %add3A_646 = arith.constant 96 : i32
      %add3A_647 = vector.broadcast %add3A_646 : i32 to vector<16xi32>
      %add3A_648 = arith.addi %iota3A, %add3A_647 : vector<16xi32>
      %broadcast_in_dim3A_649 = arith.constant 128 : i32
      %broadcast_in_dim3A_650 = vector.broadcast %broadcast_in_dim3A_649 : i32 to vector<16xi32>
      %gather3A_651 = tpu.vector_load_idx %arg11[%add3A_648, %broadcast_in_dim3A_650] : memref<128x144xf32, #tpu.memory_space<vmem>>[vector<16xi32>, vector<16xi32>], vector<16xf32>,
      %broadcast_in_dim3A_652 = arith.constant 0 : i32
      %broadcast_in_dim3A_653 = vector.broadcast %broadcast_in_dim3A_652 : i32 to vector<16xi32>
      %gather3A_654 = tpu.vector_load_idx %arg12[%add3A_648, %broadcast_in_dim3A_653] : memref<128x16xf32, #tpu.memory_space<vmem>>[vector<16xi32>, vector<16xi32>], vector<16xf32>,
      %add3A_655 = arith.addf %gather3A_651, %gather3A_654 : vector<16xf32>
      %ge3A_656 = arith.constant 0.000000e+00 : f32
      %ge3A_657 = vector.broadcast %ge3A_656 : f32 to vector<16xf32>
      %ge3A_658 = arith.cmpf oge, %add3A_655, %ge3A_657 : vector<16xf32>
      %mul3A_659 = arith.constant 2.000000e-01 : f32
      %mul3A_660 = vector.broadcast %mul3A_659 : f32 to vector<16xf32>
      %mul3A_661 = arith.mulf %add3A_655, %mul3A_660 : vector<16xf32>
      %select_n3A_662 = arith.select %ge3A_658, %add3A_655, %mul3A_661 : vector<16xi1>, vector<16xf32>
      %exp3A_663 = math.exp %select_n3A_662 : vector<16xf32>
      %mul3A_664 = arith.mulf %exp3A_663, %get3A_645 : vector<16xf32>
      %mul3A_665 = arith.constant 4 : i32
      %mul3A_666 = vector.broadcast %mul3A_665 : i32 to vector<16xi32>
      %mul3A_667 = arith.muli %add3A_648, %mul3A_666 : vector<16xi32>
      %add3A_668 = arith.constant 0 : i32
      %add3A_669 = vector.broadcast %add3A_668 : i32 to vector<16xi32>
      %add3A_670 = arith.addi %mul3A_667, %add3A_669 : vector<16xi32>
      tpu.vector_store_idx %arg13[%add3A_670], %mul3A_664 : memref<512xf32, #tpu.memory_space<vmem>>[vector<16xi32>], vector<16xf32>,
      %broadcast_in_dim3A_671 = arith.constant 128 : i32
      %broadcast_in_dim3A_672 = vector.broadcast %broadcast_in_dim3A_671 : i32 to vector<16xi32>
      tpu.vector_store_idx %arg11[%add3A_648, %broadcast_in_dim3A_672], %mul3A_664 : memref<128x144xf32, #tpu.memory_space<vmem>>[vector<16xi32>, vector<16xi32>], vector<16xf32>,
      %broadcast_in_dim3A_673 = arith.constant 129 : i32
      %broadcast_in_dim3A_674 = vector.broadcast %broadcast_in_dim3A_673 : i32 to vector<16xi32>
      %gather3A_675 = tpu.vector_load_idx %arg11[%add3A_648, %broadcast_in_dim3A_674] : memref<128x144xf32, #tpu.memory_space<vmem>>[vector<16xi32>, vector<16xi32>], vector<16xf32>,
      %broadcast_in_dim3A_676 = arith.constant 1 : i32
      %broadcast_in_dim3A_677 = vector.broadcast %broadcast_in_dim3A_676 : i32 to vector<16xi32>
      %gather3A_678 = tpu.vector_load_idx %arg12[%add3A_648, %broadcast_in_dim3A_677] : memref<128x16xf32, #tpu.memory_space<vmem>>[vector<16xi32>, vector<16xi32>], vector<16xf32>,
      %add3A_679 = arith.addf %gather3A_675, %gather3A_678 : vector<16xf32>
      %ge3A_680 = arith.constant 0.000000e+00 : f32
      %ge3A_681 = vector.broadcast %ge3A_680 : f32 to vector<16xf32>
      %ge3A_682 = arith.cmpf oge, %add3A_679, %ge3A_681 : vector<16xf32>
      %mul3A_683 = arith.constant 2.000000e-01 : f32
      %mul3A_684 = vector.broadcast %mul3A_683 : f32 to vector<16xf32>
      %mul3A_685 = arith.mulf %add3A_679, %mul3A_684 : vector<16xf32>
      %select_n3A_686 = arith.select %ge3A_682, %add3A_679, %mul3A_685 : vector<16xi1>, vector<16xf32>
      %exp3A_687 = math.exp %select_n3A_686 : vector<16xf32>
      %mul3A_688 = arith.mulf %exp3A_687, %get3A_645 : vector<16xf32>
      %mul3A_689 = arith.constant 4 : i32
      %mul3A_690 = vector.broadcast %mul3A_689 : i32 to vector<16xi32>
      %mul3A_691 = arith.muli %add3A_648, %mul3A_690 : vector<16xi32>
      %add3A_692 = arith.constant 1 : i32
      %add3A_693 = vector.broadcast %add3A_692 : i32 to vector<16xi32>
      %add3A_694 = arith.addi %mul3A_691, %add3A_693 : vector<16xi32>
      tpu.vector_store_idx %arg13[%add3A_694], %mul3A_688 : memref<512xf32, #tpu.memory_space<vmem>>[vector<16xi32>], vector<16xf32>,
      %broadcast_in_dim3A_695 = arith.constant 129 : i32
      %broadcast_in_dim3A_696 = vector.broadcast %broadcast_in_dim3A_695 : i32 to vector<16xi32>
      tpu.vector_store_idx %arg11[%add3A_648, %broadcast_in_dim3A_696], %mul3A_688 : memref<128x144xf32, #tpu.memory_space<vmem>>[vector<16xi32>, vector<16xi32>], vector<16xf32>,
      %broadcast_in_dim3A_697 = arith.constant 130 : i32
      %broadcast_in_dim3A_698 = vector.broadcast %broadcast_in_dim3A_697 : i32 to vector<16xi32>
      %gather3A_699 = tpu.vector_load_idx %arg11[%add3A_648, %broadcast_in_dim3A_698] : memref<128x144xf32, #tpu.memory_space<vmem>>[vector<16xi32>, vector<16xi32>], vector<16xf32>,
      %broadcast_in_dim3A_700 = arith.constant 2 : i32
      %broadcast_in_dim3A_701 = vector.broadcast %broadcast_in_dim3A_700 : i32 to vector<16xi32>
      %gather3A_702 = tpu.vector_load_idx %arg12[%add3A_648, %broadcast_in_dim3A_701] : memref<128x16xf32, #tpu.memory_space<vmem>>[vector<16xi32>, vector<16xi32>], vector<16xf32>,
      %add3A_703 = arith.addf %gather3A_699, %gather3A_702 : vector<16xf32>
      %ge3A_704 = arith.constant 0.000000e+00 : f32
      %ge3A_705 = vector.broadcast %ge3A_704 : f32 to vector<16xf32>
      %ge3A_706 = arith.cmpf oge, %add3A_703, %ge3A_705 : vector<16xf32>
      %mul3A_707 = arith.constant 2.000000e-01 : f32
      %mul3A_708 = vector.broadcast %mul3A_707 : f32 to vector<16xf32>
      %mul3A_709 = arith.mulf %add3A_703, %mul3A_708 : vector<16xf32>
      %select_n3A_710 = arith.select %ge3A_706, %add3A_703, %mul3A_709 : vector<16xi1>, vector<16xf32>
      %exp3A_711 = math.exp %select_n3A_710 : vector<16xf32>
      %mul3A_712 = arith.mulf %exp3A_711, %get3A_645 : vector<16xf32>
      %mul3A_713 = arith.constant 4 : i32
      %mul3A_714 = vector.broadcast %mul3A_713 : i32 to vector<16xi32>
      %mul3A_715 = arith.muli %add3A_648, %mul3A_714 : vector<16xi32>
      %add3A_716 = arith.constant 2 : i32
      %add3A_717 = vector.broadcast %add3A_716 : i32 to vector<16xi32>
      %add3A_718 = arith.addi %mul3A_715, %add3A_717 : vector<16xi32>
      tpu.vector_store_idx %arg13[%add3A_718], %mul3A_712 : memref<512xf32, #tpu.memory_space<vmem>>[vector<16xi32>], vector<16xf32>,
      %broadcast_in_dim3A_719 = arith.constant 130 : i32
      %broadcast_in_dim3A_720 = vector.broadcast %broadcast_in_dim3A_719 : i32 to vector<16xi32>
      tpu.vector_store_idx %arg11[%add3A_648, %broadcast_in_dim3A_720], %mul3A_712 : memref<128x144xf32, #tpu.memory_space<vmem>>[vector<16xi32>, vector<16xi32>], vector<16xf32>,
      %broadcast_in_dim3A_721 = arith.constant 131 : i32
      %broadcast_in_dim3A_722 = vector.broadcast %broadcast_in_dim3A_721 : i32 to vector<16xi32>
      %gather3A_723 = tpu.vector_load_idx %arg11[%add3A_648, %broadcast_in_dim3A_722] : memref<128x144xf32, #tpu.memory_space<vmem>>[vector<16xi32>, vector<16xi32>], vector<16xf32>,
      %broadcast_in_dim3A_724 = arith.constant 3 : i32
      %broadcast_in_dim3A_725 = vector.broadcast %broadcast_in_dim3A_724 : i32 to vector<16xi32>
      %gather3A_726 = tpu.vector_load_idx %arg12[%add3A_648, %broadcast_in_dim3A_725] : memref<128x16xf32, #tpu.memory_space<vmem>>[vector<16xi32>, vector<16xi32>], vector<16xf32>,
      %add3A_727 = arith.addf %gather3A_723, %gather3A_726 : vector<16xf32>
      %ge3A_728 = arith.constant 0.000000e+00 : f32
      %ge3A_729 = vector.broadcast %ge3A_728 : f32 to vector<16xf32>
      %ge3A_730 = arith.cmpf oge, %add3A_727, %ge3A_729 : vector<16xf32>
      %mul3A_731 = arith.constant 2.000000e-01 : f32
      %mul3A_732 = vector.broadcast %mul3A_731 : f32 to vector<16xf32>
      %mul3A_733 = arith.mulf %add3A_727, %mul3A_732 : vector<16xf32>
      %select_n3A_734 = arith.select %ge3A_730, %add3A_727, %mul3A_733 : vector<16xi1>, vector<16xf32>
      %exp3A_735 = math.exp %select_n3A_734 : vector<16xf32>
      %mul3A_736 = arith.mulf %exp3A_735, %get3A_645 : vector<16xf32>
      %mul3A_737 = arith.constant 4 : i32
      %mul3A_738 = vector.broadcast %mul3A_737 : i32 to vector<16xi32>
      %mul3A_739 = arith.muli %add3A_648, %mul3A_738 : vector<16xi32>
      %add3A_740 = arith.constant 3 : i32
      %add3A_741 = vector.broadcast %add3A_740 : i32 to vector<16xi32>
      %add3A_742 = arith.addi %mul3A_739, %add3A_741 : vector<16xi32>
      tpu.vector_store_idx %arg13[%add3A_742], %mul3A_736 : memref<512xf32, #tpu.memory_space<vmem>>[vector<16xi32>], vector<16xf32>,
      %broadcast_in_dim3A_743 = arith.constant 131 : i32
      %broadcast_in_dim3A_744 = vector.broadcast %broadcast_in_dim3A_743 : i32 to vector<16xi32>
      tpu.vector_store_idx %arg11[%add3A_648, %broadcast_in_dim3A_744], %mul3A_736 : memref<128x144xf32, #tpu.memory_space<vmem>>[vector<16xi32>, vector<16xi32>], vector<16xf32>,
      %get3A_745 = arith.constant 112 : index
      %get3A_746 = tpu.vector_load %arg10[%get3A_745] {strides = array<i32>} : memref<128xf32, #tpu.memory_space<vmem>>, vector<16xf32>,
      %add3A_747 = arith.constant 112 : i32
      %add3A_748 = vector.broadcast %add3A_747 : i32 to vector<16xi32>
      %add3A_749 = arith.addi %iota3A, %add3A_748 : vector<16xi32>
      %broadcast_in_dim3A_750 = arith.constant 128 : i32
      %broadcast_in_dim3A_751 = vector.broadcast %broadcast_in_dim3A_750 : i32 to vector<16xi32>
      %gather3A_752 = tpu.vector_load_idx %arg11[%add3A_749, %broadcast_in_dim3A_751] : memref<128x144xf32, #tpu.memory_space<vmem>>[vector<16xi32>, vector<16xi32>], vector<16xf32>,
      %broadcast_in_dim3A_753 = arith.constant 0 : i32
      %broadcast_in_dim3A_754 = vector.broadcast %broadcast_in_dim3A_753 : i32 to vector<16xi32>
      %gather3A_755 = tpu.vector_load_idx %arg12[%add3A_749, %broadcast_in_dim3A_754] : memref<128x16xf32, #tpu.memory_space<vmem>>[vector<16xi32>, vector<16xi32>], vector<16xf32>,
      %add3A_756 = arith.addf %gather3A_752, %gather3A_755 : vector<16xf32>
      %ge3A_757 = arith.constant 0.000000e+00 : f32
      %ge3A_758 = vector.broadcast %ge3A_757 : f32 to vector<16xf32>
      %ge3A_759 = arith.cmpf oge, %add3A_756, %ge3A_758 : vector<16xf32>
      %mul3A_760 = arith.constant 2.000000e-01 : f32
      %mul3A_761 = vector.broadcast %mul3A_760 : f32 to vector<16xf32>
      %mul3A_762 = arith.mulf %add3A_756, %mul3A_761 : vector<16xf32>
      %select_n3A_763 = arith.select %ge3A_759, %add3A_756, %mul3A_762 : vector<16xi1>, vector<16xf32>
      %exp3A_764 = math.exp %select_n3A_763 : vector<16xf32>
      %mul3A_765 = arith.mulf %exp3A_764, %get3A_746 : vector<16xf32>
      %mul3A_766 = arith.constant 4 : i32
      %mul3A_767 = vector.broadcast %mul3A_766 : i32 to vector<16xi32>
      %mul3A_768 = arith.muli %add3A_749, %mul3A_767 : vector<16xi32>
      %add3A_769 = arith.constant 0 : i32
      %add3A_770 = vector.broadcast %add3A_769 : i32 to vector<16xi32>
      %add3A_771 = arith.addi %mul3A_768, %add3A_770 : vector<16xi32>
      tpu.vector_store_idx %arg13[%add3A_771], %mul3A_765 : memref<512xf32, #tpu.memory_space<vmem>>[vector<16xi32>], vector<16xf32>,
      %broadcast_in_dim3A_772 = arith.constant 128 : i32
      %broadcast_in_dim3A_773 = vector.broadcast %broadcast_in_dim3A_772 : i32 to vector<16xi32>
      tpu.vector_store_idx %arg11[%add3A_749, %broadcast_in_dim3A_773], %mul3A_765 : memref<128x144xf32, #tpu.memory_space<vmem>>[vector<16xi32>, vector<16xi32>], vector<16xf32>,
      %broadcast_in_dim3A_774 = arith.constant 129 : i32
      %broadcast_in_dim3A_775 = vector.broadcast %broadcast_in_dim3A_774 : i32 to vector<16xi32>
      %gather3A_776 = tpu.vector_load_idx %arg11[%add3A_749, %broadcast_in_dim3A_775] : memref<128x144xf32, #tpu.memory_space<vmem>>[vector<16xi32>, vector<16xi32>], vector<16xf32>,
      %broadcast_in_dim3A_777 = arith.constant 1 : i32
      %broadcast_in_dim3A_778 = vector.broadcast %broadcast_in_dim3A_777 : i32 to vector<16xi32>
      %gather3A_779 = tpu.vector_load_idx %arg12[%add3A_749, %broadcast_in_dim3A_778] : memref<128x16xf32, #tpu.memory_space<vmem>>[vector<16xi32>, vector<16xi32>], vector<16xf32>,
      %add3A_780 = arith.addf %gather3A_776, %gather3A_779 : vector<16xf32>
      %ge3A_781 = arith.constant 0.000000e+00 : f32
      %ge3A_782 = vector.broadcast %ge3A_781 : f32 to vector<16xf32>
      %ge3A_783 = arith.cmpf oge, %add3A_780, %ge3A_782 : vector<16xf32>
      %mul3A_784 = arith.constant 2.000000e-01 : f32
      %mul3A_785 = vector.broadcast %mul3A_784 : f32 to vector<16xf32>
      %mul3A_786 = arith.mulf %add3A_780, %mul3A_785 : vector<16xf32>
      %select_n3A_787 = arith.select %ge3A_783, %add3A_780, %mul3A_786 : vector<16xi1>, vector<16xf32>
      %exp3A_788 = math.exp %select_n3A_787 : vector<16xf32>
      %mul3A_789 = arith.mulf %exp3A_788, %get3A_746 : vector<16xf32>
      %mul3A_790 = arith.constant 4 : i32
      %mul3A_791 = vector.broadcast %mul3A_790 : i32 to vector<16xi32>
      %mul3A_792 = arith.muli %add3A_749, %mul3A_791 : vector<16xi32>
      %add3A_793 = arith.constant 1 : i32
      %add3A_794 = vector.broadcast %add3A_793 : i32 to vector<16xi32>
      %add3A_795 = arith.addi %mul3A_792, %add3A_794 : vector<16xi32>
      tpu.vector_store_idx %arg13[%add3A_795], %mul3A_789 : memref<512xf32, #tpu.memory_space<vmem>>[vector<16xi32>], vector<16xf32>,
      %broadcast_in_dim3A_796 = arith.constant 129 : i32
      %broadcast_in_dim3A_797 = vector.broadcast %broadcast_in_dim3A_796 : i32 to vector<16xi32>
      tpu.vector_store_idx %arg11[%add3A_749, %broadcast_in_dim3A_797], %mul3A_789 : memref<128x144xf32, #tpu.memory_space<vmem>>[vector<16xi32>, vector<16xi32>], vector<16xf32>,
      %broadcast_in_dim3A_798 = arith.constant 130 : i32
      %broadcast_in_dim3A_799 = vector.broadcast %broadcast_in_dim3A_798 : i32 to vector<16xi32>
      %gather3A_800 = tpu.vector_load_idx %arg11[%add3A_749, %broadcast_in_dim3A_799] : memref<128x144xf32, #tpu.memory_space<vmem>>[vector<16xi32>, vector<16xi32>], vector<16xf32>,
      %broadcast_in_dim3A_801 = arith.constant 2 : i32
      %broadcast_in_dim3A_802 = vector.broadcast %broadcast_in_dim3A_801 : i32 to vector<16xi32>
      %gather3A_803 = tpu.vector_load_idx %arg12[%add3A_749, %broadcast_in_dim3A_802] : memref<128x16xf32, #tpu.memory_space<vmem>>[vector<16xi32>, vector<16xi32>], vector<16xf32>,
      %add3A_804 = arith.addf %gather3A_800, %gather3A_803 : vector<16xf32>
      %ge3A_805 = arith.constant 0.000000e+00 : f32
      %ge3A_806 = vector.broadcast %ge3A_805 : f32 to vector<16xf32>
      %ge3A_807 = arith.cmpf oge, %add3A_804, %ge3A_806 : vector<16xf32>
      %mul3A_808 = arith.constant 2.000000e-01 : f32
      %mul3A_809 = vector.broadcast %mul3A_808 : f32 to vector<16xf32>
      %mul3A_810 = arith.mulf %add3A_804, %mul3A_809 : vector<16xf32>
      %select_n3A_811 = arith.select %ge3A_807, %add3A_804, %mul3A_810 : vector<16xi1>, vector<16xf32>
      %exp3A_812 = math.exp %select_n3A_811 : vector<16xf32>
      %mul3A_813 = arith.mulf %exp3A_812, %get3A_746 : vector<16xf32>
      %mul3A_814 = arith.constant 4 : i32
      %mul3A_815 = vector.broadcast %mul3A_814 : i32 to vector<16xi32>
      %mul3A_816 = arith.muli %add3A_749, %mul3A_815 : vector<16xi32>
      %add3A_817 = arith.constant 2 : i32
      %add3A_818 = vector.broadcast %add3A_817 : i32 to vector<16xi32>
      %add3A_819 = arith.addi %mul3A_816, %add3A_818 : vector<16xi32>
      tpu.vector_store_idx %arg13[%add3A_819], %mul3A_813 : memref<512xf32, #tpu.memory_space<vmem>>[vector<16xi32>], vector<16xf32>,
      %broadcast_in_dim3A_820 = arith.constant 130 : i32
      %broadcast_in_dim3A_821 = vector.broadcast %broadcast_in_dim3A_820 : i32 to vector<16xi32>
      tpu.vector_store_idx %arg11[%add3A_749, %broadcast_in_dim3A_821], %mul3A_813 : memref<128x144xf32, #tpu.memory_space<vmem>>[vector<16xi32>, vector<16xi32>], vector<16xf32>,
      %broadcast_in_dim3A_822 = arith.constant 131 : i32
      %broadcast_in_dim3A_823 = vector.broadcast %broadcast_in_dim3A_822 : i32 to vector<16xi32>
      %gather3A_824 = tpu.vector_load_idx %arg11[%add3A_749, %broadcast_in_dim3A_823] : memref<128x144xf32, #tpu.memory_space<vmem>>[vector<16xi32>, vector<16xi32>], vector<16xf32>,
      %broadcast_in_dim3A_825 = arith.constant 3 : i32
      %broadcast_in_dim3A_826 = vector.broadcast %broadcast_in_dim3A_825 : i32 to vector<16xi32>
      %gather3A_827 = tpu.vector_load_idx %arg12[%add3A_749, %broadcast_in_dim3A_826] : memref<128x16xf32, #tpu.memory_space<vmem>>[vector<16xi32>, vector<16xi32>], vector<16xf32>,
      %add3A_828 = arith.addf %gather3A_824, %gather3A_827 : vector<16xf32>
      %ge3A_829 = arith.constant 0.000000e+00 : f32
      %ge3A_830 = vector.broadcast %ge3A_829 : f32 to vector<16xf32>
      %ge3A_831 = arith.cmpf oge, %add3A_828, %ge3A_830 : vector<16xf32>
      %mul3A_832 = arith.constant 2.000000e-01 : f32
      %mul3A_833 = vector.broadcast %mul3A_832 : f32 to vector<16xf32>
      %mul3A_834 = arith.mulf %add3A_828, %mul3A_833 : vector<16xf32>
      %select_n3A_835 = arith.select %ge3A_831, %add3A_828, %mul3A_834 : vector<16xi1>, vector<16xf32>
      %exp3A_836 = math.exp %select_n3A_835 : vector<16xf32>
      %mul3A_837 = arith.mulf %exp3A_836, %get3A_746 : vector<16xf32>
      %mul3A_838 = arith.constant 4 : i32
      %mul3A_839 = vector.broadcast %mul3A_838 : i32 to vector<16xi32>
      %mul3A_840 = arith.muli %add3A_749, %mul3A_839 : vector<16xi32>
      %add3A_841 = arith.constant 3 : i32
      %add3A_842 = vector.broadcast %add3A_841 : i32 to vector<16xi32>
      %add3A_843 = arith.addi %mul3A_840, %add3A_842 : vector<16xi32>
      tpu.vector_store_idx %arg13[%add3A_843], %mul3A_837 : memref<512xf32, #tpu.memory_space<vmem>>[vector<16xi32>], vector<16xf32>,
      %broadcast_in_dim3A_844 = arith.constant 131 : i32
      %broadcast_in_dim3A_845 = vector.broadcast %broadcast_in_dim3A_844 : i32 to vector<16xi32>
      tpu.vector_store_idx %arg11[%add3A_749, %broadcast_in_dim3A_845], %mul3A_837 : memref<128x144xf32, #tpu.memory_space<vmem>>[vector<16xi32>, vector<16xi32>], vector<16xf32>,
      %scan3A_846 = arith.constant 0 : i32
      %scan3A_847 = arith.constant 0 : i32
      %scan3A_848 = arith.constant 128 : i32
      %scan3A_849 = arith.addi %scan3A_847, %scan3A_848 : i32
      %scan3A_850 = arith.constant 1 : i32
      %scan3A_851 = scf.for %scan3A_854 = %scan3A_847 to %scan3A_849 step %scan3A_850 iter_args(%scan3A_855 = %scan3A_846) -> (i32)  : i32 {
        %mul3A_856 = arith.constant 4 : i32
        %mul3A_857 = arith.muli %scan3A_854, %mul3A_856 : i32
        %add3A_858 = arith.constant 0 : i32
        %add3A_859 = arith.addi %mul3A_857, %add3A_858 : i32
        %broadcast_in_dim3A_860 = vector.broadcast %add3A_859 : i32 to vector<16xi32>
        %gather3A_861 = tpu.vector_load_idx %arg13[%broadcast_in_dim3A_860] : memref<512xf32, #tpu.memory_space<vmem>>[vector<16xi32>], vector<16xf32>,
        %get3A_862 = arith.index_cast %scan3A_854 : i32 to index
        %get3A_863 = arith.constant 0 : index
        %get3A_864 = tpu.vector_load %arg11[%get3A_862, %get3A_863] {strides = array<i32>} : memref<128x144xf32, #tpu.memory_space<vmem>>, vector<16xf32>,
        %mul3A_865 = arith.mulf %get3A_864, %gather3A_861 : vector<16xf32>
        %swap3A = arith.index_cast %scan3A_854 : i32 to index
        %swap3A_866 = arith.constant 0 : index
        %swap3A_867 = tpu.vector_load %arg11[%swap3A, %swap3A_866] {strides = array<i32>} : memref<128x144xf32, #tpu.memory_space<vmem>>, vector<16xf32>,
        tpu.vector_store %arg11[%swap3A, %swap3A_866], %mul3A_865 {strides = array<i32>} : memref<128x144xf32, #tpu.memory_space<vmem>>, vector<16xf32>,
        %get3A_868 = arith.index_cast %scan3A_854 : i32 to index
        %get3A_869 = arith.constant 16 : index
        %get3A_870 = tpu.vector_load %arg11[%get3A_868, %get3A_869] {strides = array<i32>} : memref<128x144xf32, #tpu.memory_space<vmem>>, vector<16xf32>,
        %mul3A_871 = arith.mulf %get3A_870, %gather3A_861 : vector<16xf32>
        %swap3A_872 = arith.index_cast %scan3A_854 : i32 to index
        %swap3A_873 = arith.constant 16 : index
        %swap3A_874 = tpu.vector_load %arg11[%swap3A_872, %swap3A_873] {strides = array<i32>} : memref<128x144xf32, #tpu.memory_space<vmem>>, vector<16xf32>,
        tpu.vector_store %arg11[%swap3A_872, %swap3A_873], %mul3A_871 {strides = array<i32>} : memref<128x144xf32, #tpu.memory_space<vmem>>, vector<16xf32>,
        %mul3A_875 = arith.constant 4 : i32
        %mul3A_876 = arith.muli %scan3A_854, %mul3A_875 : i32
        %add3A_877 = arith.constant 1 : i32
        %add3A_878 = arith.addi %mul3A_876, %add3A_877 : i32
        %broadcast_in_dim3A_879 = vector.broadcast %add3A_878 : i32 to vector<16xi32>
        %gather3A_880 = tpu.vector_load_idx %arg13[%broadcast_in_dim3A_879] : memref<512xf32, #tpu.memory_space<vmem>>[vector<16xi32>], vector<16xf32>,
        %get3A_881 = arith.index_cast %scan3A_854 : i32 to index
        %get3A_882 = arith.constant 32 : index
        %get3A_883 = tpu.vector_load %arg11[%get3A_881, %get3A_882] {strides = array<i32>} : memref<128x144xf32, #tpu.memory_space<vmem>>, vector<16xf32>,
        %mul3A_884 = arith.mulf %get3A_883, %gather3A_880 : vector<16xf32>
        %swap3A_885 = arith.index_cast %scan3A_854 : i32 to index
        %swap3A_886 = arith.constant 32 : index
        %swap3A_887 = tpu.vector_load %arg11[%swap3A_885, %swap3A_886] {strides = array<i32>} : memref<128x144xf32, #tpu.memory_space<vmem>>, vector<16xf32>,
        tpu.vector_store %arg11[%swap3A_885, %swap3A_886], %mul3A_884 {strides = array<i32>} : memref<128x144xf32, #tpu.memory_space<vmem>>, vector<16xf32>,
        %get3A_888 = arith.index_cast %scan3A_854 : i32 to index
        %get3A_889 = arith.constant 48 : index
        %get3A_890 = tpu.vector_load %arg11[%get3A_888, %get3A_889] {strides = array<i32>} : memref<128x144xf32, #tpu.memory_space<vmem>>, vector<16xf32>,
        %mul3A_891 = arith.mulf %get3A_890, %gather3A_880 : vector<16xf32>
        %swap3A_892 = arith.index_cast %scan3A_854 : i32 to index
        %swap3A_893 = arith.constant 48 : index
        %swap3A_894 = tpu.vector_load %arg11[%swap3A_892, %swap3A_893] {strides = array<i32>} : memref<128x144xf32, #tpu.memory_space<vmem>>, vector<16xf32>,
        tpu.vector_store %arg11[%swap3A_892, %swap3A_893], %mul3A_891 {strides = array<i32>} : memref<128x144xf32, #tpu.memory_space<vmem>>, vector<16xf32>,
        %mul3A_895 = arith.constant 4 : i32
        %mul3A_896 = arith.muli %scan3A_854, %mul3A_895 : i32
        %add3A_897 = arith.constant 2 : i32
        %add3A_898 = arith.addi %mul3A_896, %add3A_897 : i32
        %broadcast_in_dim3A_899 = vector.broadcast %add3A_898 : i32 to vector<16xi32>
        %gather3A_900 = tpu.vector_load_idx %arg13[%broadcast_in_dim3A_899] : memref<512xf32, #tpu.memory_space<vmem>>[vector<16xi32>], vector<16xf32>,
        %get3A_901 = arith.index_cast %scan3A_854 : i32 to index
        %get3A_902 = arith.constant 64 : index
        %get3A_903 = tpu.vector_load %arg11[%get3A_901, %get3A_902] {strides = array<i32>} : memref<128x144xf32, #tpu.memory_space<vmem>>, vector<16xf32>,
        %mul3A_904 = arith.mulf %get3A_903, %gather3A_900 : vector<16xf32>
        %swap3A_905 = arith.index_cast %scan3A_854 : i32 to index
        %swap3A_906 = arith.constant 64 : index
        %swap3A_907 = tpu.vector_load %arg11[%swap3A_905, %swap3A_906] {strides = array<i32>} : memref<128x144xf32, #tpu.memory_space<vmem>>, vector<16xf32>,
        tpu.vector_store %arg11[%swap3A_905, %swap3A_906], %mul3A_904 {strides = array<i32>} : memref<128x144xf32, #tpu.memory_space<vmem>>, vector<16xf32>,
        %get3A_908 = arith.index_cast %scan3A_854 : i32 to index
        %get3A_909 = arith.constant 80 : index
        %get3A_910 = tpu.vector_load %arg11[%get3A_908, %get3A_909] {strides = array<i32>} : memref<128x144xf32, #tpu.memory_space<vmem>>, vector<16xf32>,
        %mul3A_911 = arith.mulf %get3A_910, %gather3A_900 : vector<16xf32>
        %swap3A_912 = arith.index_cast %scan3A_854 : i32 to index
        %swap3A_913 = arith.constant 80 : index
        %swap3A_914 = tpu.vector_load %arg11[%swap3A_912, %swap3A_913] {strides = array<i32>} : memref<128x144xf32, #tpu.memory_space<vmem>>, vector<16xf32>,
        tpu.vector_store %arg11[%swap3A_912, %swap3A_913], %mul3A_911 {strides = array<i32>} : memref<128x144xf32, #tpu.memory_space<vmem>>, vector<16xf32>,
        %mul3A_915 = arith.constant 4 : i32
        %mul3A_916 = arith.muli %scan3A_854, %mul3A_915 : i32
        %add3A_917 = arith.constant 3 : i32
        %add3A_918 = arith.addi %mul3A_916, %add3A_917 : i32
        %broadcast_in_dim3A_919 = vector.broadcast %add3A_918 : i32 to vector<16xi32>
        %gather3A_920 = tpu.vector_load_idx %arg13[%broadcast_in_dim3A_919] : memref<512xf32, #tpu.memory_space<vmem>>[vector<16xi32>], vector<16xf32>,
        %get3A_921 = arith.index_cast %scan3A_854 : i32 to index
        %get3A_922 = arith.constant 96 : index
        %get3A_923 = tpu.vector_load %arg11[%get3A_921, %get3A_922] {strides = array<i32>} : memref<128x144xf32, #tpu.memory_space<vmem>>, vector<16xf32>,
        %mul3A_924 = arith.mulf %get3A_923, %gather3A_920 : vector<16xf32>
        %swap3A_925 = arith.index_cast %scan3A_854 : i32 to index
        %swap3A_926 = arith.constant 96 : index
        %swap3A_927 = tpu.vector_load %arg11[%swap3A_925, %swap3A_926] {strides = array<i32>} : memref<128x144xf32, #tpu.memory_space<vmem>>, vector<16xf32>,
        tpu.vector_store %arg11[%swap3A_925, %swap3A_926], %mul3A_924 {strides = array<i32>} : memref<128x144xf32, #tpu.memory_space<vmem>>, vector<16xf32>,
        %get3A_928 = arith.index_cast %scan3A_854 : i32 to index
        %get3A_929 = arith.constant 112 : index
        %get3A_930 = tpu.vector_load %arg11[%get3A_928, %get3A_929] {strides = array<i32>} : memref<128x144xf32, #tpu.memory_space<vmem>>, vector<16xf32>,
        %mul3A_931 = arith.mulf %get3A_930, %gather3A_920 : vector<16xf32>
        %swap3A_932 = arith.index_cast %scan3A_854 : i32 to index
        %swap3A_933 = arith.constant 112 : index
        %swap3A_934 = tpu.vector_load %arg11[%swap3A_932, %swap3A_933] {strides = array<i32>} : memref<128x144xf32, #tpu.memory_space<vmem>>, vector<16xf32>,
        tpu.vector_store %arg11[%swap3A_932, %swap3A_933], %mul3A_931 {strides = array<i32>} : memref<128x144xf32, #tpu.memory_space<vmem>>, vector<16xf32>,
        %scan3A_935 = arith.constant 0 : i32
        scf.yield %scan3A_935 : i32
      }
      %scan3A_852 = arith.constant 128 : i32
      "tpu.region"() ({
        %run_scoped3A = tpu.sem_alloc : memref<!tpu.dma_semaphore, #tpu.memory_space<semaphore_mem>>
        %dma_start3A_854 = arith.constant 0 : i32
        %dma_start3A_855 = arith.constant 0 : i32
        %dma_start3A_856 = tpu.memref_slice %arg14[%dma_start3A_854, %dma_start3A_855] : memref<10240x144xf32, #tpu.memory_space<vmem_shared>> -> memref<10240x144xf32, #tpu.memory_space<vmem_shared>>
        tpu.enqueue_indirect_dma source(%arg11 : memref<128x144xf32, #tpu.memory_space<vmem>>) target(%dma_start3A_856 : memref<10240x144xf32, #tpu.memory_space<vmem_shared>>) offsets(%arg9 : memref<128xi32, #tpu.memory_space<vmem>>) semaphore(%run_scoped3A : memref<!tpu.dma_semaphore, #tpu.memory_space<semaphore_mem>>) {add = true}
        %dma_wait3A_857 = arith.constant 0 : i32
        %dma_wait3A_858 = arith.constant 0 : i32
        %dma_wait3A_859 = tpu.memref_slice %arg14[%dma_wait3A_857, %dma_wait3A_858] : memref<10240x144xf32, #tpu.memory_space<vmem_shared>> -> memref<10240x144xf32, #tpu.memory_space<vmem_shared>>
        tpu.wait_indirect_dma semaphore(%run_scoped3A : memref<!tpu.dma_semaphore, #tpu.memory_space<semaphore_mem>>) src(%arg11 : memref<128x144xf32, #tpu.memory_space<vmem>>) dst(%dma_wait3A_859 : memref<10240x144xf32, #tpu.memory_space<vmem_shared>>)
        tpu.yield
      }) : () -> ()
      %scan3A_853 = arith.constant 0 : i32
      scf.yield %scan3A_853 : i32
    }
    %scan3A_27 = arith.constant 79 : i32
    %barrier3A_28 = arith.constant 0 : index
    tpu.barrier barrier_id(%barrier3A_28)
    "tpu.region"() ({
      %run_scoped3A = tpu.sem_alloc : memref<!tpu.dma_semaphore, #tpu.memory_space<semaphore_mem>>
      %dma_start3A = arith.constant 0 : i32
      %dma_start3A_29 = tpu.memref_slice %arg7[%arg0, %mul3A_8, %dma_start3A] : memref<2x10240x144xf32, #tpu.memory_space<hbm>> -> memref<1x640x144xf32, #tpu.memory_space<hbm>>
      %dma_start3A_30 = tpu.memref_squeeze %dma_start3A_29 : memref<1x640x144xf32, #tpu.memory_space<hbm>> -> memref<640x144xf32, #tpu.memory_space<hbm>>
      %dma_start3A_31 = arith.constant 0 : i32
      %dma_start3A_32 = tpu.memref_slice %arg14[%mul3A_8, %dma_start3A_31] : memref<10240x144xf32, #tpu.memory_space<vmem_shared>> -> memref<640x144xf32, #tpu.memory_space<vmem_shared>>
      tpu.enqueue_dma source(%dma_start3A_32 : memref<640x144xf32, #tpu.memory_space<vmem_shared>>) target(%dma_start3A_30 : memref<640x144xf32, #tpu.memory_space<hbm>>) target_semaphore(%run_scoped3A : memref<!tpu.dma_semaphore, #tpu.memory_space<semaphore_mem>>)
      %dma_wait3A = arith.constant 0 : i32
      %dma_wait3A_33 = tpu.memref_slice %arg7[%arg0, %mul3A_8, %dma_wait3A] : memref<2x10240x144xf32, #tpu.memory_space<hbm>> -> memref<1x640x144xf32, #tpu.memory_space<hbm>>
      %dma_wait3A_34 = tpu.memref_squeeze %dma_wait3A_33 : memref<1x640x144xf32, #tpu.memory_space<hbm>> -> memref<640x144xf32, #tpu.memory_space<hbm>>
      %dma_wait3A_35 = arith.constant 0 : i32
      %dma_wait3A_36 = tpu.memref_slice %arg14[%mul3A_8, %dma_wait3A_35] : memref<10240x144xf32, #tpu.memory_space<vmem_shared>> -> memref<640x144xf32, #tpu.memory_space<vmem_shared>>
      tpu.wait_dma2 semaphore(%run_scoped3A : memref<!tpu.dma_semaphore, #tpu.memory_space<semaphore_mem>>) src(%dma_wait3A_36 : memref<640x144xf32, #tpu.memory_space<vmem_shared>>) dst(%dma_wait3A_34 : memref<640x144xf32, #tpu.memory_space<hbm>>)
      tpu.yield
    }) : () -> ()
    return
  }
}

#map = affine_map<(d0, d1) -> (0, 0)>
#map1 = affine_map<(d0, d1) -> (0)>
#map2 = affine_map<(d0, d1) -> (0, 0, 0)>
module attributes {stable_mosaic.version = 14 : i64} {
  func.func @_sc_body(%arg0: i32, %arg1: i32, %arg2: memref<10240x144xf32, #tpu.memory_space<hbm>>, %arg3: memref<10240x16xf32, #tpu.memory_space<hbm>>, %arg4: memref<323584xi32, #tpu.memory_space<hbm>>, %arg5: memref<323584xi32, #tpu.memory_space<hbm>>, %arg6: memref<323584xf32, #tpu.memory_space<hbm>>, %arg7: memref<2x10240x144xf32, #tpu.memory_space<hbm>>, %arg8: memref<128xi32, #tpu.memory_space<vmem>>, %arg9: memref<128xi32, #tpu.memory_space<vmem>>, %arg10: memref<128xf32, #tpu.memory_space<vmem>>, %arg11: memref<128x144xf32, #tpu.memory_space<vmem>>, %arg12: memref<128x16xf32, #tpu.memory_space<vmem>>, %arg13: memref<512xf32, #tpu.memory_space<vmem>>, %arg14: memref<10240x144xf32, #tpu.memory_space<vmem_shared>>, %arg15: memref<!tpu.dma_semaphore, #tpu.memory_space<semaphore_mem>>, %arg16: memref<!tpu.dma_semaphore, #tpu.memory_space<semaphore_mem>>) attributes {dimension_semantics = [#tpu.dimension_semantics<core_parallel>, #tpu.dimension_semantics<subcore_parallel>], iteration_bounds = array<i64: 2, 16>, scalar_prefetch = 0 : i64, scratch_operands = 9 : i64, tpu.core_type = #tpu.core_type<sc_vector_subcore>, window_params = [{transform_indices = #map}, {transform_indices = #map}, {transform_indices = #map1}, {transform_indices = #map1}, {transform_indices = #map1}, {transform_indices = #map2}]} {
    %mul3A = arith.constant 16 : i32
    %mul3A_0 = arith.muli %arg0, %mul3A : i32
    %add3A = arith.addi %mul3A_0, %arg1 : i32
    %scan3A = arith.constant 0 : i32
    %scan3A_1 = arith.constant 0 : i32
    %scan3A_2 = arith.constant 128 : i32
    %scan3A_3 = arith.addi %scan3A_1, %scan3A_2 : i32
    %scan3A_4 = arith.constant 1 : i32
    %scan3A_5 = scf.for %scan3A_29 = %scan3A_1 to %scan3A_3 step %scan3A_4 iter_args(%scan3A_30 = %scan3A) -> (i32)  : i32 {
      %broadcast_in_dim3A = arith.constant 0.000000e+00 : f32
      %broadcast_in_dim3A_31 = vector.broadcast %broadcast_in_dim3A : f32 to vector<16xf32>
      %swap3A = arith.index_cast %scan3A_29 : i32 to index
      %swap3A_32 = arith.constant 0 : index
      %swap3A_33 = tpu.vector_load %arg11[%swap3A, %swap3A_32] {strides = array<i32>} : memref<128x144xf32, #tpu.memory_space<vmem>>, vector<16xf32>,
      tpu.vector_store %arg11[%swap3A, %swap3A_32], %broadcast_in_dim3A_31 {strides = array<i32>} : memref<128x144xf32, #tpu.memory_space<vmem>>, vector<16xf32>,
      %broadcast_in_dim3A_34 = arith.constant 0.000000e+00 : f32
      %broadcast_in_dim3A_35 = vector.broadcast %broadcast_in_dim3A_34 : f32 to vector<16xf32>
      %swap3A_36 = arith.index_cast %scan3A_29 : i32 to index
      %swap3A_37 = arith.constant 16 : index
      %swap3A_38 = tpu.vector_load %arg11[%swap3A_36, %swap3A_37] {strides = array<i32>} : memref<128x144xf32, #tpu.memory_space<vmem>>, vector<16xf32>,
      tpu.vector_store %arg11[%swap3A_36, %swap3A_37], %broadcast_in_dim3A_35 {strides = array<i32>} : memref<128x144xf32, #tpu.memory_space<vmem>>, vector<16xf32>,
      %broadcast_in_dim3A_39 = arith.constant 0.000000e+00 : f32
      %broadcast_in_dim3A_40 = vector.broadcast %broadcast_in_dim3A_39 : f32 to vector<16xf32>
      %swap3A_41 = arith.index_cast %scan3A_29 : i32 to index
      %swap3A_42 = arith.constant 32 : index
      %swap3A_43 = tpu.vector_load %arg11[%swap3A_41, %swap3A_42] {strides = array<i32>} : memref<128x144xf32, #tpu.memory_space<vmem>>, vector<16xf32>,
      tpu.vector_store %arg11[%swap3A_41, %swap3A_42], %broadcast_in_dim3A_40 {strides = array<i32>} : memref<128x144xf32, #tpu.memory_space<vmem>>, vector<16xf32>,
      %broadcast_in_dim3A_44 = arith.constant 0.000000e+00 : f32
      %broadcast_in_dim3A_45 = vector.broadcast %broadcast_in_dim3A_44 : f32 to vector<16xf32>
      %swap3A_46 = arith.index_cast %scan3A_29 : i32 to index
      %swap3A_47 = arith.constant 48 : index
      %swap3A_48 = tpu.vector_load %arg11[%swap3A_46, %swap3A_47] {strides = array<i32>} : memref<128x144xf32, #tpu.memory_space<vmem>>, vector<16xf32>,
      tpu.vector_store %arg11[%swap3A_46, %swap3A_47], %broadcast_in_dim3A_45 {strides = array<i32>} : memref<128x144xf32, #tpu.memory_space<vmem>>, vector<16xf32>,
      %broadcast_in_dim3A_49 = arith.constant 0.000000e+00 : f32
      %broadcast_in_dim3A_50 = vector.broadcast %broadcast_in_dim3A_49 : f32 to vector<16xf32>
      %swap3A_51 = arith.index_cast %scan3A_29 : i32 to index
      %swap3A_52 = arith.constant 64 : index
      %swap3A_53 = tpu.vector_load %arg11[%swap3A_51, %swap3A_52] {strides = array<i32>} : memref<128x144xf32, #tpu.memory_space<vmem>>, vector<16xf32>,
      tpu.vector_store %arg11[%swap3A_51, %swap3A_52], %broadcast_in_dim3A_50 {strides = array<i32>} : memref<128x144xf32, #tpu.memory_space<vmem>>, vector<16xf32>,
      %broadcast_in_dim3A_54 = arith.constant 0.000000e+00 : f32
      %broadcast_in_dim3A_55 = vector.broadcast %broadcast_in_dim3A_54 : f32 to vector<16xf32>
      %swap3A_56 = arith.index_cast %scan3A_29 : i32 to index
      %swap3A_57 = arith.constant 80 : index
      %swap3A_58 = tpu.vector_load %arg11[%swap3A_56, %swap3A_57] {strides = array<i32>} : memref<128x144xf32, #tpu.memory_space<vmem>>, vector<16xf32>,
      tpu.vector_store %arg11[%swap3A_56, %swap3A_57], %broadcast_in_dim3A_55 {strides = array<i32>} : memref<128x144xf32, #tpu.memory_space<vmem>>, vector<16xf32>,
      %broadcast_in_dim3A_59 = arith.constant 0.000000e+00 : f32
      %broadcast_in_dim3A_60 = vector.broadcast %broadcast_in_dim3A_59 : f32 to vector<16xf32>
      %swap3A_61 = arith.index_cast %scan3A_29 : i32 to index
      %swap3A_62 = arith.constant 96 : index
      %swap3A_63 = tpu.vector_load %arg11[%swap3A_61, %swap3A_62] {strides = array<i32>} : memref<128x144xf32, #tpu.memory_space<vmem>>, vector<16xf32>,
      tpu.vector_store %arg11[%swap3A_61, %swap3A_62], %broadcast_in_dim3A_60 {strides = array<i32>} : memref<128x144xf32, #tpu.memory_space<vmem>>, vector<16xf32>,
      %broadcast_in_dim3A_64 = arith.constant 0.000000e+00 : f32
      %broadcast_in_dim3A_65 = vector.broadcast %broadcast_in_dim3A_64 : f32 to vector<16xf32>
      %swap3A_66 = arith.index_cast %scan3A_29 : i32 to index
      %swap3A_67 = arith.constant 112 : index
      %swap3A_68 = tpu.vector_load %arg11[%swap3A_66, %swap3A_67] {strides = array<i32>} : memref<128x144xf32, #tpu.memory_space<vmem>>, vector<16xf32>,
      tpu.vector_store %arg11[%swap3A_66, %swap3A_67], %broadcast_in_dim3A_65 {strides = array<i32>} : memref<128x144xf32, #tpu.memory_space<vmem>>, vector<16xf32>,
      %broadcast_in_dim3A_69 = arith.constant 0.000000e+00 : f32
      %broadcast_in_dim3A_70 = vector.broadcast %broadcast_in_dim3A_69 : f32 to vector<16xf32>
      %swap3A_71 = arith.index_cast %scan3A_29 : i32 to index
      %swap3A_72 = arith.constant 128 : index
      %swap3A_73 = tpu.vector_load %arg11[%swap3A_71, %swap3A_72] {strides = array<i32>} : memref<128x144xf32, #tpu.memory_space<vmem>>, vector<16xf32>,
      tpu.vector_store %arg11[%swap3A_71, %swap3A_72], %broadcast_in_dim3A_70 {strides = array<i32>} : memref<128x144xf32, #tpu.memory_space<vmem>>, vector<16xf32>,
      %scan3A_74 = arith.constant 0 : i32
      scf.yield %scan3A_74 : i32
    }
    %scan3A_6 = arith.constant 128 : i32
    %mul3A_7 = arith.constant 640 : i32
    %mul3A_8 = arith.muli %arg1, %mul3A_7 : i32
    %add3A_9 = arith.constant 0 : i32
    %add3A_10 = arith.addi %mul3A_8, %add3A_9 : i32
    "tpu.region"() ({
      %run_scoped3A = tpu.sem_alloc : memref<!tpu.dma_semaphore, #tpu.memory_space<semaphore_mem>>
      %dma_start3A = arith.constant 0 : i32
      %dma_start3A_29 = tpu.memref_slice %arg14[%add3A_10, %dma_start3A] : memref<10240x144xf32, #tpu.memory_space<vmem_shared>> -> memref<128x144xf32, #tpu.memory_space<vmem_shared>>
      %dma_start3A_30 = arith.constant 0 : i32
      %dma_start3A_31 = tpu.memref_slice %arg14[%add3A_10, %dma_start3A_30] : memref<10240x144xf32, #tpu.memory_space<vmem_shared>> -> memref<128x144xf32, #tpu.memory_space<vmem_shared>>
      tpu.enqueue_dma source(%arg11 : memref<128x144xf32, #tpu.memory_space<vmem>>) target(%dma_start3A_31 : memref<128x144xf32, #tpu.memory_space<vmem_shared>>) target_semaphore(%run_scoped3A : memref<!tpu.dma_semaphore, #tpu.memory_space<semaphore_mem>>)
      %dma_wait3A = arith.constant 0 : i32
      %dma_wait3A_32 = tpu.memref_slice %arg14[%add3A_10, %dma_wait3A] : memref<10240x144xf32, #tpu.memory_space<vmem_shared>> -> memref<128x144xf32, #tpu.memory_space<vmem_shared>>
      %dma_wait3A_33 = arith.constant 0 : i32
      %dma_wait3A_34 = tpu.memref_slice %arg14[%add3A_10, %dma_wait3A_33] : memref<10240x144xf32, #tpu.memory_space<vmem_shared>> -> memref<128x144xf32, #tpu.memory_space<vmem_shared>>
      tpu.wait_dma2 semaphore(%run_scoped3A : memref<!tpu.dma_semaphore, #tpu.memory_space<semaphore_mem>>) src(%arg11 : memref<128x144xf32, #tpu.memory_space<vmem>>) dst(%dma_wait3A_34 : memref<128x144xf32, #tpu.memory_space<vmem_shared>>)
      tpu.yield
    }) : () -> ()
    %add3A_11 = arith.constant 128 : i32
    %add3A_12 = arith.addi %mul3A_8, %add3A_11 : i32
    "tpu.region"() ({
      %run_scoped3A = tpu.sem_alloc : memref<!tpu.dma_semaphore, #tpu.memory_space<semaphore_mem>>
      %dma_start3A = arith.constant 0 : i32
      %dma_start3A_29 = tpu.memref_slice %arg14[%add3A_12, %dma_start3A] : memref<10240x144xf32, #tpu.memory_space<vmem_shared>> -> memref<128x144xf32, #tpu.memory_space<vmem_shared>>
      %dma_start3A_30 = arith.constant 0 : i32
      %dma_start3A_31 = tpu.memref_slice %arg14[%add3A_12, %dma_start3A_30] : memref<10240x144xf32, #tpu.memory_space<vmem_shared>> -> memref<128x144xf32, #tpu.memory_space<vmem_shared>>
      tpu.enqueue_dma source(%arg11 : memref<128x144xf32, #tpu.memory_space<vmem>>) target(%dma_start3A_31 : memref<128x144xf32, #tpu.memory_space<vmem_shared>>) target_semaphore(%run_scoped3A : memref<!tpu.dma_semaphore, #tpu.memory_space<semaphore_mem>>)
      %dma_wait3A = arith.constant 0 : i32
      %dma_wait3A_32 = tpu.memref_slice %arg14[%add3A_12, %dma_wait3A] : memref<10240x144xf32, #tpu.memory_space<vmem_shared>> -> memref<128x144xf32, #tpu.memory_space<vmem_shared>>
      %dma_wait3A_33 = arith.constant 0 : i32
      %dma_wait3A_34 = tpu.memref_slice %arg14[%add3A_12, %dma_wait3A_33] : memref<10240x144xf32, #tpu.memory_space<vmem_shared>> -> memref<128x144xf32, #tpu.memory_space<vmem_shared>>
      tpu.wait_dma2 semaphore(%run_scoped3A : memref<!tpu.dma_semaphore, #tpu.memory_space<semaphore_mem>>) src(%arg11 : memref<128x144xf32, #tpu.memory_space<vmem>>) dst(%dma_wait3A_34 : memref<128x144xf32, #tpu.memory_space<vmem_shared>>)
      tpu.yield
    }) : () -> ()
    %add3A_13 = arith.constant 256 : i32
    %add3A_14 = arith.addi %mul3A_8, %add3A_13 : i32
    "tpu.region"() ({
      %run_scoped3A = tpu.sem_alloc : memref<!tpu.dma_semaphore, #tpu.memory_space<semaphore_mem>>
      %dma_start3A = arith.constant 0 : i32
      %dma_start3A_29 = tpu.memref_slice %arg14[%add3A_14, %dma_start3A] : memref<10240x144xf32, #tpu.memory_space<vmem_shared>> -> memref<128x144xf32, #tpu.memory_space<vmem_shared>>
      %dma_start3A_30 = arith.constant 0 : i32
      %dma_start3A_31 = tpu.memref_slice %arg14[%add3A_14, %dma_start3A_30] : memref<10240x144xf32, #tpu.memory_space<vmem_shared>> -> memref<128x144xf32, #tpu.memory_space<vmem_shared>>
      tpu.enqueue_dma source(%arg11 : memref<128x144xf32, #tpu.memory_space<vmem>>) target(%dma_start3A_31 : memref<128x144xf32, #tpu.memory_space<vmem_shared>>) target_semaphore(%run_scoped3A : memref<!tpu.dma_semaphore, #tpu.memory_space<semaphore_mem>>)
      %dma_wait3A = arith.constant 0 : i32
      %dma_wait3A_32 = tpu.memref_slice %arg14[%add3A_14, %dma_wait3A] : memref<10240x144xf32, #tpu.memory_space<vmem_shared>> -> memref<128x144xf32, #tpu.memory_space<vmem_shared>>
      %dma_wait3A_33 = arith.constant 0 : i32
      %dma_wait3A_34 = tpu.memref_slice %arg14[%add3A_14, %dma_wait3A_33] : memref<10240x144xf32, #tpu.memory_space<vmem_shared>> -> memref<128x144xf32, #tpu.memory_space<vmem_shared>>
      tpu.wait_dma2 semaphore(%run_scoped3A : memref<!tpu.dma_semaphore, #tpu.memory_space<semaphore_mem>>) src(%arg11 : memref<128x144xf32, #tpu.memory_space<vmem>>) dst(%dma_wait3A_34 : memref<128x144xf32, #tpu.memory_space<vmem_shared>>)
      tpu.yield
    }) : () -> ()
    %add3A_15 = arith.constant 384 : i32
    %add3A_16 = arith.addi %mul3A_8, %add3A_15 : i32
    "tpu.region"() ({
      %run_scoped3A = tpu.sem_alloc : memref<!tpu.dma_semaphore, #tpu.memory_space<semaphore_mem>>
      %dma_start3A = arith.constant 0 : i32
      %dma_start3A_29 = tpu.memref_slice %arg14[%add3A_16, %dma_start3A] : memref<10240x144xf32, #tpu.memory_space<vmem_shared>> -> memref<128x144xf32, #tpu.memory_space<vmem_shared>>
      %dma_start3A_30 = arith.constant 0 : i32
      %dma_start3A_31 = tpu.memref_slice %arg14[%add3A_16, %dma_start3A_30] : memref<10240x144xf32, #tpu.memory_space<vmem_shared>> -> memref<128x144xf32, #tpu.memory_space<vmem_shared>>
      tpu.enqueue_dma source(%arg11 : memref<128x144xf32, #tpu.memory_space<vmem>>) target(%dma_start3A_31 : memref<128x144xf32, #tpu.memory_space<vmem_shared>>) target_semaphore(%run_scoped3A : memref<!tpu.dma_semaphore, #tpu.memory_space<semaphore_mem>>)
      %dma_wait3A = arith.constant 0 : i32
      %dma_wait3A_32 = tpu.memref_slice %arg14[%add3A_16, %dma_wait3A] : memref<10240x144xf32, #tpu.memory_space<vmem_shared>> -> memref<128x144xf32, #tpu.memory_space<vmem_shared>>
      %dma_wait3A_33 = arith.constant 0 : i32
      %dma_wait3A_34 = tpu.memref_slice %arg14[%add3A_16, %dma_wait3A_33] : memref<10240x144xf32, #tpu.memory_space<vmem_shared>> -> memref<128x144xf32, #tpu.memory_space<vmem_shared>>
      tpu.wait_dma2 semaphore(%run_scoped3A : memref<!tpu.dma_semaphore, #tpu.memory_space<semaphore_mem>>) src(%arg11 : memref<128x144xf32, #tpu.memory_space<vmem>>) dst(%dma_wait3A_34 : memref<128x144xf32, #tpu.memory_space<vmem_shared>>)
      tpu.yield
    }) : () -> ()
    %add3A_17 = arith.constant 512 : i32
    %add3A_18 = arith.addi %mul3A_8, %add3A_17 : i32
    "tpu.region"() ({
      %run_scoped3A = tpu.sem_alloc : memref<!tpu.dma_semaphore, #tpu.memory_space<semaphore_mem>>
      %dma_start3A = arith.constant 0 : i32
      %dma_start3A_29 = tpu.memref_slice %arg14[%add3A_18, %dma_start3A] : memref<10240x144xf32, #tpu.memory_space<vmem_shared>> -> memref<128x144xf32, #tpu.memory_space<vmem_shared>>
      %dma_start3A_30 = arith.constant 0 : i32
      %dma_start3A_31 = tpu.memref_slice %arg14[%add3A_18, %dma_start3A_30] : memref<10240x144xf32, #tpu.memory_space<vmem_shared>> -> memref<128x144xf32, #tpu.memory_space<vmem_shared>>
      tpu.enqueue_dma source(%arg11 : memref<128x144xf32, #tpu.memory_space<vmem>>) target(%dma_start3A_31 : memref<128x144xf32, #tpu.memory_space<vmem_shared>>) target_semaphore(%run_scoped3A : memref<!tpu.dma_semaphore, #tpu.memory_space<semaphore_mem>>)
      %dma_wait3A = arith.constant 0 : i32
      %dma_wait3A_32 = tpu.memref_slice %arg14[%add3A_18, %dma_wait3A] : memref<10240x144xf32, #tpu.memory_space<vmem_shared>> -> memref<128x144xf32, #tpu.memory_space<vmem_shared>>
      %dma_wait3A_33 = arith.constant 0 : i32
      %dma_wait3A_34 = tpu.memref_slice %arg14[%add3A_18, %dma_wait3A_33] : memref<10240x144xf32, #tpu.memory_space<vmem_shared>> -> memref<128x144xf32, #tpu.memory_space<vmem_shared>>
      tpu.wait_dma2 semaphore(%run_scoped3A : memref<!tpu.dma_semaphore, #tpu.memory_space<semaphore_mem>>) src(%arg11 : memref<128x144xf32, #tpu.memory_space<vmem>>) dst(%dma_wait3A_34 : memref<128x144xf32, #tpu.memory_space<vmem_shared>>)
      tpu.yield
    }) : () -> ()
    %barrier3A = arith.constant 0 : index
    tpu.barrier barrier_id(%barrier3A)
    %mul3A_19 = arith.constant 10112 : i32
    %mul3A_20 = arith.muli %add3A, %mul3A_19 : i32
    %iota3A = tpu.iota {dimensions = array<i32: 0>} : vector<16xi32>
    %scan3A_21 = arith.constant 0 : i32
    %scan3A_22 = arith.constant 0 : i32
    %scan3A_23 = arith.constant 79 : i32
    %scan3A_24 = arith.addi %scan3A_22, %scan3A_23 : i32
    %scan3A_25 = arith.constant 1 : i32
    %scan3A_26 = scf.for %scan3A_29 = %scan3A_22 to %scan3A_24 step %scan3A_25 iter_args(%scan3A_30 = %scan3A_21) -> (i32)  : i32 {
      %mul3A_31 = arith.constant 128 : i32
      %mul3A_32 = arith.muli %scan3A_29, %mul3A_31 : i32
      %add3A_33 = arith.addi %mul3A_20, %mul3A_32 : i32
      "tpu.region"() ({
        %run_scoped3A = tpu.sem_alloc : memref<!tpu.dma_semaphore, #tpu.memory_space<semaphore_mem>>
        %dma_start3A_854 = tpu.memref_slice %arg4[%add3A_33] : memref<323584xi32, #tpu.memory_space<hbm>> -> memref<128xi32, #tpu.memory_space<hbm>>
        %dma_start3A_855 = tpu.memref_slice %arg4[%add3A_33] : memref<323584xi32, #tpu.memory_space<hbm>> -> memref<128xi32, #tpu.memory_space<hbm>>
        tpu.enqueue_dma source(%dma_start3A_855 : memref<128xi32, #tpu.memory_space<hbm>>) target(%arg8 : memref<128xi32, #tpu.memory_space<vmem>>) target_semaphore(%run_scoped3A : memref<!tpu.dma_semaphore, #tpu.memory_space<semaphore_mem>>)
        %dma_wait3A_856 = tpu.memref_slice %arg4[%add3A_33] : memref<323584xi32, #tpu.memory_space<hbm>> -> memref<128xi32, #tpu.memory_space<hbm>>
        %dma_wait3A_857 = tpu.memref_slice %arg4[%add3A_33] : memref<323584xi32, #tpu.memory_space<hbm>> -> memref<128xi32, #tpu.memory_space<hbm>>
        tpu.wait_dma2 semaphore(%run_scoped3A : memref<!tpu.dma_semaphore, #tpu.memory_space<semaphore_mem>>) src(%dma_wait3A_857 : memref<128xi32, #tpu.memory_space<hbm>>) dst(%arg8 : memref<128xi32, #tpu.memory_space<vmem>>)
        tpu.yield
      }) : () -> ()
      "tpu.region"() ({
        %run_scoped3A = tpu.sem_alloc : memref<!tpu.dma_semaphore, #tpu.memory_space<semaphore_mem>>
        %dma_start3A_854 = tpu.memref_slice %arg5[%add3A_33] : memref<323584xi32, #tpu.memory_space<hbm>> -> memref<128xi32, #tpu.memory_space<hbm>>
        %dma_start3A_855 = tpu.memref_slice %arg5[%add3A_33] : memref<323584xi32, #tpu.memory_space<hbm>> -> memref<128xi32, #tpu.memory_space<hbm>>
        tpu.enqueue_dma source(%dma_start3A_855 : memref<128xi32, #tpu.memory_space<hbm>>) target(%arg9 : memref<128xi32, #tpu.memory_space<vmem>>) target_semaphore(%run_scoped3A : memref<!tpu.dma_semaphore, #tpu.memory_space<semaphore_mem>>)
        %dma_wait3A_856 = tpu.memref_slice %arg5[%add3A_33] : memref<323584xi32, #tpu.memory_space<hbm>> -> memref<128xi32, #tpu.memory_space<hbm>>
        %dma_wait3A_857 = tpu.memref_slice %arg5[%add3A_33] : memref<323584xi32, #tpu.memory_space<hbm>> -> memref<128xi32, #tpu.memory_space<hbm>>
        tpu.wait_dma2 semaphore(%run_scoped3A : memref<!tpu.dma_semaphore, #tpu.memory_space<semaphore_mem>>) src(%dma_wait3A_857 : memref<128xi32, #tpu.memory_space<hbm>>) dst(%arg9 : memref<128xi32, #tpu.memory_space<vmem>>)
        tpu.yield
      }) : () -> ()
      "tpu.region"() ({
        %run_scoped3A = tpu.sem_alloc : memref<!tpu.dma_semaphore, #tpu.memory_space<semaphore_mem>>
        %dma_start3A_854 = tpu.memref_slice %arg6[%add3A_33] : memref<323584xf32, #tpu.memory_space<hbm>> -> memref<128xf32, #tpu.memory_space<hbm>>
        %dma_start3A_855 = tpu.memref_slice %arg6[%add3A_33] : memref<323584xf32, #tpu.memory_space<hbm>> -> memref<128xf32, #tpu.memory_space<hbm>>
        tpu.enqueue_dma source(%dma_start3A_855 : memref<128xf32, #tpu.memory_space<hbm>>) target(%arg10 : memref<128xf32, #tpu.memory_space<vmem>>) target_semaphore(%run_scoped3A : memref<!tpu.dma_semaphore, #tpu.memory_space<semaphore_mem>>)
        %dma_wait3A_856 = tpu.memref_slice %arg6[%add3A_33] : memref<323584xf32, #tpu.memory_space<hbm>> -> memref<128xf32, #tpu.memory_space<hbm>>
        %dma_wait3A_857 = tpu.memref_slice %arg6[%add3A_33] : memref<323584xf32, #tpu.memory_space<hbm>> -> memref<128xf32, #tpu.memory_space<hbm>>
        tpu.wait_dma2 semaphore(%run_scoped3A : memref<!tpu.dma_semaphore, #tpu.memory_space<semaphore_mem>>) src(%dma_wait3A_857 : memref<128xf32, #tpu.memory_space<hbm>>) dst(%arg10 : memref<128xf32, #tpu.memory_space<vmem>>)
        tpu.yield
      }) : () -> ()
      %dma_start3A = arith.constant 0 : i32
      %dma_start3A_34 = arith.constant 0 : i32
      %dma_start3A_35 = tpu.memref_slice %arg2[%dma_start3A, %dma_start3A_34] : memref<10240x144xf32, #tpu.memory_space<hbm>> -> memref<10240x144xf32, #tpu.memory_space<hbm>>
      tpu.enqueue_indirect_dma source(%dma_start3A_35 : memref<10240x144xf32, #tpu.memory_space<hbm>>) target(%arg11 : memref<128x144xf32, #tpu.memory_space<vmem>>) offsets(%arg8 : memref<128xi32, #tpu.memory_space<vmem>>) semaphore(%arg15 : memref<!tpu.dma_semaphore, #tpu.memory_space<semaphore_mem>>)
      %dma_start3A_36 = arith.constant 0 : i32
      %dma_start3A_37 = arith.constant 0 : i32
      %dma_start3A_38 = tpu.memref_slice %arg3[%dma_start3A_36, %dma_start3A_37] : memref<10240x16xf32, #tpu.memory_space<hbm>> -> memref<10240x16xf32, #tpu.memory_space<hbm>>
      tpu.enqueue_indirect_dma source(%dma_start3A_38 : memref<10240x16xf32, #tpu.memory_space<hbm>>) target(%arg12 : memref<128x16xf32, #tpu.memory_space<vmem>>) offsets(%arg9 : memref<128xi32, #tpu.memory_space<vmem>>) semaphore(%arg16 : memref<!tpu.dma_semaphore, #tpu.memory_space<semaphore_mem>>)
      %dma_wait3A = arith.constant 0 : i32
      %dma_wait3A_39 = arith.constant 0 : i32
      %dma_wait3A_40 = tpu.memref_slice %arg2[%dma_wait3A, %dma_wait3A_39] : memref<10240x144xf32, #tpu.memory_space<hbm>> -> memref<10240x144xf32, #tpu.memory_space<hbm>>
      tpu.wait_indirect_dma semaphore(%arg15 : memref<!tpu.dma_semaphore, #tpu.memory_space<semaphore_mem>>) src(%dma_wait3A_40 : memref<10240x144xf32, #tpu.memory_space<hbm>>) dst(%arg11 : memref<128x144xf32, #tpu.memory_space<vmem>>)
      %dma_wait3A_41 = arith.constant 0 : i32
      %dma_wait3A_42 = arith.constant 0 : i32
      %dma_wait3A_43 = tpu.memref_slice %arg3[%dma_wait3A_41, %dma_wait3A_42] : memref<10240x16xf32, #tpu.memory_space<hbm>> -> memref<10240x16xf32, #tpu.memory_space<hbm>>
      tpu.wait_indirect_dma semaphore(%arg16 : memref<!tpu.dma_semaphore, #tpu.memory_space<semaphore_mem>>) src(%dma_wait3A_43 : memref<10240x16xf32, #tpu.memory_space<hbm>>) dst(%arg12 : memref<128x16xf32, #tpu.memory_space<vmem>>)
      %get3A = arith.constant 0 : index
      %get3A_44 = tpu.vector_load %arg10[%get3A] {strides = array<i32>} : memref<128xf32, #tpu.memory_space<vmem>>, vector<16xf32>,
      %add3A_45 = arith.constant 0 : i32
      %add3A_46 = vector.broadcast %add3A_45 : i32 to vector<16xi32>
      %add3A_47 = arith.addi %iota3A, %add3A_46 : vector<16xi32>
      %broadcast_in_dim3A = arith.constant 128 : i32
      %broadcast_in_dim3A_48 = vector.broadcast %broadcast_in_dim3A : i32 to vector<16xi32>
      %gather3A = tpu.vector_load_idx %arg11[%add3A_47, %broadcast_in_dim3A_48] : memref<128x144xf32, #tpu.memory_space<vmem>>[vector<16xi32>, vector<16xi32>], vector<16xf32>,
      %broadcast_in_dim3A_49 = arith.constant 0 : i32
      %broadcast_in_dim3A_50 = vector.broadcast %broadcast_in_dim3A_49 : i32 to vector<16xi32>
      %gather3A_51 = tpu.vector_load_idx %arg12[%add3A_47, %broadcast_in_dim3A_50] : memref<128x16xf32, #tpu.memory_space<vmem>>[vector<16xi32>, vector<16xi32>], vector<16xf32>,
      %add3A_52 = arith.addf %gather3A, %gather3A_51 : vector<16xf32>
      %ge3A = arith.constant 0.000000e+00 : f32
      %ge3A_53 = vector.broadcast %ge3A : f32 to vector<16xf32>
      %ge3A_54 = arith.cmpf oge, %add3A_52, %ge3A_53 : vector<16xf32>
      %mul3A_55 = arith.constant 2.000000e-01 : f32
      %mul3A_56 = vector.broadcast %mul3A_55 : f32 to vector<16xf32>
      %mul3A_57 = arith.mulf %add3A_52, %mul3A_56 : vector<16xf32>
      %select_n3A = arith.select %ge3A_54, %add3A_52, %mul3A_57 : vector<16xi1>, vector<16xf32>
      %exp3A = math.exp %select_n3A : vector<16xf32>
      %mul3A_58 = arith.mulf %exp3A, %get3A_44 : vector<16xf32>
      %mul3A_59 = arith.constant 4 : i32
      %mul3A_60 = vector.broadcast %mul3A_59 : i32 to vector<16xi32>
      %mul3A_61 = arith.muli %add3A_47, %mul3A_60 : vector<16xi32>
      %add3A_62 = arith.constant 0 : i32
      %add3A_63 = vector.broadcast %add3A_62 : i32 to vector<16xi32>
      %add3A_64 = arith.addi %mul3A_61, %add3A_63 : vector<16xi32>
      tpu.vector_store_idx %arg13[%add3A_64], %mul3A_58 : memref<512xf32, #tpu.memory_space<vmem>>[vector<16xi32>], vector<16xf32>,
      %broadcast_in_dim3A_65 = arith.constant 128 : i32
      %broadcast_in_dim3A_66 = vector.broadcast %broadcast_in_dim3A_65 : i32 to vector<16xi32>
      tpu.vector_store_idx %arg11[%add3A_47, %broadcast_in_dim3A_66], %mul3A_58 : memref<128x144xf32, #tpu.memory_space<vmem>>[vector<16xi32>, vector<16xi32>], vector<16xf32>,
      %broadcast_in_dim3A_67 = arith.constant 129 : i32
      %broadcast_in_dim3A_68 = vector.broadcast %broadcast_in_dim3A_67 : i32 to vector<16xi32>
      %gather3A_69 = tpu.vector_load_idx %arg11[%add3A_47, %broadcast_in_dim3A_68] : memref<128x144xf32, #tpu.memory_space<vmem>>[vector<16xi32>, vector<16xi32>], vector<16xf32>,
      %broadcast_in_dim3A_70 = arith.constant 1 : i32
      %broadcast_in_dim3A_71 = vector.broadcast %broadcast_in_dim3A_70 : i32 to vector<16xi32>
      %gather3A_72 = tpu.vector_load_idx %arg12[%add3A_47, %broadcast_in_dim3A_71] : memref<128x16xf32, #tpu.memory_space<vmem>>[vector<16xi32>, vector<16xi32>], vector<16xf32>,
      %add3A_73 = arith.addf %gather3A_69, %gather3A_72 : vector<16xf32>
      %ge3A_74 = arith.constant 0.000000e+00 : f32
      %ge3A_75 = vector.broadcast %ge3A_74 : f32 to vector<16xf32>
      %ge3A_76 = arith.cmpf oge, %add3A_73, %ge3A_75 : vector<16xf32>
      %mul3A_77 = arith.constant 2.000000e-01 : f32
      %mul3A_78 = vector.broadcast %mul3A_77 : f32 to vector<16xf32>
      %mul3A_79 = arith.mulf %add3A_73, %mul3A_78 : vector<16xf32>
      %select_n3A_80 = arith.select %ge3A_76, %add3A_73, %mul3A_79 : vector<16xi1>, vector<16xf32>
      %exp3A_81 = math.exp %select_n3A_80 : vector<16xf32>
      %mul3A_82 = arith.mulf %exp3A_81, %get3A_44 : vector<16xf32>
      %mul3A_83 = arith.constant 4 : i32
      %mul3A_84 = vector.broadcast %mul3A_83 : i32 to vector<16xi32>
      %mul3A_85 = arith.muli %add3A_47, %mul3A_84 : vector<16xi32>
      %add3A_86 = arith.constant 1 : i32
      %add3A_87 = vector.broadcast %add3A_86 : i32 to vector<16xi32>
      %add3A_88 = arith.addi %mul3A_85, %add3A_87 : vector<16xi32>
      tpu.vector_store_idx %arg13[%add3A_88], %mul3A_82 : memref<512xf32, #tpu.memory_space<vmem>>[vector<16xi32>], vector<16xf32>,
      %broadcast_in_dim3A_89 = arith.constant 129 : i32
      %broadcast_in_dim3A_90 = vector.broadcast %broadcast_in_dim3A_89 : i32 to vector<16xi32>
      tpu.vector_store_idx %arg11[%add3A_47, %broadcast_in_dim3A_90], %mul3A_82 : memref<128x144xf32, #tpu.memory_space<vmem>>[vector<16xi32>, vector<16xi32>], vector<16xf32>,
      %broadcast_in_dim3A_91 = arith.constant 130 : i32
      %broadcast_in_dim3A_92 = vector.broadcast %broadcast_in_dim3A_91 : i32 to vector<16xi32>
      %gather3A_93 = tpu.vector_load_idx %arg11[%add3A_47, %broadcast_in_dim3A_92] : memref<128x144xf32, #tpu.memory_space<vmem>>[vector<16xi32>, vector<16xi32>], vector<16xf32>,
      %broadcast_in_dim3A_94 = arith.constant 2 : i32
      %broadcast_in_dim3A_95 = vector.broadcast %broadcast_in_dim3A_94 : i32 to vector<16xi32>
      %gather3A_96 = tpu.vector_load_idx %arg12[%add3A_47, %broadcast_in_dim3A_95] : memref<128x16xf32, #tpu.memory_space<vmem>>[vector<16xi32>, vector<16xi32>], vector<16xf32>,
      %add3A_97 = arith.addf %gather3A_93, %gather3A_96 : vector<16xf32>
      %ge3A_98 = arith.constant 0.000000e+00 : f32
      %ge3A_99 = vector.broadcast %ge3A_98 : f32 to vector<16xf32>
      %ge3A_100 = arith.cmpf oge, %add3A_97, %ge3A_99 : vector<16xf32>
      %mul3A_101 = arith.constant 2.000000e-01 : f32
      %mul3A_102 = vector.broadcast %mul3A_101 : f32 to vector<16xf32>
      %mul3A_103 = arith.mulf %add3A_97, %mul3A_102 : vector<16xf32>
      %select_n3A_104 = arith.select %ge3A_100, %add3A_97, %mul3A_103 : vector<16xi1>, vector<16xf32>
      %exp3A_105 = math.exp %select_n3A_104 : vector<16xf32>
      %mul3A_106 = arith.mulf %exp3A_105, %get3A_44 : vector<16xf32>
      %mul3A_107 = arith.constant 4 : i32
      %mul3A_108 = vector.broadcast %mul3A_107 : i32 to vector<16xi32>
      %mul3A_109 = arith.muli %add3A_47, %mul3A_108 : vector<16xi32>
      %add3A_110 = arith.constant 2 : i32
      %add3A_111 = vector.broadcast %add3A_110 : i32 to vector<16xi32>
      %add3A_112 = arith.addi %mul3A_109, %add3A_111 : vector<16xi32>
      tpu.vector_store_idx %arg13[%add3A_112], %mul3A_106 : memref<512xf32, #tpu.memory_space<vmem>>[vector<16xi32>], vector<16xf32>,
      %broadcast_in_dim3A_113 = arith.constant 130 : i32
      %broadcast_in_dim3A_114 = vector.broadcast %broadcast_in_dim3A_113 : i32 to vector<16xi32>
      tpu.vector_store_idx %arg11[%add3A_47, %broadcast_in_dim3A_114], %mul3A_106 : memref<128x144xf32, #tpu.memory_space<vmem>>[vector<16xi32>, vector<16xi32>], vector<16xf32>,
      %broadcast_in_dim3A_115 = arith.constant 131 : i32
      %broadcast_in_dim3A_116 = vector.broadcast %broadcast_in_dim3A_115 : i32 to vector<16xi32>
      %gather3A_117 = tpu.vector_load_idx %arg11[%add3A_47, %broadcast_in_dim3A_116] : memref<128x144xf32, #tpu.memory_space<vmem>>[vector<16xi32>, vector<16xi32>], vector<16xf32>,
      %broadcast_in_dim3A_118 = arith.constant 3 : i32
      %broadcast_in_dim3A_119 = vector.broadcast %broadcast_in_dim3A_118 : i32 to vector<16xi32>
      %gather3A_120 = tpu.vector_load_idx %arg12[%add3A_47, %broadcast_in_dim3A_119] : memref<128x16xf32, #tpu.memory_space<vmem>>[vector<16xi32>, vector<16xi32>], vector<16xf32>,
      %add3A_121 = arith.addf %gather3A_117, %gather3A_120 : vector<16xf32>
      %ge3A_122 = arith.constant 0.000000e+00 : f32
      %ge3A_123 = vector.broadcast %ge3A_122 : f32 to vector<16xf32>
      %ge3A_124 = arith.cmpf oge, %add3A_121, %ge3A_123 : vector<16xf32>
      %mul3A_125 = arith.constant 2.000000e-01 : f32
      %mul3A_126 = vector.broadcast %mul3A_125 : f32 to vector<16xf32>
      %mul3A_127 = arith.mulf %add3A_121, %mul3A_126 : vector<16xf32>
      %select_n3A_128 = arith.select %ge3A_124, %add3A_121, %mul3A_127 : vector<16xi1>, vector<16xf32>
      %exp3A_129 = math.exp %select_n3A_128 : vector<16xf32>
      %mul3A_130 = arith.mulf %exp3A_129, %get3A_44 : vector<16xf32>
      %mul3A_131 = arith.constant 4 : i32
      %mul3A_132 = vector.broadcast %mul3A_131 : i32 to vector<16xi32>
      %mul3A_133 = arith.muli %add3A_47, %mul3A_132 : vector<16xi32>
      %add3A_134 = arith.constant 3 : i32
      %add3A_135 = vector.broadcast %add3A_134 : i32 to vector<16xi32>
      %add3A_136 = arith.addi %mul3A_133, %add3A_135 : vector<16xi32>
      tpu.vector_store_idx %arg13[%add3A_136], %mul3A_130 : memref<512xf32, #tpu.memory_space<vmem>>[vector<16xi32>], vector<16xf32>,
      %broadcast_in_dim3A_137 = arith.constant 131 : i32
      %broadcast_in_dim3A_138 = vector.broadcast %broadcast_in_dim3A_137 : i32 to vector<16xi32>
      tpu.vector_store_idx %arg11[%add3A_47, %broadcast_in_dim3A_138], %mul3A_130 : memref<128x144xf32, #tpu.memory_space<vmem>>[vector<16xi32>, vector<16xi32>], vector<16xf32>,
      %get3A_139 = arith.constant 16 : index
      %get3A_140 = tpu.vector_load %arg10[%get3A_139] {strides = array<i32>} : memref<128xf32, #tpu.memory_space<vmem>>, vector<16xf32>,
      %add3A_141 = arith.constant 16 : i32
      %add3A_142 = vector.broadcast %add3A_141 : i32 to vector<16xi32>
      %add3A_143 = arith.addi %iota3A, %add3A_142 : vector<16xi32>
      %broadcast_in_dim3A_144 = arith.constant 128 : i32
      %broadcast_in_dim3A_145 = vector.broadcast %broadcast_in_dim3A_144 : i32 to vector<16xi32>
      %gather3A_146 = tpu.vector_load_idx %arg11[%add3A_143, %broadcast_in_dim3A_145] : memref<128x144xf32, #tpu.memory_space<vmem>>[vector<16xi32>, vector<16xi32>], vector<16xf32>,
      %broadcast_in_dim3A_147 = arith.constant 0 : i32
      %broadcast_in_dim3A_148 = vector.broadcast %broadcast_in_dim3A_147 : i32 to vector<16xi32>
      %gather3A_149 = tpu.vector_load_idx %arg12[%add3A_143, %broadcast_in_dim3A_148] : memref<128x16xf32, #tpu.memory_space<vmem>>[vector<16xi32>, vector<16xi32>], vector<16xf32>,
      %add3A_150 = arith.addf %gather3A_146, %gather3A_149 : vector<16xf32>
      %ge3A_151 = arith.constant 0.000000e+00 : f32
      %ge3A_152 = vector.broadcast %ge3A_151 : f32 to vector<16xf32>
      %ge3A_153 = arith.cmpf oge, %add3A_150, %ge3A_152 : vector<16xf32>
      %mul3A_154 = arith.constant 2.000000e-01 : f32
      %mul3A_155 = vector.broadcast %mul3A_154 : f32 to vector<16xf32>
      %mul3A_156 = arith.mulf %add3A_150, %mul3A_155 : vector<16xf32>
      %select_n3A_157 = arith.select %ge3A_153, %add3A_150, %mul3A_156 : vector<16xi1>, vector<16xf32>
      %exp3A_158 = math.exp %select_n3A_157 : vector<16xf32>
      %mul3A_159 = arith.mulf %exp3A_158, %get3A_140 : vector<16xf32>
      %mul3A_160 = arith.constant 4 : i32
      %mul3A_161 = vector.broadcast %mul3A_160 : i32 to vector<16xi32>
      %mul3A_162 = arith.muli %add3A_143, %mul3A_161 : vector<16xi32>
      %add3A_163 = arith.constant 0 : i32
      %add3A_164 = vector.broadcast %add3A_163 : i32 to vector<16xi32>
      %add3A_165 = arith.addi %mul3A_162, %add3A_164 : vector<16xi32>
      tpu.vector_store_idx %arg13[%add3A_165], %mul3A_159 : memref<512xf32, #tpu.memory_space<vmem>>[vector<16xi32>], vector<16xf32>,
      %broadcast_in_dim3A_166 = arith.constant 128 : i32
      %broadcast_in_dim3A_167 = vector.broadcast %broadcast_in_dim3A_166 : i32 to vector<16xi32>
      tpu.vector_store_idx %arg11[%add3A_143, %broadcast_in_dim3A_167], %mul3A_159 : memref<128x144xf32, #tpu.memory_space<vmem>>[vector<16xi32>, vector<16xi32>], vector<16xf32>,
      %broadcast_in_dim3A_168 = arith.constant 129 : i32
      %broadcast_in_dim3A_169 = vector.broadcast %broadcast_in_dim3A_168 : i32 to vector<16xi32>
      %gather3A_170 = tpu.vector_load_idx %arg11[%add3A_143, %broadcast_in_dim3A_169] : memref<128x144xf32, #tpu.memory_space<vmem>>[vector<16xi32>, vector<16xi32>], vector<16xf32>,
      %broadcast_in_dim3A_171 = arith.constant 1 : i32
      %broadcast_in_dim3A_172 = vector.broadcast %broadcast_in_dim3A_171 : i32 to vector<16xi32>
      %gather3A_173 = tpu.vector_load_idx %arg12[%add3A_143, %broadcast_in_dim3A_172] : memref<128x16xf32, #tpu.memory_space<vmem>>[vector<16xi32>, vector<16xi32>], vector<16xf32>,
      %add3A_174 = arith.addf %gather3A_170, %gather3A_173 : vector<16xf32>
      %ge3A_175 = arith.constant 0.000000e+00 : f32
      %ge3A_176 = vector.broadcast %ge3A_175 : f32 to vector<16xf32>
      %ge3A_177 = arith.cmpf oge, %add3A_174, %ge3A_176 : vector<16xf32>
      %mul3A_178 = arith.constant 2.000000e-01 : f32
      %mul3A_179 = vector.broadcast %mul3A_178 : f32 to vector<16xf32>
      %mul3A_180 = arith.mulf %add3A_174, %mul3A_179 : vector<16xf32>
      %select_n3A_181 = arith.select %ge3A_177, %add3A_174, %mul3A_180 : vector<16xi1>, vector<16xf32>
      %exp3A_182 = math.exp %select_n3A_181 : vector<16xf32>
      %mul3A_183 = arith.mulf %exp3A_182, %get3A_140 : vector<16xf32>
      %mul3A_184 = arith.constant 4 : i32
      %mul3A_185 = vector.broadcast %mul3A_184 : i32 to vector<16xi32>
      %mul3A_186 = arith.muli %add3A_143, %mul3A_185 : vector<16xi32>
      %add3A_187 = arith.constant 1 : i32
      %add3A_188 = vector.broadcast %add3A_187 : i32 to vector<16xi32>
      %add3A_189 = arith.addi %mul3A_186, %add3A_188 : vector<16xi32>
      tpu.vector_store_idx %arg13[%add3A_189], %mul3A_183 : memref<512xf32, #tpu.memory_space<vmem>>[vector<16xi32>], vector<16xf32>,
      %broadcast_in_dim3A_190 = arith.constant 129 : i32
      %broadcast_in_dim3A_191 = vector.broadcast %broadcast_in_dim3A_190 : i32 to vector<16xi32>
      tpu.vector_store_idx %arg11[%add3A_143, %broadcast_in_dim3A_191], %mul3A_183 : memref<128x144xf32, #tpu.memory_space<vmem>>[vector<16xi32>, vector<16xi32>], vector<16xf32>,
      %broadcast_in_dim3A_192 = arith.constant 130 : i32
      %broadcast_in_dim3A_193 = vector.broadcast %broadcast_in_dim3A_192 : i32 to vector<16xi32>
      %gather3A_194 = tpu.vector_load_idx %arg11[%add3A_143, %broadcast_in_dim3A_193] : memref<128x144xf32, #tpu.memory_space<vmem>>[vector<16xi32>, vector<16xi32>], vector<16xf32>,
      %broadcast_in_dim3A_195 = arith.constant 2 : i32
      %broadcast_in_dim3A_196 = vector.broadcast %broadcast_in_dim3A_195 : i32 to vector<16xi32>
      %gather3A_197 = tpu.vector_load_idx %arg12[%add3A_143, %broadcast_in_dim3A_196] : memref<128x16xf32, #tpu.memory_space<vmem>>[vector<16xi32>, vector<16xi32>], vector<16xf32>,
      %add3A_198 = arith.addf %gather3A_194, %gather3A_197 : vector<16xf32>
      %ge3A_199 = arith.constant 0.000000e+00 : f32
      %ge3A_200 = vector.broadcast %ge3A_199 : f32 to vector<16xf32>
      %ge3A_201 = arith.cmpf oge, %add3A_198, %ge3A_200 : vector<16xf32>
      %mul3A_202 = arith.constant 2.000000e-01 : f32
      %mul3A_203 = vector.broadcast %mul3A_202 : f32 to vector<16xf32>
      %mul3A_204 = arith.mulf %add3A_198, %mul3A_203 : vector<16xf32>
      %select_n3A_205 = arith.select %ge3A_201, %add3A_198, %mul3A_204 : vector<16xi1>, vector<16xf32>
      %exp3A_206 = math.exp %select_n3A_205 : vector<16xf32>
      %mul3A_207 = arith.mulf %exp3A_206, %get3A_140 : vector<16xf32>
      %mul3A_208 = arith.constant 4 : i32
      %mul3A_209 = vector.broadcast %mul3A_208 : i32 to vector<16xi32>
      %mul3A_210 = arith.muli %add3A_143, %mul3A_209 : vector<16xi32>
      %add3A_211 = arith.constant 2 : i32
      %add3A_212 = vector.broadcast %add3A_211 : i32 to vector<16xi32>
      %add3A_213 = arith.addi %mul3A_210, %add3A_212 : vector<16xi32>
      tpu.vector_store_idx %arg13[%add3A_213], %mul3A_207 : memref<512xf32, #tpu.memory_space<vmem>>[vector<16xi32>], vector<16xf32>,
      %broadcast_in_dim3A_214 = arith.constant 130 : i32
      %broadcast_in_dim3A_215 = vector.broadcast %broadcast_in_dim3A_214 : i32 to vector<16xi32>
      tpu.vector_store_idx %arg11[%add3A_143, %broadcast_in_dim3A_215], %mul3A_207 : memref<128x144xf32, #tpu.memory_space<vmem>>[vector<16xi32>, vector<16xi32>], vector<16xf32>,
      %broadcast_in_dim3A_216 = arith.constant 131 : i32
      %broadcast_in_dim3A_217 = vector.broadcast %broadcast_in_dim3A_216 : i32 to vector<16xi32>
      %gather3A_218 = tpu.vector_load_idx %arg11[%add3A_143, %broadcast_in_dim3A_217] : memref<128x144xf32, #tpu.memory_space<vmem>>[vector<16xi32>, vector<16xi32>], vector<16xf32>,
      %broadcast_in_dim3A_219 = arith.constant 3 : i32
      %broadcast_in_dim3A_220 = vector.broadcast %broadcast_in_dim3A_219 : i32 to vector<16xi32>
      %gather3A_221 = tpu.vector_load_idx %arg12[%add3A_143, %broadcast_in_dim3A_220] : memref<128x16xf32, #tpu.memory_space<vmem>>[vector<16xi32>, vector<16xi32>], vector<16xf32>,
      %add3A_222 = arith.addf %gather3A_218, %gather3A_221 : vector<16xf32>
      %ge3A_223 = arith.constant 0.000000e+00 : f32
      %ge3A_224 = vector.broadcast %ge3A_223 : f32 to vector<16xf32>
      %ge3A_225 = arith.cmpf oge, %add3A_222, %ge3A_224 : vector<16xf32>
      %mul3A_226 = arith.constant 2.000000e-01 : f32
      %mul3A_227 = vector.broadcast %mul3A_226 : f32 to vector<16xf32>
      %mul3A_228 = arith.mulf %add3A_222, %mul3A_227 : vector<16xf32>
      %select_n3A_229 = arith.select %ge3A_225, %add3A_222, %mul3A_228 : vector<16xi1>, vector<16xf32>
      %exp3A_230 = math.exp %select_n3A_229 : vector<16xf32>
      %mul3A_231 = arith.mulf %exp3A_230, %get3A_140 : vector<16xf32>
      %mul3A_232 = arith.constant 4 : i32
      %mul3A_233 = vector.broadcast %mul3A_232 : i32 to vector<16xi32>
      %mul3A_234 = arith.muli %add3A_143, %mul3A_233 : vector<16xi32>
      %add3A_235 = arith.constant 3 : i32
      %add3A_236 = vector.broadcast %add3A_235 : i32 to vector<16xi32>
      %add3A_237 = arith.addi %mul3A_234, %add3A_236 : vector<16xi32>
      tpu.vector_store_idx %arg13[%add3A_237], %mul3A_231 : memref<512xf32, #tpu.memory_space<vmem>>[vector<16xi32>], vector<16xf32>,
      %broadcast_in_dim3A_238 = arith.constant 131 : i32
      %broadcast_in_dim3A_239 = vector.broadcast %broadcast_in_dim3A_238 : i32 to vector<16xi32>
      tpu.vector_store_idx %arg11[%add3A_143, %broadcast_in_dim3A_239], %mul3A_231 : memref<128x144xf32, #tpu.memory_space<vmem>>[vector<16xi32>, vector<16xi32>], vector<16xf32>,
      %get3A_240 = arith.constant 32 : index
      %get3A_241 = tpu.vector_load %arg10[%get3A_240] {strides = array<i32>} : memref<128xf32, #tpu.memory_space<vmem>>, vector<16xf32>,
      %add3A_242 = arith.constant 32 : i32
      %add3A_243 = vector.broadcast %add3A_242 : i32 to vector<16xi32>
      %add3A_244 = arith.addi %iota3A, %add3A_243 : vector<16xi32>
      %broadcast_in_dim3A_245 = arith.constant 128 : i32
      %broadcast_in_dim3A_246 = vector.broadcast %broadcast_in_dim3A_245 : i32 to vector<16xi32>
      %gather3A_247 = tpu.vector_load_idx %arg11[%add3A_244, %broadcast_in_dim3A_246] : memref<128x144xf32, #tpu.memory_space<vmem>>[vector<16xi32>, vector<16xi32>], vector<16xf32>,
      %broadcast_in_dim3A_248 = arith.constant 0 : i32
      %broadcast_in_dim3A_249 = vector.broadcast %broadcast_in_dim3A_248 : i32 to vector<16xi32>
      %gather3A_250 = tpu.vector_load_idx %arg12[%add3A_244, %broadcast_in_dim3A_249] : memref<128x16xf32, #tpu.memory_space<vmem>>[vector<16xi32>, vector<16xi32>], vector<16xf32>,
      %add3A_251 = arith.addf %gather3A_247, %gather3A_250 : vector<16xf32>
      %ge3A_252 = arith.constant 0.000000e+00 : f32
      %ge3A_253 = vector.broadcast %ge3A_252 : f32 to vector<16xf32>
      %ge3A_254 = arith.cmpf oge, %add3A_251, %ge3A_253 : vector<16xf32>
      %mul3A_255 = arith.constant 2.000000e-01 : f32
      %mul3A_256 = vector.broadcast %mul3A_255 : f32 to vector<16xf32>
      %mul3A_257 = arith.mulf %add3A_251, %mul3A_256 : vector<16xf32>
      %select_n3A_258 = arith.select %ge3A_254, %add3A_251, %mul3A_257 : vector<16xi1>, vector<16xf32>
      %exp3A_259 = math.exp %select_n3A_258 : vector<16xf32>
      %mul3A_260 = arith.mulf %exp3A_259, %get3A_241 : vector<16xf32>
      %mul3A_261 = arith.constant 4 : i32
      %mul3A_262 = vector.broadcast %mul3A_261 : i32 to vector<16xi32>
      %mul3A_263 = arith.muli %add3A_244, %mul3A_262 : vector<16xi32>
      %add3A_264 = arith.constant 0 : i32
      %add3A_265 = vector.broadcast %add3A_264 : i32 to vector<16xi32>
      %add3A_266 = arith.addi %mul3A_263, %add3A_265 : vector<16xi32>
      tpu.vector_store_idx %arg13[%add3A_266], %mul3A_260 : memref<512xf32, #tpu.memory_space<vmem>>[vector<16xi32>], vector<16xf32>,
      %broadcast_in_dim3A_267 = arith.constant 128 : i32
      %broadcast_in_dim3A_268 = vector.broadcast %broadcast_in_dim3A_267 : i32 to vector<16xi32>
      tpu.vector_store_idx %arg11[%add3A_244, %broadcast_in_dim3A_268], %mul3A_260 : memref<128x144xf32, #tpu.memory_space<vmem>>[vector<16xi32>, vector<16xi32>], vector<16xf32>,
      %broadcast_in_dim3A_269 = arith.constant 129 : i32
      %broadcast_in_dim3A_270 = vector.broadcast %broadcast_in_dim3A_269 : i32 to vector<16xi32>
      %gather3A_271 = tpu.vector_load_idx %arg11[%add3A_244, %broadcast_in_dim3A_270] : memref<128x144xf32, #tpu.memory_space<vmem>>[vector<16xi32>, vector<16xi32>], vector<16xf32>,
      %broadcast_in_dim3A_272 = arith.constant 1 : i32
      %broadcast_in_dim3A_273 = vector.broadcast %broadcast_in_dim3A_272 : i32 to vector<16xi32>
      %gather3A_274 = tpu.vector_load_idx %arg12[%add3A_244, %broadcast_in_dim3A_273] : memref<128x16xf32, #tpu.memory_space<vmem>>[vector<16xi32>, vector<16xi32>], vector<16xf32>,
      %add3A_275 = arith.addf %gather3A_271, %gather3A_274 : vector<16xf32>
      %ge3A_276 = arith.constant 0.000000e+00 : f32
      %ge3A_277 = vector.broadcast %ge3A_276 : f32 to vector<16xf32>
      %ge3A_278 = arith.cmpf oge, %add3A_275, %ge3A_277 : vector<16xf32>
      %mul3A_279 = arith.constant 2.000000e-01 : f32
      %mul3A_280 = vector.broadcast %mul3A_279 : f32 to vector<16xf32>
      %mul3A_281 = arith.mulf %add3A_275, %mul3A_280 : vector<16xf32>
      %select_n3A_282 = arith.select %ge3A_278, %add3A_275, %mul3A_281 : vector<16xi1>, vector<16xf32>
      %exp3A_283 = math.exp %select_n3A_282 : vector<16xf32>
      %mul3A_284 = arith.mulf %exp3A_283, %get3A_241 : vector<16xf32>
      %mul3A_285 = arith.constant 4 : i32
      %mul3A_286 = vector.broadcast %mul3A_285 : i32 to vector<16xi32>
      %mul3A_287 = arith.muli %add3A_244, %mul3A_286 : vector<16xi32>
      %add3A_288 = arith.constant 1 : i32
      %add3A_289 = vector.broadcast %add3A_288 : i32 to vector<16xi32>
      %add3A_290 = arith.addi %mul3A_287, %add3A_289 : vector<16xi32>
      tpu.vector_store_idx %arg13[%add3A_290], %mul3A_284 : memref<512xf32, #tpu.memory_space<vmem>>[vector<16xi32>], vector<16xf32>,
      %broadcast_in_dim3A_291 = arith.constant 129 : i32
      %broadcast_in_dim3A_292 = vector.broadcast %broadcast_in_dim3A_291 : i32 to vector<16xi32>
      tpu.vector_store_idx %arg11[%add3A_244, %broadcast_in_dim3A_292], %mul3A_284 : memref<128x144xf32, #tpu.memory_space<vmem>>[vector<16xi32>, vector<16xi32>], vector<16xf32>,
      %broadcast_in_dim3A_293 = arith.constant 130 : i32
      %broadcast_in_dim3A_294 = vector.broadcast %broadcast_in_dim3A_293 : i32 to vector<16xi32>
      %gather3A_295 = tpu.vector_load_idx %arg11[%add3A_244, %broadcast_in_dim3A_294] : memref<128x144xf32, #tpu.memory_space<vmem>>[vector<16xi32>, vector<16xi32>], vector<16xf32>,
      %broadcast_in_dim3A_296 = arith.constant 2 : i32
      %broadcast_in_dim3A_297 = vector.broadcast %broadcast_in_dim3A_296 : i32 to vector<16xi32>
      %gather3A_298 = tpu.vector_load_idx %arg12[%add3A_244, %broadcast_in_dim3A_297] : memref<128x16xf32, #tpu.memory_space<vmem>>[vector<16xi32>, vector<16xi32>], vector<16xf32>,
      %add3A_299 = arith.addf %gather3A_295, %gather3A_298 : vector<16xf32>
      %ge3A_300 = arith.constant 0.000000e+00 : f32
      %ge3A_301 = vector.broadcast %ge3A_300 : f32 to vector<16xf32>
      %ge3A_302 = arith.cmpf oge, %add3A_299, %ge3A_301 : vector<16xf32>
      %mul3A_303 = arith.constant 2.000000e-01 : f32
      %mul3A_304 = vector.broadcast %mul3A_303 : f32 to vector<16xf32>
      %mul3A_305 = arith.mulf %add3A_299, %mul3A_304 : vector<16xf32>
      %select_n3A_306 = arith.select %ge3A_302, %add3A_299, %mul3A_305 : vector<16xi1>, vector<16xf32>
      %exp3A_307 = math.exp %select_n3A_306 : vector<16xf32>
      %mul3A_308 = arith.mulf %exp3A_307, %get3A_241 : vector<16xf32>
      %mul3A_309 = arith.constant 4 : i32
      %mul3A_310 = vector.broadcast %mul3A_309 : i32 to vector<16xi32>
      %mul3A_311 = arith.muli %add3A_244, %mul3A_310 : vector<16xi32>
      %add3A_312 = arith.constant 2 : i32
      %add3A_313 = vector.broadcast %add3A_312 : i32 to vector<16xi32>
      %add3A_314 = arith.addi %mul3A_311, %add3A_313 : vector<16xi32>
      tpu.vector_store_idx %arg13[%add3A_314], %mul3A_308 : memref<512xf32, #tpu.memory_space<vmem>>[vector<16xi32>], vector<16xf32>,
      %broadcast_in_dim3A_315 = arith.constant 130 : i32
      %broadcast_in_dim3A_316 = vector.broadcast %broadcast_in_dim3A_315 : i32 to vector<16xi32>
      tpu.vector_store_idx %arg11[%add3A_244, %broadcast_in_dim3A_316], %mul3A_308 : memref<128x144xf32, #tpu.memory_space<vmem>>[vector<16xi32>, vector<16xi32>], vector<16xf32>,
      %broadcast_in_dim3A_317 = arith.constant 131 : i32
      %broadcast_in_dim3A_318 = vector.broadcast %broadcast_in_dim3A_317 : i32 to vector<16xi32>
      %gather3A_319 = tpu.vector_load_idx %arg11[%add3A_244, %broadcast_in_dim3A_318] : memref<128x144xf32, #tpu.memory_space<vmem>>[vector<16xi32>, vector<16xi32>], vector<16xf32>,
      %broadcast_in_dim3A_320 = arith.constant 3 : i32
      %broadcast_in_dim3A_321 = vector.broadcast %broadcast_in_dim3A_320 : i32 to vector<16xi32>
      %gather3A_322 = tpu.vector_load_idx %arg12[%add3A_244, %broadcast_in_dim3A_321] : memref<128x16xf32, #tpu.memory_space<vmem>>[vector<16xi32>, vector<16xi32>], vector<16xf32>,
      %add3A_323 = arith.addf %gather3A_319, %gather3A_322 : vector<16xf32>
      %ge3A_324 = arith.constant 0.000000e+00 : f32
      %ge3A_325 = vector.broadcast %ge3A_324 : f32 to vector<16xf32>
      %ge3A_326 = arith.cmpf oge, %add3A_323, %ge3A_325 : vector<16xf32>
      %mul3A_327 = arith.constant 2.000000e-01 : f32
      %mul3A_328 = vector.broadcast %mul3A_327 : f32 to vector<16xf32>
      %mul3A_329 = arith.mulf %add3A_323, %mul3A_328 : vector<16xf32>
      %select_n3A_330 = arith.select %ge3A_326, %add3A_323, %mul3A_329 : vector<16xi1>, vector<16xf32>
      %exp3A_331 = math.exp %select_n3A_330 : vector<16xf32>
      %mul3A_332 = arith.mulf %exp3A_331, %get3A_241 : vector<16xf32>
      %mul3A_333 = arith.constant 4 : i32
      %mul3A_334 = vector.broadcast %mul3A_333 : i32 to vector<16xi32>
      %mul3A_335 = arith.muli %add3A_244, %mul3A_334 : vector<16xi32>
      %add3A_336 = arith.constant 3 : i32
      %add3A_337 = vector.broadcast %add3A_336 : i32 to vector<16xi32>
      %add3A_338 = arith.addi %mul3A_335, %add3A_337 : vector<16xi32>
      tpu.vector_store_idx %arg13[%add3A_338], %mul3A_332 : memref<512xf32, #tpu.memory_space<vmem>>[vector<16xi32>], vector<16xf32>,
      %broadcast_in_dim3A_339 = arith.constant 131 : i32
      %broadcast_in_dim3A_340 = vector.broadcast %broadcast_in_dim3A_339 : i32 to vector<16xi32>
      tpu.vector_store_idx %arg11[%add3A_244, %broadcast_in_dim3A_340], %mul3A_332 : memref<128x144xf32, #tpu.memory_space<vmem>>[vector<16xi32>, vector<16xi32>], vector<16xf32>,
      %get3A_341 = arith.constant 48 : index
      %get3A_342 = tpu.vector_load %arg10[%get3A_341] {strides = array<i32>} : memref<128xf32, #tpu.memory_space<vmem>>, vector<16xf32>,
      %add3A_343 = arith.constant 48 : i32
      %add3A_344 = vector.broadcast %add3A_343 : i32 to vector<16xi32>
      %add3A_345 = arith.addi %iota3A, %add3A_344 : vector<16xi32>
      %broadcast_in_dim3A_346 = arith.constant 128 : i32
      %broadcast_in_dim3A_347 = vector.broadcast %broadcast_in_dim3A_346 : i32 to vector<16xi32>
      %gather3A_348 = tpu.vector_load_idx %arg11[%add3A_345, %broadcast_in_dim3A_347] : memref<128x144xf32, #tpu.memory_space<vmem>>[vector<16xi32>, vector<16xi32>], vector<16xf32>,
      %broadcast_in_dim3A_349 = arith.constant 0 : i32
      %broadcast_in_dim3A_350 = vector.broadcast %broadcast_in_dim3A_349 : i32 to vector<16xi32>
      %gather3A_351 = tpu.vector_load_idx %arg12[%add3A_345, %broadcast_in_dim3A_350] : memref<128x16xf32, #tpu.memory_space<vmem>>[vector<16xi32>, vector<16xi32>], vector<16xf32>,
      %add3A_352 = arith.addf %gather3A_348, %gather3A_351 : vector<16xf32>
      %ge3A_353 = arith.constant 0.000000e+00 : f32
      %ge3A_354 = vector.broadcast %ge3A_353 : f32 to vector<16xf32>
      %ge3A_355 = arith.cmpf oge, %add3A_352, %ge3A_354 : vector<16xf32>
      %mul3A_356 = arith.constant 2.000000e-01 : f32
      %mul3A_357 = vector.broadcast %mul3A_356 : f32 to vector<16xf32>
      %mul3A_358 = arith.mulf %add3A_352, %mul3A_357 : vector<16xf32>
      %select_n3A_359 = arith.select %ge3A_355, %add3A_352, %mul3A_358 : vector<16xi1>, vector<16xf32>
      %exp3A_360 = math.exp %select_n3A_359 : vector<16xf32>
      %mul3A_361 = arith.mulf %exp3A_360, %get3A_342 : vector<16xf32>
      %mul3A_362 = arith.constant 4 : i32
      %mul3A_363 = vector.broadcast %mul3A_362 : i32 to vector<16xi32>
      %mul3A_364 = arith.muli %add3A_345, %mul3A_363 : vector<16xi32>
      %add3A_365 = arith.constant 0 : i32
      %add3A_366 = vector.broadcast %add3A_365 : i32 to vector<16xi32>
      %add3A_367 = arith.addi %mul3A_364, %add3A_366 : vector<16xi32>
      tpu.vector_store_idx %arg13[%add3A_367], %mul3A_361 : memref<512xf32, #tpu.memory_space<vmem>>[vector<16xi32>], vector<16xf32>,
      %broadcast_in_dim3A_368 = arith.constant 128 : i32
      %broadcast_in_dim3A_369 = vector.broadcast %broadcast_in_dim3A_368 : i32 to vector<16xi32>
      tpu.vector_store_idx %arg11[%add3A_345, %broadcast_in_dim3A_369], %mul3A_361 : memref<128x144xf32, #tpu.memory_space<vmem>>[vector<16xi32>, vector<16xi32>], vector<16xf32>,
      %broadcast_in_dim3A_370 = arith.constant 129 : i32
      %broadcast_in_dim3A_371 = vector.broadcast %broadcast_in_dim3A_370 : i32 to vector<16xi32>
      %gather3A_372 = tpu.vector_load_idx %arg11[%add3A_345, %broadcast_in_dim3A_371] : memref<128x144xf32, #tpu.memory_space<vmem>>[vector<16xi32>, vector<16xi32>], vector<16xf32>,
      %broadcast_in_dim3A_373 = arith.constant 1 : i32
      %broadcast_in_dim3A_374 = vector.broadcast %broadcast_in_dim3A_373 : i32 to vector<16xi32>
      %gather3A_375 = tpu.vector_load_idx %arg12[%add3A_345, %broadcast_in_dim3A_374] : memref<128x16xf32, #tpu.memory_space<vmem>>[vector<16xi32>, vector<16xi32>], vector<16xf32>,
      %add3A_376 = arith.addf %gather3A_372, %gather3A_375 : vector<16xf32>
      %ge3A_377 = arith.constant 0.000000e+00 : f32
      %ge3A_378 = vector.broadcast %ge3A_377 : f32 to vector<16xf32>
      %ge3A_379 = arith.cmpf oge, %add3A_376, %ge3A_378 : vector<16xf32>
      %mul3A_380 = arith.constant 2.000000e-01 : f32
      %mul3A_381 = vector.broadcast %mul3A_380 : f32 to vector<16xf32>
      %mul3A_382 = arith.mulf %add3A_376, %mul3A_381 : vector<16xf32>
      %select_n3A_383 = arith.select %ge3A_379, %add3A_376, %mul3A_382 : vector<16xi1>, vector<16xf32>
      %exp3A_384 = math.exp %select_n3A_383 : vector<16xf32>
      %mul3A_385 = arith.mulf %exp3A_384, %get3A_342 : vector<16xf32>
      %mul3A_386 = arith.constant 4 : i32
      %mul3A_387 = vector.broadcast %mul3A_386 : i32 to vector<16xi32>
      %mul3A_388 = arith.muli %add3A_345, %mul3A_387 : vector<16xi32>
      %add3A_389 = arith.constant 1 : i32
      %add3A_390 = vector.broadcast %add3A_389 : i32 to vector<16xi32>
      %add3A_391 = arith.addi %mul3A_388, %add3A_390 : vector<16xi32>
      tpu.vector_store_idx %arg13[%add3A_391], %mul3A_385 : memref<512xf32, #tpu.memory_space<vmem>>[vector<16xi32>], vector<16xf32>,
      %broadcast_in_dim3A_392 = arith.constant 129 : i32
      %broadcast_in_dim3A_393 = vector.broadcast %broadcast_in_dim3A_392 : i32 to vector<16xi32>
      tpu.vector_store_idx %arg11[%add3A_345, %broadcast_in_dim3A_393], %mul3A_385 : memref<128x144xf32, #tpu.memory_space<vmem>>[vector<16xi32>, vector<16xi32>], vector<16xf32>,
      %broadcast_in_dim3A_394 = arith.constant 130 : i32
      %broadcast_in_dim3A_395 = vector.broadcast %broadcast_in_dim3A_394 : i32 to vector<16xi32>
      %gather3A_396 = tpu.vector_load_idx %arg11[%add3A_345, %broadcast_in_dim3A_395] : memref<128x144xf32, #tpu.memory_space<vmem>>[vector<16xi32>, vector<16xi32>], vector<16xf32>,
      %broadcast_in_dim3A_397 = arith.constant 2 : i32
      %broadcast_in_dim3A_398 = vector.broadcast %broadcast_in_dim3A_397 : i32 to vector<16xi32>
      %gather3A_399 = tpu.vector_load_idx %arg12[%add3A_345, %broadcast_in_dim3A_398] : memref<128x16xf32, #tpu.memory_space<vmem>>[vector<16xi32>, vector<16xi32>], vector<16xf32>,
      %add3A_400 = arith.addf %gather3A_396, %gather3A_399 : vector<16xf32>
      %ge3A_401 = arith.constant 0.000000e+00 : f32
      %ge3A_402 = vector.broadcast %ge3A_401 : f32 to vector<16xf32>
      %ge3A_403 = arith.cmpf oge, %add3A_400, %ge3A_402 : vector<16xf32>
      %mul3A_404 = arith.constant 2.000000e-01 : f32
      %mul3A_405 = vector.broadcast %mul3A_404 : f32 to vector<16xf32>
      %mul3A_406 = arith.mulf %add3A_400, %mul3A_405 : vector<16xf32>
      %select_n3A_407 = arith.select %ge3A_403, %add3A_400, %mul3A_406 : vector<16xi1>, vector<16xf32>
      %exp3A_408 = math.exp %select_n3A_407 : vector<16xf32>
      %mul3A_409 = arith.mulf %exp3A_408, %get3A_342 : vector<16xf32>
      %mul3A_410 = arith.constant 4 : i32
      %mul3A_411 = vector.broadcast %mul3A_410 : i32 to vector<16xi32>
      %mul3A_412 = arith.muli %add3A_345, %mul3A_411 : vector<16xi32>
      %add3A_413 = arith.constant 2 : i32
      %add3A_414 = vector.broadcast %add3A_413 : i32 to vector<16xi32>
      %add3A_415 = arith.addi %mul3A_412, %add3A_414 : vector<16xi32>
      tpu.vector_store_idx %arg13[%add3A_415], %mul3A_409 : memref<512xf32, #tpu.memory_space<vmem>>[vector<16xi32>], vector<16xf32>,
      %broadcast_in_dim3A_416 = arith.constant 130 : i32
      %broadcast_in_dim3A_417 = vector.broadcast %broadcast_in_dim3A_416 : i32 to vector<16xi32>
      tpu.vector_store_idx %arg11[%add3A_345, %broadcast_in_dim3A_417], %mul3A_409 : memref<128x144xf32, #tpu.memory_space<vmem>>[vector<16xi32>, vector<16xi32>], vector<16xf32>,
      %broadcast_in_dim3A_418 = arith.constant 131 : i32
      %broadcast_in_dim3A_419 = vector.broadcast %broadcast_in_dim3A_418 : i32 to vector<16xi32>
      %gather3A_420 = tpu.vector_load_idx %arg11[%add3A_345, %broadcast_in_dim3A_419] : memref<128x144xf32, #tpu.memory_space<vmem>>[vector<16xi32>, vector<16xi32>], vector<16xf32>,
      %broadcast_in_dim3A_421 = arith.constant 3 : i32
      %broadcast_in_dim3A_422 = vector.broadcast %broadcast_in_dim3A_421 : i32 to vector<16xi32>
      %gather3A_423 = tpu.vector_load_idx %arg12[%add3A_345, %broadcast_in_dim3A_422] : memref<128x16xf32, #tpu.memory_space<vmem>>[vector<16xi32>, vector<16xi32>], vector<16xf32>,
      %add3A_424 = arith.addf %gather3A_420, %gather3A_423 : vector<16xf32>
      %ge3A_425 = arith.constant 0.000000e+00 : f32
      %ge3A_426 = vector.broadcast %ge3A_425 : f32 to vector<16xf32>
      %ge3A_427 = arith.cmpf oge, %add3A_424, %ge3A_426 : vector<16xf32>
      %mul3A_428 = arith.constant 2.000000e-01 : f32
      %mul3A_429 = vector.broadcast %mul3A_428 : f32 to vector<16xf32>
      %mul3A_430 = arith.mulf %add3A_424, %mul3A_429 : vector<16xf32>
      %select_n3A_431 = arith.select %ge3A_427, %add3A_424, %mul3A_430 : vector<16xi1>, vector<16xf32>
      %exp3A_432 = math.exp %select_n3A_431 : vector<16xf32>
      %mul3A_433 = arith.mulf %exp3A_432, %get3A_342 : vector<16xf32>
      %mul3A_434 = arith.constant 4 : i32
      %mul3A_435 = vector.broadcast %mul3A_434 : i32 to vector<16xi32>
      %mul3A_436 = arith.muli %add3A_345, %mul3A_435 : vector<16xi32>
      %add3A_437 = arith.constant 3 : i32
      %add3A_438 = vector.broadcast %add3A_437 : i32 to vector<16xi32>
      %add3A_439 = arith.addi %mul3A_436, %add3A_438 : vector<16xi32>
      tpu.vector_store_idx %arg13[%add3A_439], %mul3A_433 : memref<512xf32, #tpu.memory_space<vmem>>[vector<16xi32>], vector<16xf32>,
      %broadcast_in_dim3A_440 = arith.constant 131 : i32
      %broadcast_in_dim3A_441 = vector.broadcast %broadcast_in_dim3A_440 : i32 to vector<16xi32>
      tpu.vector_store_idx %arg11[%add3A_345, %broadcast_in_dim3A_441], %mul3A_433 : memref<128x144xf32, #tpu.memory_space<vmem>>[vector<16xi32>, vector<16xi32>], vector<16xf32>,
      %get3A_442 = arith.constant 64 : index
      %get3A_443 = tpu.vector_load %arg10[%get3A_442] {strides = array<i32>} : memref<128xf32, #tpu.memory_space<vmem>>, vector<16xf32>,
      %add3A_444 = arith.constant 64 : i32
      %add3A_445 = vector.broadcast %add3A_444 : i32 to vector<16xi32>
      %add3A_446 = arith.addi %iota3A, %add3A_445 : vector<16xi32>
      %broadcast_in_dim3A_447 = arith.constant 128 : i32
      %broadcast_in_dim3A_448 = vector.broadcast %broadcast_in_dim3A_447 : i32 to vector<16xi32>
      %gather3A_449 = tpu.vector_load_idx %arg11[%add3A_446, %broadcast_in_dim3A_448] : memref<128x144xf32, #tpu.memory_space<vmem>>[vector<16xi32>, vector<16xi32>], vector<16xf32>,
      %broadcast_in_dim3A_450 = arith.constant 0 : i32
      %broadcast_in_dim3A_451 = vector.broadcast %broadcast_in_dim3A_450 : i32 to vector<16xi32>
      %gather3A_452 = tpu.vector_load_idx %arg12[%add3A_446, %broadcast_in_dim3A_451] : memref<128x16xf32, #tpu.memory_space<vmem>>[vector<16xi32>, vector<16xi32>], vector<16xf32>,
      %add3A_453 = arith.addf %gather3A_449, %gather3A_452 : vector<16xf32>
      %ge3A_454 = arith.constant 0.000000e+00 : f32
      %ge3A_455 = vector.broadcast %ge3A_454 : f32 to vector<16xf32>
      %ge3A_456 = arith.cmpf oge, %add3A_453, %ge3A_455 : vector<16xf32>
      %mul3A_457 = arith.constant 2.000000e-01 : f32
      %mul3A_458 = vector.broadcast %mul3A_457 : f32 to vector<16xf32>
      %mul3A_459 = arith.mulf %add3A_453, %mul3A_458 : vector<16xf32>
      %select_n3A_460 = arith.select %ge3A_456, %add3A_453, %mul3A_459 : vector<16xi1>, vector<16xf32>
      %exp3A_461 = math.exp %select_n3A_460 : vector<16xf32>
      %mul3A_462 = arith.mulf %exp3A_461, %get3A_443 : vector<16xf32>
      %mul3A_463 = arith.constant 4 : i32
      %mul3A_464 = vector.broadcast %mul3A_463 : i32 to vector<16xi32>
      %mul3A_465 = arith.muli %add3A_446, %mul3A_464 : vector<16xi32>
      %add3A_466 = arith.constant 0 : i32
      %add3A_467 = vector.broadcast %add3A_466 : i32 to vector<16xi32>
      %add3A_468 = arith.addi %mul3A_465, %add3A_467 : vector<16xi32>
      tpu.vector_store_idx %arg13[%add3A_468], %mul3A_462 : memref<512xf32, #tpu.memory_space<vmem>>[vector<16xi32>], vector<16xf32>,
      %broadcast_in_dim3A_469 = arith.constant 128 : i32
      %broadcast_in_dim3A_470 = vector.broadcast %broadcast_in_dim3A_469 : i32 to vector<16xi32>
      tpu.vector_store_idx %arg11[%add3A_446, %broadcast_in_dim3A_470], %mul3A_462 : memref<128x144xf32, #tpu.memory_space<vmem>>[vector<16xi32>, vector<16xi32>], vector<16xf32>,
      %broadcast_in_dim3A_471 = arith.constant 129 : i32
      %broadcast_in_dim3A_472 = vector.broadcast %broadcast_in_dim3A_471 : i32 to vector<16xi32>
      %gather3A_473 = tpu.vector_load_idx %arg11[%add3A_446, %broadcast_in_dim3A_472] : memref<128x144xf32, #tpu.memory_space<vmem>>[vector<16xi32>, vector<16xi32>], vector<16xf32>,
      %broadcast_in_dim3A_474 = arith.constant 1 : i32
      %broadcast_in_dim3A_475 = vector.broadcast %broadcast_in_dim3A_474 : i32 to vector<16xi32>
      %gather3A_476 = tpu.vector_load_idx %arg12[%add3A_446, %broadcast_in_dim3A_475] : memref<128x16xf32, #tpu.memory_space<vmem>>[vector<16xi32>, vector<16xi32>], vector<16xf32>,
      %add3A_477 = arith.addf %gather3A_473, %gather3A_476 : vector<16xf32>
      %ge3A_478 = arith.constant 0.000000e+00 : f32
      %ge3A_479 = vector.broadcast %ge3A_478 : f32 to vector<16xf32>
      %ge3A_480 = arith.cmpf oge, %add3A_477, %ge3A_479 : vector<16xf32>
      %mul3A_481 = arith.constant 2.000000e-01 : f32
      %mul3A_482 = vector.broadcast %mul3A_481 : f32 to vector<16xf32>
      %mul3A_483 = arith.mulf %add3A_477, %mul3A_482 : vector<16xf32>
      %select_n3A_484 = arith.select %ge3A_480, %add3A_477, %mul3A_483 : vector<16xi1>, vector<16xf32>
      %exp3A_485 = math.exp %select_n3A_484 : vector<16xf32>
      %mul3A_486 = arith.mulf %exp3A_485, %get3A_443 : vector<16xf32>
      %mul3A_487 = arith.constant 4 : i32
      %mul3A_488 = vector.broadcast %mul3A_487 : i32 to vector<16xi32>
      %mul3A_489 = arith.muli %add3A_446, %mul3A_488 : vector<16xi32>
      %add3A_490 = arith.constant 1 : i32
      %add3A_491 = vector.broadcast %add3A_490 : i32 to vector<16xi32>
      %add3A_492 = arith.addi %mul3A_489, %add3A_491 : vector<16xi32>
      tpu.vector_store_idx %arg13[%add3A_492], %mul3A_486 : memref<512xf32, #tpu.memory_space<vmem>>[vector<16xi32>], vector<16xf32>,
      %broadcast_in_dim3A_493 = arith.constant 129 : i32
      %broadcast_in_dim3A_494 = vector.broadcast %broadcast_in_dim3A_493 : i32 to vector<16xi32>
      tpu.vector_store_idx %arg11[%add3A_446, %broadcast_in_dim3A_494], %mul3A_486 : memref<128x144xf32, #tpu.memory_space<vmem>>[vector<16xi32>, vector<16xi32>], vector<16xf32>,
      %broadcast_in_dim3A_495 = arith.constant 130 : i32
      %broadcast_in_dim3A_496 = vector.broadcast %broadcast_in_dim3A_495 : i32 to vector<16xi32>
      %gather3A_497 = tpu.vector_load_idx %arg11[%add3A_446, %broadcast_in_dim3A_496] : memref<128x144xf32, #tpu.memory_space<vmem>>[vector<16xi32>, vector<16xi32>], vector<16xf32>,
      %broadcast_in_dim3A_498 = arith.constant 2 : i32
      %broadcast_in_dim3A_499 = vector.broadcast %broadcast_in_dim3A_498 : i32 to vector<16xi32>
      %gather3A_500 = tpu.vector_load_idx %arg12[%add3A_446, %broadcast_in_dim3A_499] : memref<128x16xf32, #tpu.memory_space<vmem>>[vector<16xi32>, vector<16xi32>], vector<16xf32>,
      %add3A_501 = arith.addf %gather3A_497, %gather3A_500 : vector<16xf32>
      %ge3A_502 = arith.constant 0.000000e+00 : f32
      %ge3A_503 = vector.broadcast %ge3A_502 : f32 to vector<16xf32>
      %ge3A_504 = arith.cmpf oge, %add3A_501, %ge3A_503 : vector<16xf32>
      %mul3A_505 = arith.constant 2.000000e-01 : f32
      %mul3A_506 = vector.broadcast %mul3A_505 : f32 to vector<16xf32>
      %mul3A_507 = arith.mulf %add3A_501, %mul3A_506 : vector<16xf32>
      %select_n3A_508 = arith.select %ge3A_504, %add3A_501, %mul3A_507 : vector<16xi1>, vector<16xf32>
      %exp3A_509 = math.exp %select_n3A_508 : vector<16xf32>
      %mul3A_510 = arith.mulf %exp3A_509, %get3A_443 : vector<16xf32>
      %mul3A_511 = arith.constant 4 : i32
      %mul3A_512 = vector.broadcast %mul3A_511 : i32 to vector<16xi32>
      %mul3A_513 = arith.muli %add3A_446, %mul3A_512 : vector<16xi32>
      %add3A_514 = arith.constant 2 : i32
      %add3A_515 = vector.broadcast %add3A_514 : i32 to vector<16xi32>
      %add3A_516 = arith.addi %mul3A_513, %add3A_515 : vector<16xi32>
      tpu.vector_store_idx %arg13[%add3A_516], %mul3A_510 : memref<512xf32, #tpu.memory_space<vmem>>[vector<16xi32>], vector<16xf32>,
      %broadcast_in_dim3A_517 = arith.constant 130 : i32
      %broadcast_in_dim3A_518 = vector.broadcast %broadcast_in_dim3A_517 : i32 to vector<16xi32>
      tpu.vector_store_idx %arg11[%add3A_446, %broadcast_in_dim3A_518], %mul3A_510 : memref<128x144xf32, #tpu.memory_space<vmem>>[vector<16xi32>, vector<16xi32>], vector<16xf32>,
      %broadcast_in_dim3A_519 = arith.constant 131 : i32
      %broadcast_in_dim3A_520 = vector.broadcast %broadcast_in_dim3A_519 : i32 to vector<16xi32>
      %gather3A_521 = tpu.vector_load_idx %arg11[%add3A_446, %broadcast_in_dim3A_520] : memref<128x144xf32, #tpu.memory_space<vmem>>[vector<16xi32>, vector<16xi32>], vector<16xf32>,
      %broadcast_in_dim3A_522 = arith.constant 3 : i32
      %broadcast_in_dim3A_523 = vector.broadcast %broadcast_in_dim3A_522 : i32 to vector<16xi32>
      %gather3A_524 = tpu.vector_load_idx %arg12[%add3A_446, %broadcast_in_dim3A_523] : memref<128x16xf32, #tpu.memory_space<vmem>>[vector<16xi32>, vector<16xi32>], vector<16xf32>,
      %add3A_525 = arith.addf %gather3A_521, %gather3A_524 : vector<16xf32>
      %ge3A_526 = arith.constant 0.000000e+00 : f32
      %ge3A_527 = vector.broadcast %ge3A_526 : f32 to vector<16xf32>
      %ge3A_528 = arith.cmpf oge, %add3A_525, %ge3A_527 : vector<16xf32>
      %mul3A_529 = arith.constant 2.000000e-01 : f32
      %mul3A_530 = vector.broadcast %mul3A_529 : f32 to vector<16xf32>
      %mul3A_531 = arith.mulf %add3A_525, %mul3A_530 : vector<16xf32>
      %select_n3A_532 = arith.select %ge3A_528, %add3A_525, %mul3A_531 : vector<16xi1>, vector<16xf32>
      %exp3A_533 = math.exp %select_n3A_532 : vector<16xf32>
      %mul3A_534 = arith.mulf %exp3A_533, %get3A_443 : vector<16xf32>
      %mul3A_535 = arith.constant 4 : i32
      %mul3A_536 = vector.broadcast %mul3A_535 : i32 to vector<16xi32>
      %mul3A_537 = arith.muli %add3A_446, %mul3A_536 : vector<16xi32>
      %add3A_538 = arith.constant 3 : i32
      %add3A_539 = vector.broadcast %add3A_538 : i32 to vector<16xi32>
      %add3A_540 = arith.addi %mul3A_537, %add3A_539 : vector<16xi32>
      tpu.vector_store_idx %arg13[%add3A_540], %mul3A_534 : memref<512xf32, #tpu.memory_space<vmem>>[vector<16xi32>], vector<16xf32>,
      %broadcast_in_dim3A_541 = arith.constant 131 : i32
      %broadcast_in_dim3A_542 = vector.broadcast %broadcast_in_dim3A_541 : i32 to vector<16xi32>
      tpu.vector_store_idx %arg11[%add3A_446, %broadcast_in_dim3A_542], %mul3A_534 : memref<128x144xf32, #tpu.memory_space<vmem>>[vector<16xi32>, vector<16xi32>], vector<16xf32>,
      %get3A_543 = arith.constant 80 : index
      %get3A_544 = tpu.vector_load %arg10[%get3A_543] {strides = array<i32>} : memref<128xf32, #tpu.memory_space<vmem>>, vector<16xf32>,
      %add3A_545 = arith.constant 80 : i32
      %add3A_546 = vector.broadcast %add3A_545 : i32 to vector<16xi32>
      %add3A_547 = arith.addi %iota3A, %add3A_546 : vector<16xi32>
      %broadcast_in_dim3A_548 = arith.constant 128 : i32
      %broadcast_in_dim3A_549 = vector.broadcast %broadcast_in_dim3A_548 : i32 to vector<16xi32>
      %gather3A_550 = tpu.vector_load_idx %arg11[%add3A_547, %broadcast_in_dim3A_549] : memref<128x144xf32, #tpu.memory_space<vmem>>[vector<16xi32>, vector<16xi32>], vector<16xf32>,
      %broadcast_in_dim3A_551 = arith.constant 0 : i32
      %broadcast_in_dim3A_552 = vector.broadcast %broadcast_in_dim3A_551 : i32 to vector<16xi32>
      %gather3A_553 = tpu.vector_load_idx %arg12[%add3A_547, %broadcast_in_dim3A_552] : memref<128x16xf32, #tpu.memory_space<vmem>>[vector<16xi32>, vector<16xi32>], vector<16xf32>,
      %add3A_554 = arith.addf %gather3A_550, %gather3A_553 : vector<16xf32>
      %ge3A_555 = arith.constant 0.000000e+00 : f32
      %ge3A_556 = vector.broadcast %ge3A_555 : f32 to vector<16xf32>
      %ge3A_557 = arith.cmpf oge, %add3A_554, %ge3A_556 : vector<16xf32>
      %mul3A_558 = arith.constant 2.000000e-01 : f32
      %mul3A_559 = vector.broadcast %mul3A_558 : f32 to vector<16xf32>
      %mul3A_560 = arith.mulf %add3A_554, %mul3A_559 : vector<16xf32>
      %select_n3A_561 = arith.select %ge3A_557, %add3A_554, %mul3A_560 : vector<16xi1>, vector<16xf32>
      %exp3A_562 = math.exp %select_n3A_561 : vector<16xf32>
      %mul3A_563 = arith.mulf %exp3A_562, %get3A_544 : vector<16xf32>
      %mul3A_564 = arith.constant 4 : i32
      %mul3A_565 = vector.broadcast %mul3A_564 : i32 to vector<16xi32>
      %mul3A_566 = arith.muli %add3A_547, %mul3A_565 : vector<16xi32>
      %add3A_567 = arith.constant 0 : i32
      %add3A_568 = vector.broadcast %add3A_567 : i32 to vector<16xi32>
      %add3A_569 = arith.addi %mul3A_566, %add3A_568 : vector<16xi32>
      tpu.vector_store_idx %arg13[%add3A_569], %mul3A_563 : memref<512xf32, #tpu.memory_space<vmem>>[vector<16xi32>], vector<16xf32>,
      %broadcast_in_dim3A_570 = arith.constant 128 : i32
      %broadcast_in_dim3A_571 = vector.broadcast %broadcast_in_dim3A_570 : i32 to vector<16xi32>
      tpu.vector_store_idx %arg11[%add3A_547, %broadcast_in_dim3A_571], %mul3A_563 : memref<128x144xf32, #tpu.memory_space<vmem>>[vector<16xi32>, vector<16xi32>], vector<16xf32>,
      %broadcast_in_dim3A_572 = arith.constant 129 : i32
      %broadcast_in_dim3A_573 = vector.broadcast %broadcast_in_dim3A_572 : i32 to vector<16xi32>
      %gather3A_574 = tpu.vector_load_idx %arg11[%add3A_547, %broadcast_in_dim3A_573] : memref<128x144xf32, #tpu.memory_space<vmem>>[vector<16xi32>, vector<16xi32>], vector<16xf32>,
      %broadcast_in_dim3A_575 = arith.constant 1 : i32
      %broadcast_in_dim3A_576 = vector.broadcast %broadcast_in_dim3A_575 : i32 to vector<16xi32>
      %gather3A_577 = tpu.vector_load_idx %arg12[%add3A_547, %broadcast_in_dim3A_576] : memref<128x16xf32, #tpu.memory_space<vmem>>[vector<16xi32>, vector<16xi32>], vector<16xf32>,
      %add3A_578 = arith.addf %gather3A_574, %gather3A_577 : vector<16xf32>
      %ge3A_579 = arith.constant 0.000000e+00 : f32
      %ge3A_580 = vector.broadcast %ge3A_579 : f32 to vector<16xf32>
      %ge3A_581 = arith.cmpf oge, %add3A_578, %ge3A_580 : vector<16xf32>
      %mul3A_582 = arith.constant 2.000000e-01 : f32
      %mul3A_583 = vector.broadcast %mul3A_582 : f32 to vector<16xf32>
      %mul3A_584 = arith.mulf %add3A_578, %mul3A_583 : vector<16xf32>
      %select_n3A_585 = arith.select %ge3A_581, %add3A_578, %mul3A_584 : vector<16xi1>, vector<16xf32>
      %exp3A_586 = math.exp %select_n3A_585 : vector<16xf32>
      %mul3A_587 = arith.mulf %exp3A_586, %get3A_544 : vector<16xf32>
      %mul3A_588 = arith.constant 4 : i32
      %mul3A_589 = vector.broadcast %mul3A_588 : i32 to vector<16xi32>
      %mul3A_590 = arith.muli %add3A_547, %mul3A_589 : vector<16xi32>
      %add3A_591 = arith.constant 1 : i32
      %add3A_592 = vector.broadcast %add3A_591 : i32 to vector<16xi32>
      %add3A_593 = arith.addi %mul3A_590, %add3A_592 : vector<16xi32>
      tpu.vector_store_idx %arg13[%add3A_593], %mul3A_587 : memref<512xf32, #tpu.memory_space<vmem>>[vector<16xi32>], vector<16xf32>,
      %broadcast_in_dim3A_594 = arith.constant 129 : i32
      %broadcast_in_dim3A_595 = vector.broadcast %broadcast_in_dim3A_594 : i32 to vector<16xi32>
      tpu.vector_store_idx %arg11[%add3A_547, %broadcast_in_dim3A_595], %mul3A_587 : memref<128x144xf32, #tpu.memory_space<vmem>>[vector<16xi32>, vector<16xi32>], vector<16xf32>,
      %broadcast_in_dim3A_596 = arith.constant 130 : i32
      %broadcast_in_dim3A_597 = vector.broadcast %broadcast_in_dim3A_596 : i32 to vector<16xi32>
      %gather3A_598 = tpu.vector_load_idx %arg11[%add3A_547, %broadcast_in_dim3A_597] : memref<128x144xf32, #tpu.memory_space<vmem>>[vector<16xi32>, vector<16xi32>], vector<16xf32>,
      %broadcast_in_dim3A_599 = arith.constant 2 : i32
      %broadcast_in_dim3A_600 = vector.broadcast %broadcast_in_dim3A_599 : i32 to vector<16xi32>
      %gather3A_601 = tpu.vector_load_idx %arg12[%add3A_547, %broadcast_in_dim3A_600] : memref<128x16xf32, #tpu.memory_space<vmem>>[vector<16xi32>, vector<16xi32>], vector<16xf32>,
      %add3A_602 = arith.addf %gather3A_598, %gather3A_601 : vector<16xf32>
      %ge3A_603 = arith.constant 0.000000e+00 : f32
      %ge3A_604 = vector.broadcast %ge3A_603 : f32 to vector<16xf32>
      %ge3A_605 = arith.cmpf oge, %add3A_602, %ge3A_604 : vector<16xf32>
      %mul3A_606 = arith.constant 2.000000e-01 : f32
      %mul3A_607 = vector.broadcast %mul3A_606 : f32 to vector<16xf32>
      %mul3A_608 = arith.mulf %add3A_602, %mul3A_607 : vector<16xf32>
      %select_n3A_609 = arith.select %ge3A_605, %add3A_602, %mul3A_608 : vector<16xi1>, vector<16xf32>
      %exp3A_610 = math.exp %select_n3A_609 : vector<16xf32>
      %mul3A_611 = arith.mulf %exp3A_610, %get3A_544 : vector<16xf32>
      %mul3A_612 = arith.constant 4 : i32
      %mul3A_613 = vector.broadcast %mul3A_612 : i32 to vector<16xi32>
      %mul3A_614 = arith.muli %add3A_547, %mul3A_613 : vector<16xi32>
      %add3A_615 = arith.constant 2 : i32
      %add3A_616 = vector.broadcast %add3A_615 : i32 to vector<16xi32>
      %add3A_617 = arith.addi %mul3A_614, %add3A_616 : vector<16xi32>
      tpu.vector_store_idx %arg13[%add3A_617], %mul3A_611 : memref<512xf32, #tpu.memory_space<vmem>>[vector<16xi32>], vector<16xf32>,
      %broadcast_in_dim3A_618 = arith.constant 130 : i32
      %broadcast_in_dim3A_619 = vector.broadcast %broadcast_in_dim3A_618 : i32 to vector<16xi32>
      tpu.vector_store_idx %arg11[%add3A_547, %broadcast_in_dim3A_619], %mul3A_611 : memref<128x144xf32, #tpu.memory_space<vmem>>[vector<16xi32>, vector<16xi32>], vector<16xf32>,
      %broadcast_in_dim3A_620 = arith.constant 131 : i32
      %broadcast_in_dim3A_621 = vector.broadcast %broadcast_in_dim3A_620 : i32 to vector<16xi32>
      %gather3A_622 = tpu.vector_load_idx %arg11[%add3A_547, %broadcast_in_dim3A_621] : memref<128x144xf32, #tpu.memory_space<vmem>>[vector<16xi32>, vector<16xi32>], vector<16xf32>,
      %broadcast_in_dim3A_623 = arith.constant 3 : i32
      %broadcast_in_dim3A_624 = vector.broadcast %broadcast_in_dim3A_623 : i32 to vector<16xi32>
      %gather3A_625 = tpu.vector_load_idx %arg12[%add3A_547, %broadcast_in_dim3A_624] : memref<128x16xf32, #tpu.memory_space<vmem>>[vector<16xi32>, vector<16xi32>], vector<16xf32>,
      %add3A_626 = arith.addf %gather3A_622, %gather3A_625 : vector<16xf32>
      %ge3A_627 = arith.constant 0.000000e+00 : f32
      %ge3A_628 = vector.broadcast %ge3A_627 : f32 to vector<16xf32>
      %ge3A_629 = arith.cmpf oge, %add3A_626, %ge3A_628 : vector<16xf32>
      %mul3A_630 = arith.constant 2.000000e-01 : f32
      %mul3A_631 = vector.broadcast %mul3A_630 : f32 to vector<16xf32>
      %mul3A_632 = arith.mulf %add3A_626, %mul3A_631 : vector<16xf32>
      %select_n3A_633 = arith.select %ge3A_629, %add3A_626, %mul3A_632 : vector<16xi1>, vector<16xf32>
      %exp3A_634 = math.exp %select_n3A_633 : vector<16xf32>
      %mul3A_635 = arith.mulf %exp3A_634, %get3A_544 : vector<16xf32>
      %mul3A_636 = arith.constant 4 : i32
      %mul3A_637 = vector.broadcast %mul3A_636 : i32 to vector<16xi32>
      %mul3A_638 = arith.muli %add3A_547, %mul3A_637 : vector<16xi32>
      %add3A_639 = arith.constant 3 : i32
      %add3A_640 = vector.broadcast %add3A_639 : i32 to vector<16xi32>
      %add3A_641 = arith.addi %mul3A_638, %add3A_640 : vector<16xi32>
      tpu.vector_store_idx %arg13[%add3A_641], %mul3A_635 : memref<512xf32, #tpu.memory_space<vmem>>[vector<16xi32>], vector<16xf32>,
      %broadcast_in_dim3A_642 = arith.constant 131 : i32
      %broadcast_in_dim3A_643 = vector.broadcast %broadcast_in_dim3A_642 : i32 to vector<16xi32>
      tpu.vector_store_idx %arg11[%add3A_547, %broadcast_in_dim3A_643], %mul3A_635 : memref<128x144xf32, #tpu.memory_space<vmem>>[vector<16xi32>, vector<16xi32>], vector<16xf32>,
      %get3A_644 = arith.constant 96 : index
      %get3A_645 = tpu.vector_load %arg10[%get3A_644] {strides = array<i32>} : memref<128xf32, #tpu.memory_space<vmem>>, vector<16xf32>,
      %add3A_646 = arith.constant 96 : i32
      %add3A_647 = vector.broadcast %add3A_646 : i32 to vector<16xi32>
      %add3A_648 = arith.addi %iota3A, %add3A_647 : vector<16xi32>
      %broadcast_in_dim3A_649 = arith.constant 128 : i32
      %broadcast_in_dim3A_650 = vector.broadcast %broadcast_in_dim3A_649 : i32 to vector<16xi32>
      %gather3A_651 = tpu.vector_load_idx %arg11[%add3A_648, %broadcast_in_dim3A_650] : memref<128x144xf32, #tpu.memory_space<vmem>>[vector<16xi32>, vector<16xi32>], vector<16xf32>,
      %broadcast_in_dim3A_652 = arith.constant 0 : i32
      %broadcast_in_dim3A_653 = vector.broadcast %broadcast_in_dim3A_652 : i32 to vector<16xi32>
      %gather3A_654 = tpu.vector_load_idx %arg12[%add3A_648, %broadcast_in_dim3A_653] : memref<128x16xf32, #tpu.memory_space<vmem>>[vector<16xi32>, vector<16xi32>], vector<16xf32>,
      %add3A_655 = arith.addf %gather3A_651, %gather3A_654 : vector<16xf32>
      %ge3A_656 = arith.constant 0.000000e+00 : f32
      %ge3A_657 = vector.broadcast %ge3A_656 : f32 to vector<16xf32>
      %ge3A_658 = arith.cmpf oge, %add3A_655, %ge3A_657 : vector<16xf32>
      %mul3A_659 = arith.constant 2.000000e-01 : f32
      %mul3A_660 = vector.broadcast %mul3A_659 : f32 to vector<16xf32>
      %mul3A_661 = arith.mulf %add3A_655, %mul3A_660 : vector<16xf32>
      %select_n3A_662 = arith.select %ge3A_658, %add3A_655, %mul3A_661 : vector<16xi1>, vector<16xf32>
      %exp3A_663 = math.exp %select_n3A_662 : vector<16xf32>
      %mul3A_664 = arith.mulf %exp3A_663, %get3A_645 : vector<16xf32>
      %mul3A_665 = arith.constant 4 : i32
      %mul3A_666 = vector.broadcast %mul3A_665 : i32 to vector<16xi32>
      %mul3A_667 = arith.muli %add3A_648, %mul3A_666 : vector<16xi32>
      %add3A_668 = arith.constant 0 : i32
      %add3A_669 = vector.broadcast %add3A_668 : i32 to vector<16xi32>
      %add3A_670 = arith.addi %mul3A_667, %add3A_669 : vector<16xi32>
      tpu.vector_store_idx %arg13[%add3A_670], %mul3A_664 : memref<512xf32, #tpu.memory_space<vmem>>[vector<16xi32>], vector<16xf32>,
      %broadcast_in_dim3A_671 = arith.constant 128 : i32
      %broadcast_in_dim3A_672 = vector.broadcast %broadcast_in_dim3A_671 : i32 to vector<16xi32>
      tpu.vector_store_idx %arg11[%add3A_648, %broadcast_in_dim3A_672], %mul3A_664 : memref<128x144xf32, #tpu.memory_space<vmem>>[vector<16xi32>, vector<16xi32>], vector<16xf32>,
      %broadcast_in_dim3A_673 = arith.constant 129 : i32
      %broadcast_in_dim3A_674 = vector.broadcast %broadcast_in_dim3A_673 : i32 to vector<16xi32>
      %gather3A_675 = tpu.vector_load_idx %arg11[%add3A_648, %broadcast_in_dim3A_674] : memref<128x144xf32, #tpu.memory_space<vmem>>[vector<16xi32>, vector<16xi32>], vector<16xf32>,
      %broadcast_in_dim3A_676 = arith.constant 1 : i32
      %broadcast_in_dim3A_677 = vector.broadcast %broadcast_in_dim3A_676 : i32 to vector<16xi32>
      %gather3A_678 = tpu.vector_load_idx %arg12[%add3A_648, %broadcast_in_dim3A_677] : memref<128x16xf32, #tpu.memory_space<vmem>>[vector<16xi32>, vector<16xi32>], vector<16xf32>,
      %add3A_679 = arith.addf %gather3A_675, %gather3A_678 : vector<16xf32>
      %ge3A_680 = arith.constant 0.000000e+00 : f32
      %ge3A_681 = vector.broadcast %ge3A_680 : f32 to vector<16xf32>
      %ge3A_682 = arith.cmpf oge, %add3A_679, %ge3A_681 : vector<16xf32>
      %mul3A_683 = arith.constant 2.000000e-01 : f32
      %mul3A_684 = vector.broadcast %mul3A_683 : f32 to vector<16xf32>
      %mul3A_685 = arith.mulf %add3A_679, %mul3A_684 : vector<16xf32>
      %select_n3A_686 = arith.select %ge3A_682, %add3A_679, %mul3A_685 : vector<16xi1>, vector<16xf32>
      %exp3A_687 = math.exp %select_n3A_686 : vector<16xf32>
      %mul3A_688 = arith.mulf %exp3A_687, %get3A_645 : vector<16xf32>
      %mul3A_689 = arith.constant 4 : i32
      %mul3A_690 = vector.broadcast %mul3A_689 : i32 to vector<16xi32>
      %mul3A_691 = arith.muli %add3A_648, %mul3A_690 : vector<16xi32>
      %add3A_692 = arith.constant 1 : i32
      %add3A_693 = vector.broadcast %add3A_692 : i32 to vector<16xi32>
      %add3A_694 = arith.addi %mul3A_691, %add3A_693 : vector<16xi32>
      tpu.vector_store_idx %arg13[%add3A_694], %mul3A_688 : memref<512xf32, #tpu.memory_space<vmem>>[vector<16xi32>], vector<16xf32>,
      %broadcast_in_dim3A_695 = arith.constant 129 : i32
      %broadcast_in_dim3A_696 = vector.broadcast %broadcast_in_dim3A_695 : i32 to vector<16xi32>
      tpu.vector_store_idx %arg11[%add3A_648, %broadcast_in_dim3A_696], %mul3A_688 : memref<128x144xf32, #tpu.memory_space<vmem>>[vector<16xi32>, vector<16xi32>], vector<16xf32>,
      %broadcast_in_dim3A_697 = arith.constant 130 : i32
      %broadcast_in_dim3A_698 = vector.broadcast %broadcast_in_dim3A_697 : i32 to vector<16xi32>
      %gather3A_699 = tpu.vector_load_idx %arg11[%add3A_648, %broadcast_in_dim3A_698] : memref<128x144xf32, #tpu.memory_space<vmem>>[vector<16xi32>, vector<16xi32>], vector<16xf32>,
      %broadcast_in_dim3A_700 = arith.constant 2 : i32
      %broadcast_in_dim3A_701 = vector.broadcast %broadcast_in_dim3A_700 : i32 to vector<16xi32>
      %gather3A_702 = tpu.vector_load_idx %arg12[%add3A_648, %broadcast_in_dim3A_701] : memref<128x16xf32, #tpu.memory_space<vmem>>[vector<16xi32>, vector<16xi32>], vector<16xf32>,
      %add3A_703 = arith.addf %gather3A_699, %gather3A_702 : vector<16xf32>
      %ge3A_704 = arith.constant 0.000000e+00 : f32
      %ge3A_705 = vector.broadcast %ge3A_704 : f32 to vector<16xf32>
      %ge3A_706 = arith.cmpf oge, %add3A_703, %ge3A_705 : vector<16xf32>
      %mul3A_707 = arith.constant 2.000000e-01 : f32
      %mul3A_708 = vector.broadcast %mul3A_707 : f32 to vector<16xf32>
      %mul3A_709 = arith.mulf %add3A_703, %mul3A_708 : vector<16xf32>
      %select_n3A_710 = arith.select %ge3A_706, %add3A_703, %mul3A_709 : vector<16xi1>, vector<16xf32>
      %exp3A_711 = math.exp %select_n3A_710 : vector<16xf32>
      %mul3A_712 = arith.mulf %exp3A_711, %get3A_645 : vector<16xf32>
      %mul3A_713 = arith.constant 4 : i32
      %mul3A_714 = vector.broadcast %mul3A_713 : i32 to vector<16xi32>
      %mul3A_715 = arith.muli %add3A_648, %mul3A_714 : vector<16xi32>
      %add3A_716 = arith.constant 2 : i32
      %add3A_717 = vector.broadcast %add3A_716 : i32 to vector<16xi32>
      %add3A_718 = arith.addi %mul3A_715, %add3A_717 : vector<16xi32>
      tpu.vector_store_idx %arg13[%add3A_718], %mul3A_712 : memref<512xf32, #tpu.memory_space<vmem>>[vector<16xi32>], vector<16xf32>,
      %broadcast_in_dim3A_719 = arith.constant 130 : i32
      %broadcast_in_dim3A_720 = vector.broadcast %broadcast_in_dim3A_719 : i32 to vector<16xi32>
      tpu.vector_store_idx %arg11[%add3A_648, %broadcast_in_dim3A_720], %mul3A_712 : memref<128x144xf32, #tpu.memory_space<vmem>>[vector<16xi32>, vector<16xi32>], vector<16xf32>,
      %broadcast_in_dim3A_721 = arith.constant 131 : i32
      %broadcast_in_dim3A_722 = vector.broadcast %broadcast_in_dim3A_721 : i32 to vector<16xi32>
      %gather3A_723 = tpu.vector_load_idx %arg11[%add3A_648, %broadcast_in_dim3A_722] : memref<128x144xf32, #tpu.memory_space<vmem>>[vector<16xi32>, vector<16xi32>], vector<16xf32>,
      %broadcast_in_dim3A_724 = arith.constant 3 : i32
      %broadcast_in_dim3A_725 = vector.broadcast %broadcast_in_dim3A_724 : i32 to vector<16xi32>
      %gather3A_726 = tpu.vector_load_idx %arg12[%add3A_648, %broadcast_in_dim3A_725] : memref<128x16xf32, #tpu.memory_space<vmem>>[vector<16xi32>, vector<16xi32>], vector<16xf32>,
      %add3A_727 = arith.addf %gather3A_723, %gather3A_726 : vector<16xf32>
      %ge3A_728 = arith.constant 0.000000e+00 : f32
      %ge3A_729 = vector.broadcast %ge3A_728 : f32 to vector<16xf32>
      %ge3A_730 = arith.cmpf oge, %add3A_727, %ge3A_729 : vector<16xf32>
      %mul3A_731 = arith.constant 2.000000e-01 : f32
      %mul3A_732 = vector.broadcast %mul3A_731 : f32 to vector<16xf32>
      %mul3A_733 = arith.mulf %add3A_727, %mul3A_732 : vector<16xf32>
      %select_n3A_734 = arith.select %ge3A_730, %add3A_727, %mul3A_733 : vector<16xi1>, vector<16xf32>
      %exp3A_735 = math.exp %select_n3A_734 : vector<16xf32>
      %mul3A_736 = arith.mulf %exp3A_735, %get3A_645 : vector<16xf32>
      %mul3A_737 = arith.constant 4 : i32
      %mul3A_738 = vector.broadcast %mul3A_737 : i32 to vector<16xi32>
      %mul3A_739 = arith.muli %add3A_648, %mul3A_738 : vector<16xi32>
      %add3A_740 = arith.constant 3 : i32
      %add3A_741 = vector.broadcast %add3A_740 : i32 to vector<16xi32>
      %add3A_742 = arith.addi %mul3A_739, %add3A_741 : vector<16xi32>
      tpu.vector_store_idx %arg13[%add3A_742], %mul3A_736 : memref<512xf32, #tpu.memory_space<vmem>>[vector<16xi32>], vector<16xf32>,
      %broadcast_in_dim3A_743 = arith.constant 131 : i32
      %broadcast_in_dim3A_744 = vector.broadcast %broadcast_in_dim3A_743 : i32 to vector<16xi32>
      tpu.vector_store_idx %arg11[%add3A_648, %broadcast_in_dim3A_744], %mul3A_736 : memref<128x144xf32, #tpu.memory_space<vmem>>[vector<16xi32>, vector<16xi32>], vector<16xf32>,
      %get3A_745 = arith.constant 112 : index
      %get3A_746 = tpu.vector_load %arg10[%get3A_745] {strides = array<i32>} : memref<128xf32, #tpu.memory_space<vmem>>, vector<16xf32>,
      %add3A_747 = arith.constant 112 : i32
      %add3A_748 = vector.broadcast %add3A_747 : i32 to vector<16xi32>
      %add3A_749 = arith.addi %iota3A, %add3A_748 : vector<16xi32>
      %broadcast_in_dim3A_750 = arith.constant 128 : i32
      %broadcast_in_dim3A_751 = vector.broadcast %broadcast_in_dim3A_750 : i32 to vector<16xi32>
      %gather3A_752 = tpu.vector_load_idx %arg11[%add3A_749, %broadcast_in_dim3A_751] : memref<128x144xf32, #tpu.memory_space<vmem>>[vector<16xi32>, vector<16xi32>], vector<16xf32>,
      %broadcast_in_dim3A_753 = arith.constant 0 : i32
      %broadcast_in_dim3A_754 = vector.broadcast %broadcast_in_dim3A_753 : i32 to vector<16xi32>
      %gather3A_755 = tpu.vector_load_idx %arg12[%add3A_749, %broadcast_in_dim3A_754] : memref<128x16xf32, #tpu.memory_space<vmem>>[vector<16xi32>, vector<16xi32>], vector<16xf32>,
      %add3A_756 = arith.addf %gather3A_752, %gather3A_755 : vector<16xf32>
      %ge3A_757 = arith.constant 0.000000e+00 : f32
      %ge3A_758 = vector.broadcast %ge3A_757 : f32 to vector<16xf32>
      %ge3A_759 = arith.cmpf oge, %add3A_756, %ge3A_758 : vector<16xf32>
      %mul3A_760 = arith.constant 2.000000e-01 : f32
      %mul3A_761 = vector.broadcast %mul3A_760 : f32 to vector<16xf32>
      %mul3A_762 = arith.mulf %add3A_756, %mul3A_761 : vector<16xf32>
      %select_n3A_763 = arith.select %ge3A_759, %add3A_756, %mul3A_762 : vector<16xi1>, vector<16xf32>
      %exp3A_764 = math.exp %select_n3A_763 : vector<16xf32>
      %mul3A_765 = arith.mulf %exp3A_764, %get3A_746 : vector<16xf32>
      %mul3A_766 = arith.constant 4 : i32
      %mul3A_767 = vector.broadcast %mul3A_766 : i32 to vector<16xi32>
      %mul3A_768 = arith.muli %add3A_749, %mul3A_767 : vector<16xi32>
      %add3A_769 = arith.constant 0 : i32
      %add3A_770 = vector.broadcast %add3A_769 : i32 to vector<16xi32>
      %add3A_771 = arith.addi %mul3A_768, %add3A_770 : vector<16xi32>
      tpu.vector_store_idx %arg13[%add3A_771], %mul3A_765 : memref<512xf32, #tpu.memory_space<vmem>>[vector<16xi32>], vector<16xf32>,
      %broadcast_in_dim3A_772 = arith.constant 128 : i32
      %broadcast_in_dim3A_773 = vector.broadcast %broadcast_in_dim3A_772 : i32 to vector<16xi32>
      tpu.vector_store_idx %arg11[%add3A_749, %broadcast_in_dim3A_773], %mul3A_765 : memref<128x144xf32, #tpu.memory_space<vmem>>[vector<16xi32>, vector<16xi32>], vector<16xf32>,
      %broadcast_in_dim3A_774 = arith.constant 129 : i32
      %broadcast_in_dim3A_775 = vector.broadcast %broadcast_in_dim3A_774 : i32 to vector<16xi32>
      %gather3A_776 = tpu.vector_load_idx %arg11[%add3A_749, %broadcast_in_dim3A_775] : memref<128x144xf32, #tpu.memory_space<vmem>>[vector<16xi32>, vector<16xi32>], vector<16xf32>,
      %broadcast_in_dim3A_777 = arith.constant 1 : i32
      %broadcast_in_dim3A_778 = vector.broadcast %broadcast_in_dim3A_777 : i32 to vector<16xi32>
      %gather3A_779 = tpu.vector_load_idx %arg12[%add3A_749, %broadcast_in_dim3A_778] : memref<128x16xf32, #tpu.memory_space<vmem>>[vector<16xi32>, vector<16xi32>], vector<16xf32>,
      %add3A_780 = arith.addf %gather3A_776, %gather3A_779 : vector<16xf32>
      %ge3A_781 = arith.constant 0.000000e+00 : f32
      %ge3A_782 = vector.broadcast %ge3A_781 : f32 to vector<16xf32>
      %ge3A_783 = arith.cmpf oge, %add3A_780, %ge3A_782 : vector<16xf32>
      %mul3A_784 = arith.constant 2.000000e-01 : f32
      %mul3A_785 = vector.broadcast %mul3A_784 : f32 to vector<16xf32>
      %mul3A_786 = arith.mulf %add3A_780, %mul3A_785 : vector<16xf32>
      %select_n3A_787 = arith.select %ge3A_783, %add3A_780, %mul3A_786 : vector<16xi1>, vector<16xf32>
      %exp3A_788 = math.exp %select_n3A_787 : vector<16xf32>
      %mul3A_789 = arith.mulf %exp3A_788, %get3A_746 : vector<16xf32>
      %mul3A_790 = arith.constant 4 : i32
      %mul3A_791 = vector.broadcast %mul3A_790 : i32 to vector<16xi32>
      %mul3A_792 = arith.muli %add3A_749, %mul3A_791 : vector<16xi32>
      %add3A_793 = arith.constant 1 : i32
      %add3A_794 = vector.broadcast %add3A_793 : i32 to vector<16xi32>
      %add3A_795 = arith.addi %mul3A_792, %add3A_794 : vector<16xi32>
      tpu.vector_store_idx %arg13[%add3A_795], %mul3A_789 : memref<512xf32, #tpu.memory_space<vmem>>[vector<16xi32>], vector<16xf32>,
      %broadcast_in_dim3A_796 = arith.constant 129 : i32
      %broadcast_in_dim3A_797 = vector.broadcast %broadcast_in_dim3A_796 : i32 to vector<16xi32>
      tpu.vector_store_idx %arg11[%add3A_749, %broadcast_in_dim3A_797], %mul3A_789 : memref<128x144xf32, #tpu.memory_space<vmem>>[vector<16xi32>, vector<16xi32>], vector<16xf32>,
      %broadcast_in_dim3A_798 = arith.constant 130 : i32
      %broadcast_in_dim3A_799 = vector.broadcast %broadcast_in_dim3A_798 : i32 to vector<16xi32>
      %gather3A_800 = tpu.vector_load_idx %arg11[%add3A_749, %broadcast_in_dim3A_799] : memref<128x144xf32, #tpu.memory_space<vmem>>[vector<16xi32>, vector<16xi32>], vector<16xf32>,
      %broadcast_in_dim3A_801 = arith.constant 2 : i32
      %broadcast_in_dim3A_802 = vector.broadcast %broadcast_in_dim3A_801 : i32 to vector<16xi32>
      %gather3A_803 = tpu.vector_load_idx %arg12[%add3A_749, %broadcast_in_dim3A_802] : memref<128x16xf32, #tpu.memory_space<vmem>>[vector<16xi32>, vector<16xi32>], vector<16xf32>,
      %add3A_804 = arith.addf %gather3A_800, %gather3A_803 : vector<16xf32>
      %ge3A_805 = arith.constant 0.000000e+00 : f32
      %ge3A_806 = vector.broadcast %ge3A_805 : f32 to vector<16xf32>
      %ge3A_807 = arith.cmpf oge, %add3A_804, %ge3A_806 : vector<16xf32>
      %mul3A_808 = arith.constant 2.000000e-01 : f32
      %mul3A_809 = vector.broadcast %mul3A_808 : f32 to vector<16xf32>
      %mul3A_810 = arith.mulf %add3A_804, %mul3A_809 : vector<16xf32>
      %select_n3A_811 = arith.select %ge3A_807, %add3A_804, %mul3A_810 : vector<16xi1>, vector<16xf32>
      %exp3A_812 = math.exp %select_n3A_811 : vector<16xf32>
      %mul3A_813 = arith.mulf %exp3A_812, %get3A_746 : vector<16xf32>
      %mul3A_814 = arith.constant 4 : i32
      %mul3A_815 = vector.broadcast %mul3A_814 : i32 to vector<16xi32>
      %mul3A_816 = arith.muli %add3A_749, %mul3A_815 : vector<16xi32>
      %add3A_817 = arith.constant 2 : i32
      %add3A_818 = vector.broadcast %add3A_817 : i32 to vector<16xi32>
      %add3A_819 = arith.addi %mul3A_816, %add3A_818 : vector<16xi32>
      tpu.vector_store_idx %arg13[%add3A_819], %mul3A_813 : memref<512xf32, #tpu.memory_space<vmem>>[vector<16xi32>], vector<16xf32>,
      %broadcast_in_dim3A_820 = arith.constant 130 : i32
      %broadcast_in_dim3A_821 = vector.broadcast %broadcast_in_dim3A_820 : i32 to vector<16xi32>
      tpu.vector_store_idx %arg11[%add3A_749, %broadcast_in_dim3A_821], %mul3A_813 : memref<128x144xf32, #tpu.memory_space<vmem>>[vector<16xi32>, vector<16xi32>], vector<16xf32>,
      %broadcast_in_dim3A_822 = arith.constant 131 : i32
      %broadcast_in_dim3A_823 = vector.broadcast %broadcast_in_dim3A_822 : i32 to vector<16xi32>
      %gather3A_824 = tpu.vector_load_idx %arg11[%add3A_749, %broadcast_in_dim3A_823] : memref<128x144xf32, #tpu.memory_space<vmem>>[vector<16xi32>, vector<16xi32>], vector<16xf32>,
      %broadcast_in_dim3A_825 = arith.constant 3 : i32
      %broadcast_in_dim3A_826 = vector.broadcast %broadcast_in_dim3A_825 : i32 to vector<16xi32>
      %gather3A_827 = tpu.vector_load_idx %arg12[%add3A_749, %broadcast_in_dim3A_826] : memref<128x16xf32, #tpu.memory_space<vmem>>[vector<16xi32>, vector<16xi32>], vector<16xf32>,
      %add3A_828 = arith.addf %gather3A_824, %gather3A_827 : vector<16xf32>
      %ge3A_829 = arith.constant 0.000000e+00 : f32
      %ge3A_830 = vector.broadcast %ge3A_829 : f32 to vector<16xf32>
      %ge3A_831 = arith.cmpf oge, %add3A_828, %ge3A_830 : vector<16xf32>
      %mul3A_832 = arith.constant 2.000000e-01 : f32
      %mul3A_833 = vector.broadcast %mul3A_832 : f32 to vector<16xf32>
      %mul3A_834 = arith.mulf %add3A_828, %mul3A_833 : vector<16xf32>
      %select_n3A_835 = arith.select %ge3A_831, %add3A_828, %mul3A_834 : vector<16xi1>, vector<16xf32>
      %exp3A_836 = math.exp %select_n3A_835 : vector<16xf32>
      %mul3A_837 = arith.mulf %exp3A_836, %get3A_746 : vector<16xf32>
      %mul3A_838 = arith.constant 4 : i32
      %mul3A_839 = vector.broadcast %mul3A_838 : i32 to vector<16xi32>
      %mul3A_840 = arith.muli %add3A_749, %mul3A_839 : vector<16xi32>
      %add3A_841 = arith.constant 3 : i32
      %add3A_842 = vector.broadcast %add3A_841 : i32 to vector<16xi32>
      %add3A_843 = arith.addi %mul3A_840, %add3A_842 : vector<16xi32>
      tpu.vector_store_idx %arg13[%add3A_843], %mul3A_837 : memref<512xf32, #tpu.memory_space<vmem>>[vector<16xi32>], vector<16xf32>,
      %broadcast_in_dim3A_844 = arith.constant 131 : i32
      %broadcast_in_dim3A_845 = vector.broadcast %broadcast_in_dim3A_844 : i32 to vector<16xi32>
      tpu.vector_store_idx %arg11[%add3A_749, %broadcast_in_dim3A_845], %mul3A_837 : memref<128x144xf32, #tpu.memory_space<vmem>>[vector<16xi32>, vector<16xi32>], vector<16xf32>,
      %scan3A_846 = arith.constant 0 : i32
      %scan3A_847 = arith.constant 0 : i32
      %scan3A_848 = arith.constant 128 : i32
      %scan3A_849 = arith.addi %scan3A_847, %scan3A_848 : i32
      %scan3A_850 = arith.constant 1 : i32
      %scan3A_851 = scf.for %scan3A_854 = %scan3A_847 to %scan3A_849 step %scan3A_850 iter_args(%scan3A_855 = %scan3A_846) -> (i32)  : i32 {
        %mul3A_856 = arith.constant 4 : i32
        %mul3A_857 = arith.muli %scan3A_854, %mul3A_856 : i32
        %add3A_858 = arith.constant 0 : i32
        %add3A_859 = arith.addi %mul3A_857, %add3A_858 : i32
        %broadcast_in_dim3A_860 = vector.broadcast %add3A_859 : i32 to vector<16xi32>
        %gather3A_861 = tpu.vector_load_idx %arg13[%broadcast_in_dim3A_860] : memref<512xf32, #tpu.memory_space<vmem>>[vector<16xi32>], vector<16xf32>,
        %get3A_862 = arith.index_cast %scan3A_854 : i32 to index
        %get3A_863 = arith.constant 0 : index
        %get3A_864 = tpu.vector_load %arg11[%get3A_862, %get3A_863] {strides = array<i32>} : memref<128x144xf32, #tpu.memory_space<vmem>>, vector<16xf32>,
        %mul3A_865 = arith.mulf %get3A_864, %gather3A_861 : vector<16xf32>
        %swap3A = arith.index_cast %scan3A_854 : i32 to index
        %swap3A_866 = arith.constant 0 : index
        %swap3A_867 = tpu.vector_load %arg11[%swap3A, %swap3A_866] {strides = array<i32>} : memref<128x144xf32, #tpu.memory_space<vmem>>, vector<16xf32>,
        tpu.vector_store %arg11[%swap3A, %swap3A_866], %mul3A_865 {strides = array<i32>} : memref<128x144xf32, #tpu.memory_space<vmem>>, vector<16xf32>,
        %get3A_868 = arith.index_cast %scan3A_854 : i32 to index
        %get3A_869 = arith.constant 16 : index
        %get3A_870 = tpu.vector_load %arg11[%get3A_868, %get3A_869] {strides = array<i32>} : memref<128x144xf32, #tpu.memory_space<vmem>>, vector<16xf32>,
        %mul3A_871 = arith.mulf %get3A_870, %gather3A_861 : vector<16xf32>
        %swap3A_872 = arith.index_cast %scan3A_854 : i32 to index
        %swap3A_873 = arith.constant 16 : index
        %swap3A_874 = tpu.vector_load %arg11[%swap3A_872, %swap3A_873] {strides = array<i32>} : memref<128x144xf32, #tpu.memory_space<vmem>>, vector<16xf32>,
        tpu.vector_store %arg11[%swap3A_872, %swap3A_873], %mul3A_871 {strides = array<i32>} : memref<128x144xf32, #tpu.memory_space<vmem>>, vector<16xf32>,
        %mul3A_875 = arith.constant 4 : i32
        %mul3A_876 = arith.muli %scan3A_854, %mul3A_875 : i32
        %add3A_877 = arith.constant 1 : i32
        %add3A_878 = arith.addi %mul3A_876, %add3A_877 : i32
        %broadcast_in_dim3A_879 = vector.broadcast %add3A_878 : i32 to vector<16xi32>
        %gather3A_880 = tpu.vector_load_idx %arg13[%broadcast_in_dim3A_879] : memref<512xf32, #tpu.memory_space<vmem>>[vector<16xi32>], vector<16xf32>,
        %get3A_881 = arith.index_cast %scan3A_854 : i32 to index
        %get3A_882 = arith.constant 32 : index
        %get3A_883 = tpu.vector_load %arg11[%get3A_881, %get3A_882] {strides = array<i32>} : memref<128x144xf32, #tpu.memory_space<vmem>>, vector<16xf32>,
        %mul3A_884 = arith.mulf %get3A_883, %gather3A_880 : vector<16xf32>
        %swap3A_885 = arith.index_cast %scan3A_854 : i32 to index
        %swap3A_886 = arith.constant 32 : index
        %swap3A_887 = tpu.vector_load %arg11[%swap3A_885, %swap3A_886] {strides = array<i32>} : memref<128x144xf32, #tpu.memory_space<vmem>>, vector<16xf32>,
        tpu.vector_store %arg11[%swap3A_885, %swap3A_886], %mul3A_884 {strides = array<i32>} : memref<128x144xf32, #tpu.memory_space<vmem>>, vector<16xf32>,
        %get3A_888 = arith.index_cast %scan3A_854 : i32 to index
        %get3A_889 = arith.constant 48 : index
        %get3A_890 = tpu.vector_load %arg11[%get3A_888, %get3A_889] {strides = array<i32>} : memref<128x144xf32, #tpu.memory_space<vmem>>, vector<16xf32>,
        %mul3A_891 = arith.mulf %get3A_890, %gather3A_880 : vector<16xf32>
        %swap3A_892 = arith.index_cast %scan3A_854 : i32 to index
        %swap3A_893 = arith.constant 48 : index
        %swap3A_894 = tpu.vector_load %arg11[%swap3A_892, %swap3A_893] {strides = array<i32>} : memref<128x144xf32, #tpu.memory_space<vmem>>, vector<16xf32>,
        tpu.vector_store %arg11[%swap3A_892, %swap3A_893], %mul3A_891 {strides = array<i32>} : memref<128x144xf32, #tpu.memory_space<vmem>>, vector<16xf32>,
        %mul3A_895 = arith.constant 4 : i32
        %mul3A_896 = arith.muli %scan3A_854, %mul3A_895 : i32
        %add3A_897 = arith.constant 2 : i32
        %add3A_898 = arith.addi %mul3A_896, %add3A_897 : i32
        %broadcast_in_dim3A_899 = vector.broadcast %add3A_898 : i32 to vector<16xi32>
        %gather3A_900 = tpu.vector_load_idx %arg13[%broadcast_in_dim3A_899] : memref<512xf32, #tpu.memory_space<vmem>>[vector<16xi32>], vector<16xf32>,
        %get3A_901 = arith.index_cast %scan3A_854 : i32 to index
        %get3A_902 = arith.constant 64 : index
        %get3A_903 = tpu.vector_load %arg11[%get3A_901, %get3A_902] {strides = array<i32>} : memref<128x144xf32, #tpu.memory_space<vmem>>, vector<16xf32>,
        %mul3A_904 = arith.mulf %get3A_903, %gather3A_900 : vector<16xf32>
        %swap3A_905 = arith.index_cast %scan3A_854 : i32 to index
        %swap3A_906 = arith.constant 64 : index
        %swap3A_907 = tpu.vector_load %arg11[%swap3A_905, %swap3A_906] {strides = array<i32>} : memref<128x144xf32, #tpu.memory_space<vmem>>, vector<16xf32>,
        tpu.vector_store %arg11[%swap3A_905, %swap3A_906], %mul3A_904 {strides = array<i32>} : memref<128x144xf32, #tpu.memory_space<vmem>>, vector<16xf32>,
        %get3A_908 = arith.index_cast %scan3A_854 : i32 to index
        %get3A_909 = arith.constant 80 : index
        %get3A_910 = tpu.vector_load %arg11[%get3A_908, %get3A_909] {strides = array<i32>} : memref<128x144xf32, #tpu.memory_space<vmem>>, vector<16xf32>,
        %mul3A_911 = arith.mulf %get3A_910, %gather3A_900 : vector<16xf32>
        %swap3A_912 = arith.index_cast %scan3A_854 : i32 to index
        %swap3A_913 = arith.constant 80 : index
        %swap3A_914 = tpu.vector_load %arg11[%swap3A_912, %swap3A_913] {strides = array<i32>} : memref<128x144xf32, #tpu.memory_space<vmem>>, vector<16xf32>,
        tpu.vector_store %arg11[%swap3A_912, %swap3A_913], %mul3A_911 {strides = array<i32>} : memref<128x144xf32, #tpu.memory_space<vmem>>, vector<16xf32>,
        %mul3A_915 = arith.constant 4 : i32
        %mul3A_916 = arith.muli %scan3A_854, %mul3A_915 : i32
        %add3A_917 = arith.constant 3 : i32
        %add3A_918 = arith.addi %mul3A_916, %add3A_917 : i32
        %broadcast_in_dim3A_919 = vector.broadcast %add3A_918 : i32 to vector<16xi32>
        %gather3A_920 = tpu.vector_load_idx %arg13[%broadcast_in_dim3A_919] : memref<512xf32, #tpu.memory_space<vmem>>[vector<16xi32>], vector<16xf32>,
        %get3A_921 = arith.index_cast %scan3A_854 : i32 to index
        %get3A_922 = arith.constant 96 : index
        %get3A_923 = tpu.vector_load %arg11[%get3A_921, %get3A_922] {strides = array<i32>} : memref<128x144xf32, #tpu.memory_space<vmem>>, vector<16xf32>,
        %mul3A_924 = arith.mulf %get3A_923, %gather3A_920 : vector<16xf32>
        %swap3A_925 = arith.index_cast %scan3A_854 : i32 to index
        %swap3A_926 = arith.constant 96 : index
        %swap3A_927 = tpu.vector_load %arg11[%swap3A_925, %swap3A_926] {strides = array<i32>} : memref<128x144xf32, #tpu.memory_space<vmem>>, vector<16xf32>,
        tpu.vector_store %arg11[%swap3A_925, %swap3A_926], %mul3A_924 {strides = array<i32>} : memref<128x144xf32, #tpu.memory_space<vmem>>, vector<16xf32>,
        %get3A_928 = arith.index_cast %scan3A_854 : i32 to index
        %get3A_929 = arith.constant 112 : index
        %get3A_930 = tpu.vector_load %arg11[%get3A_928, %get3A_929] {strides = array<i32>} : memref<128x144xf32, #tpu.memory_space<vmem>>, vector<16xf32>,
        %mul3A_931 = arith.mulf %get3A_930, %gather3A_920 : vector<16xf32>
        %swap3A_932 = arith.index_cast %scan3A_854 : i32 to index
        %swap3A_933 = arith.constant 112 : index
        %swap3A_934 = tpu.vector_load %arg11[%swap3A_932, %swap3A_933] {strides = array<i32>} : memref<128x144xf32, #tpu.memory_space<vmem>>, vector<16xf32>,
        tpu.vector_store %arg11[%swap3A_932, %swap3A_933], %mul3A_931 {strides = array<i32>} : memref<128x144xf32, #tpu.memory_space<vmem>>, vector<16xf32>,
        %scan3A_935 = arith.constant 0 : i32
        scf.yield %scan3A_935 : i32
      }
      %scan3A_852 = arith.constant 128 : i32
      "tpu.region"() ({
        %run_scoped3A = tpu.sem_alloc : memref<!tpu.dma_semaphore, #tpu.memory_space<semaphore_mem>>
        %dma_start3A_854 = arith.constant 0 : i32
        %dma_start3A_855 = arith.constant 0 : i32
        %dma_start3A_856 = tpu.memref_slice %arg14[%dma_start3A_854, %dma_start3A_855] : memref<10240x144xf32, #tpu.memory_space<vmem_shared>> -> memref<10240x144xf32, #tpu.memory_space<vmem_shared>>
        tpu.enqueue_indirect_dma source(%arg11 : memref<128x144xf32, #tpu.memory_space<vmem>>) target(%dma_start3A_856 : memref<10240x144xf32, #tpu.memory_space<vmem_shared>>) offsets(%arg9 : memref<128xi32, #tpu.memory_space<vmem>>) semaphore(%run_scoped3A : memref<!tpu.dma_semaphore, #tpu.memory_space<semaphore_mem>>) {add = true}
        %dma_wait3A_857 = arith.constant 0 : i32
        %dma_wait3A_858 = arith.constant 0 : i32
        %dma_wait3A_859 = tpu.memref_slice %arg14[%dma_wait3A_857, %dma_wait3A_858] : memref<10240x144xf32, #tpu.memory_space<vmem_shared>> -> memref<10240x144xf32, #tpu.memory_space<vmem_shared>>
        tpu.wait_indirect_dma semaphore(%run_scoped3A : memref<!tpu.dma_semaphore, #tpu.memory_space<semaphore_mem>>) src(%arg11 : memref<128x144xf32, #tpu.memory_space<vmem>>) dst(%dma_wait3A_859 : memref<10240x144xf32, #tpu.memory_space<vmem_shared>>)
        tpu.yield
      }) : () -> ()
      %scan3A_853 = arith.constant 0 : i32
      scf.yield %scan3A_853 : i32
    }
    %scan3A_27 = arith.constant 79 : i32
    %barrier3A_28 = arith.constant 0 : index
    tpu.barrier barrier_id(%barrier3A_28)
    "tpu.region"() ({
      %run_scoped3A = tpu.sem_alloc : memref<!tpu.dma_semaphore, #tpu.memory_space<semaphore_mem>>
      %dma_start3A = arith.constant 0 : i32
      %dma_start3A_29 = tpu.memref_slice %arg7[%arg0, %mul3A_8, %dma_start3A] : memref<2x10240x144xf32, #tpu.memory_space<hbm>> -> memref<1x640x144xf32, #tpu.memory_space<hbm>>
      %dma_start3A_30 = tpu.memref_squeeze %dma_start3A_29 : memref<1x640x144xf32, #tpu.memory_space<hbm>> -> memref<640x144xf32, #tpu.memory_space<hbm>>
      %dma_start3A_31 = arith.constant 0 : i32
      %dma_start3A_32 = tpu.memref_slice %arg14[%mul3A_8, %dma_start3A_31] : memref<10240x144xf32, #tpu.memory_space<vmem_shared>> -> memref<640x144xf32, #tpu.memory_space<vmem_shared>>
      tpu.enqueue_dma source(%dma_start3A_32 : memref<640x144xf32, #tpu.memory_space<vmem_shared>>) target(%dma_start3A_30 : memref<640x144xf32, #tpu.memory_space<hbm>>) target_semaphore(%run_scoped3A : memref<!tpu.dma_semaphore, #tpu.memory_space<semaphore_mem>>)
      %dma_wait3A = arith.constant 0 : i32
      %dma_wait3A_33 = tpu.memref_slice %arg7[%arg0, %mul3A_8, %dma_wait3A] : memref<2x10240x144xf32, #tpu.memory_space<hbm>> -> memref<1x640x144xf32, #tpu.memory_space<hbm>>
      %dma_wait3A_34 = tpu.memref_squeeze %dma_wait3A_33 : memref<1x640x144xf32, #tpu.memory_space<hbm>> -> memref<640x144xf32, #tpu.memory_space<hbm>>
      %dma_wait3A_35 = arith.constant 0 : i32
      %dma_wait3A_36 = tpu.memref_slice %arg14[%mul3A_8, %dma_wait3A_35] : memref<10240x144xf32, #tpu.memory_space<vmem_shared>> -> memref<640x144xf32, #tpu.memory_space<vmem_shared>>
      tpu.wait_dma2 semaphore(%run_scoped3A : memref<!tpu.dma_semaphore, #tpu.memory_space<semaphore_mem>>) src(%dma_wait3A_36 : memref<640x144xf32, #tpu.memory_space<vmem_shared>>) dst(%dma_wait3A_34 : memref<640x144xf32, #tpu.memory_space<hbm>>)
      tpu.yield
    }) : () -> ()
    return
  }
}

module attributes {stable_mosaic.version = 14 : i64} {
  func.func @_tc_pro_body(%arg0: i32, %arg1: memref<128x128xf32, #tpu.memory_space<vmem>>, %arg2: memref<128x32xf32, #tpu.memory_space<vmem>>, %arg3: memref<128x128xf32, #tpu.memory_space<vmem>>, %arg4: memref<128x4xf32, #tpu.memory_space<vmem>>, %arg5: memref<128x4xf32, #tpu.memory_space<vmem>>, %arg6: memref<32x4xf32, #tpu.memory_space<vmem>>, %arg7: memref<128x144xf32, #tpu.memory_space<vmem>>, %arg8: memref<128x16xf32, #tpu.memory_space<vmem>>) attributes {dimension_semantics = [#tpu.dimension_semantics<arbitrary>], iteration_bounds = array<i64: 80>, scalar_prefetch = 0 : i64, scratch_operands = 0 : i64, tpu.core_type = #tpu.core_type<tc>, window_params = [{transform_indices = @transform_0, window_bounds = array<i64: 128, 128>}, {transform_indices = @transform_1, window_bounds = array<i64: 128, 32>}, {pipeline_mode = #tpu.pipeline_mode<synchronous>, transform_indices = @transform_2, window_bounds = array<i64: 128, 128>}, {pipeline_mode = #tpu.pipeline_mode<synchronous>, transform_indices = @transform_3, window_bounds = array<i64: 128, 4>}, {pipeline_mode = #tpu.pipeline_mode<synchronous>, transform_indices = @transform_4, window_bounds = array<i64: 128, 4>}, {pipeline_mode = #tpu.pipeline_mode<synchronous>, transform_indices = @transform_5, window_bounds = array<i64: 32, 4>}, {transform_indices = @transform_6, window_bounds = array<i64: 128, 144>}, {transform_indices = @transform_7, window_bounds = array<i64: 128, 16>}]} {
    %get3A = arith.constant 0 : index
    %get3A_0 = arith.constant 0 : index
    %get3A_1 = vector.load %arg1[%get3A, %get3A_0] : memref<128x128xf32, #tpu.memory_space<vmem>>, vector<128x128xf32>
    %get3A_2 = arith.constant 0 : index
    %get3A_3 = arith.constant 0 : index
    %get3A_4 = vector.load %arg3[%get3A_2, %get3A_3] : memref<128x128xf32, #tpu.memory_space<vmem>>, vector<128x128xf32>
    %dot_general3A = arith.constant dense<0.000000e+00> : vector<128x128xf32>
    %dot_general3A_5 = tpu.matmul %get3A_1, %get3A_4, %dot_general3A {dimension_numbers = #tpu.dot_dimension_numbers<[1], [0], [0], [1], [0, 0, 1, 1], [], []>, transpose_lhs_hint = false} : vector<128x128xf32>, vector<128x128xf32>, vector<128x128xf32> -> vector<128x128xf32>
    %get3A_6 = arith.constant 0 : index
    %get3A_7 = arith.constant 0 : index
    %get3A_8 = vector.load %arg2[%get3A_6, %get3A_7] : memref<128x32xf32, #tpu.memory_space<vmem>>, vector<128x32xf32>
    %cos3A = math.cos %get3A_8 : vector<128x32xf32>
    %get3A_9 = arith.constant 0 : index
    %get3A_10 = arith.constant 0 : index
    %get3A_11 = vector.load %arg4[%get3A_9, %get3A_10] : memref<128x4xf32, #tpu.memory_space<vmem>>, vector<128x4xf32>
    %dot_general3A_12 = arith.constant dense<0.000000e+00> : vector<128x4xf32>
    %dot_general3A_13 = tpu.matmul %dot_general3A_5, %get3A_11, %dot_general3A_12 {dimension_numbers = #tpu.dot_dimension_numbers<[1], [0], [0], [1], [0, 0, 1, 1], [], []>, transpose_lhs_hint = false} : vector<128x128xf32>, vector<128x4xf32>, vector<128x4xf32> -> vector<128x4xf32>
    %get3A_14 = arith.constant 0 : index
    %get3A_15 = arith.constant 0 : index
    %get3A_16 = vector.load %arg6[%get3A_14, %get3A_15] : memref<32x4xf32, #tpu.memory_space<vmem>>, vector<32x4xf32>
    %dot_general3A_17 = arith.constant dense<0.000000e+00> : vector<128x4xf32>
    %dot_general3A_18 = tpu.matmul %cos3A, %get3A_16, %dot_general3A_17 {dimension_numbers = #tpu.dot_dimension_numbers<[1], [0], [0], [1], [0, 0, 1, 1], [], []>, transpose_lhs_hint = false} : vector<128x32xf32>, vector<32x4xf32>, vector<128x4xf32> -> vector<128x4xf32>
    %add3A = arith.addf %dot_general3A_13, %dot_general3A_18 : vector<128x4xf32>
    %get3A_19 = arith.constant 0 : index
    %get3A_20 = arith.constant 0 : index
    %get3A_21 = vector.load %arg5[%get3A_19, %get3A_20] : memref<128x4xf32, #tpu.memory_space<vmem>>, vector<128x4xf32>
    %dot_general3A_22 = arith.constant dense<0.000000e+00> : vector<128x4xf32>
    %dot_general3A_23 = tpu.matmul %dot_general3A_5, %get3A_21, %dot_general3A_22 {dimension_numbers = #tpu.dot_dimension_numbers<[1], [0], [0], [1], [0, 0, 1, 1], [], []>, transpose_lhs_hint = false} : vector<128x128xf32>, vector<128x4xf32>, vector<128x4xf32> -> vector<128x4xf32>
    %broadcast_in_dim3A = arith.constant 0.000000e+00 : f32
    %broadcast_in_dim3A_24 = vector.broadcast %broadcast_in_dim3A : f32 to vector<128x12xf32>
    %concatenate3A = tpu.concatenate %dot_general3A_5, %add3A, %broadcast_in_dim3A_24 in 1 : vector<128x128xf32>, vector<128x4xf32>, vector<128x12xf32> -> vector<128x144xf32>
    %swap3A = arith.constant 0 : index
    %swap3A_25 = arith.constant 0 : index
    %swap3A_26 = vector.load %arg7[%swap3A, %swap3A_25] : memref<128x144xf32, #tpu.memory_space<vmem>>, vector<128x144xf32>
    tpu.vector_store %arg7[%swap3A, %swap3A_25], %concatenate3A {strides = array<i32>} : memref<128x144xf32, #tpu.memory_space<vmem>>, vector<128x144xf32>,
    %broadcast_in_dim3A_27 = arith.constant 0.000000e+00 : f32
    %broadcast_in_dim3A_28 = vector.broadcast %broadcast_in_dim3A_27 : f32 to vector<128x12xf32>
    %concatenate3A_29 = tpu.concatenate %dot_general3A_23, %broadcast_in_dim3A_28 in 1 : vector<128x4xf32>, vector<128x12xf32> -> vector<128x16xf32>
    %swap3A_30 = arith.constant 0 : index
    %swap3A_31 = arith.constant 0 : index
    %swap3A_32 = vector.load %arg8[%swap3A_30, %swap3A_31] : memref<128x16xf32, #tpu.memory_space<vmem>>, vector<128x16xf32>
    tpu.vector_store %arg8[%swap3A_30, %swap3A_31], %concatenate3A_29 {strides = array<i32>} : memref<128x16xf32, #tpu.memory_space<vmem>>, vector<128x16xf32>,
    return
  }
  func.func @transform_0(%arg0: i32) -> (i32, i32) {
    %c0_i32 = arith.constant 0 : i32
    %c0_i32_0 = arith.constant 0 : i32
    return %arg0, %c0_i32 : i32, i32
  }
  func.func @transform_1(%arg0: i32) -> (i32, i32) {
    %c0_i32 = arith.constant 0 : i32
    %c0_i32_0 = arith.constant 0 : i32
    return %arg0, %c0_i32 : i32, i32
  }
  func.func @transform_2(%arg0: i32) -> (i32, i32) {
    %c0_i32 = arith.constant 0 : i32
    %c0_i32_0 = arith.constant 0 : i32
    %c0_i32_1 = arith.constant 0 : i32
    return %c0_i32, %c0_i32_0 : i32, i32
  }
  func.func @transform_3(%arg0: i32) -> (i32, i32) {
    %c0_i32 = arith.constant 0 : i32
    %c0_i32_0 = arith.constant 0 : i32
    %c0_i32_1 = arith.constant 0 : i32
    return %c0_i32, %c0_i32_0 : i32, i32
  }
  func.func @transform_4(%arg0: i32) -> (i32, i32) {
    %c0_i32 = arith.constant 0 : i32
    %c0_i32_0 = arith.constant 0 : i32
    %c0_i32_1 = arith.constant 0 : i32
    return %c0_i32, %c0_i32_0 : i32, i32
  }
  func.func @transform_5(%arg0: i32) -> (i32, i32) {
    %c0_i32 = arith.constant 0 : i32
    %c0_i32_0 = arith.constant 0 : i32
    %c0_i32_1 = arith.constant 0 : i32
    return %c0_i32, %c0_i32_0 : i32, i32
  }
  func.func @transform_6(%arg0: i32) -> (i32, i32) {
    %c0_i32 = arith.constant 0 : i32
    %c0_i32_0 = arith.constant 0 : i32
    return %arg0, %c0_i32 : i32, i32
  }
  func.func @transform_7(%arg0: i32) -> (i32, i32) {
    %c0_i32 = arith.constant 0 : i32
    %c0_i32_0 = arith.constant 0 : i32
    return %arg0, %c0_i32 : i32, i32
  }
}

module attributes {stable_mosaic.version = 14 : i64} {
  func.func @_tc_mid_body(%arg0: i32, %arg1: memref<1x128x144xf32, #tpu.memory_space<vmem>>, %arg2: memref<1x128x144xf32, #tpu.memory_space<vmem>>, %arg3: memref<128x32xf32, #tpu.memory_space<vmem>>, %arg4: memref<128x128xf32, #tpu.memory_space<vmem>>, %arg5: memref<128x4xf32, #tpu.memory_space<vmem>>, %arg6: memref<128x4xf32, #tpu.memory_space<vmem>>, %arg7: memref<32x4xf32, #tpu.memory_space<vmem>>, %arg8: memref<128x144xf32, #tpu.memory_space<vmem>>, %arg9: memref<128x16xf32, #tpu.memory_space<vmem>>) attributes {dimension_semantics = [#tpu.dimension_semantics<arbitrary>], iteration_bounds = array<i64: 80>, scalar_prefetch = 0 : i64, scratch_operands = 0 : i64, tpu.core_type = #tpu.core_type<tc>, window_params = [{transform_indices = @transform_0, window_bounds = array<i64: 1, 128, 144>}, {transform_indices = @transform_1, window_bounds = array<i64: 1, 128, 144>}, {transform_indices = @transform_2, window_bounds = array<i64: 128, 32>}, {pipeline_mode = #tpu.pipeline_mode<synchronous>, transform_indices = @transform_3, window_bounds = array<i64: 128, 128>}, {pipeline_mode = #tpu.pipeline_mode<synchronous>, transform_indices = @transform_4, window_bounds = array<i64: 128, 4>}, {pipeline_mode = #tpu.pipeline_mode<synchronous>, transform_indices = @transform_5, window_bounds = array<i64: 128, 4>}, {pipeline_mode = #tpu.pipeline_mode<synchronous>, transform_indices = @transform_6, window_bounds = array<i64: 32, 4>}, {transform_indices = @transform_7, window_bounds = array<i64: 128, 144>}, {transform_indices = @transform_8, window_bounds = array<i64: 128, 16>}]} {
    %get3A = arith.constant 0 : index
    %get3A_0 = arith.constant 0 : index
    %get3A_1 = arith.constant 0 : index
    %get3A_2 = vector.load %arg1[%get3A, %get3A_0, %get3A_1] : memref<1x128x144xf32, #tpu.memory_space<vmem>>, vector<1x128x144xf32>
    %get3A_3 = vector.shape_cast %get3A_2 : vector<1x128x144xf32> to vector<128x144xf32>
    %get3A_4 = arith.constant 0 : index
    %get3A_5 = arith.constant 0 : index
    %get3A_6 = arith.constant 0 : index
    %get3A_7 = vector.load %arg2[%get3A_4, %get3A_5, %get3A_6] : memref<1x128x144xf32, #tpu.memory_space<vmem>>, vector<1x128x144xf32>
    %get3A_8 = vector.shape_cast %get3A_7 : vector<1x128x144xf32> to vector<128x144xf32>
    %add3A = arith.addf %get3A_3, %get3A_8 : vector<128x144xf32>
    %slice3A = vector.extract_strided_slice %add3A {offsets = [0, 128], sizes = [128, 4], strides = [1, 1]} : vector<128x144xf32> to vector<128x4xf32>
    %slice3A_9 = vector.extract_strided_slice %add3A {offsets = [0, 0], sizes = [128, 128], strides = [1, 1]} : vector<128x144xf32> to vector<128x128xf32>
    %broadcast_in_dim3A = vector.shape_cast %slice3A : vector<128x4xf32> to vector<128x4x1xf32>
    %broadcast_in_dim3A_10 = vector.shape_cast %broadcast_in_dim3A : vector<128x4x1xf32> to vector<128x4x1xf32>
    %broadcast_in_dim3A_11 = vector.broadcast %broadcast_in_dim3A_10 : vector<128x4x1xf32> to vector<128x4x32xf32>
    %reshape3A = vector.shape_cast %broadcast_in_dim3A_11 : vector<128x4x32xf32> to vector<128x128xf32>
    %add3A_12 = arith.constant 1.000000e-16 : f32
    %add3A_13 = vector.broadcast %add3A_12 : f32 to vector<128x128xf32>
    %add3A_14 = arith.addf %reshape3A, %add3A_13 : vector<128x128xf32>
    %div3A = arith.divf %slice3A_9, %add3A_14 : vector<128x128xf32>
    %gt3A = arith.constant 0.000000e+00 : f32
    %gt3A_15 = vector.broadcast %gt3A : f32 to vector<128x128xf32>
    %gt3A_16 = arith.cmpf ogt, %div3A, %gt3A_15 : vector<128x128xf32>
    %min3A = arith.constant 0.000000e+00 : f32
    %min3A_17 = vector.broadcast %min3A : f32 to vector<128x128xf32>
    %min3A_18 = arith.minimumf %div3A, %min3A_17 : vector<128x128xf32>
    %exp3A = math.exp %min3A_18 : vector<128x128xf32>
    %sub3A = arith.constant 1.000000e+00 : f32
    %sub3A_19 = vector.broadcast %sub3A : f32 to vector<128x128xf32>
    %sub3A_20 = arith.subf %exp3A, %sub3A_19 : vector<128x128xf32>
    %select_n3A = arith.select %gt3A_16, %div3A, %sub3A_20 : vector<128x128xi1>, vector<128x128xf32>
    %get3A_21 = arith.constant 0 : index
    %get3A_22 = arith.constant 0 : index
    %get3A_23 = vector.load %arg4[%get3A_21, %get3A_22] : memref<128x128xf32, #tpu.memory_space<vmem>>, vector<128x128xf32>
    %dot_general3A = arith.constant dense<0.000000e+00> : vector<128x128xf32>
    %dot_general3A_24 = tpu.matmul %select_n3A, %get3A_23, %dot_general3A {dimension_numbers = #tpu.dot_dimension_numbers<[1], [0], [0], [1], [0, 0, 1, 1], [], []>, transpose_lhs_hint = false} : vector<128x128xf32>, vector<128x128xf32>, vector<128x128xf32> -> vector<128x128xf32>
    %get3A_25 = arith.constant 0 : index
    %get3A_26 = arith.constant 0 : index
    %get3A_27 = vector.load %arg3[%get3A_25, %get3A_26] : memref<128x32xf32, #tpu.memory_space<vmem>>, vector<128x32xf32>
    %cos3A = math.cos %get3A_27 : vector<128x32xf32>
    %get3A_28 = arith.constant 0 : index
    %get3A_29 = arith.constant 0 : index
    %get3A_30 = vector.load %arg5[%get3A_28, %get3A_29] : memref<128x4xf32, #tpu.memory_space<vmem>>, vector<128x4xf32>
    %dot_general3A_31 = arith.constant dense<0.000000e+00> : vector<128x4xf32>
    %dot_general3A_32 = tpu.matmul %dot_general3A_24, %get3A_30, %dot_general3A_31 {dimension_numbers = #tpu.dot_dimension_numbers<[1], [0], [0], [1], [0, 0, 1, 1], [], []>, transpose_lhs_hint = false} : vector<128x128xf32>, vector<128x4xf32>, vector<128x4xf32> -> vector<128x4xf32>
    %get3A_33 = arith.constant 0 : index
    %get3A_34 = arith.constant 0 : index
    %get3A_35 = vector.load %arg7[%get3A_33, %get3A_34] : memref<32x4xf32, #tpu.memory_space<vmem>>, vector<32x4xf32>
    %dot_general3A_36 = arith.constant dense<0.000000e+00> : vector<128x4xf32>
    %dot_general3A_37 = tpu.matmul %cos3A, %get3A_35, %dot_general3A_36 {dimension_numbers = #tpu.dot_dimension_numbers<[1], [0], [0], [1], [0, 0, 1, 1], [], []>, transpose_lhs_hint = false} : vector<128x32xf32>, vector<32x4xf32>, vector<128x4xf32> -> vector<128x4xf32>
    %add3A_38 = arith.addf %dot_general3A_32, %dot_general3A_37 : vector<128x4xf32>
    %get3A_39 = arith.constant 0 : index
    %get3A_40 = arith.constant 0 : index
    %get3A_41 = vector.load %arg6[%get3A_39, %get3A_40] : memref<128x4xf32, #tpu.memory_space<vmem>>, vector<128x4xf32>
    %dot_general3A_42 = arith.constant dense<0.000000e+00> : vector<128x4xf32>
    %dot_general3A_43 = tpu.matmul %dot_general3A_24, %get3A_41, %dot_general3A_42 {dimension_numbers = #tpu.dot_dimension_numbers<[1], [0], [0], [1], [0, 0, 1, 1], [], []>, transpose_lhs_hint = false} : vector<128x128xf32>, vector<128x4xf32>, vector<128x4xf32> -> vector<128x4xf32>
    %broadcast_in_dim3A_44 = arith.constant 0.000000e+00 : f32
    %broadcast_in_dim3A_45 = vector.broadcast %broadcast_in_dim3A_44 : f32 to vector<128x12xf32>
    %concatenate3A = tpu.concatenate %dot_general3A_24, %add3A_38, %broadcast_in_dim3A_45 in 1 : vector<128x128xf32>, vector<128x4xf32>, vector<128x12xf32> -> vector<128x144xf32>
    %swap3A = arith.constant 0 : index
    %swap3A_46 = arith.constant 0 : index
    %swap3A_47 = vector.load %arg8[%swap3A, %swap3A_46] : memref<128x144xf32, #tpu.memory_space<vmem>>, vector<128x144xf32>
    tpu.vector_store %arg8[%swap3A, %swap3A_46], %concatenate3A {strides = array<i32>} : memref<128x144xf32, #tpu.memory_space<vmem>>, vector<128x144xf32>,
    %broadcast_in_dim3A_48 = arith.constant 0.000000e+00 : f32
    %broadcast_in_dim3A_49 = vector.broadcast %broadcast_in_dim3A_48 : f32 to vector<128x12xf32>
    %concatenate3A_50 = tpu.concatenate %dot_general3A_43, %broadcast_in_dim3A_49 in 1 : vector<128x4xf32>, vector<128x12xf32> -> vector<128x16xf32>
    %swap3A_51 = arith.constant 0 : index
    %swap3A_52 = arith.constant 0 : index
    %swap3A_53 = vector.load %arg9[%swap3A_51, %swap3A_52] : memref<128x16xf32, #tpu.memory_space<vmem>>, vector<128x16xf32>
    tpu.vector_store %arg9[%swap3A_51, %swap3A_52], %concatenate3A_50 {strides = array<i32>} : memref<128x16xf32, #tpu.memory_space<vmem>>, vector<128x16xf32>,
    return
  }
  func.func @transform_0(%arg0: i32) -> (i32, i32, i32) {
    %c0_i32 = arith.constant 0 : i32
    %c0_i32_0 = arith.constant 0 : i32
    %c0_i32_1 = arith.constant 0 : i32
    return %c0_i32, %arg0, %c0_i32_0 : i32, i32, i32
  }
  func.func @transform_1(%arg0: i32) -> (i32, i32, i32) {
    %c1_i32 = arith.constant 1 : i32
    %c0_i32 = arith.constant 0 : i32
    %c0_i32_0 = arith.constant 0 : i32
    return %c1_i32, %arg0, %c0_i32 : i32, i32, i32
  }
  func.func @transform_2(%arg0: i32) -> (i32, i32) {
    %c0_i32 = arith.constant 0 : i32
    %c0_i32_0 = arith.constant 0 : i32
    return %arg0, %c0_i32 : i32, i32
  }
  func.func @transform_3(%arg0: i32) -> (i32, i32) {
    %c0_i32 = arith.constant 0 : i32
    %c0_i32_0 = arith.constant 0 : i32
    %c0_i32_1 = arith.constant 0 : i32
    return %c0_i32, %c0_i32_0 : i32, i32
  }
  func.func @transform_4(%arg0: i32) -> (i32, i32) {
    %c0_i32 = arith.constant 0 : i32
    %c0_i32_0 = arith.constant 0 : i32
    %c0_i32_1 = arith.constant 0 : i32
    return %c0_i32, %c0_i32_0 : i32, i32
  }
  func.func @transform_5(%arg0: i32) -> (i32, i32) {
    %c0_i32 = arith.constant 0 : i32
    %c0_i32_0 = arith.constant 0 : i32
    %c0_i32_1 = arith.constant 0 : i32
    return %c0_i32, %c0_i32_0 : i32, i32
  }
  func.func @transform_6(%arg0: i32) -> (i32, i32) {
    %c0_i32 = arith.constant 0 : i32
    %c0_i32_0 = arith.constant 0 : i32
    %c0_i32_1 = arith.constant 0 : i32
    return %c0_i32, %c0_i32_0 : i32, i32
  }
  func.func @transform_7(%arg0: i32) -> (i32, i32) {
    %c0_i32 = arith.constant 0 : i32
    %c0_i32_0 = arith.constant 0 : i32
    return %arg0, %c0_i32 : i32, i32
  }
  func.func @transform_8(%arg0: i32) -> (i32, i32) {
    %c0_i32 = arith.constant 0 : i32
    %c0_i32_0 = arith.constant 0 : i32
    return %arg0, %c0_i32 : i32, i32
  }
}

module attributes {stable_mosaic.version = 14 : i64} {
  func.func @_tc_epi_body(%arg0: i32, %arg1: memref<1x128x144xf32, #tpu.memory_space<vmem>>, %arg2: memref<1x128x144xf32, #tpu.memory_space<vmem>>, %arg3: memref<128x128xf32, #tpu.memory_space<vmem>>, %arg4: memref<128x128xf32, #tpu.memory_space<vmem>>) attributes {dimension_semantics = [#tpu.dimension_semantics<arbitrary>], iteration_bounds = array<i64: 80>, scalar_prefetch = 0 : i64, scratch_operands = 0 : i64, tpu.core_type = #tpu.core_type<tc>, window_params = [{transform_indices = @transform_0, window_bounds = array<i64: 1, 128, 144>}, {transform_indices = @transform_1, window_bounds = array<i64: 1, 128, 144>}, {pipeline_mode = #tpu.pipeline_mode<synchronous>, transform_indices = @transform_2, window_bounds = array<i64: 128, 128>}, {transform_indices = @transform_3, window_bounds = array<i64: 128, 128>}]} {
    %get3A = arith.constant 0 : index
    %get3A_0 = arith.constant 0 : index
    %get3A_1 = arith.constant 0 : index
    %get3A_2 = vector.load %arg1[%get3A, %get3A_0, %get3A_1] : memref<1x128x144xf32, #tpu.memory_space<vmem>>, vector<1x128x144xf32>
    %get3A_3 = vector.shape_cast %get3A_2 : vector<1x128x144xf32> to vector<128x144xf32>
    %get3A_4 = arith.constant 0 : index
    %get3A_5 = arith.constant 0 : index
    %get3A_6 = arith.constant 0 : index
    %get3A_7 = vector.load %arg2[%get3A_4, %get3A_5, %get3A_6] : memref<1x128x144xf32, #tpu.memory_space<vmem>>, vector<1x128x144xf32>
    %get3A_8 = vector.shape_cast %get3A_7 : vector<1x128x144xf32> to vector<128x144xf32>
    %add3A = arith.addf %get3A_3, %get3A_8 : vector<128x144xf32>
    %slice3A = vector.extract_strided_slice %add3A {offsets = [0, 128], sizes = [128, 4], strides = [1, 1]} : vector<128x144xf32> to vector<128x4xf32>
    %slice3A_9 = vector.extract_strided_slice %add3A {offsets = [0, 0], sizes = [128, 128], strides = [1, 1]} : vector<128x144xf32> to vector<128x128xf32>
    %broadcast_in_dim3A = vector.shape_cast %slice3A : vector<128x4xf32> to vector<128x4x1xf32>
    %broadcast_in_dim3A_10 = vector.shape_cast %broadcast_in_dim3A : vector<128x4x1xf32> to vector<128x4x1xf32>
    %broadcast_in_dim3A_11 = vector.broadcast %broadcast_in_dim3A_10 : vector<128x4x1xf32> to vector<128x4x32xf32>
    %reshape3A = vector.shape_cast %broadcast_in_dim3A_11 : vector<128x4x32xf32> to vector<128x128xf32>
    %add3A_12 = arith.constant 1.000000e-16 : f32
    %add3A_13 = vector.broadcast %add3A_12 : f32 to vector<128x128xf32>
    %add3A_14 = arith.addf %reshape3A, %add3A_13 : vector<128x128xf32>
    %div3A = arith.divf %slice3A_9, %add3A_14 : vector<128x128xf32>
    %gt3A = arith.constant 0.000000e+00 : f32
    %gt3A_15 = vector.broadcast %gt3A : f32 to vector<128x128xf32>
    %gt3A_16 = arith.cmpf ogt, %div3A, %gt3A_15 : vector<128x128xf32>
    %min3A = arith.constant 0.000000e+00 : f32
    %min3A_17 = vector.broadcast %min3A : f32 to vector<128x128xf32>
    %min3A_18 = arith.minimumf %div3A, %min3A_17 : vector<128x128xf32>
    %exp3A = math.exp %min3A_18 : vector<128x128xf32>
    %sub3A = arith.constant 1.000000e+00 : f32
    %sub3A_19 = vector.broadcast %sub3A : f32 to vector<128x128xf32>
    %sub3A_20 = arith.subf %exp3A, %sub3A_19 : vector<128x128xf32>
    %select_n3A = arith.select %gt3A_16, %div3A, %sub3A_20 : vector<128x128xi1>, vector<128x128xf32>
    %get3A_21 = arith.constant 0 : index
    %get3A_22 = arith.constant 0 : index
    %get3A_23 = vector.load %arg3[%get3A_21, %get3A_22] : memref<128x128xf32, #tpu.memory_space<vmem>>, vector<128x128xf32>
    %dot_general3A = arith.constant dense<0.000000e+00> : vector<128x128xf32>
    %dot_general3A_24 = tpu.matmul %select_n3A, %get3A_23, %dot_general3A {dimension_numbers = #tpu.dot_dimension_numbers<[1], [0], [0], [1], [0, 0, 1, 1], [], []>, transpose_lhs_hint = false} : vector<128x128xf32>, vector<128x128xf32>, vector<128x128xf32> -> vector<128x128xf32>
    %swap3A = arith.constant 0 : index
    %swap3A_25 = arith.constant 0 : index
    %swap3A_26 = vector.load %arg4[%swap3A, %swap3A_25] : memref<128x128xf32, #tpu.memory_space<vmem>>, vector<128x128xf32>
    tpu.vector_store %arg4[%swap3A, %swap3A_25], %dot_general3A_24 {strides = array<i32>} : memref<128x128xf32, #tpu.memory_space<vmem>>, vector<128x128xf32>,
    return
  }
  func.func @transform_0(%arg0: i32) -> (i32, i32, i32) {
    %c0_i32 = arith.constant 0 : i32
    %c0_i32_0 = arith.constant 0 : i32
    %c0_i32_1 = arith.constant 0 : i32
    return %c0_i32, %arg0, %c0_i32_0 : i32, i32, i32
  }
  func.func @transform_1(%arg0: i32) -> (i32, i32, i32) {
    %c1_i32 = arith.constant 1 : i32
    %c0_i32 = arith.constant 0 : i32
    %c0_i32_0 = arith.constant 0 : i32
    return %c1_i32, %arg0, %c0_i32 : i32, i32, i32
  }
  func.func @transform_2(%arg0: i32) -> (i32, i32) {
    %c0_i32 = arith.constant 0 : i32
    %c0_i32_0 = arith.constant 0 : i32
    %c0_i32_1 = arith.constant 0 : i32
    return %c0_i32, %c0_i32_0 : i32, i32
  }
  func.func @transform_3(%arg0: i32) -> (i32, i32) {
    %c0_i32 = arith.constant 0 : i32
    %c0_i32_0 = arith.constant 0 : i32
    return %arg0, %c0_i32 : i32, i32
  }
}

</mosaic_0001>

<sc_bundles>
// kernel: kernel.10.cloned.1.call-start
scs
__scs_entry_jumppad:
0x0: {  	(pc) =	sbr.rel $0x88, $3  }
0x1: {  	(tag) =	ssettag $0x0;
	lr =	simm.s32 $0x1  }
0x2: {  	[smem:$0x3F91] =	sst lr;
	_ =	strace $0xD0000000  }
0x3: {  	_ = 	snop  }
0x4: {  	_ = 	snop  }
0x5: {  	_ = 	snop  }
0x6: {  	_ = 	snop  }
0x7: {  	_ = 	snop  }
__scs_overlays_trampoline_lowered:
0x8: {  	[smem:$0x3FA0] =	sst s0  }
0x9: {  	[smem:$0x3FA1] =	sst s1  }
0xa: {  	[smem:$0x3FA2] =	sst s2  }
0xb: {  	[smem:$0x3FA3] =	sst s3  }
0xc: {  	[smem:$0x3FA4] =	sst s4  }
0xd: {  	[smem:$0x3FA5] =	sst s5  }
0xe: {  	[smem:$0x3FA6] =	sst s6  }
0xf: {  	[smem:$0x3FA7] =	sst s7  }
0x10: {  	[smem:$0x3FA8] =	sst s8  }
0x11: {  	[smem:$0x3FA9] =	sst s9;
	s0 =	simm.s32 @!p0 $0x0  }
0x12: {  	s1 =	sld [smem:$0x3F8F];
	s0 =	simm.s32 @p0 $0x1  }
0x13: {  	[smem:$0x3FAA] =	sst s0;
	s0 =	simm.s32 @!p1 $0x0  }
0x14: {  	s2 =	sld [smem:$0x3F8E];
	s0 =	simm.s32 @p1 $0x1  }
0x15: {  	[smem:$0x3FAB] =	sst s0;
	s0 =	simm.s32 @!p2 $0x0  }
0x16: {  	s3 =	sld [smem:$0x3FDB];
	s0 =	simm.s32 @p2 $0x1  }
0x17: {  	s4 =	simm.s32 $0x1BF5;
	[smem:$0x3FAD] =	sst s0  }
0x18: {  	s0 =	sld [smem:$0x3F90];
	_ =	swait.ge [sflag:s4], $0x0  }
0x19: {  	s7 =	sld [smem:$0x3F91]  }
0x1a: {  	s8 =	sadd.s32 $0xFFFFE003, lr  }
0x1b: {  	s9 =	sadd.s32 $0xFFFFFEF7, lr;
	s5 =	simm.s32 $0xFFFFFFFF;
	p2 =	slt.u32 s8, $0xFFFFF086  }
0x1c: {  	p1 =	slt.u32 s9, $0xF7A;
	s5 =	simm.s32 @!p2 $0x0  }
0x1d: {  	s5 =	simm.s32 @p1 $0x1;
	p0 =	seq.s32 s7, s2  }
0x1e: {  	s7 =	smul.u32 @!p0 $0xF7A, s2;
	p2 =	seq.s32 @!p0 s5, $0x0  }
0x1f: {  	s9 =	smul.u32 $0xF7A, s1;
	s8 =	simm.s32 @!p0 $0x1BF5;
	p2 =	por !p2, p0  }
0x20: {  	[sflag:s8] =	ssyncset.s32 @!p0 $0xFFFFF086;
	s6 =	sadd.s32 @!p0 s3, s7;
	s7 =	simm.s32 @!p0 $0x108  }
0x21: {  	s3 =	sadd.s32 s3, s9;
	s6 =	sadd.s32 @!p0 $0x88, s6;
	s7 =	simm.s32 @p2 $0x1082  }
0x22: {  	[simem:s7], [sflag:s8] =	dma.local @!p0 [hbm:s6], $0xF7A  }
0x23: {  	s9 =	sor.u32 $0xD0000000, s2;
	s6 =	simm.s32 $0x108;
	_ =	swait.ge @!p0 [sflag:s8], $0x0  }
0x24: {  	s3 =	sadd.s32 $0x88, s3;
	s6 =	simm.s32 @!p1 $0x1082;
	[sflag:s4] =	ssyncset.s32 $0xFFFFF086  }
0x25: {  	[simem:s6], [sflag:s4] =	dma.local [hbm:s3], $0xF7A  }
0x26: {  	[smem:$0x3F91] =	sst s1;
	(tag) =	ssettag s2;
	_ =	strace s9  }
0x27: {  	s1 =	sld [smem:$0x3FA1]  }
0x28: {  	s2 =	sld [smem:$0x3FA2]  }
0x29: {  	s4 =	sld [smem:$0x3FA4]  }
0x2a: {  	p0 =	seq.s32 s5, $0x0;
	s5 =	sld [smem:$0x3FA5]  }
0x2b: {  	s6 =	sld [smem:$0x3FA6]  }
0x2c: {  	s7 =	sld [smem:$0x3FA7]  }
0x2d: {  	s3 =	simm.s32 $0x108;
	s8 =	sld [smem:$0x3FA8]  }
0x2e: {  	s3 =	simm.s32 @!p0 $0x1082;
	s9 =	sld [smem:$0x3FA9]  }
0x2f: {  	lr =	sadd.s32 s0, s3;
	s0 =	sld [smem:$0x3FA0]  }
0x30: {  	s3 =	sld [smem:$0x3FA3]  }
0x31: {  	[smem:$0x3FAC] =	sst s10  }
0x32: {  	s10 =	sld [smem:$0x3FAA];
	_ =	sdelay $0x3  }
0x33: {  	p0 =	seq.s32 s10, $0x1;
	s10 =	sld [smem:$0x3FAC];
	_ =	sdelay $0x3  }
0x34: {  	[smem:$0x3FAC] =	sst s10  }
0x35: {  	s10 =	sld [smem:$0x3FAB];
	_ =	sdelay $0x3  }
0x36: {  	p1 =	seq.s32 s10, $0x1;
	s10 =	sld [smem:$0x3FAC];
	_ =	sdelay $0x3  }
0x37: {  	[smem:$0x3FAC] =	sst s10  }
0x38: {  	s10 =	sld [smem:$0x3FAD]  }
0x39: {  	_ = 	snop;
	(pc) =	sbr.ind lr, $3  }
0x3a: {  	_ = 	snop  }
0x3b: {  	_ = 	snop  }
0x3c: {  	p2 =	seq.s32 s10, $0x1;
	s10 =	sld [smem:$0x3FAC]  }
0x3d: {  	_ =	shalt  }
0x3e: {  	_ =	shalt  }
0x3f: {  	_ =	shalt  }
0x40: {  	_ =	shalt  }
0x41: {  	_ =	shalt  }
0x42: {  	_ =	shalt  }
0x43: {  	_ =	shalt  }
0x44: {  	_ =	shalt  }
0x45: {  	_ =	shalt  }
0x46: {  	_ =	shalt  }
0x47: {  	_ =	shalt  }
0x48: {  	_ =	shalt  }
0x49: {  	_ =	shalt  }
0x4a: {  	_ =	shalt  }
0x4b: {  	_ =	shalt  }
0x4c: {  	_ =	shalt  }
0x4d: {  	_ =	shalt  }
0x4e: {  	_ =	shalt  }
0x4f: {  	_ =	shalt  }
0x50: {  	_ =	shalt  }
0x51: {  	_ =	shalt  }
0x52: {  	_ =	shalt  }
0x53: {  	_ =	shalt  }
0x54: {  	_ =	shalt  }
0x55: {  	_ =	shalt  }
0x56: {  	_ =	shalt  }
0x57: {  	_ =	shalt  }
0x58: {  	_ =	shalt  }
0x59: {  	_ =	shalt  }
0x5a: {  	_ =	shalt  }
0x5b: {  	_ =	shalt  }
0x5c: {  	_ =	shalt  }
0x5d: {  	_ =	shalt  }
0x5e: {  	_ =	shalt  }
0x5f: {  	_ =	shalt  }
0x60: {  	_ =	shalt  }
0x61: {  	_ =	shalt  }
0x62: {  	_ =	shalt  }
0x63: {  	_ =	shalt  }
0x64: {  	_ =	shalt  }
0x65: {  	_ =	shalt  }
0x66: {  	_ =	shalt  }
0x67: {  	_ =	shalt  }
0x68: {  	_ =	shalt  }
0x69: {  	_ =	shalt  }
0x6a: {  	_ =	shalt  }
0x6b: {  	_ =	shalt  }
0x6c: {  	_ =	shalt  }
0x6d: {  	_ =	shalt  }
0x6e: {  	_ =	shalt  }
0x6f: {  	_ =	shalt  }
0x70: {  	_ =	shalt  }
0x71: {  	_ =	shalt  }
0x72: {  	_ =	shalt  }
0x73: {  	_ =	shalt  }
0x74: {  	_ =	shalt  }
0x75: {  	_ =	shalt  }
0x76: {  	_ =	shalt  }
0x77: {  	_ =	shalt  }
0x78: {  	_ =	shalt  }
0x79: {  	_ =	shalt  }
0x7a: {  	_ =	shalt  }
0x7b: {  	_ =	shalt  }
0x7c: {  	_ =	shalt  }
0x7d: {  	_ =	shalt  }
0x7e: {  	_ =	shalt  }
0x7f: {  	_ =	shalt  }
0x80: {  	_ =	shalt  }
0x81: {  	_ =	shalt  }
0x82: {  	_ =	shalt  }
0x83: {  	_ =	shalt  }
0x84: {  	_ =	shalt  }
0x85: {  	_ =	shalt  }
0x86: {  	_ =	shalt  }
0x87: {  	_ =	shalt  }
.Lfunc_end0:
.L_simem_size_0:
called_computation.1_lowered:
.L_overlay_start_0:
0x88: {  	s2 =	sld [smem:$0x3FD9]  }
0x89: {  	s3 =	sld [smem:$0x3FFE];
	_ =	sdelay $0x1  }
0x8a: {  	s1 =	srdreg.scid  }
0x8b: {  	s0 =	sand.u32 $0x1, s1  }
0x8c: {  	s16 =	sshll.u32 s0, $0xA;
	s2 =	sadd.s32 s3, s2  }
0x8d: {  	s2 =	sadd.s32 s2, s16  }
0x8e: {  	[smem:$0x3FB8] =	sst s2  }
0x8f: {  	_ = 	snop  }
0x90: {  	(tm) =	ssettm $0x1  }
0x91: {  	s17 =	sld [smem:$0x3FFB];
	_ =	sdelay $0x3  }
0x92: {  	_ =	strace s17  }
0x93: {  	s2 =	sld [smem:$0x3FFC];
	_ =	sdelay $0x3  }
0x94: {  	_ =	strace s2  }
0x95: {  	s2 =	sld [smem:$0x3FFD];
	_ =	sdelay $0x3  }
0x96: {  	_ =	strace s2  }
0x97: {  	_ =	strace $0x8FFFFFFF  }
0x98: {  	s18 =	sld [smem:$0x3FDB];
	_ =	sdelay $0x1  }
0x99: {  	s19 =	simm.s32 $_scs_section_size  }
0x9a: {  	s4 =	simm.s32 $_size__tile_overlayer_lowered;
	s5 =	simm.s32 $_tile_overlayer_lowered  }
0x9b: {  	s22 =	simm.s32 $0x1BFF;
	s21 =	sshll.u32 s5, $0x1;
	s2 =	sadd.s32 s19, s18  }
0x9c: {  	s6 =	simm.s32 $0x0;
	s20 =	sshll.u32 s4, $0x1;
	s4 =	sadd.s32 s21, s2  }
0x9d: {  	[timem:s6], [sflag:s22] =	dma.local [hbm:s4], s20  }
0x9e: {  	_ =	swait.ge [sflag:s22], s20  }
0x9f: {  	s3 =	ssub.s32 $0x0, s20;
	[sflag:s22] =	ssyncset.done $0x0  }
0xa0: {  	[sflag:s22] =	ssyncadd.s32 s3;
	_ =	sdelay $0x1  }
0xa1: {  	s23 =	simm.s32 $0x1B8B  }
0xa2: {  	_ =	swait.ge [sflag:s23], $0x1  }
0xa3: {  	[sflag:s23] =	ssyncset.done $0x0  }
0xa4: {  	s25 =	simm.s32 $0x1B8E;
	s24 =	sld [smem:$0x3FFE];
	[sflag:s23] =	ssyncadd.s32 $0xFFFFFFFF  }
0xa5: {  	s26 =	simm.s32 $execute0_lowered;
	[smem:$0x3FD2] =	sst s25  }
0xa6: {  	s4 =	sshll.u32 s26, $0x1;
	_ =	strace $0x80000049;
	[dreg:$0x1] =	wrdreg $0xFFFFFFFF  }
0xa7: {  	s28 =	simm.s32 $_size_execute0_lowered;
	s2 =	sadd.s32 s2, s4;
	[dreg:$0x0] =	wrdreg $0x0  }
0xa8: {  	s4 =	sshll.u32 s28, $0x1;
	[dreg:$0x2] =	wrdreg s2  }
0xa9: {  	[dreg:$0x3] =	wrdreg s4  }
0xaa: {  	[dreg:$0x4] =	wrdreg $0xC0  }
0xab: {  	_ =	task [dreg:s6], $0x5FFFF  }
0xac: {  	[dreg:$0x1] =	wrdreg $0xFFFFFFFF  }
0xad: {  	[dreg:$0x0] =	wrdreg $0x60  }
0xae: {  	[dreg:$0x2] =	wrdreg s24  }
0xaf: {  	[dreg:$0x3] =	wrdreg $0x53800  }
0xb0: {  	[dreg:$0x4] =	wrdreg $0x9  }
0xb1: {  	_ =	task.clear_ibuf [dreg:s6], $0x5FFFF;
	_ =	strace $0x90000049  }
0xb2: {  	s29 =	simm.s32 $0x9;
	_ =	strace $0x8000004B  }
0xb3: {  	_ =	swait.ge [sflag:s29], $0x1  }
0xb4: {  	[sflag:s29] =	ssyncadd.s32 $0xFFFFFFFF  }
0xb5: {  	_ =	strace $0x9000004B  }
0xb6: {  	_ =	sfence  }
0xb7: {  	s30 =	sld [smem:$0x0];
	_ =	sdelay $0x2  }
0xb8: {  	s31 =	sshll.u32 s1, $0xD;
	s1 =	sshrl.u32 s1, $0x2  }
0xb9: {  	s3 =	sand.u32 $0x4000, s31;
	s1 =	sadd.s32 s1, s30  }
0xba: {  	s0 =	sor.u32 s3, s0;
	s1 =	sshll.u32 s1, $0x11  }
0xbb: {  	s0 =	sor.u32 s1, s0  }
0xbc: {  	s0 =	sadd.s32 $0x8F2B, s0  }
0xbd: {  	[sflag:s0] =	ssyncadd.remote.s32 $0x1  }
0xbe: {  	_ =	sfence.sel $0xFFFF  }
0xbf: {  	[dreg:$0x0] =	wrdreg $0xFFFFFFFF;
	(pc) =	sbr.abs _section_cstart, $3  }
0xc0: {  	[dreg:$0x1] =	wrdreg $0xFFFFFFFF  }
0xc1: {  	_ =	task.clear_ibuf [dreg:s6], $0x2FFFF;
	_ =	strace $0x9FFFFFFF  }
0xc2: {  	(tm) =	ssettm $0x7FFFFFFF  }
0xc3: {  	_ =	shalt  }
tec
execute0_lowered:
.L_overlay_start_1:
0x0: {  	(tag) =	ssettag $0x1  }
0x1: {  	v2 =	vlaneseq.u32  }
0x2: {  	v0 =	vmul.u32 $0x90, v2  }
0x3: {  	v3 =	vimm.f32 $0.0e+00;
	v1 =	vmul.u32 $0x10, v2  }
0x4: {  	v2 =	vmul.u32 $0x4, v2;
	v4 =	vadd.s32 $0x80, v0;
	v5 =	vadd.s32 $0x81, v0  }
0x5: {  	v6 =	vor.u32 $0x1, v1;
	v8 =	vadd.s32 $0x82, v0;
	v11 =	vadd.s32 $0x83, v0  }
0x6: {  	v13 =	vor.u32 $0x3, v2;
	v14 =	vadd.s32 $0x980, v0;
	v15 =	vor.u32 $0x100, v1  }
0x7: {  	v16 =	vor.u32 $0x40, v2;
	v17 =	vadd.s32 $0x981, v0;
	v18 =	vor.u32 $0x101, v1  }
0x8: {  	s9 =	rddreg [dreg:$0x0];
	v19 =	vor.u32 $0x41, v2;
	v20 =	vadd.s32 $0x982, v0;
	v21 =	vor.u32 $0x102, v1  }
0x9: {  	s1 =	rddreg [dreg:$0x1];
	v22 =	vor.u32 $0x42, v2;
	v23 =	vadd.s32 $0x983, v0;
	v25 =	vor.u32 $0x43, v2  }
0xa: {  	s0 =	rddreg [dreg:$0x2];
	s3 =	simm.s32 $0x0;
	v26 =	vadd.s32 $0x1280, v0;
	v27 =	vor.u32 $0x200, v1;
	v28 =	vor.u32 $0x80, v2  }
0xb: {  	s4 =	srdreg.scid;
	s2 =	stileid.u32;
	s17 =	simm.s32 $0x180;
	v29 =	vadd.s32 $0x1281, v0;
	v30 =	vor.u32 $0x201, v1;
	v31 =	vor.u32 $0x81, v2  }
0xc: {  	s18 =	simm.s32 $0x3;
	s19 =	simm.s32 $0x80;
	s20 =	simm.s32 $0x100;
	v32 =	vadd.s32 $0x1282, v0;
	v33 =	vor.u32 $0x202, v1;
	v34 =	vor.u32 $0x82, v2  }
0xd: {  	s21 =	simm.s32 $0x4980;
	s22 =	simm.s32 $0x1;
	s23 =	simm.s32 $0x2;
	v35 =	vadd.s32 $0x1283, v0;
	v36 =	vor.u32 $0x203, v1;
	v37 =	vor.u32 $0x83, v2  }
0xe: {  	s24 =	simm.s32 $0x5180;
	[smem:$0x7FF] =	sst s3;
	s10 =	sand.u32 $0x1, s4;
	v38 =	vadd.s32 $0x1B80, v0;
	v39 =	vor.u32 $0x300, v1;
	v40 =	vor.u32 $0xC0, v2  }
0xf: {  	s11 =	smul.u32 $0x16800, s2;
	s4 =	sadd.s32 $0x23A00, s9;
	s5 =	sadd.s32 $0x1000, s9;
	v41 =	vadd.s32 $0x1B81, v0;
	v42 =	vor.u32 $0x301, v1;
	v43 =	vor.u32 $0xC1, v2  }
0x10: {  	s6 =	sadd.s32 $0xFE00, s9;
	s7 =	sadd.s32 $0x6000, s9;
	s14 =	smul.u32 $0x5A000, s2;
	v44 =	vadd.s32 $0x1B82, v0;
	v45 =	vor.u32 $0x302, v1;
	v46 =	vor.u32 $0xC2, v2  }
0x11: {  	s8 =	smul.u32 $0x168000, s10;
	s13 =	ssub.s32 $0x2, s10;
	s28 =	sshll.u32 s10, $0x4;
	v47 =	vadd.s32 $0x1B83, v0;
	v48 =	vor.u32 $0x303, v1;
	v49 =	vor.u32 $0xC3, v2  }
0x12: {  	s26 =	sshrl.u32 s13, $0x1;
	s29 =	sshrl.u32 s14, $0x2;
	s30 =	sor.u32 s2, s28;
	v50 =	vadd.s32 $0x2480, v0;
	v51 =	vor.u32 $0x400, v1;
	[tilespmem:$0x1FFB0] =	vst v6;
	v6 =	vor.u32 $0x1, v2  }
0x13: {  	v52 =	vor.u32 $0x100, v2;
	v53 =	vadd.s32 $0x2481, v0;
	s8 =	sadd.s32 s11, s8;
	s16 =	ssub.s32 s13, s26;
	s31 =	sadd.s32 s29, s1;
	[tilespmem:$0x1FFC0] =	vst v6;
	v6 =	vor.u32 $0x2, v1  }
0x14: {  	v54 =	vor.u32 $0x401, v1;
	v55 =	vor.u32 $0x101, v2;
	s14 =	smul.u32 $0x2780, s30;
	s12 =	sshrl.u32 s8, $0x3;
	s8 =	sadd.s32 $0x19C00, s9;
	[tilespmem:$0x1FFD0] =	vst v6;
	v6 =	vor.u32 $0x2, v2  }
0x15: {  	v56 =	vadd.s32 $0x2482, v0;
	v57 =	vor.u32 $0x402, v1;
	s10 =	sadd.s32 $0x4800, s31;
	s13 =	sadd.s32 $0x12000, s31;
	s16 =	smax.u32 s16, $0x1;
	[tilespmem:$0x1FFE0] =	vst v6;
	v6 =	vor.u32 $0x3, v1  }
0x16: {  	v58 =	vor.u32 $0x102, v2;
	v59 =	vadd.s32 $0x2483, v0;
	v60 =	vor.u32 $0x403, v1;
	s15 =	sadd.s32 s12, s9;
	s9 =	sadd.s32 s11, s1;
	s11 =	sadd.s32 $0x9000, s31;
	[tilespmem:$0x1FFF0] =	vst v6  }
0x17: {  	v24 =	vor.u32 $0x103, v1;
	v61 =	vor.u32 $0x103, v2;
	v62 =	vadd.s32 $0x2D80, v0;
	s12 =	sadd.s32 $0xD800, s31;
	s15 =	sadd.s32 $0x50A00, s15;
	_ =	strace $0x8000004A  }
.LBB2_1:
0x18: {  	s25 =	simm.s32 $0x0;
	s26 =	simm.s32 $0x240  }
.LBB2_2:
0x19: {  	p0 =	sne.s32 s26, $0x11DC0;
	[tilespmem:s25+$0x200] =	vst v3  }
0x1a: {  	[tilespmem:s25+$0x180] =	vst v3  }
0x1b: {  	[tilespmem:s25+$0x190] =	vst v3  }
0x1c: {  	[tilespmem:s25+$0x1A0] =	vst v3  }
.Ltmp0:
0x1d: {  	[tilespmem:s25+$0x1B0] =	vst v3;
	(pc) =	sbr.rel @p0 .LBB2_2-.Ltmp0, $4  }
0x1e: {  	[tilespmem:s25+$0x1C0] =	vst v3  }
0x1f: {  	[tilespmem:s25+$0x1D0] =	vst v3  }
0x20: {  	[tilespmem:s25+$0x1E0] =	vst v3  }
0x21: {  	[tilespmem:s25+$0x1F0] =	vst v3;
	s25 =	sshra.s32 s26, $0x2;
	s26 =	sadd.s32 $0x240, s26  }
0x22: {  	[tilespmem:s25+$0x200] =	vst v3  }
0x23: {  	[tilespmem:s25+$0x180] =	vst v3  }
0x24: {  	[tilespmem:s25+$0x190] =	vst v3  }
0x25: {  	[tilespmem:s25+$0x1A0] =	vst v3  }
0x26: {  	[tilespmem:s25+$0x1B0] =	vst v3  }
0x27: {  	[tilespmem:s25+$0x1C0] =	vst v3  }
0x28: {  	[tilespmem:s25+$0x1D0] =	vst v3  }
0x29: {  	[tilespmem:s25+$0x1E0] =	vst v3  }
0x2a: {  	[tilespmem:s25+$0x1F0] =	vst v3  }
0x2b: {  	[spmem:s9] =	stream.linear.scatter [tilespmem:s17], [sflag:$0x3], $0x4800, $0x38;
	[tilespmem:$0x1BB80] =	vst v63  }
0x2c: {  	_ =	swait.ge [sflag:s18], $0x4800  }
0x2d: {  	[sflag:s18] =	ssyncset.done $0x0  }
0x2e: {  	[sflag:s18] =	ssyncadd.s32 $0xFFFFB800  }
0x2f: {  	[spmem:s10] =	stream.linear.scatter [tilespmem:s17], [sflag:$0x3], $0x4800, $0x38;
	[tilespmem:$0x1BB80] =	vst v63  }
0x30: {  	_ =	swait.ge [sflag:s18], $0x4800  }
0x31: {  	[sflag:s18] =	ssyncset.done $0x0  }
0x32: {  	[sflag:s18] =	ssyncadd.s32 $0xFFFFB800  }
0x33: {  	[spmem:s11] =	stream.linear.scatter [tilespmem:s17], [sflag:$0x3], $0x4800, $0x38;
	[tilespmem:$0x1BB80] =	vst v63  }
0x34: {  	_ =	swait.ge [sflag:s18], $0x4800  }
0x35: {  	[sflag:s18] =	ssyncset.done $0x0  }
0x36: {  	[sflag:s18] =	ssyncadd.s32 $0xFFFFB800  }
0x37: {  	[spmem:s12] =	stream.linear.scatter [tilespmem:s17], [sflag:$0x3], $0x4800, $0x38;
	[tilespmem:$0x1BB80] =	vst v63  }
0x38: {  	_ =	swait.ge [sflag:s18], $0x4800  }
0x39: {  	[sflag:s18] =	ssyncset.done $0x0  }
0x3a: {  	[sflag:s18] =	ssyncadd.s32 $0xFFFFB800  }
0x3b: {  	[spmem:s13] =	stream.linear.scatter [tilespmem:s17], [sflag:$0x3], $0x4800, $0x38;
	[tilespmem:$0x1BB80] =	vst v63  }
0x3c: {  	_ =	swait.ge [sflag:s18], $0x4800  }
0x3d: {  	[sflag:s18] =	ssyncset.done $0x0  }
0x3e: {  	[sflag:s18] =	ssyncadd.s32 $0xFFFFB800  }
0x3f: {  	s25 =	simm.s32 $0x0;
	s26 =	simm.s32 $0x0;
	[bflag:$0x0] =	sbarrier.arrive $0xFFFF  }
.LBB2_4:
0x40: {  	s28 =	sshll.u32 s26, $0x7  }
0x41: {  	s28 =	sadd.s32 s14, s28  }
0x42: {  	s28 =	sshrl.u32 s28, $0x3  }
0x43: {  	s29 =	sadd.s32 s6, s28  }
0x44: {  	[tilespmem:s25], [sflag:$0x3] =	stream.linear.gather [hbm4b:s29+s25], $0x80, $0x38;
	[tilespmem:$0x1BB80] =	vst v63  }
0x45: {  	_ =	swait.ge [sflag:s18], $0x80  }
0x46: {  	[sflag:s18] =	ssyncset.done $0x0  }
0x47: {  	s29 =	sadd.s32 s7, s28;
	[sflag:s18] =	ssyncadd.s32 $0xFFFFFF80  }
0x48: {  	[tilespmem:s19], [sflag:$0x3] =	stream.linear.gather [hbm4b:s29+s25], $0x80, $0x38;
	[tilespmem:$0x1BB80] =	vst v63  }
0x49: {  	_ =	swait.ge [sflag:s18], $0x80  }
0x4a: {  	[sflag:s18] =	ssyncset.done $0x0  }
0x4b: {  	s28 =	sadd.s32 s8, s28;
	[sflag:s18] =	ssyncadd.s32 $0xFFFFFF80  }
0x4c: {  	[tilespmem:s20], [sflag:$0x3] =	stream.linear.gather [hbm4b:s28+s25], $0x80, $0x38;
	[tilespmem:$0x1BB80] =	vst v63  }
0x4d: {  	_ =	swait.ge [sflag:s18], $0x80  }
0x4e: {  	[sflag:s18] =	ssyncset.done $0x0  }
0x4f: {  	[sflag:s18] =	ssyncadd.s32 $0xFFFFFF80  }
0x50: {  	[tilespmem:s17], [sflag:$0x1] =	stream.indirect.gather [hbm4b:s4+s19], $0x90, s25, s19, $0xb8;
	[tilespmem:$0x1BB80] =	vst v63  }
0x51: {  	_ = 	snop  }
0x52: {  	[tilespmem:s21], [sflag:$0x2] =	stream.indirect.gather [hbm4b:s5+s19], $0x10, s19, s19, $0xb8;
	[tilespmem:$0x1BB80] =	vst v63  }
0x53: {  	_ =	swait.ge [sflag:s22], $0x4800  }
0x54: {  	[sflag:s22] =	ssyncset.done $0x0  }
0x55: {  	[sflag:s22] =	ssyncadd.s32 $0xFFFFB800  }
0x56: {  	_ =	swait.ge [sflag:s23], $0x800  }
0x57: {  	[sflag:s23] =	ssyncset.done $0x0  }
0x58: {  	[sflag:s23] =	ssyncadd.s32 $0xFFFFF800  }
0x59: {  	v6 =	vld.idx.msk [tilespmem:v4+s17+$0x0], $0xffff  }
0x5a: {  	v7 =	vld.idx.msk [tilespmem:v1+s21+$0x0], $0xffff;
	_ =	sdelay $0x4  }
0x5b: {  	v6 =	vadd.f32 v7, v6;
	_ =	sdelay $0x1  }
0x5c: {  	v7 =	vmul.f32 $2.000000030e-01, v6  }
0x5d: {  	vm0 =	vge.f32 v6, $0.0e+00  }
0x5e: {  	v6 =	vsel vm0, v6, v7  }
0x5f: {  	v6 =	vmul.f32 $1.442695020e+00, v6;
	_ =	sdelay $0x1  }
0x60: {  	(erf) = vpow2.f32 v6;
	_ =	sdelay $0x4  }
0x61: {  	v6 =	vld [tilespmem:$0x100];
	_ =	sdelay $0x1  }
0x62: {  	v9 =	vld [tilespmem:$0x1FFB0];
	_ =	sdelay $0x1  }
0x63: {  	v7 =	vpop (erf)  }
0x64: {  	v7 =	vmul.f32 v7, v6;
	_ =	sdelay $0x1  }
0x65: {  	[tilespmem:v2+s24+$0x0] =	vst.idx.msk $0xffff, v7  }
0x66: {  	[tilespmem:v4+s17+$0x0] =	vst.idx.msk $0xffff, v7  }
0x67: {  	v7 =	vld.idx.msk [tilespmem:v5+s17+$0x0], $0xffff  }
0x68: {  	v9 =	vld.idx.msk [tilespmem:v9+s21+$0x0], $0xffff;
	_ =	sdelay $0x4  }
0x69: {  	v7 =	vadd.f32 v9, v7;
	_ =	sdelay $0x1  }
0x6a: {  	v9 =	vmul.f32 $2.000000030e-01, v7  }
0x6b: {  	vm9 =	vge.f32 v7, $0.0e+00  }
0x6c: {  	v7 =	vsel vm9, v7, v9  }
0x6d: {  	v7 =	vmul.f32 $1.442695020e+00, v7;
	_ =	sdelay $0x1  }
0x6e: {  	(erf) = vpow2.f32 v7;
	_ =	sdelay $0x3  }
0x6f: {  	v9 =	vld [tilespmem:$0x1FFC0];
	_ =	sdelay $0x4  }
0x70: {  	v7 =	vpop (erf)  }
0x71: {  	v7 =	vmul.f32 v7, v6;
	_ =	sdelay $0x1  }
0x72: {  	[tilespmem:v9+s24+$0x0] =	vst.idx.msk $0xffff, v7;
	v9 =	vld [tilespmem:$0x1FFD0];
	_ =	sdelay $0x5  }
0x73: {  	[tilespmem:v5+s17+$0x0] =	vst.idx.msk $0xffff, v7  }
0x74: {  	v7 =	vld.idx.msk [tilespmem:v8+s17+$0x0], $0xffff  }
0x75: {  	v9 =	vld.idx.msk [tilespmem:v9+s21+$0x0], $0xffff;
	_ =	sdelay $0x4  }
0x76: {  	v7 =	vadd.f32 v9, v7;
	_ =	sdelay $0x1  }
0x77: {  	v9 =	vmul.f32 $2.000000030e-01, v7  }
0x78: {  	vm10 =	vge.f32 v7, $0.0e+00  }
0x79: {  	v7 =	vsel vm10, v7, v9  }
0x7a: {  	v7 =	vmul.f32 $1.442695020e+00, v7;
	_ =	sdelay $0x1  }
0x7b: {  	(erf) = vpow2.f32 v7;
	_ =	sdelay $0x3  }
0x7c: {  	v9 =	vld [tilespmem:$0x1FFE0];
	_ =	sdelay $0x4  }
0x7d: {  	v7 =	vpop (erf)  }
0x7e: {  	v7 =	vmul.f32 v7, v6;
	_ =	sdelay $0x1  }
0x7f: {  	[tilespmem:v9+s24+$0x0] =	vst.idx.msk $0xffff, v7;
	v9 =	vld [tilespmem:$0x1FFF0];
	_ =	sdelay $0x5  }
0x80: {  	[tilespmem:v8+s17+$0x0] =	vst.idx.msk $0xffff, v7  }
0x81: {  	v7 =	vld.idx.msk [tilespmem:v11+s17+$0x0], $0xffff  }
0x82: {  	v9 =	vld.idx.msk [tilespmem:v9+s21+$0x0], $0xffff;
	_ =	sdelay $0x4  }
0x83: {  	v7 =	vadd.f32 v9, v7;
	_ =	sdelay $0x1  }
0x84: {  	v9 =	vmul.f32 $2.000000030e-01, v7  }
0x85: {  	vm11 =	vge.f32 v7, $0.0e+00  }
0x86: {  	v7 =	vsel vm11, v7, v9  }
0x87: {  	v7 =	vmul.f32 $1.442695020e+00, v7;
	_ =	sdelay $0x1  }
0x88: {  	(erf) = vpow2.f32 v7;
	_ =	sdelay $0x8  }
0x89: {  	v7 =	vpop (erf)  }
0x8a: {  	v6 =	vmul.f32 v7, v6;
	_ =	sdelay $0x1  }
0x8b: {  	[tilespmem:v13+s24+$0x0] =	vst.idx.msk $0xffff, v6  }
0x8c: {  	[tilespmem:v11+s17+$0x0] =	vst.idx.msk $0xffff, v6  }
0x8d: {  	v6 =	vld.idx.msk [tilespmem:v14+s17+$0x0], $0xffff  }
0x8e: {  	v7 =	vld.idx.msk [tilespmem:v15+s21+$0x0], $0xffff;
	_ =	sdelay $0x4  }
0x8f: {  	v6 =	vadd.f32 v7, v6;
	_ =	sdelay $0x1  }
0x90: {  	v7 =	vmul.f32 $2.000000030e-01, v6  }
0x91: {  	vm12 =	vge.f32 v6, $0.0e+00  }
0x92: {  	v6 =	vsel vm12, v6, v7  }
0x93: {  	v6 =	vmul.f32 $1.442695020e+00, v6;
	_ =	sdelay $0x1  }
0x94: {  	(erf) = vpow2.f32 v6;
	_ =	sdelay $0x4  }
0x95: {  	v6 =	vld [tilespmem:$0x110];
	_ =	sdelay $0x3  }
0x96: {  	v7 =	vpop (erf)  }
0x97: {  	v7 =	vmul.f32 v7, v6;
	_ =	sdelay $0x1  }
0x98: {  	[tilespmem:v16+s24+$0x0] =	vst.idx.msk $0xffff, v7  }
0x99: {  	[tilespmem:v14+s17+$0x0] =	vst.idx.msk $0xffff, v7  }
0x9a: {  	v7 =	vld.idx.msk [tilespmem:v17+s17+$0x0], $0xffff  }
0x9b: {  	v9 =	vld.idx.msk [tilespmem:v18+s21+$0x0], $0xffff;
	_ =	sdelay $0x4  }
0x9c: {  	v7 =	vadd.f32 v9, v7;
	_ =	sdelay $0x1  }
0x9d: {  	v9 =	vmul.f32 $2.000000030e-01, v7  }
0x9e: {  	vm13 =	vge.f32 v7, $0.0e+00  }
0x9f: {  	v7 =	vsel vm13, v7, v9  }
0xa0: {  	v7 =	vmul.f32 $1.442695020e+00, v7;
	_ =	sdelay $0x1  }
0xa1: {  	(erf) = vpow2.f32 v7;
	_ =	sdelay $0x8  }
0xa2: {  	v7 =	vpop (erf)  }
0xa3: {  	v7 =	vmul.f32 v7, v6;
	_ =	sdelay $0x1  }
0xa4: {  	[tilespmem:v19+s24+$0x0] =	vst.idx.msk $0xffff, v7  }
0xa5: {  	[tilespmem:v17+s17+$0x0] =	vst.idx.msk $0xffff, v7  }
0xa6: {  	v7 =	vld.idx.msk [tilespmem:v20+s17+$0x0], $0xffff  }
0xa7: {  	v9 =	vld.idx.msk [tilespmem:v21+s21+$0x0], $0xffff;
	_ =	sdelay $0x4  }
0xa8: {  	v7 =	vadd.f32 v9, v7;
	_ =	sdelay $0x1  }
0xa9: {  	v9 =	vmul.f32 $2.000000030e-01, v7  }
0xaa: {  	vm14 =	vge.f32 v7, $0.0e+00  }
0xab: {  	v7 =	vsel vm14, v7, v9  }
0xac: {  	v7 =	vmul.f32 $1.442695020e+00, v7;
	_ =	sdelay $0x1  }
0xad: {  	(erf) = vpow2.f32 v7;
	_ =	sdelay $0x8  }
0xae: {  	v7 =	vpop (erf)  }
0xaf: {  	v7 =	vmul.f32 v7, v6;
	_ =	sdelay $0x1  }
0xb0: {  	[tilespmem:v22+s24+$0x0] =	vst.idx.msk $0xffff, v7  }
0xb1: {  	[tilespmem:v20+s17+$0x0] =	vst.idx.msk $0xffff, v7  }
0xb2: {  	v7 =	vld.idx.msk [tilespmem:v23+s17+$0x0], $0xffff  }
0xb3: {  	v9 =	vld.idx.msk [tilespmem:v24+s21+$0x0], $0xffff;
	_ =	sdelay $0x4  }
0xb4: {  	v7 =	vadd.f32 v9, v7;
	_ =	sdelay $0x1  }
0xb5: {  	v9 =	vmul.f32 $2.000000030e-01, v7  }
0xb6: {  	vm15 =	vge.f32 v7, $0.0e+00  }
0xb7: {  	v7 =	vsel vm15, v7, v9  }
0xb8: {  	v7 =	vmul.f32 $1.442695020e+00, v7;
	_ =	sdelay $0x1  }
0xb9: {  	(erf) = vpow2.f32 v7;
	_ =	sdelay $0x8  }
0xba: {  	v7 =	vpop (erf)  }
0xbb: {  	v6 =	vmul.f32 v7, v6;
	_ =	sdelay $0x1  }
0xbc: {  	[tilespmem:v25+s24+$0x0] =	vst.idx.msk $0xffff, v6  }
0xbd: {  	[tilespmem:v23+s17+$0x0] =	vst.idx.msk $0xffff, v6  }
0xbe: {  	v6 =	vld.idx.msk [tilespmem:v26+s17+$0x0], $0xffff  }
0xbf: {  	v7 =	vld.idx.msk [tilespmem:v27+s21+$0x0], $0xffff;
	_ =	sdelay $0x4  }
0xc0: {  	v6 =	vadd.f32 v7, v6;
	_ =	sdelay $0x1  }
0xc1: {  	v7 =	vmul.f32 $2.000000030e-01, v6  }
0xc2: {  	vm4 =	vge.f32 v6, $0.0e+00  }
0xc3: {  	v6 =	vsel vm4, v6, v7  }
0xc4: {  	v6 =	vmul.f32 $1.442695020e+00, v6;
	_ =	sdelay $0x1  }
0xc5: {  	(erf) = vpow2.f32 v6;
	_ =	sdelay $0x4  }
0xc6: {  	v6 =	vld [tilespmem:$0x120];
	_ =	sdelay $0x3  }
0xc7: {  	v7 =	vpop (erf)  }
0xc8: {  	v7 =	vmul.f32 v7, v6;
	_ =	sdelay $0x1  }
0xc9: {  	[tilespmem:v28+s24+$0x0] =	vst.idx.msk $0xffff, v7  }
0xca: {  	[tilespmem:v26+s17+$0x0] =	vst.idx.msk $0xffff, v7  }
0xcb: {  	v7 =	vld.idx.msk [tilespmem:v29+s17+$0x0], $0xffff  }
0xcc: {  	v9 =	vld.idx.msk [tilespmem:v30+s21+$0x0], $0xffff;
	_ =	sdelay $0x4  }
0xcd: {  	v7 =	vadd.f32 v9, v7;
	_ =	sdelay $0x1  }
0xce: {  	v9 =	vmul.f32 $2.000000030e-01, v7  }
0xcf: {  	vm5 =	vge.f32 v7, $0.0e+00  }
0xd0: {  	v7 =	vsel vm5, v7, v9  }
0xd1: {  	v7 =	vmul.f32 $1.442695020e+00, v7;
	_ =	sdelay $0x1  }
0xd2: {  	(erf) = vpow2.f32 v7;
	_ =	sdelay $0x8  }
0xd3: {  	v7 =	vpop (erf)  }
0xd4: {  	v7 =	vmul.f32 v7, v6;
	_ =	sdelay $0x1  }
0xd5: {  	[tilespmem:v31+s24+$0x0] =	vst.idx.msk $0xffff, v7  }
0xd6: {  	[tilespmem:v29+s17+$0x0] =	vst.idx.msk $0xffff, v7  }
0xd7: {  	v7 =	vld.idx.msk [tilespmem:v32+s17+$0x0], $0xffff  }
0xd8: {  	v9 =	vld.idx.msk [tilespmem:v33+s21+$0x0], $0xffff;
	_ =	sdelay $0x4  }
0xd9: {  	v7 =	vadd.f32 v9, v7;
	_ =	sdelay $0x1  }
0xda: {  	v9 =	vmul.f32 $2.000000030e-01, v7  }
0xdb: {  	vm6 =	vge.f32 v7, $0.0e+00  }
0xdc: {  	v7 =	vsel vm6, v7, v9  }
0xdd: {  	v7 =	vmul.f32 $1.442695020e+00, v7;
	_ =	sdelay $0x1  }
0xde: {  	(erf) = vpow2.f32 v7;
	_ =	sdelay $0x8  }
0xdf: {  	v7 =	vpop (erf)  }
0xe0: {  	v7 =	vmul.f32 v7, v6;
	_ =	sdelay $0x1  }
0xe1: {  	[tilespmem:v34+s24+$0x0] =	vst.idx.msk $0xffff, v7  }
0xe2: {  	[tilespmem:v32+s17+$0x0] =	vst.idx.msk $0xffff, v7  }
0xe3: {  	v7 =	vld.idx.msk [tilespmem:v35+s17+$0x0], $0xffff  }
0xe4: {  	v9 =	vld.idx.msk [tilespmem:v36+s21+$0x0], $0xffff;
	_ =	sdelay $0x4  }
0xe5: {  	v7 =	vadd.f32 v9, v7;
	_ =	sdelay $0x1  }
0xe6: {  	v9 =	vmul.f32 $2.000000030e-01, v7  }
0xe7: {  	vm7 =	vge.f32 v7, $0.0e+00  }
0xe8: {  	v7 =	vsel vm7, v7, v9  }
0xe9: {  	v7 =	vmul.f32 $1.442695020e+00, v7;
	_ =	sdelay $0x1  }
0xea: {  	(erf) = vpow2.f32 v7;
	_ =	sdelay $0x8  }
0xeb: {  	v7 =	vpop (erf)  }
0xec: {  	v6 =	vmul.f32 v7, v6;
	_ =	sdelay $0x1  }
0xed: {  	[tilespmem:v37+s24+$0x0] =	vst.idx.msk $0xffff, v6  }
0xee: {  	[tilespmem:v35+s17+$0x0] =	vst.idx.msk $0xffff, v6  }
0xef: {  	v6 =	vld.idx.msk [tilespmem:v38+s17+$0x0], $0xffff  }
0xf0: {  	v7 =	vld.idx.msk [tilespmem:v39+s21+$0x0], $0xffff;
	_ =	sdelay $0x4  }
0xf1: {  	v6 =	vadd.f32 v7, v6;
	_ =	sdelay $0x1  }
0xf2: {  	v7 =	vmul.f32 $2.000000030e-01, v6  }
0xf3: {  	vm8 =	vge.f32 v6, $0.0e+00  }
0xf4: {  	v6 =	vsel vm8, v6, v7  }
0xf5: {  	v6 =	vmul.f32 $1.442695020e+00, v6;
	_ =	sdelay $0x1  }
0xf6: {  	(erf) = vpow2.f32 v6;
	_ =	sdelay $0x4  }
0xf7: {  	v6 =	vld [tilespmem:$0x130];
	_ =	sdelay $0x3  }
0xf8: {  	v7 =	vpop (erf)  }
0xf9: {  	v7 =	vmul.f32 v7, v6;
	_ =	sdelay $0x1  }
0xfa: {  	[tilespmem:v40+s24+$0x0] =	vst.idx.msk $0xffff, v7  }
0xfb: {  	[tilespmem:v38+s17+$0x0] =	vst.idx.msk $0xffff, v7  }
0xfc: {  	v7 =	vld.idx.msk [tilespmem:v41+s17+$0x0], $0xffff  }
0xfd: {  	v9 =	vld.idx.msk [tilespmem:v42+s21+$0x0], $0xffff;
	_ =	sdelay $0x4  }
0xfe: {  	v7 =	vadd.f32 v9, v7;
	_ =	sdelay $0x1  }
0xff: {  	v9 =	vmul.f32 $2.000000030e-01, v7  }
0x100: {  	vm9 =	vge.f32 v7, $0.0e+00  }
0x101: {  	v7 =	vsel vm9, v7, v9  }
0x102: {  	v7 =	vmul.f32 $1.442695020e+00, v7;
	_ =	sdelay $0x1  }
0x103: {  	(erf) = vpow2.f32 v7;
	_ =	sdelay $0x8  }
0x104: {  	v7 =	vpop (erf)  }
0x105: {  	v7 =	vmul.f32 v7, v6;
	_ =	sdelay $0x1  }
0x106: {  	[tilespmem:v43+s24+$0x0] =	vst.idx.msk $0xffff, v7  }
0x107: {  	[tilespmem:v41+s17+$0x0] =	vst.idx.msk $0xffff, v7  }
0x108: {  	v7 =	vld.idx.msk [tilespmem:v44+s17+$0x0], $0xffff  }
0x109: {  	v9 =	vld.idx.msk [tilespmem:v45+s21+$0x0], $0xffff;
	_ =	sdelay $0x4  }
0x10a: {  	v7 =	vadd.f32 v9, v7;
	_ =	sdelay $0x1  }
0x10b: {  	v9 =	vmul.f32 $2.000000030e-01, v7  }
0x10c: {  	vm10 =	vge.f32 v7, $0.0e+00  }
0x10d: {  	v7 =	vsel vm10, v7, v9  }
0x10e: {  	v7 =	vmul.f32 $1.442695020e+00, v7;
	_ =	sdelay $0x1  }
0x10f: {  	(erf) = vpow2.f32 v7;
	_ =	sdelay $0x8  }
0x110: {  	v7 =	vpop (erf)  }
0x111: {  	v7 =	vmul.f32 v7, v6;
	_ =	sdelay $0x1  }
0x112: {  	[tilespmem:v46+s24+$0x0] =	vst.idx.msk $0xffff, v7  }
0x113: {  	[tilespmem:v44+s17+$0x0] =	vst.idx.msk $0xffff, v7  }
0x114: {  	v7 =	vld.idx.msk [tilespmem:v47+s17+$0x0], $0xffff  }
0x115: {  	v9 =	vld.idx.msk [tilespmem:v48+s21+$0x0], $0xffff;
	_ =	sdelay $0x4  }
0x116: {  	v7 =	vadd.f32 v9, v7;
	_ =	sdelay $0x1  }
0x117: {  	v9 =	vmul.f32 $2.000000030e-01, v7  }
0x118: {  	vm11 =	vge.f32 v7, $0.0e+00  }
0x119: {  	v7 =	vsel vm11, v7, v9  }
0x11a: {  	v7 =	vmul.f32 $1.442695020e+00, v7;
	_ =	sdelay $0x1  }
0x11b: {  	(erf) = vpow2.f32 v7;
	_ =	sdelay $0x8  }
0x11c: {  	v7 =	vpop (erf)  }
0x11d: {  	v6 =	vmul.f32 v7, v6;
	_ =	sdelay $0x1  }
0x11e: {  	[tilespmem:v49+s24+$0x0] =	vst.idx.msk $0xffff, v6  }
0x11f: {  	[tilespmem:v47+s17+$0x0] =	vst.idx.msk $0xffff, v6  }
0x120: {  	v6 =	vld.idx.msk [tilespmem:v50+s17+$0x0], $0xffff  }
0x121: {  	v7 =	vld.idx.msk [tilespmem:v51+s21+$0x0], $0xffff;
	_ =	sdelay $0x4  }
0x122: {  	v6 =	vadd.f32 v7, v6;
	_ =	sdelay $0x1  }
0x123: {  	v7 =	vmul.f32 $2.000000030e-01, v6  }
0x124: {  	vm12 =	vge.f32 v6, $0.0e+00  }
0x125: {  	v6 =	vsel vm12, v6, v7  }
0x126: {  	v6 =	vmul.f32 $1.442695020e+00, v6;
	_ =	sdelay $0x1  }
0x127: {  	(erf) = vpow2.f32 v6;
	_ =	sdelay $0x4  }
0x128: {  	v6 =	vld [tilespmem:$0x140];
	_ =	sdelay $0x3  }
0x129: {  	v7 =	vpop (erf)  }
0x12a: {  	v7 =	vmul.f32 v7, v6;
	_ =	sdelay $0x1  }
0x12b: {  	[tilespmem:v52+s24+$0x0] =	vst.idx.msk $0xffff, v7  }
0x12c: {  	[tilespmem:v50+s17+$0x0] =	vst.idx.msk $0xffff, v7  }
0x12d: {  	v7 =	vld.idx.msk [tilespmem:v53+s17+$0x0], $0xffff  }
0x12e: {  	v9 =	vld.idx.msk [tilespmem:v54+s21+$0x0], $0xffff;
	_ =	sdelay $0x4  }
0x12f: {  	v7 =	vadd.f32 v9, v7;
	_ =	sdelay $0x1  }
0x130: {  	v9 =	vmul.f32 $2.000000030e-01, v7  }
0x131: {  	vm13 =	vge.f32 v7, $0.0e+00  }
0x132: {  	v7 =	vsel vm13, v7, v9  }
0x133: {  	v7 =	vmul.f32 $1.442695020e+00, v7;
	_ =	sdelay $0x1  }
0x134: {  	(erf) = vpow2.f32 v7;
	_ =	sdelay $0x8  }
0x135: {  	v7 =	vpop (erf)  }
0x136: {  	v7 =	vmul.f32 v7, v6;
	_ =	sdelay $0x1  }
0x137: {  	[tilespmem:v55+s24+$0x0] =	vst.idx.msk $0xffff, v7  }
0x138: {  	[tilespmem:v53+s17+$0x0] =	vst.idx.msk $0xffff, v7  }
0x139: {  	v7 =	vld.idx.msk [tilespmem:v56+s17+$0x0], $0xffff  }
0x13a: {  	v9 =	vld.idx.msk [tilespmem:v57+s21+$0x0], $0xffff;
	_ =	sdelay $0x4  }
0x13b: {  	v7 =	vadd.f32 v9, v7;
	_ =	sdelay $0x1  }
0x13c: {  	v9 =	vmul.f32 $2.000000030e-01, v7  }
0x13d: {  	vm14 =	vge.f32 v7, $0.0e+00  }
0x13e: {  	v7 =	vsel vm14, v7, v9  }
0x13f: {  	v7 =	vmul.f32 $1.442695020e+00, v7;
	_ =	sdelay $0x1  }
0x140: {  	(erf) = vpow2.f32 v7;
	_ =	sdelay $0x8  }
0x141: {  	v7 =	vpop (erf)  }
0x142: {  	v7 =	vmul.f32 v7, v6;
	_ =	sdelay $0x1  }
0x143: {  	[tilespmem:v58+s24+$0x0] =	vst.idx.msk $0xffff, v7  }
0x144: {  	[tilespmem:v56+s17+$0x0] =	vst.idx.msk $0xffff, v7  }
0x145: {  	v7 =	vld.idx.msk [tilespmem:v59+s17+$0x0], $0xffff  }
0x146: {  	v9 =	vld.idx.msk [tilespmem:v60+s21+$0x0], $0xffff;
	_ =	sdelay $0x4  }
0x147: {  	v7 =	vadd.f32 v9, v7;
	_ =	sdelay $0x1  }
0x148: {  	v9 =	vmul.f32 $2.000000030e-01, v7  }
0x149: {  	vm15 =	vge.f32 v7, $0.0e+00  }
0x14a: {  	v7 =	vsel vm15, v7, v9  }
0x14b: {  	v7 =	vmul.f32 $1.442695020e+00, v7;
	_ =	sdelay $0x1  }
0x14c: {  	(erf) = vpow2.f32 v7;
	_ =	sdelay $0x8  }
0x14d: {  	v7 =	vpop (erf)  }
0x14e: {  	v6 =	vmul.f32 v7, v6;
	v7 =	vor.u32 $0x500, v1;
	_ =	sdelay $0x1  }
0x14f: {  	[tilespmem:v61+s24+$0x0] =	vst.idx.msk $0xffff, v6  }
0x150: {  	[tilespmem:v59+s17+$0x0] =	vst.idx.msk $0xffff, v6  }
0x151: {  	v6 =	vld.idx.msk [tilespmem:v62+s17+$0x0], $0xffff  }
0x152: {  	v7 =	vld.idx.msk [tilespmem:v7+s21+$0x0], $0xffff;
	_ =	sdelay $0x4  }
0x153: {  	v6 =	vadd.f32 v7, v6;
	_ =	sdelay $0x1  }
0x154: {  	v7 =	vmul.f32 $2.000000030e-01, v6  }
0x155: {  	vm4 =	vge.f32 v6, $0.0e+00  }
0x156: {  	v6 =	vsel vm4, v6, v7  }
0x157: {  	v6 =	vmul.f32 $1.442695020e+00, v6;
	_ =	sdelay $0x1  }
0x158: {  	(erf) = vpow2.f32 v6;
	_ =	sdelay $0x4  }
0x159: {  	v6 =	vld [tilespmem:$0x150];
	_ =	sdelay $0x1  }
0x15a: {  	v7 =	vor.u32 $0x140, v2;
	_ =	sdelay $0x1  }
0x15b: {  	v63 =	vadd.s32 $0x2D81, v0;
	v9 =	vpop (erf)  }
0x15c: {  	v10 =	vor.u32 $0x501, v1;
	v9 =	vmul.f32 v9, v6;
	_ =	sdelay $0x1  }
0x15d: {  	[tilespmem:v7+s24+$0x0] =	vst.idx.msk $0xffff, v9  }
0x15e: {  	[tilespmem:v62+s17+$0x0] =	vst.idx.msk $0xffff, v9  }
0x15f: {  	v7 =	vld.idx.msk [tilespmem:v63+s17+$0x0], $0xffff  }
0x160: {  	v9 =	vld.idx.msk [tilespmem:v10+s21+$0x0], $0xffff;
	_ =	sdelay $0x4  }
0x161: {  	v7 =	vadd.f32 v9, v7;
	_ =	sdelay $0x1  }
0x162: {  	v9 =	vmul.f32 $2.000000030e-01, v7  }
0x163: {  	vm5 =	vge.f32 v7, $0.0e+00  }
0x164: {  	v7 =	vsel vm5, v7, v9  }
0x165: {  	v7 =	vmul.f32 $1.442695020e+00, v7;
	_ =	sdelay $0x1  }
0x166: {  	(erf) = vpow2.f32 v7;
	_ =	sdelay $0x6  }
0x167: {  	v7 =	vor.u32 $0x141, v2;
	_ =	sdelay $0x1  }
0x168: {  	v10 =	vadd.s32 $0x2D82, v0;
	v9 =	vpop (erf)  }
0x169: {  	v12 =	vor.u32 $0x502, v1;
	v9 =	vmul.f32 v9, v6;
	_ =	sdelay $0x1  }
0x16a: {  	[tilespmem:v7+s24+$0x0] =	vst.idx.msk $0xffff, v9  }
0x16b: {  	[tilespmem:v63+s17+$0x0] =	vst.idx.msk $0xffff, v9  }
0x16c: {  	v7 =	vld.idx.msk [tilespmem:v10+s17+$0x0], $0xffff  }
0x16d: {  	v9 =	vld.idx.msk [tilespmem:v12+s21+$0x0], $0xffff;
	_ =	sdelay $0x4  }
0x16e: {  	v7 =	vadd.f32 v9, v7;
	_ =	sdelay $0x1  }
0x16f: {  	v9 =	vmul.f32 $2.000000030e-01, v7  }
0x170: {  	vm6 =	vge.f32 v7, $0.0e+00  }
0x171: {  	v7 =	vsel vm6, v7, v9  }
0x172: {  	v7 =	vmul.f32 $1.442695020e+00, v7;
	_ =	sdelay $0x1  }
0x173: {  	(erf) = vpow2.f32 v7;
	_ =	sdelay $0x6  }
0x174: {  	v7 =	vor.u32 $0x142, v2;
	_ =	sdelay $0x1  }
0x175: {  	v12 =	vadd.s32 $0x2D83, v0;
	v9 =	vpop (erf)  }
0x176: {  	v63 =	vor.u32 $0x503, v1;
	v9 =	vmul.f32 v9, v6;
	_ =	sdelay $0x1  }
0x177: {  	[tilespmem:v7+s24+$0x0] =	vst.idx.msk $0xffff, v9  }
0x178: {  	[tilespmem:v10+s17+$0x0] =	vst.idx.msk $0xffff, v9  }
0x179: {  	v7 =	vld.idx.msk [tilespmem:v12+s17+$0x0], $0xffff  }
0x17a: {  	v9 =	vld.idx.msk [tilespmem:v63+s21+$0x0], $0xffff;
	_ =	sdelay $0x4  }
0x17b: {  	v7 =	vadd.f32 v9, v7;
	_ =	sdelay $0x1  }
0x17c: {  	v9 =	vmul.f32 $2.000000030e-01, v7  }
0x17d: {  	vm7 =	vge.f32 v7, $0.0e+00  }
0x17e: {  	v7 =	vsel vm7, v7, v9  }
0x17f: {  	v7 =	vmul.f32 $1.442695020e+00, v7;
	_ =	sdelay $0x1  }
0x180: {  	(erf) = vpow2.f32 v7;
	_ =	sdelay $0x6  }
0x181: {  	v7 =	vor.u32 $0x143, v2;
	_ =	sdelay $0x1  }
0x182: {  	v10 =	vadd.s32 $0x3680, v0;
	v9 =	vpop (erf)  }
0x183: {  	v6 =	vmul.f32 v9, v6;
	v9 =	vor.u32 $0x600, v1;
	_ =	sdelay $0x1  }
0x184: {  	[tilespmem:v7+s24+$0x0] =	vst.idx.msk $0xffff, v6  }
0x185: {  	[tilespmem:v12+s17+$0x0] =	vst.idx.msk $0xffff, v6  }
0x186: {  	v6 =	vld.idx.msk [tilespmem:v10+s17+$0x0], $0xffff  }
0x187: {  	v7 =	vld.idx.msk [tilespmem:v9+s21+$0x0], $0xffff;
	_ =	sdelay $0x4  }
0x188: {  	v6 =	vadd.f32 v7, v6;
	_ =	sdelay $0x1  }
0x189: {  	v7 =	vmul.f32 $2.000000030e-01, v6  }
0x18a: {  	vm8 =	vge.f32 v6, $0.0e+00  }
0x18b: {  	v6 =	vsel vm8, v6, v7  }
0x18c: {  	v6 =	vmul.f32 $1.442695020e+00, v6;
	_ =	sdelay $0x1  }
0x18d: {  	(erf) = vpow2.f32 v6;
	_ =	sdelay $0x4  }
0x18e: {  	v6 =	vld [tilespmem:$0x160];
	_ =	sdelay $0x1  }
0x18f: {  	v7 =	vor.u32 $0x180, v2;
	_ =	sdelay $0x1  }
0x190: {  	v12 =	vadd.s32 $0x3681, v0;
	v9 =	vpop (erf)  }
0x191: {  	v63 =	vor.u32 $0x601, v1;
	v9 =	vmul.f32 v9, v6;
	_ =	sdelay $0x1  }
0x192: {  	[tilespmem:v7+s24+$0x0] =	vst.idx.msk $0xffff, v9  }
0x193: {  	[tilespmem:v10+s17+$0x0] =	vst.idx.msk $0xffff, v9  }
0x194: {  	v7 =	vld.idx.msk [tilespmem:v12+s17+$0x0], $0xffff  }
0x195: {  	v9 =	vld.idx.msk [tilespmem:v63+s21+$0x0], $0xffff;
	_ =	sdelay $0x4  }
0x196: {  	v7 =	vadd.f32 v9, v7;
	_ =	sdelay $0x1  }
0x197: {  	v9 =	vmul.f32 $2.000000030e-01, v7  }
0x198: {  	vm9 =	vge.f32 v7, $0.0e+00  }
0x199: {  	v7 =	vsel vm9, v7, v9  }
0x19a: {  	v7 =	vmul.f32 $1.442695020e+00, v7;
	_ =	sdelay $0x1  }
0x19b: {  	(erf) = vpow2.f32 v7;
	_ =	sdelay $0x6  }
0x19c: {  	v7 =	vor.u32 $0x181, v2;
	_ =	sdelay $0x1  }
0x19d: {  	v10 =	vadd.s32 $0x3682, v0;
	v9 =	vpop (erf)  }
0x19e: {  	v63 =	vor.u32 $0x602, v1;
	v9 =	vmul.f32 v9, v6;
	_ =	sdelay $0x1  }
0x19f: {  	[tilespmem:v7+s24+$0x0] =	vst.idx.msk $0xffff, v9  }
0x1a0: {  	[tilespmem:v12+s17+$0x0] =	vst.idx.msk $0xffff, v9  }
0x1a1: {  	v7 =	vld.idx.msk [tilespmem:v10+s17+$0x0], $0xffff  }
0x1a2: {  	v9 =	vld.idx.msk [tilespmem:v63+s21+$0x0], $0xffff;
	_ =	sdelay $0x4  }
0x1a3: {  	v7 =	vadd.f32 v9, v7;
	_ =	sdelay $0x1  }
0x1a4: {  	v9 =	vmul.f32 $2.000000030e-01, v7  }
0x1a5: {  	vm10 =	vge.f32 v7, $0.0e+00  }
0x1a6: {  	v7 =	vsel vm10, v7, v9  }
0x1a7: {  	v7 =	vmul.f32 $1.442695020e+00, v7;
	_ =	sdelay $0x1  }
0x1a8: {  	(erf) = vpow2.f32 v7;
	_ =	sdelay $0x6  }
0x1a9: {  	v7 =	vor.u32 $0x182, v2;
	_ =	sdelay $0x1  }
0x1aa: {  	v12 =	vadd.s32 $0x3683, v0;
	v9 =	vpop (erf)  }
0x1ab: {  	v63 =	vor.u32 $0x603, v1;
	v9 =	vmul.f32 v9, v6;
	_ =	sdelay $0x1  }
0x1ac: {  	[tilespmem:v7+s24+$0x0] =	vst.idx.msk $0xffff, v9  }
0x1ad: {  	[tilespmem:v10+s17+$0x0] =	vst.idx.msk $0xffff, v9  }
0x1ae: {  	v7 =	vld.idx.msk [tilespmem:v12+s17+$0x0], $0xffff  }
0x1af: {  	v9 =	vld.idx.msk [tilespmem:v63+s21+$0x0], $0xffff;
	_ =	sdelay $0x4  }
0x1b0: {  	v7 =	vadd.f32 v9, v7;
	_ =	sdelay $0x1  }
0x1b1: {  	v9 =	vmul.f32 $2.000000030e-01, v7  }
0x1b2: {  	vm11 =	vge.f32 v7, $0.0e+00  }
0x1b3: {  	v7 =	vsel vm11, v7, v9  }
0x1b4: {  	v7 =	vmul.f32 $1.442695020e+00, v7;
	_ =	sdelay $0x1  }
0x1b5: {  	(erf) = vpow2.f32 v7;
	_ =	sdelay $0x6  }
0x1b6: {  	v7 =	vor.u32 $0x183, v2;
	_ =	sdelay $0x1  }
0x1b7: {  	v10 =	vadd.s32 $0x3F80, v0;
	v9 =	vpop (erf)  }
0x1b8: {  	v6 =	vmul.f32 v9, v6;
	v9 =	vor.u32 $0x700, v1;
	_ =	sdelay $0x1  }
0x1b9: {  	[tilespmem:v7+s24+$0x0] =	vst.idx.msk $0xffff, v6  }
0x1ba: {  	[tilespmem:v12+s17+$0x0] =	vst.idx.msk $0xffff, v6  }
0x1bb: {  	v6 =	vld.idx.msk [tilespmem:v10+s17+$0x0], $0xffff  }
0x1bc: {  	v7 =	vld.idx.msk [tilespmem:v9+s21+$0x0], $0xffff;
	_ =	sdelay $0x4  }
0x1bd: {  	v6 =	vadd.f32 v7, v6;
	_ =	sdelay $0x1  }
0x1be: {  	v7 =	vmul.f32 $2.000000030e-01, v6  }
0x1bf: {  	vm12 =	vge.f32 v6, $0.0e+00  }
0x1c0: {  	v6 =	vsel vm12, v6, v7  }
0x1c1: {  	v6 =	vmul.f32 $1.442695020e+00, v6;
	_ =	sdelay $0x1  }
0x1c2: {  	(erf) = vpow2.f32 v6;
	_ =	sdelay $0x4  }
0x1c3: {  	v6 =	vld [tilespmem:$0x170];
	_ =	sdelay $0x1  }
0x1c4: {  	v7 =	vor.u32 $0x1C0, v2;
	_ =	sdelay $0x1  }
0x1c5: {  	v12 =	vadd.s32 $0x3F81, v0;
	v9 =	vpop (erf)  }
0x1c6: {  	v63 =	vor.u32 $0x701, v1;
	v9 =	vmul.f32 v9, v6;
	_ =	sdelay $0x1  }
0x1c7: {  	[tilespmem:v7+s24+$0x0] =	vst.idx.msk $0xffff, v9  }
0x1c8: {  	[tilespmem:v10+s17+$0x0] =	vst.idx.msk $0xffff, v9  }
0x1c9: {  	v7 =	vld.idx.msk [tilespmem:v12+s17+$0x0], $0xffff  }
0x1ca: {  	v9 =	vld.idx.msk [tilespmem:v63+s21+$0x0], $0xffff;
	_ =	sdelay $0x4  }
0x1cb: {  	v7 =	vadd.f32 v9, v7;
	_ =	sdelay $0x1  }
0x1cc: {  	v9 =	vmul.f32 $2.000000030e-01, v7  }
0x1cd: {  	vm13 =	vge.f32 v7, $0.0e+00  }
0x1ce: {  	v7 =	vsel vm13, v7, v9  }
0x1cf: {  	v7 =	vmul.f32 $1.442695020e+00, v7;
	_ =	sdelay $0x1  }
0x1d0: {  	(erf) = vpow2.f32 v7;
	_ =	sdelay $0x6  }
0x1d1: {  	v7 =	vor.u32 $0x1C1, v2;
	_ =	sdelay $0x1  }
0x1d2: {  	v10 =	vadd.s32 $0x3F82, v0;
	v9 =	vpop (erf)  }
0x1d3: {  	v63 =	vor.u32 $0x702, v1;
	v9 =	vmul.f32 v9, v6;
	_ =	sdelay $0x1  }
0x1d4: {  	[tilespmem:v7+s24+$0x0] =	vst.idx.msk $0xffff, v9  }
0x1d5: {  	[tilespmem:v12+s17+$0x0] =	vst.idx.msk $0xffff, v9  }
0x1d6: {  	v7 =	vld.idx.msk [tilespmem:v10+s17+$0x0], $0xffff  }
0x1d7: {  	v9 =	vld.idx.msk [tilespmem:v63+s21+$0x0], $0xffff;
	_ =	sdelay $0x4  }
0x1d8: {  	v7 =	vadd.f32 v9, v7;
	_ =	sdelay $0x1  }
0x1d9: {  	v9 =	vmul.f32 $2.000000030e-01, v7  }
0x1da: {  	vm14 =	vge.f32 v7, $0.0e+00  }
0x1db: {  	v7 =	vsel vm14, v7, v9  }
0x1dc: {  	v7 =	vmul.f32 $1.442695020e+00, v7;
	_ =	sdelay $0x1  }
0x1dd: {  	(erf) = vpow2.f32 v7;
	_ =	sdelay $0x6  }
0x1de: {  	v7 =	vor.u32 $0x1C2, v2;
	_ =	sdelay $0x1  }
0x1df: {  	v12 =	vadd.s32 $0x3F83, v0;
	v9 =	vpop (erf)  }
0x1e0: {  	v63 =	vor.u32 $0x703, v1;
	v9 =	vmul.f32 v9, v6;
	_ =	sdelay $0x1  }
0x1e1: {  	[tilespmem:v7+s24+$0x0] =	vst.idx.msk $0xffff, v9  }
0x1e2: {  	[tilespmem:v10+s17+$0x0] =	vst.idx.msk $0xffff, v9  }
0x1e3: {  	v7 =	vld.idx.msk [tilespmem:v12+s17+$0x0], $0xffff  }
0x1e4: {  	v9 =	vld.idx.msk [tilespmem:v63+s21+$0x0], $0xffff;
	_ =	sdelay $0x4  }
0x1e5: {  	v7 =	vadd.f32 v9, v7;
	_ =	sdelay $0x1  }
0x1e6: {  	v9 =	vmul.f32 $2.000000030e-01, v7  }
0x1e7: {  	vm15 =	vge.f32 v7, $0.0e+00  }
0x1e8: {  	v7 =	vsel vm15, v7, v9  }
0x1e9: {  	v7 =	vmul.f32 $1.442695020e+00, v7;
	_ =	sdelay $0x1  }
0x1ea: {  	(erf) = vpow2.f32 v7;
	_ =	sdelay $0x5  }
0x1eb: {  	v7 =	vmov s25  }
0x1ec: {  	v9 =	vor.u32 $0x1C3, v2;
	v7 =	vand.u32 $0xFFFFFFFC, v7  }
0x1ed: {  	v7 =	vbroadcast v7, $0x0  }
0x1ee: {  	v10 =	vpop (erf)  }
0x1ef: {  	v6 =	vmul.f32 v10, v6;
	_ =	sdelay $0x1  }
0x1f0: {  	[tilespmem:v9+s24+$0x0] =	vst.idx.msk $0xffff, v6  }
0x1f1: {  	[tilespmem:v12+s17+$0x0] =	vst.idx.msk $0xffff, v6  }
0x1f2: {  	s28 =	simm.s32 $0x1C0;
	v6 =	vld.idx.msk [tilespmem:v7+s24+$0x0], $0xffff  }
0x1f3: {  	s29 =	simm.s32 $0x1;
	v7 =	vld [tilespmem:s28+$0xFFFFFFC0]  }
0x1f4: {  	v10 =	vmov s29;
	v9 =	vld [tilespmem:s28+$0xFFFFFFD0]  }
0x1f5: {  	v10 =	vand.u32 $0xFFFFFFFD, v10  }
0x1f6: {  	v10 =	vbroadcast v10, $0x0;
	_ =	sdelay $0x1  }
0x1f7: {  	v7 =	vmul.f32 v7, v6  }
0x1f8: {  	v6 =	vmul.f32 v9, v6  }
0x1f9: {  	[tilespmem:s28+$0xFFFFFFC0] =	vst v7  }
0x1fa: {  	[tilespmem:s28+$0xFFFFFFD0] =	vst v6;
	v7 =	vld [tilespmem:s28+$0xFFFFFFE0]  }
0x1fb: {  	s29 =	simm.s32 $0x2;
	v6 =	vld.idx.msk [tilespmem:v10+s24+$0x0], $0xffff  }
0x1fc: {  	v9 =	vld [tilespmem:s28+$0xFFFFFFF0];
	v10 =	vmov s29  }
0x1fd: {  	v10 =	vand.u32 $0xFFFFFFFE, v10  }
0x1fe: {  	v10 =	vbroadcast v10, $0x0;
	_ =	sdelay $0x1  }
0x1ff: {  	v7 =	vmul.f32 v7, v6  }
0x200: {  	v6 =	vmul.f32 v9, v6  }
0x201: {  	[tilespmem:s28+$0xFFFFFFE0] =	vst v7  }
0x202: {  	[tilespmem:s28+$0xFFFFFFF0] =	vst v6;
	v6 =	vld [tilespmem:s28+$0x10]  }
0x203: {  	v7 =	vld.idx.msk [tilespmem:v10+s24+$0x0], $0xffff  }
0x204: {  	v9 =	vld [tilespmem:s28+$0x0];
	_ =	sdelay $0x1  }
0x205: {  	s29 =	simm.s32 $0x3  }
0x206: {  	v10 =	vmov s29  }
0x207: {  	v6 =	vmul.f32 v6, v7  }
0x208: {  	v7 =	vmul.f32 v9, v7  }
0x209: {  	v63 =	vld [tilespmem:s28+$0x30];
	[tilespmem:s28+$0x10] =	vst v6  }
0x20a: {  	v9 =	vld [tilespmem:s28+$0x20];
	[tilespmem:s28+$0x0] =	vst v7  }
0x20b: {  	s29 =	simm.s32 $0x4;
	v6 =	vld.idx.msk [tilespmem:v10+s24+$0x0], $0xffff  }
0x20c: {  	v7 =	vmov s29  }
0x20d: {  	v7 =	vand.u32 $0xFFFFFFFC, v7  }
0x20e: {  	s30 =	simm.s32 $0x8;
	v7 =	vbroadcast v7, $0x0  }
.LBB2_5:
0x20f: {  	p0 =	sne.s32 s30, $0x1FC  }
0x210: {  	v9 =	vmul.f32 v9, v6;
	v6 =	vmul.f32 v63, v6;
	_ =	sdelay $0x1  }
0x211: {  	[tilespmem:s28+$0x20] =	vst v9  }
0x212: {  	[tilespmem:s28+$0x30] =	vst v6  }
0x213: {  	s28 =	sadd.s32 $0x90, s28;
	v6 =	vld.idx.msk [tilespmem:v7+s24+$0x0], $0xffff  }
0x214: {  	s31 =	sadd.s32 $0x1, s29;
	v7 =	vld [tilespmem:s28+$0xFFFFFFC0]  }
0x215: {  	v10 =	vmov s31;
	v9 =	vld [tilespmem:s28+$0xFFFFFFD0]  }
0x216: {  	v10 =	vand.u32 $0xFFFFFFFD, v10  }
0x217: {  	v10 =	vbroadcast v10, $0x0;
	_ =	sdelay $0x1  }
0x218: {  	v7 =	vmul.f32 v7, v6  }
0x219: {  	v6 =	vmul.f32 v9, v6  }
0x21a: {  	[tilespmem:s28+$0xFFFFFFC0] =	vst v7  }
0x21b: {  	[tilespmem:s28+$0xFFFFFFD0] =	vst v6  }
0x21c: {  	v6 =	vld.idx.msk [tilespmem:v10+s24+$0x0], $0xffff  }
0x21d: {  	s31 =	sadd.s32 $0x2, s29;
	v7 =	vld [tilespmem:s28+$0xFFFFFFE0]  }
0x21e: {  	v10 =	vmov s31;
	v9 =	vld [tilespmem:s28+$0xFFFFFFF0]  }
0x21f: {  	v10 =	vand.u32 $0xFFFFFFFE, v10  }
0x220: {  	v10 =	vbroadcast v10, $0x0;
	_ =	sdelay $0x1  }
0x221: {  	v7 =	vmul.f32 v7, v6  }
0x222: {  	v6 =	vmul.f32 v9, v6  }
0x223: {  	[tilespmem:s28+$0xFFFFFFE0] =	vst v7  }
0x224: {  	[tilespmem:s28+$0xFFFFFFF0] =	vst v6;
	v6 =	vld [tilespmem:s28+$0x10]  }
0x225: {  	v7 =	vld.idx.msk [tilespmem:v10+s24+$0x0], $0xffff  }
0x226: {  	v9 =	vld [tilespmem:s28+$0x0];
	_ =	sdelay $0x2  }
0x227: {  	s31 =	sadd.s32 $0x3, s29;
	s29 =	smov.u32 s30  }
0x228: {  	v10 =	vmov s31  }
0x229: {  	v6 =	vmul.f32 v6, v7;
	v9 =	vmul.f32 v9, v7;
	_ =	sdelay $0x1  }
0x22a: {  	[tilespmem:s28+$0x10] =	vst v6  }
0x22b: {  	[tilespmem:s28+$0x0] =	vst v9;
	v63 =	vld [tilespmem:s28+$0x30]  }
.Ltmp1:
0x22c: {  	v6 =	vld.idx.msk [tilespmem:v10+s24+$0x0], $0xffff;
	(pc) =	sbr.rel @p0 .LBB2_5-.Ltmp1, $4  }
0x22d: {  	v9 =	vld [tilespmem:s28+$0x20]  }
0x22e: {  	v7 =	vmov s30  }
0x22f: {  	v7 =	vand.u32 $0xFFFFFFFC, v7  }
0x230: {  	s30 =	sadd.s32 $0x4, s30;
	v7 =	vbroadcast v7, $0x0  }
0x231: {  	_ = 	snop  }
0x232: {  	v9 =	vmul.f32 v9, v6  }
0x233: {  	v6 =	vmul.f32 v63, v6  }
0x234: {  	[tilespmem:s28+$0x20] =	vst v9  }
0x235: {  	[tilespmem:s28+$0x30] =	vst v6  }
0x236: {  	s28 =	sadd.s32 $0x90, s28;
	v6 =	vld.idx.msk [tilespmem:v7+s24+$0x0], $0xffff  }
0x237: {  	s30 =	sadd.s32 $0x1, s29;
	v7 =	vld [tilespmem:s28+$0xFFFFFFC0]  }
0x238: {  	v10 =	vmov s30;
	v9 =	vld [tilespmem:s28+$0xFFFFFFD0]  }
0x239: {  	v10 =	vand.u32 $0xFFFFFFFD, v10  }
0x23a: {  	v10 =	vbroadcast v10, $0x0;
	_ =	sdelay $0x1  }
0x23b: {  	v7 =	vmul.f32 v7, v6  }
0x23c: {  	v6 =	vmul.f32 v9, v6  }
0x23d: {  	[tilespmem:s28+$0xFFFFFFC0] =	vst v7  }
0x23e: {  	[tilespmem:s28+$0xFFFFFFD0] =	vst v6;
	v7 =	vld [tilespmem:s28+$0xFFFFFFE0]  }
0x23f: {  	s31 =	sadd.s32 $0x2, s29;
	v6 =	vld.idx.msk [tilespmem:v10+s24+$0x0], $0xffff  }
0x240: {  	v9 =	vld [tilespmem:s28+$0xFFFFFFF0];
	v10 =	vmov s31  }
0x241: {  	v10 =	vand.u32 $0xFFFFFFFE, v10  }
0x242: {  	v10 =	vbroadcast v10, $0x0;
	_ =	sdelay $0x1  }
0x243: {  	v7 =	vmul.f32 v7, v6  }
0x244: {  	v6 =	vmul.f32 v9, v6  }
0x245: {  	[tilespmem:s28+$0xFFFFFFE0] =	vst v7  }
0x246: {  	[tilespmem:s28+$0xFFFFFFF0] =	vst v6;
	v6 =	vld [tilespmem:s28+$0x10]  }
0x247: {  	v7 =	vld.idx.msk [tilespmem:v10+s24+$0x0], $0xffff  }
0x248: {  	v9 =	vld [tilespmem:s28+$0x0];
	_ =	sdelay $0x1  }
0x249: {  	s31 =	sadd.s32 $0x3, s29  }
0x24a: {  	v10 =	vmov s31  }
0x24b: {  	v6 =	vmul.f32 v6, v7  }
0x24c: {  	v7 =	vmul.f32 v9, v7  }
0x24d: {  	[tilespmem:s28+$0x10] =	vst v6  }
0x24e: {  	[tilespmem:s28+$0x0] =	vst v7;
	v7 =	vld [tilespmem:s28+$0x20]  }
0x24f: {  	v6 =	vld.idx.msk [tilespmem:v10+s24+$0x0], $0xffff  }
0x250: {  	v9 =	vld [tilespmem:s28+$0x30];
	_ =	sdelay $0x3  }
0x251: {  	v7 =	vmul.f32 v7, v6  }
0x252: {  	s26 =	sadd.s32 $0x1, s26;
	v6 =	vmul.f32 v9, v6  }
0x253: {  	p0 =	sne.s32 s26, $0x4F;
	[tilespmem:s28+$0x20] =	vst v7  }
.Ltmp2:
0x254: {  	[tilespmem:s28+$0x30] =	vst v6;
	(pc) =	sbr.rel @p0 .LBB2_4-.Ltmp2, $4  }
0x255: {  	[spmem:s1] =	stream.indirect.scatter.add.f32 [tilespmem:s17], [sflag:$0x3], $0x90, s19, s19, $0xb8;
	[tilespmem:$0x1BB80] =	vst v63  }
0x256: {  	_ =	swait.ge [sflag:s18], $0x4800  }
0x257: {  	[sflag:s18] =	ssyncset.done $0x0  }
0x258: {  	[sflag:s18] =	ssyncadd.s32 $0xFFFFB800  }
0x259: {  	s3 =	sadd.s32 $0x1, s3  }
0x25a: {  	s25 =	sshll.u32 s2, $0x6;
	[bflag:$0x0] =	sbarrier.arrive $0xFFFF;
	p0 =	sne.s32 s3, s16  }
.Ltmp3:
0x25b: {  	s26 =	sshrl.u32 s9, $0x3;
	s25 =	sor.u32 $0x1C03, s25;
	(pc) =	sbr.rel @p0 .LBB2_1-.Ltmp3, $4  }
0x25c: {  	[hbm:s15], [sflag:s25] =	dma.local [spmem:s26], $0x2D00  }
0x25d: {  	_ =	swait.ge [sflag:s18], $0x2D00  }
0x25e: {  	[sflag:s18] =	ssyncset.done $0x0  }
0x25f: {  	[sflag:s18] =	ssyncadd.s32 $0xFFFFD300  }
0x260: {  	_ =	sfence.sel $0x180000  }
0x261: {  	[bflag:$0x0] =	sbarrier.arrive $0xFFFF  }
0x262: {  	p0 =	sne.s32 s2, $0x0;
	_ =	strace $0x9000004A  }
0x263: {  	s0 =	sadd.s32 @!p0 $0x100000, s0;
	[bflag:$0x2] =	sbarrier.arrive $0xFFFF  }
0x264: {  	[sflag:s0] =	ssyncadd.tile.s32 @!p0 $0x1;
	_ =	shalt  }
.Lfunc_end2:
_tile_overlayer_lowered:
.L_overlay_start_2:
0x265: {  	(tag) =	ssettag $0x2  }
0x266: {  	s0 =	rddreg [dreg:$0x0];
	s2 =	stileid.u32  }
0x267: {  	s1 =	rddreg [dreg:$0x1];
	p0 =	sne.s32 s2, $0x0  }
0x268: {  	s3 =	rddreg [dreg:$0x2];
	[bflag:$0x3] =	sbarrier.arrive $0xFFFF;
	s2 =	simm.s32 @!p0 $0x1C03  }
0x269: {  	[timem:s3], [sflag:s2] =	dma.local @!p0 [hbm:s0], s1  }
0x26a: {  	s0 =	simm.s32 @!p0 $0x3  }
0x26b: {  	_ =	swait.ge @!p0 [sflag:s0], s1  }
0x26c: {  	s1 =	ssub.s32 @!p0 $0x0, s1;
	[sflag:s0] =	ssyncset.done @!p0 $0x0  }
0x26d: {  	[sflag:s0] =	ssyncadd.s32 @!p0 s1  }
0x26e: {  	[bflag:$0x3] =	sbarrier.arrive $0xFFFF  }
0x26f: {  	_ =	shalt  }

// kernel: kernel.7.cloned.1.call-start
scs
__scs_entry_jumppad:
0x0: {  	(pc) =	sbr.rel $0x88, $3  }
0x1: {  	(tag) =	ssettag $0x0;
	lr =	simm.s32 $0x1  }
0x2: {  	[smem:$0x3F91] =	sst lr;
	_ =	strace $0xD0000000  }
0x3: {  	_ = 	snop  }
0x4: {  	_ = 	snop  }
0x5: {  	_ = 	snop  }
0x6: {  	_ = 	snop  }
0x7: {  	_ = 	snop  }
__scs_overlays_trampoline_lowered:
0x8: {  	[smem:$0x3FA0] =	sst s0  }
0x9: {  	[smem:$0x3FA1] =	sst s1  }
0xa: {  	[smem:$0x3FA2] =	sst s2  }
0xb: {  	[smem:$0x3FA3] =	sst s3  }
0xc: {  	[smem:$0x3FA4] =	sst s4  }
0xd: {  	[smem:$0x3FA5] =	sst s5  }
0xe: {  	[smem:$0x3FA6] =	sst s6  }
0xf: {  	[smem:$0x3FA7] =	sst s7  }
0x10: {  	[smem:$0x3FA8] =	sst s8  }
0x11: {  	[smem:$0x3FA9] =	sst s9;
	s0 =	simm.s32 @!p0 $0x0  }
0x12: {  	s1 =	sld [smem:$0x3F8F];
	s0 =	simm.s32 @p0 $0x1  }
0x13: {  	[smem:$0x3FAA] =	sst s0;
	s0 =	simm.s32 @!p1 $0x0  }
0x14: {  	s2 =	sld [smem:$0x3F8E];
	s0 =	simm.s32 @p1 $0x1  }
0x15: {  	[smem:$0x3FAB] =	sst s0;
	s0 =	simm.s32 @!p2 $0x0  }
0x16: {  	s3 =	sld [smem:$0x3FDB];
	s0 =	simm.s32 @p2 $0x1  }
0x17: {  	s4 =	simm.s32 $0x1BF5;
	[smem:$0x3FAD] =	sst s0  }
0x18: {  	s0 =	sld [smem:$0x3F90];
	_ =	swait.ge [sflag:s4], $0x0  }
0x19: {  	s7 =	sld [smem:$0x3F91]  }
0x1a: {  	s8 =	sadd.s32 $0xFFFFE003, lr  }
0x1b: {  	s9 =	sadd.s32 $0xFFFFFEF7, lr;
	s5 =	simm.s32 $0xFFFFFFFF;
	p2 =	slt.u32 s8, $0xFFFFF086  }
0x1c: {  	p1 =	slt.u32 s9, $0xF7A;
	s5 =	simm.s32 @!p2 $0x0  }
0x1d: {  	s5 =	simm.s32 @p1 $0x1;
	p0 =	seq.s32 s7, s2  }
0x1e: {  	s7 =	smul.u32 @!p0 $0xF7A, s2;
	p2 =	seq.s32 @!p0 s5, $0x0  }
0x1f: {  	s9 =	smul.u32 $0xF7A, s1;
	s8 =	simm.s32 @!p0 $0x1BF5;
	p2 =	por !p2, p0  }
0x20: {  	[sflag:s8] =	ssyncset.s32 @!p0 $0xFFFFF086;
	s6 =	sadd.s32 @!p0 s3, s7;
	s7 =	simm.s32 @!p0 $0x108  }
0x21: {  	s3 =	sadd.s32 s3, s9;
	s6 =	sadd.s32 @!p0 $0x88, s6;
	s7 =	simm.s32 @p2 $0x1082  }
0x22: {  	[simem:s7], [sflag:s8] =	dma.local @!p0 [hbm:s6], $0xF7A  }
0x23: {  	s9 =	sor.u32 $0xD0000000, s2;
	s6 =	simm.s32 $0x108;
	_ =	swait.ge @!p0 [sflag:s8], $0x0  }
0x24: {  	s3 =	sadd.s32 $0x88, s3;
	s6 =	simm.s32 @!p1 $0x1082;
	[sflag:s4] =	ssyncset.s32 $0xFFFFF086  }
0x25: {  	[simem:s6], [sflag:s4] =	dma.local [hbm:s3], $0xF7A  }
0x26: {  	[smem:$0x3F91] =	sst s1;
	(tag) =	ssettag s2;
	_ =	strace s9  }
0x27: {  	s1 =	sld [smem:$0x3FA1]  }
0x28: {  	s2 =	sld [smem:$0x3FA2]  }
0x29: {  	s4 =	sld [smem:$0x3FA4]  }
0x2a: {  	p0 =	seq.s32 s5, $0x0;
	s5 =	sld [smem:$0x3FA5]  }
0x2b: {  	s6 =	sld [smem:$0x3FA6]  }
0x2c: {  	s7 =	sld [smem:$0x3FA7]  }
0x2d: {  	s3 =	simm.s32 $0x108;
	s8 =	sld [smem:$0x3FA8]  }
0x2e: {  	s3 =	simm.s32 @!p0 $0x1082;
	s9 =	sld [smem:$0x3FA9]  }
0x2f: {  	lr =	sadd.s32 s0, s3;
	s0 =	sld [smem:$0x3FA0]  }
0x30: {  	s3 =	sld [smem:$0x3FA3]  }
0x31: {  	[smem:$0x3FAC] =	sst s10  }
0x32: {  	s10 =	sld [smem:$0x3FAA];
	_ =	sdelay $0x3  }
0x33: {  	p0 =	seq.s32 s10, $0x1;
	s10 =	sld [smem:$0x3FAC];
	_ =	sdelay $0x3  }
0x34: {  	[smem:$0x3FAC] =	sst s10  }
0x35: {  	s10 =	sld [smem:$0x3FAB];
	_ =	sdelay $0x3  }
0x36: {  	p1 =	seq.s32 s10, $0x1;
	s10 =	sld [smem:$0x3FAC];
	_ =	sdelay $0x3  }
0x37: {  	[smem:$0x3FAC] =	sst s10  }
0x38: {  	s10 =	sld [smem:$0x3FAD]  }
0x39: {  	_ = 	snop;
	(pc) =	sbr.ind lr, $3  }
0x3a: {  	_ = 	snop  }
0x3b: {  	_ = 	snop  }
0x3c: {  	p2 =	seq.s32 s10, $0x1;
	s10 =	sld [smem:$0x3FAC]  }
0x3d: {  	_ =	shalt  }
0x3e: {  	_ =	shalt  }
0x3f: {  	_ =	shalt  }
0x40: {  	_ =	shalt  }
0x41: {  	_ =	shalt  }
0x42: {  	_ =	shalt  }
0x43: {  	_ =	shalt  }
0x44: {  	_ =	shalt  }
0x45: {  	_ =	shalt  }
0x46: {  	_ =	shalt  }
0x47: {  	_ =	shalt  }
0x48: {  	_ =	shalt  }
0x49: {  	_ =	shalt  }
0x4a: {  	_ =	shalt  }
0x4b: {  	_ =	shalt  }
0x4c: {  	_ =	shalt  }
0x4d: {  	_ =	shalt  }
0x4e: {  	_ =	shalt  }
0x4f: {  	_ =	shalt  }
0x50: {  	_ =	shalt  }
0x51: {  	_ =	shalt  }
0x52: {  	_ =	shalt  }
0x53: {  	_ =	shalt  }
0x54: {  	_ =	shalt  }
0x55: {  	_ =	shalt  }
0x56: {  	_ =	shalt  }
0x57: {  	_ =	shalt  }
0x58: {  	_ =	shalt  }
0x59: {  	_ =	shalt  }
0x5a: {  	_ =	shalt  }
0x5b: {  	_ =	shalt  }
0x5c: {  	_ =	shalt  }
0x5d: {  	_ =	shalt  }
0x5e: {  	_ =	shalt  }
0x5f: {  	_ =	shalt  }
0x60: {  	_ =	shalt  }
0x61: {  	_ =	shalt  }
0x62: {  	_ =	shalt  }
0x63: {  	_ =	shalt  }
0x64: {  	_ =	shalt  }
0x65: {  	_ =	shalt  }
0x66: {  	_ =	shalt  }
0x67: {  	_ =	shalt  }
0x68: {  	_ =	shalt  }
0x69: {  	_ =	shalt  }
0x6a: {  	_ =	shalt  }
0x6b: {  	_ =	shalt  }
0x6c: {  	_ =	shalt  }
0x6d: {  	_ =	shalt  }
0x6e: {  	_ =	shalt  }
0x6f: {  	_ =	shalt  }
0x70: {  	_ =	shalt  }
0x71: {  	_ =	shalt  }
0x72: {  	_ =	shalt  }
0x73: {  	_ =	shalt  }
0x74: {  	_ =	shalt  }
0x75: {  	_ =	shalt  }
0x76: {  	_ =	shalt  }
0x77: {  	_ =	shalt  }
0x78: {  	_ =	shalt  }
0x79: {  	_ =	shalt  }
0x7a: {  	_ =	shalt  }
0x7b: {  	_ =	shalt  }
0x7c: {  	_ =	shalt  }
0x7d: {  	_ =	shalt  }
0x7e: {  	_ =	shalt  }
0x7f: {  	_ =	shalt  }
0x80: {  	_ =	shalt  }
0x81: {  	_ =	shalt  }
0x82: {  	_ =	shalt  }
0x83: {  	_ =	shalt  }
0x84: {  	_ =	shalt  }
0x85: {  	_ =	shalt  }
0x86: {  	_ =	shalt  }
0x87: {  	_ =	shalt  }
.Lfunc_end0:
.L_simem_size_0:
called_computation_lowered:
.L_overlay_start_0:
0x88: {  	s2 =	sld [smem:$0x3FD9]  }
0x89: {  	s3 =	sld [smem:$0x3FFE];
	_ =	sdelay $0x1  }
0x8a: {  	s1 =	srdreg.scid  }
0x8b: {  	s0 =	sand.u32 $0x1, s1  }
0x8c: {  	s16 =	sshll.u32 s0, $0xA;
	s2 =	sadd.s32 s3, s2  }
0x8d: {  	s2 =	sadd.s32 s2, s16  }
0x8e: {  	[smem:$0x3FB8] =	sst s2  }
0x8f: {  	_ = 	snop  }
0x90: {  	(tm) =	ssettm $0x1  }
0x91: {  	s17 =	sld [smem:$0x3FFB];
	_ =	sdelay $0x3  }
0x92: {  	_ =	strace s17  }
0x93: {  	s2 =	sld [smem:$0x3FFC];
	_ =	sdelay $0x3  }
0x94: {  	_ =	strace s2  }
0x95: {  	s2 =	sld [smem:$0x3FFD];
	_ =	sdelay $0x3  }
0x96: {  	_ =	strace s2  }
0x97: {  	_ =	strace $0x8FFFFFFF  }
0x98: {  	s18 =	sld [smem:$0x3FDB];
	_ =	sdelay $0x1  }
0x99: {  	s19 =	simm.s32 $_scs_section_size  }
0x9a: {  	s4 =	simm.s32 $_size__tile_overlayer_lowered;
	s5 =	simm.s32 $_tile_overlayer_lowered  }
0x9b: {  	s22 =	simm.s32 $0x1BFF;
	s21 =	sshll.u32 s5, $0x1;
	s2 =	sadd.s32 s19, s18  }
0x9c: {  	s6 =	simm.s32 $0x0;
	s20 =	sshll.u32 s4, $0x1;
	s4 =	sadd.s32 s21, s2  }
0x9d: {  	[timem:s6], [sflag:s22] =	dma.local [hbm:s4], s20  }
0x9e: {  	_ =	swait.ge [sflag:s22], s20  }
0x9f: {  	s3 =	ssub.s32 $0x0, s20;
	[sflag:s22] =	ssyncset.done $0x0  }
0xa0: {  	[sflag:s22] =	ssyncadd.s32 s3;
	_ =	sdelay $0x1  }
0xa1: {  	s23 =	simm.s32 $0x1B8B  }
0xa2: {  	_ =	swait.ge [sflag:s23], $0x1  }
0xa3: {  	[sflag:s23] =	ssyncset.done $0x0  }
0xa4: {  	s25 =	simm.s32 $0x1B8E;
	s24 =	sld [smem:$0x3FFE];
	[sflag:s23] =	ssyncadd.s32 $0xFFFFFFFF  }
0xa5: {  	s26 =	simm.s32 $execute0_lowered;
	[smem:$0x3FD2] =	sst s25  }
0xa6: {  	s4 =	sshll.u32 s26, $0x1;
	_ =	strace $0x80000046;
	[dreg:$0x1] =	wrdreg $0xFFFFFFFF  }
0xa7: {  	s28 =	simm.s32 $_size_execute0_lowered;
	s2 =	sadd.s32 s2, s4;
	[dreg:$0x0] =	wrdreg $0x0  }
0xa8: {  	s4 =	sshll.u32 s28, $0x1;
	[dreg:$0x2] =	wrdreg s2  }
0xa9: {  	[dreg:$0x3] =	wrdreg s4  }
0xaa: {  	[dreg:$0x4] =	wrdreg $0xC0  }
0xab: {  	_ =	task [dreg:s6], $0x5FFFF  }
0xac: {  	[dreg:$0x1] =	wrdreg $0xFFFFFFFF  }
0xad: {  	[dreg:$0x0] =	wrdreg $0x60  }
0xae: {  	[dreg:$0x2] =	wrdreg s24  }
0xaf: {  	[dreg:$0x3] =	wrdreg $0x53800  }
0xb0: {  	[dreg:$0x4] =	wrdreg $0x9  }
0xb1: {  	_ =	task.clear_ibuf [dreg:s6], $0x5FFFF;
	_ =	strace $0x90000046  }
0xb2: {  	s29 =	simm.s32 $0x9;
	_ =	strace $0x80000048  }
0xb3: {  	_ =	swait.ge [sflag:s29], $0x1  }
0xb4: {  	[sflag:s29] =	ssyncadd.s32 $0xFFFFFFFF  }
0xb5: {  	_ =	strace $0x90000048  }
0xb6: {  	_ =	sfence  }
0xb7: {  	s30 =	sld [smem:$0x0];
	_ =	sdelay $0x2  }
0xb8: {  	s31 =	sshll.u32 s1, $0xD;
	s1 =	sshrl.u32 s1, $0x2  }
0xb9: {  	s3 =	sand.u32 $0x4000, s31;
	s1 =	sadd.s32 s1, s30  }
0xba: {  	s0 =	sor.u32 s3, s0;
	s1 =	sshll.u32 s1, $0x11  }
0xbb: {  	s0 =	sor.u32 s1, s0  }
0xbc: {  	s0 =	sadd.s32 $0x8F2B, s0  }
0xbd: {  	[sflag:s0] =	ssyncadd.remote.s32 $0x1  }
0xbe: {  	_ =	sfence.sel $0xFFFF  }
0xbf: {  	[dreg:$0x0] =	wrdreg $0xFFFFFFFF;
	(pc) =	sbr.abs _section_cstart, $3  }
0xc0: {  	[dreg:$0x1] =	wrdreg $0xFFFFFFFF  }
0xc1: {  	_ =	task.clear_ibuf [dreg:s6], $0x2FFFF;
	_ =	strace $0x9FFFFFFF  }
0xc2: {  	(tm) =	ssettm $0x7FFFFFFF  }
0xc3: {  	_ =	shalt  }
tec
execute0_lowered:
.L_overlay_start_1:
0x0: {  	(tag) =	ssettag $0x1  }
0x1: {  	v2 =	vlaneseq.u32  }
0x2: {  	v0 =	vmul.u32 $0x90, v2  }
0x3: {  	v3 =	vimm.f32 $0.0e+00;
	v1 =	vmul.u32 $0x10, v2  }
0x4: {  	v2 =	vmul.u32 $0x4, v2;
	v4 =	vadd.s32 $0x80, v0;
	v5 =	vadd.s32 $0x81, v0  }
0x5: {  	v6 =	vor.u32 $0x1, v1;
	v8 =	vadd.s32 $0x82, v0;
	v11 =	vadd.s32 $0x83, v0  }
0x6: {  	v13 =	vor.u32 $0x3, v2;
	v14 =	vadd.s32 $0x980, v0;
	v15 =	vor.u32 $0x100, v1  }
0x7: {  	v16 =	vor.u32 $0x40, v2;
	v17 =	vadd.s32 $0x981, v0;
	v18 =	vor.u32 $0x101, v1  }
0x8: {  	s9 =	rddreg [dreg:$0x0];
	v19 =	vor.u32 $0x41, v2;
	v20 =	vadd.s32 $0x982, v0;
	v21 =	vor.u32 $0x102, v1  }
0x9: {  	s1 =	rddreg [dreg:$0x1];
	v22 =	vor.u32 $0x42, v2;
	v23 =	vadd.s32 $0x983, v0;
	v25 =	vor.u32 $0x43, v2  }
0xa: {  	s0 =	rddreg [dreg:$0x2];
	s3 =	simm.s32 $0x0;
	v26 =	vadd.s32 $0x1280, v0;
	v27 =	vor.u32 $0x200, v1;
	v28 =	vor.u32 $0x80, v2  }
0xb: {  	s4 =	srdreg.scid;
	s2 =	stileid.u32;
	s17 =	simm.s32 $0x180;
	v29 =	vadd.s32 $0x1281, v0;
	v30 =	vor.u32 $0x201, v1;
	v31 =	vor.u32 $0x81, v2  }
0xc: {  	s18 =	simm.s32 $0x3;
	s19 =	simm.s32 $0x80;
	s20 =	simm.s32 $0x100;
	v32 =	vadd.s32 $0x1282, v0;
	v33 =	vor.u32 $0x202, v1;
	v34 =	vor.u32 $0x82, v2  }
0xd: {  	s21 =	simm.s32 $0x4980;
	s22 =	simm.s32 $0x1;
	s23 =	simm.s32 $0x2;
	v35 =	vadd.s32 $0x1283, v0;
	v36 =	vor.u32 $0x203, v1;
	v37 =	vor.u32 $0x83, v2  }
0xe: {  	s24 =	simm.s32 $0x5180;
	[smem:$0x7FF] =	sst s3;
	s10 =	sand.u32 $0x1, s4;
	v38 =	vadd.s32 $0x1B80, v0;
	v39 =	vor.u32 $0x300, v1;
	v40 =	vor.u32 $0xC0, v2  }
0xf: {  	s11 =	smul.u32 $0x16800, s2;
	s4 =	sadd.s32 $0x51000, s9;
	s5 =	sadd.s32 $0x1000, s9;
	v41 =	vadd.s32 $0x1B81, v0;
	v42 =	vor.u32 $0x301, v1;
	v43 =	vor.u32 $0xC1, v2  }
0x10: {  	s6 =	sadd.s32 $0xFE00, s9;
	s7 =	sadd.s32 $0x6000, s9;
	s14 =	smul.u32 $0x5A000, s2;
	v44 =	vadd.s32 $0x1B82, v0;
	v45 =	vor.u32 $0x302, v1;
	v46 =	vor.u32 $0xC2, v2  }
0x11: {  	s8 =	smul.u32 $0x168000, s10;
	s13 =	ssub.s32 $0x2, s10;
	s28 =	sshll.u32 s10, $0x4;
	v47 =	vadd.s32 $0x1B83, v0;
	v48 =	vor.u32 $0x303, v1;
	v49 =	vor.u32 $0xC3, v2  }
0x12: {  	s26 =	sshrl.u32 s13, $0x1;
	s29 =	sshrl.u32 s14, $0x2;
	s30 =	sor.u32 s2, s28;
	v50 =	vadd.s32 $0x2480, v0;
	v51 =	vor.u32 $0x400, v1;
	[tilespmem:$0x1FFB0] =	vst v6;
	v6 =	vor.u32 $0x1, v2  }
0x13: {  	v52 =	vor.u32 $0x100, v2;
	v53 =	vadd.s32 $0x2481, v0;
	s8 =	sadd.s32 s11, s8;
	s16 =	ssub.s32 s13, s26;
	s31 =	sadd.s32 s29, s1;
	[tilespmem:$0x1FFC0] =	vst v6;
	v6 =	vor.u32 $0x2, v1  }
0x14: {  	v54 =	vor.u32 $0x401, v1;
	v55 =	vor.u32 $0x101, v2;
	s14 =	smul.u32 $0x2780, s30;
	s12 =	sshrl.u32 s8, $0x3;
	s8 =	sadd.s32 $0x19C00, s9;
	[tilespmem:$0x1FFD0] =	vst v6;
	v6 =	vor.u32 $0x2, v2  }
0x15: {  	v56 =	vadd.s32 $0x2482, v0;
	v57 =	vor.u32 $0x402, v1;
	s10 =	sadd.s32 $0x4800, s31;
	s13 =	sadd.s32 $0x12000, s31;
	s16 =	smax.u32 s16, $0x1;
	[tilespmem:$0x1FFE0] =	vst v6;
	v6 =	vor.u32 $0x3, v1  }
0x16: {  	v58 =	vor.u32 $0x102, v2;
	v59 =	vadd.s32 $0x2483, v0;
	v60 =	vor.u32 $0x403, v1;
	s15 =	sadd.s32 s12, s9;
	s9 =	sadd.s32 s11, s1;
	s11 =	sadd.s32 $0x9000, s31;
	[tilespmem:$0x1FFF0] =	vst v6  }
0x17: {  	v24 =	vor.u32 $0x103, v1;
	v61 =	vor.u32 $0x103, v2;
	v62 =	vadd.s32 $0x2D80, v0;
	s12 =	sadd.s32 $0xD800, s31;
	s15 =	sadd.s32 $0x7E000, s15;
	_ =	strace $0x80000047  }
.LBB2_1:
0x18: {  	s25 =	simm.s32 $0x0;
	s26 =	simm.s32 $0x240  }
.LBB2_2:
0x19: {  	p0 =	sne.s32 s26, $0x11DC0;
	[tilespmem:s25+$0x200] =	vst v3  }
0x1a: {  	[tilespmem:s25+$0x180] =	vst v3  }
0x1b: {  	[tilespmem:s25+$0x190] =	vst v3  }
0x1c: {  	[tilespmem:s25+$0x1A0] =	vst v3  }
.Ltmp0:
0x1d: {  	[tilespmem:s25+$0x1B0] =	vst v3;
	(pc) =	sbr.rel @p0 .LBB2_2-.Ltmp0, $4  }
0x1e: {  	[tilespmem:s25+$0x1C0] =	vst v3  }
0x1f: {  	[tilespmem:s25+$0x1D0] =	vst v3  }
0x20: {  	[tilespmem:s25+$0x1E0] =	vst v3  }
0x21: {  	[tilespmem:s25+$0x1F0] =	vst v3;
	s25 =	sshra.s32 s26, $0x2;
	s26 =	sadd.s32 $0x240, s26  }
0x22: {  	[tilespmem:s25+$0x200] =	vst v3  }
0x23: {  	[tilespmem:s25+$0x180] =	vst v3  }
0x24: {  	[tilespmem:s25+$0x190] =	vst v3  }
0x25: {  	[tilespmem:s25+$0x1A0] =	vst v3  }
0x26: {  	[tilespmem:s25+$0x1B0] =	vst v3  }
0x27: {  	[tilespmem:s25+$0x1C0] =	vst v3  }
0x28: {  	[tilespmem:s25+$0x1D0] =	vst v3  }
0x29: {  	[tilespmem:s25+$0x1E0] =	vst v3  }
0x2a: {  	[tilespmem:s25+$0x1F0] =	vst v3  }
0x2b: {  	[spmem:s9] =	stream.linear.scatter [tilespmem:s17], [sflag:$0x3], $0x4800, $0x38;
	[tilespmem:$0x1BB80] =	vst v63  }
0x2c: {  	_ =	swait.ge [sflag:s18], $0x4800  }
0x2d: {  	[sflag:s18] =	ssyncset.done $0x0  }
0x2e: {  	[sflag:s18] =	ssyncadd.s32 $0xFFFFB800  }
0x2f: {  	[spmem:s10] =	stream.linear.scatter [tilespmem:s17], [sflag:$0x3], $0x4800, $0x38;
	[tilespmem:$0x1BB80] =	vst v63  }
0x30: {  	_ =	swait.ge [sflag:s18], $0x4800  }
0x31: {  	[sflag:s18] =	ssyncset.done $0x0  }
0x32: {  	[sflag:s18] =	ssyncadd.s32 $0xFFFFB800  }
0x33: {  	[spmem:s11] =	stream.linear.scatter [tilespmem:s17], [sflag:$0x3], $0x4800, $0x38;
	[tilespmem:$0x1BB80] =	vst v63  }
0x34: {  	_ =	swait.ge [sflag:s18], $0x4800  }
0x35: {  	[sflag:s18] =	ssyncset.done $0x0  }
0x36: {  	[sflag:s18] =	ssyncadd.s32 $0xFFFFB800  }
0x37: {  	[spmem:s12] =	stream.linear.scatter [tilespmem:s17], [sflag:$0x3], $0x4800, $0x38;
	[tilespmem:$0x1BB80] =	vst v63  }
0x38: {  	_ =	swait.ge [sflag:s18], $0x4800  }
0x39: {  	[sflag:s18] =	ssyncset.done $0x0  }
0x3a: {  	[sflag:s18] =	ssyncadd.s32 $0xFFFFB800  }
0x3b: {  	[spmem:s13] =	stream.linear.scatter [tilespmem:s17], [sflag:$0x3], $0x4800, $0x38;
	[tilespmem:$0x1BB80] =	vst v63  }
0x3c: {  	_ =	swait.ge [sflag:s18], $0x4800  }
0x3d: {  	[sflag:s18] =	ssyncset.done $0x0  }
0x3e: {  	[sflag:s18] =	ssyncadd.s32 $0xFFFFB800  }
0x3f: {  	s25 =	simm.s32 $0x0;
	s26 =	simm.s32 $0x0;
	[bflag:$0x0] =	sbarrier.arrive $0xFFFF  }
.LBB2_4:
0x40: {  	s28 =	sshll.u32 s26, $0x7  }
0x41: {  	s28 =	sadd.s32 s14, s28  }
0x42: {  	s28 =	sshrl.u32 s28, $0x3  }
0x43: {  	s29 =	sadd.s32 s6, s28  }
0x44: {  	[tilespmem:s25], [sflag:$0x3] =	stream.linear.gather [hbm4b:s29+s25], $0x80, $0x38;
	[tilespmem:$0x1BB80] =	vst v63  }
0x45: {  	_ =	swait.ge [sflag:s18], $0x80  }
0x46: {  	[sflag:s18] =	ssyncset.done $0x0  }
0x47: {  	s29 =	sadd.s32 s7, s28;
	[sflag:s18] =	ssyncadd.s32 $0xFFFFFF80  }
0x48: {  	[tilespmem:s19], [sflag:$0x3] =	stream.linear.gather [hbm4b:s29+s25], $0x80, $0x38;
	[tilespmem:$0x1BB80] =	vst v63  }
0x49: {  	_ =	swait.ge [sflag:s18], $0x80  }
0x4a: {  	[sflag:s18] =	ssyncset.done $0x0  }
0x4b: {  	s28 =	sadd.s32 s8, s28;
	[sflag:s18] =	ssyncadd.s32 $0xFFFFFF80  }
0x4c: {  	[tilespmem:s20], [sflag:$0x3] =	stream.linear.gather [hbm4b:s28+s25], $0x80, $0x38;
	[tilespmem:$0x1BB80] =	vst v63  }
0x4d: {  	_ =	swait.ge [sflag:s18], $0x80  }
0x4e: {  	[sflag:s18] =	ssyncset.done $0x0  }
0x4f: {  	[sflag:s18] =	ssyncadd.s32 $0xFFFFFF80  }
0x50: {  	[tilespmem:s17], [sflag:$0x1] =	stream.indirect.gather [hbm4b:s4+s19], $0x90, s25, s19, $0xb8;
	[tilespmem:$0x1BB80] =	vst v63  }
0x51: {  	_ = 	snop  }
0x52: {  	[tilespmem:s21], [sflag:$0x2] =	stream.indirect.gather [hbm4b:s5+s19], $0x10, s19, s19, $0xb8;
	[tilespmem:$0x1BB80] =	vst v63  }
0x53: {  	_ =	swait.ge [sflag:s22], $0x4800  }
0x54: {  	[sflag:s22] =	ssyncset.done $0x0  }
0x55: {  	[sflag:s22] =	ssyncadd.s32 $0xFFFFB800  }
0x56: {  	_ =	swait.ge [sflag:s23], $0x800  }
0x57: {  	[sflag:s23] =	ssyncset.done $0x0  }
0x58: {  	[sflag:s23] =	ssyncadd.s32 $0xFFFFF800  }
0x59: {  	v6 =	vld.idx.msk [tilespmem:v4+s17+$0x0], $0xffff  }
0x5a: {  	v7 =	vld.idx.msk [tilespmem:v1+s21+$0x0], $0xffff;
	_ =	sdelay $0x4  }
0x5b: {  	v6 =	vadd.f32 v7, v6;
	_ =	sdelay $0x1  }
0x5c: {  	v7 =	vmul.f32 $2.000000030e-01, v6  }
0x5d: {  	vm0 =	vge.f32 v6, $0.0e+00  }
0x5e: {  	v6 =	vsel vm0, v6, v7  }
0x5f: {  	v6 =	vmul.f32 $1.442695020e+00, v6;
	_ =	sdelay $0x1  }
0x60: {  	(erf) = vpow2.f32 v6;
	_ =	sdelay $0x4  }
0x61: {  	v6 =	vld [tilespmem:$0x100];
	_ =	sdelay $0x1  }
0x62: {  	v9 =	vld [tilespmem:$0x1FFB0];
	_ =	sdelay $0x1  }
0x63: {  	v7 =	vpop (erf)  }
0x64: {  	v7 =	vmul.f32 v7, v6;
	_ =	sdelay $0x1  }
0x65: {  	[tilespmem:v2+s24+$0x0] =	vst.idx.msk $0xffff, v7  }
0x66: {  	[tilespmem:v4+s17+$0x0] =	vst.idx.msk $0xffff, v7  }
0x67: {  	v7 =	vld.idx.msk [tilespmem:v5+s17+$0x0], $0xffff  }
0x68: {  	v9 =	vld.idx.msk [tilespmem:v9+s21+$0x0], $0xffff;
	_ =	sdelay $0x4  }
0x69: {  	v7 =	vadd.f32 v9, v7;
	_ =	sdelay $0x1  }
0x6a: {  	v9 =	vmul.f32 $2.000000030e-01, v7  }
0x6b: {  	vm9 =	vge.f32 v7, $0.0e+00  }
0x6c: {  	v7 =	vsel vm9, v7, v9  }
0x6d: {  	v7 =	vmul.f32 $1.442695020e+00, v7;
	_ =	sdelay $0x1  }
0x6e: {  	(erf) = vpow2.f32 v7;
	_ =	sdelay $0x3  }
0x6f: {  	v9 =	vld [tilespmem:$0x1FFC0];
	_ =	sdelay $0x4  }
0x70: {  	v7 =	vpop (erf)  }
0x71: {  	v7 =	vmul.f32 v7, v6;
	_ =	sdelay $0x1  }
0x72: {  	[tilespmem:v9+s24+$0x0] =	vst.idx.msk $0xffff, v7;
	v9 =	vld [tilespmem:$0x1FFD0];
	_ =	sdelay $0x5  }
0x73: {  	[tilespmem:v5+s17+$0x0] =	vst.idx.msk $0xffff, v7  }
0x74: {  	v7 =	vld.idx.msk [tilespmem:v8+s17+$0x0], $0xffff  }
0x75: {  	v9 =	vld.idx.msk [tilespmem:v9+s21+$0x0], $0xffff;
	_ =	sdelay $0x4  }
0x76: {  	v7 =	vadd.f32 v9, v7;
	_ =	sdelay $0x1  }
0x77: {  	v9 =	vmul.f32 $2.000000030e-01, v7  }
0x78: {  	vm10 =	vge.f32 v7, $0.0e+00  }
0x79: {  	v7 =	vsel vm10, v7, v9  }
0x7a: {  	v7 =	vmul.f32 $1.442695020e+00, v7;
	_ =	sdelay $0x1  }
0x7b: {  	(erf) = vpow2.f32 v7;
	_ =	sdelay $0x3  }
0x7c: {  	v9 =	vld [tilespmem:$0x1FFE0];
	_ =	sdelay $0x4  }
0x7d: {  	v7 =	vpop (erf)  }
0x7e: {  	v7 =	vmul.f32 v7, v6;
	_ =	sdelay $0x1  }
0x7f: {  	[tilespmem:v9+s24+$0x0] =	vst.idx.msk $0xffff, v7;
	v9 =	vld [tilespmem:$0x1FFF0];
	_ =	sdelay $0x5  }
0x80: {  	[tilespmem:v8+s17+$0x0] =	vst.idx.msk $0xffff, v7  }
0x81: {  	v7 =	vld.idx.msk [tilespmem:v11+s17+$0x0], $0xffff  }
0x82: {  	v9 =	vld.idx.msk [tilespmem:v9+s21+$0x0], $0xffff;
	_ =	sdelay $0x4  }
0x83: {  	v7 =	vadd.f32 v9, v7;
	_ =	sdelay $0x1  }
0x84: {  	v9 =	vmul.f32 $2.000000030e-01, v7  }
0x85: {  	vm11 =	vge.f32 v7, $0.0e+00  }
0x86: {  	v7 =	vsel vm11, v7, v9  }
0x87: {  	v7 =	vmul.f32 $1.442695020e+00, v7;
	_ =	sdelay $0x1  }
0x88: {  	(erf) = vpow2.f32 v7;
	_ =	sdelay $0x8  }
0x89: {  	v7 =	vpop (erf)  }
0x8a: {  	v6 =	vmul.f32 v7, v6;
	_ =	sdelay $0x1  }
0x8b: {  	[tilespmem:v13+s24+$0x0] =	vst.idx.msk $0xffff, v6  }
0x8c: {  	[tilespmem:v11+s17+$0x0] =	vst.idx.msk $0xffff, v6  }
0x8d: {  	v6 =	vld.idx.msk [tilespmem:v14+s17+$0x0], $0xffff  }
0x8e: {  	v7 =	vld.idx.msk [tilespmem:v15+s21+$0x0], $0xffff;
	_ =	sdelay $0x4  }
0x8f: {  	v6 =	vadd.f32 v7, v6;
	_ =	sdelay $0x1  }
0x90: {  	v7 =	vmul.f32 $2.000000030e-01, v6  }
0x91: {  	vm12 =	vge.f32 v6, $0.0e+00  }
0x92: {  	v6 =	vsel vm12, v6, v7  }
0x93: {  	v6 =	vmul.f32 $1.442695020e+00, v6;
	_ =	sdelay $0x1  }
0x94: {  	(erf) = vpow2.f32 v6;
	_ =	sdelay $0x4  }
0x95: {  	v6 =	vld [tilespmem:$0x110];
	_ =	sdelay $0x3  }
0x96: {  	v7 =	vpop (erf)  }
0x97: {  	v7 =	vmul.f32 v7, v6;
	_ =	sdelay $0x1  }
0x98: {  	[tilespmem:v16+s24+$0x0] =	vst.idx.msk $0xffff, v7  }
0x99: {  	[tilespmem:v14+s17+$0x0] =	vst.idx.msk $0xffff, v7  }
0x9a: {  	v7 =	vld.idx.msk [tilespmem:v17+s17+$0x0], $0xffff  }
0x9b: {  	v9 =	vld.idx.msk [tilespmem:v18+s21+$0x0], $0xffff;
	_ =	sdelay $0x4  }
0x9c: {  	v7 =	vadd.f32 v9, v7;
	_ =	sdelay $0x1  }
0x9d: {  	v9 =	vmul.f32 $2.000000030e-01, v7  }
0x9e: {  	vm13 =	vge.f32 v7, $0.0e+00  }
0x9f: {  	v7 =	vsel vm13, v7, v9  }
0xa0: {  	v7 =	vmul.f32 $1.442695020e+00, v7;
	_ =	sdelay $0x1  }
0xa1: {  	(erf) = vpow2.f32 v7;
	_ =	sdelay $0x8  }
0xa2: {  	v7 =	vpop (erf)  }
0xa3: {  	v7 =	vmul.f32 v7, v6;
	_ =	sdelay $0x1  }
0xa4: {  	[tilespmem:v19+s24+$0x0] =	vst.idx.msk $0xffff, v7  }
0xa5: {  	[tilespmem:v17+s17+$0x0] =	vst.idx.msk $0xffff, v7  }
0xa6: {  	v7 =	vld.idx.msk [tilespmem:v20+s17+$0x0], $0xffff  }
0xa7: {  	v9 =	vld.idx.msk [tilespmem:v21+s21+$0x0], $0xffff;
	_ =	sdelay $0x4  }
0xa8: {  	v7 =	vadd.f32 v9, v7;
	_ =	sdelay $0x1  }
0xa9: {  	v9 =	vmul.f32 $2.000000030e-01, v7  }
0xaa: {  	vm14 =	vge.f32 v7, $0.0e+00  }
0xab: {  	v7 =	vsel vm14, v7, v9  }
0xac: {  	v7 =	vmul.f32 $1.442695020e+00, v7;
	_ =	sdelay $0x1  }
0xad: {  	(erf) = vpow2.f32 v7;
	_ =	sdelay $0x8  }
0xae: {  	v7 =	vpop (erf)  }
0xaf: {  	v7 =	vmul.f32 v7, v6;
	_ =	sdelay $0x1  }
0xb0: {  	[tilespmem:v22+s24+$0x0] =	vst.idx.msk $0xffff, v7  }
0xb1: {  	[tilespmem:v20+s17+$0x0] =	vst.idx.msk $0xffff, v7  }
0xb2: {  	v7 =	vld.idx.msk [tilespmem:v23+s17+$0x0], $0xffff  }
0xb3: {  	v9 =	vld.idx.msk [tilespmem:v24+s21+$0x0], $0xffff;
	_ =	sdelay $0x4  }
0xb4: {  	v7 =	vadd.f32 v9, v7;
	_ =	sdelay $0x1  }
0xb5: {  	v9 =	vmul.f32 $2.000000030e-01, v7  }
0xb6: {  	vm15 =	vge.f32 v7, $0.0e+00  }
0xb7: {  	v7 =	vsel vm15, v7, v9  }
0xb8: {  	v7 =	vmul.f32 $1.442695020e+00, v7;
	_ =	sdelay $0x1  }
0xb9: {  	(erf) = vpow2.f32 v7;
	_ =	sdelay $0x8  }
0xba: {  	v7 =	vpop (erf)  }
0xbb: {  	v6 =	vmul.f32 v7, v6;
	_ =	sdelay $0x1  }
0xbc: {  	[tilespmem:v25+s24+$0x0] =	vst.idx.msk $0xffff, v6  }
0xbd: {  	[tilespmem:v23+s17+$0x0] =	vst.idx.msk $0xffff, v6  }
0xbe: {  	v6 =	vld.idx.msk [tilespmem:v26+s17+$0x0], $0xffff  }
0xbf: {  	v7 =	vld.idx.msk [tilespmem:v27+s21+$0x0], $0xffff;
	_ =	sdelay $0x4  }
0xc0: {  	v6 =	vadd.f32 v7, v6;
	_ =	sdelay $0x1  }
0xc1: {  	v7 =	vmul.f32 $2.000000030e-01, v6  }
0xc2: {  	vm4 =	vge.f32 v6, $0.0e+00  }
0xc3: {  	v6 =	vsel vm4, v6, v7  }
0xc4: {  	v6 =	vmul.f32 $1.442695020e+00, v6;
	_ =	sdelay $0x1  }
0xc5: {  	(erf) = vpow2.f32 v6;
	_ =	sdelay $0x4  }
0xc6: {  	v6 =	vld [tilespmem:$0x120];
	_ =	sdelay $0x3  }
0xc7: {  	v7 =	vpop (erf)  }
0xc8: {  	v7 =	vmul.f32 v7, v6;
	_ =	sdelay $0x1  }
0xc9: {  	[tilespmem:v28+s24+$0x0] =	vst.idx.msk $0xffff, v7  }
0xca: {  	[tilespmem:v26+s17+$0x0] =	vst.idx.msk $0xffff, v7  }
0xcb: {  	v7 =	vld.idx.msk [tilespmem:v29+s17+$0x0], $0xffff  }
0xcc: {  	v9 =	vld.idx.msk [tilespmem:v30+s21+$0x0], $0xffff;
	_ =	sdelay $0x4  }
0xcd: {  	v7 =	vadd.f32 v9, v7;
	_ =	sdelay $0x1  }
0xce: {  	v9 =	vmul.f32 $2.000000030e-01, v7  }
0xcf: {  	vm5 =	vge.f32 v7, $0.0e+00  }
0xd0: {  	v7 =	vsel vm5, v7, v9  }
0xd1: {  	v7 =	vmul.f32 $1.442695020e+00, v7;
	_ =	sdelay $0x1  }
0xd2: {  	(erf) = vpow2.f32 v7;
	_ =	sdelay $0x8  }
0xd3: {  	v7 =	vpop (erf)  }
0xd4: {  	v7 =	vmul.f32 v7, v6;
	_ =	sdelay $0x1  }
0xd5: {  	[tilespmem:v31+s24+$0x0] =	vst.idx.msk $0xffff, v7  }
0xd6: {  	[tilespmem:v29+s17+$0x0] =	vst.idx.msk $0xffff, v7  }
0xd7: {  	v7 =	vld.idx.msk [tilespmem:v32+s17+$0x0], $0xffff  }
0xd8: {  	v9 =	vld.idx.msk [tilespmem:v33+s21+$0x0], $0xffff;
	_ =	sdelay $0x4  }
0xd9: {  	v7 =	vadd.f32 v9, v7;
	_ =	sdelay $0x1  }
0xda: {  	v9 =	vmul.f32 $2.000000030e-01, v7  }
0xdb: {  	vm6 =	vge.f32 v7, $0.0e+00  }
0xdc: {  	v7 =	vsel vm6, v7, v9  }
0xdd: {  	v7 =	vmul.f32 $1.442695020e+00, v7;
	_ =	sdelay $0x1  }
0xde: {  	(erf) = vpow2.f32 v7;
	_ =	sdelay $0x8  }
0xdf: {  	v7 =	vpop (erf)  }
0xe0: {  	v7 =	vmul.f32 v7, v6;
	_ =	sdelay $0x1  }
0xe1: {  	[tilespmem:v34+s24+$0x0] =	vst.idx.msk $0xffff, v7  }
0xe2: {  	[tilespmem:v32+s17+$0x0] =	vst.idx.msk $0xffff, v7  }
0xe3: {  	v7 =	vld.idx.msk [tilespmem:v35+s17+$0x0], $0xffff  }
0xe4: {  	v9 =	vld.idx.msk [tilespmem:v36+s21+$0x0], $0xffff;
	_ =	sdelay $0x4  }
0xe5: {  	v7 =	vadd.f32 v9, v7;
	_ =	sdelay $0x1  }
0xe6: {  	v9 =	vmul.f32 $2.000000030e-01, v7  }
0xe7: {  	vm7 =	vge.f32 v7, $0.0e+00  }
0xe8: {  	v7 =	vsel vm7, v7, v9  }
0xe9: {  	v7 =	vmul.f32 $1.442695020e+00, v7;
	_ =	sdelay $0x1  }
0xea: {  	(erf) = vpow2.f32 v7;
	_ =	sdelay $0x8  }
0xeb: {  	v7 =	vpop (erf)  }
0xec: {  	v6 =	vmul.f32 v7, v6;
	_ =	sdelay $0x1  }
0xed: {  	[tilespmem:v37+s24+$0x0] =	vst.idx.msk $0xffff, v6  }
0xee: {  	[tilespmem:v35+s17+$0x0] =	vst.idx.msk $0xffff, v6  }
0xef: {  	v6 =	vld.idx.msk [tilespmem:v38+s17+$0x0], $0xffff  }
0xf0: {  	v7 =	vld.idx.msk [tilespmem:v39+s21+$0x0], $0xffff;
	_ =	sdelay $0x4  }
0xf1: {  	v6 =	vadd.f32 v7, v6;
	_ =	sdelay $0x1  }
0xf2: {  	v7 =	vmul.f32 $2.000000030e-01, v6  }
0xf3: {  	vm8 =	vge.f32 v6, $0.0e+00  }
0xf4: {  	v6 =	vsel vm8, v6, v7  }
0xf5: {  	v6 =	vmul.f32 $1.442695020e+00, v6;
	_ =	sdelay $0x1  }
0xf6: {  	(erf) = vpow2.f32 v6;
	_ =	sdelay $0x4  }
0xf7: {  	v6 =	vld [tilespmem:$0x130];
	_ =	sdelay $0x3  }
0xf8: {  	v7 =	vpop (erf)  }
0xf9: {  	v7 =	vmul.f32 v7, v6;
	_ =	sdelay $0x1  }
0xfa: {  	[tilespmem:v40+s24+$0x0] =	vst.idx.msk $0xffff, v7  }
0xfb: {  	[tilespmem:v38+s17+$0x0] =	vst.idx.msk $0xffff, v7  }
0xfc: {  	v7 =	vld.idx.msk [tilespmem:v41+s17+$0x0], $0xffff  }
0xfd: {  	v9 =	vld.idx.msk [tilespmem:v42+s21+$0x0], $0xffff;
	_ =	sdelay $0x4  }
0xfe: {  	v7 =	vadd.f32 v9, v7;
	_ =	sdelay $0x1  }
0xff: {  	v9 =	vmul.f32 $2.000000030e-01, v7  }
0x100: {  	vm9 =	vge.f32 v7, $0.0e+00  }
0x101: {  	v7 =	vsel vm9, v7, v9  }
0x102: {  	v7 =	vmul.f32 $1.442695020e+00, v7;
	_ =	sdelay $0x1  }
0x103: {  	(erf) = vpow2.f32 v7;
	_ =	sdelay $0x8  }
0x104: {  	v7 =	vpop (erf)  }
0x105: {  	v7 =	vmul.f32 v7, v6;
	_ =	sdelay $0x1  }
0x106: {  	[tilespmem:v43+s24+$0x0] =	vst.idx.msk $0xffff, v7  }
0x107: {  	[tilespmem:v41+s17+$0x0] =	vst.idx.msk $0xffff, v7  }
0x108: {  	v7 =	vld.idx.msk [tilespmem:v44+s17+$0x0], $0xffff  }
0x109: {  	v9 =	vld.idx.msk [tilespmem:v45+s21+$0x0], $0xffff;
	_ =	sdelay $0x4  }
0x10a: {  	v7 =	vadd.f32 v9, v7;
	_ =	sdelay $0x1  }
0x10b: {  	v9 =	vmul.f32 $2.000000030e-01, v7  }
0x10c: {  	vm10 =	vge.f32 v7, $0.0e+00  }
0x10d: {  	v7 =	vsel vm10, v7, v9  }
0x10e: {  	v7 =	vmul.f32 $1.442695020e+00, v7;
	_ =	sdelay $0x1  }
0x10f: {  	(erf) = vpow2.f32 v7;
	_ =	sdelay $0x8  }
0x110: {  	v7 =	vpop (erf)  }
0x111: {  	v7 =	vmul.f32 v7, v6;
	_ =	sdelay $0x1  }
0x112: {  	[tilespmem:v46+s24+$0x0] =	vst.idx.msk $0xffff, v7  }
0x113: {  	[tilespmem:v44+s17+$0x0] =	vst.idx.msk $0xffff, v7  }
0x114: {  	v7 =	vld.idx.msk [tilespmem:v47+s17+$0x0], $0xffff  }
0x115: {  	v9 =	vld.idx.msk [tilespmem:v48+s21+$0x0], $0xffff;
	_ =	sdelay $0x4  }
0x116: {  	v7 =	vadd.f32 v9, v7;
	_ =	sdelay $0x1  }
0x117: {  	v9 =	vmul.f32 $2.000000030e-01, v7  }
0x118: {  	vm11 =	vge.f32 v7, $0.0e+00  }
0x119: {  	v7 =	vsel vm11, v7, v9  }
0x11a: {  	v7 =	vmul.f32 $1.442695020e+00, v7;
	_ =	sdelay $0x1  }
0x11b: {  	(erf) = vpow2.f32 v7;
	_ =	sdelay $0x8  }
0x11c: {  	v7 =	vpop (erf)  }
0x11d: {  	v6 =	vmul.f32 v7, v6;
	_ =	sdelay $0x1  }
0x11e: {  	[tilespmem:v49+s24+$0x0] =	vst.idx.msk $0xffff, v6  }
0x11f: {  	[tilespmem:v47+s17+$0x0] =	vst.idx.msk $0xffff, v6  }
0x120: {  	v6 =	vld.idx.msk [tilespmem:v50+s17+$0x0], $0xffff  }
0x121: {  	v7 =	vld.idx.msk [tilespmem:v51+s21+$0x0], $0xffff;
	_ =	sdelay $0x4  }
0x122: {  	v6 =	vadd.f32 v7, v6;
	_ =	sdelay $0x1  }
0x123: {  	v7 =	vmul.f32 $2.000000030e-01, v6  }
0x124: {  	vm12 =	vge.f32 v6, $0.0e+00  }
0x125: {  	v6 =	vsel vm12, v6, v7  }
0x126: {  	v6 =	vmul.f32 $1.442695020e+00, v6;
	_ =	sdelay $0x1  }
0x127: {  	(erf) = vpow2.f32 v6;
	_ =	sdelay $0x4  }
0x128: {  	v6 =	vld [tilespmem:$0x140];
	_ =	sdelay $0x3  }
0x129: {  	v7 =	vpop (erf)  }
0x12a: {  	v7 =	vmul.f32 v7, v6;
	_ =	sdelay $0x1  }
0x12b: {  	[tilespmem:v52+s24+$0x0] =	vst.idx.msk $0xffff, v7  }
0x12c: {  	[tilespmem:v50+s17+$0x0] =	vst.idx.msk $0xffff, v7  }
0x12d: {  	v7 =	vld.idx.msk [tilespmem:v53+s17+$0x0], $0xffff  }
0x12e: {  	v9 =	vld.idx.msk [tilespmem:v54+s21+$0x0], $0xffff;
	_ =	sdelay $0x4  }
0x12f: {  	v7 =	vadd.f32 v9, v7;
	_ =	sdelay $0x1  }
0x130: {  	v9 =	vmul.f32 $2.000000030e-01, v7  }
0x131: {  	vm13 =	vge.f32 v7, $0.0e+00  }
0x132: {  	v7 =	vsel vm13, v7, v9  }
0x133: {  	v7 =	vmul.f32 $1.442695020e+00, v7;
	_ =	sdelay $0x1  }
0x134: {  	(erf) = vpow2.f32 v7;
	_ =	sdelay $0x8  }
0x135: {  	v7 =	vpop (erf)  }
0x136: {  	v7 =	vmul.f32 v7, v6;
	_ =	sdelay $0x1  }
0x137: {  	[tilespmem:v55+s24+$0x0] =	vst.idx.msk $0xffff, v7  }
0x138: {  	[tilespmem:v53+s17+$0x0] =	vst.idx.msk $0xffff, v7  }
0x139: {  	v7 =	vld.idx.msk [tilespmem:v56+s17+$0x0], $0xffff  }
0x13a: {  	v9 =	vld.idx.msk [tilespmem:v57+s21+$0x0], $0xffff;
	_ =	sdelay $0x4  }
0x13b: {  	v7 =	vadd.f32 v9, v7;
	_ =	sdelay $0x1  }
0x13c: {  	v9 =	vmul.f32 $2.000000030e-01, v7  }
0x13d: {  	vm14 =	vge.f32 v7, $0.0e+00  }
0x13e: {  	v7 =	vsel vm14, v7, v9  }
0x13f: {  	v7 =	vmul.f32 $1.442695020e+00, v7;
	_ =	sdelay $0x1  }
0x140: {  	(erf) = vpow2.f32 v7;
	_ =	sdelay $0x8  }
0x141: {  	v7 =	vpop (erf)  }
0x142: {  	v7 =	vmul.f32 v7, v6;
	_ =	sdelay $0x1  }
0x143: {  	[tilespmem:v58+s24+$0x0] =	vst.idx.msk $0xffff, v7  }
0x144: {  	[tilespmem:v56+s17+$0x0] =	vst.idx.msk $0xffff, v7  }
0x145: {  	v7 =	vld.idx.msk [tilespmem:v59+s17+$0x0], $0xffff  }
0x146: {  	v9 =	vld.idx.msk [tilespmem:v60+s21+$0x0], $0xffff;
	_ =	sdelay $0x4  }
0x147: {  	v7 =	vadd.f32 v9, v7;
	_ =	sdelay $0x1  }
0x148: {  	v9 =	vmul.f32 $2.000000030e-01, v7  }
0x149: {  	vm15 =	vge.f32 v7, $0.0e+00  }
0x14a: {  	v7 =	vsel vm15, v7, v9  }
0x14b: {  	v7 =	vmul.f32 $1.442695020e+00, v7;
	_ =	sdelay $0x1  }
0x14c: {  	(erf) = vpow2.f32 v7;
	_ =	sdelay $0x8  }
0x14d: {  	v7 =	vpop (erf)  }
0x14e: {  	v6 =	vmul.f32 v7, v6;
	v7 =	vor.u32 $0x500, v1;
	_ =	sdelay $0x1  }
0x14f: {  	[tilespmem:v61+s24+$0x0] =	vst.idx.msk $0xffff, v6  }
0x150: {  	[tilespmem:v59+s17+$0x0] =	vst.idx.msk $0xffff, v6  }
0x151: {  	v6 =	vld.idx.msk [tilespmem:v62+s17+$0x0], $0xffff  }
0x152: {  	v7 =	vld.idx.msk [tilespmem:v7+s21+$0x0], $0xffff;
	_ =	sdelay $0x4  }
0x153: {  	v6 =	vadd.f32 v7, v6;
	_ =	sdelay $0x1  }
0x154: {  	v7 =	vmul.f32 $2.000000030e-01, v6  }
0x155: {  	vm4 =	vge.f32 v6, $0.0e+00  }
0x156: {  	v6 =	vsel vm4, v6, v7  }
0x157: {  	v6 =	vmul.f32 $1.442695020e+00, v6;
	_ =	sdelay $0x1  }
0x158: {  	(erf) = vpow2.f32 v6;
	_ =	sdelay $0x4  }
0x159: {  	v6 =	vld [tilespmem:$0x150];
	_ =	sdelay $0x1  }
0x15a: {  	v7 =	vor.u32 $0x140, v2;
	_ =	sdelay $0x1  }
0x15b: {  	v63 =	vadd.s32 $0x2D81, v0;
	v9 =	vpop (erf)  }
0x15c: {  	v10 =	vor.u32 $0x501, v1;
	v9 =	vmul.f32 v9, v6;
	_ =	sdelay $0x1  }
0x15d: {  	[tilespmem:v7+s24+$0x0] =	vst.idx.msk $0xffff, v9  }
0x15e: {  	[tilespmem:v62+s17+$0x0] =	vst.idx.msk $0xffff, v9  }
0x15f: {  	v7 =	vld.idx.msk [tilespmem:v63+s17+$0x0], $0xffff  }
0x160: {  	v9 =	vld.idx.msk [tilespmem:v10+s21+$0x0], $0xffff;
	_ =	sdelay $0x4  }
0x161: {  	v7 =	vadd.f32 v9, v7;
	_ =	sdelay $0x1  }
0x162: {  	v9 =	vmul.f32 $2.000000030e-01, v7  }
0x163: {  	vm5 =	vge.f32 v7, $0.0e+00  }
0x164: {  	v7 =	vsel vm5, v7, v9  }
0x165: {  	v7 =	vmul.f32 $1.442695020e+00, v7;
	_ =	sdelay $0x1  }
0x166: {  	(erf) = vpow2.f32 v7;
	_ =	sdelay $0x6  }
0x167: {  	v7 =	vor.u32 $0x141, v2;
	_ =	sdelay $0x1  }
0x168: {  	v10 =	vadd.s32 $0x2D82, v0;
	v9 =	vpop (erf)  }
0x169: {  	v12 =	vor.u32 $0x502, v1;
	v9 =	vmul.f32 v9, v6;
	_ =	sdelay $0x1  }
0x16a: {  	[tilespmem:v7+s24+$0x0] =	vst.idx.msk $0xffff, v9  }
0x16b: {  	[tilespmem:v63+s17+$0x0] =	vst.idx.msk $0xffff, v9  }
0x16c: {  	v7 =	vld.idx.msk [tilespmem:v10+s17+$0x0], $0xffff  }
0x16d: {  	v9 =	vld.idx.msk [tilespmem:v12+s21+$0x0], $0xffff;
	_ =	sdelay $0x4  }
0x16e: {  	v7 =	vadd.f32 v9, v7;
	_ =	sdelay $0x1  }
0x16f: {  	v9 =	vmul.f32 $2.000000030e-01, v7  }
0x170: {  	vm6 =	vge.f32 v7, $0.0e+00  }
0x171: {  	v7 =	vsel vm6, v7, v9  }
0x172: {  	v7 =	vmul.f32 $1.442695020e+00, v7;
	_ =	sdelay $0x1  }
0x173: {  	(erf) = vpow2.f32 v7;
	_ =	sdelay $0x6  }
0x174: {  	v7 =	vor.u32 $0x142, v2;
	_ =	sdelay $0x1  }
0x175: {  	v12 =	vadd.s32 $0x2D83, v0;
	v9 =	vpop (erf)  }
0x176: {  	v63 =	vor.u32 $0x503, v1;
	v9 =	vmul.f32 v9, v6;
	_ =	sdelay $0x1  }
0x177: {  	[tilespmem:v7+s24+$0x0] =	vst.idx.msk $0xffff, v9  }
0x178: {  	[tilespmem:v10+s17+$0x0] =	vst.idx.msk $0xffff, v9  }
0x179: {  	v7 =	vld.idx.msk [tilespmem:v12+s17+$0x0], $0xffff  }
0x17a: {  	v9 =	vld.idx.msk [tilespmem:v63+s21+$0x0], $0xffff;
	_ =	sdelay $0x4  }
0x17b: {  	v7 =	vadd.f32 v9, v7;
	_ =	sdelay $0x1  }
0x17c: {  	v9 =	vmul.f32 $2.000000030e-01, v7  }
0x17d: {  	vm7 =	vge.f32 v7, $0.0e+00  }
0x17e: {  	v7 =	vsel vm7, v7, v9  }
0x17f: {  	v7 =	vmul.f32 $1.442695020e+00, v7;
	_ =	sdelay $0x1  }
0x180: {  	(erf) = vpow2.f32 v7;
	_ =	sdelay $0x6  }
0x181: {  	v7 =	vor.u32 $0x143, v2;
	_ =	sdelay $0x1  }
0x182: {  	v10 =	vadd.s32 $0x3680, v0;
	v9 =	vpop (erf)  }
0x183: {  	v6 =	vmul.f32 v9, v6;
	v9 =	vor.u32 $0x600, v1;
	_ =	sdelay $0x1  }
0x184: {  	[tilespmem:v7+s24+$0x0] =	vst.idx.msk $0xffff, v6  }
0x185: {  	[tilespmem:v12+s17+$0x0] =	vst.idx.msk $0xffff, v6  }
0x186: {  	v6 =	vld.idx.msk [tilespmem:v10+s17+$0x0], $0xffff  }
0x187: {  	v7 =	vld.idx.msk [tilespmem:v9+s21+$0x0], $0xffff;
	_ =	sdelay $0x4  }
0x188: {  	v6 =	vadd.f32 v7, v6;
	_ =	sdelay $0x1  }
0x189: {  	v7 =	vmul.f32 $2.000000030e-01, v6  }
0x18a: {  	vm8 =	vge.f32 v6, $0.0e+00  }
0x18b: {  	v6 =	vsel vm8, v6, v7  }
0x18c: {  	v6 =	vmul.f32 $1.442695020e+00, v6;
	_ =	sdelay $0x1  }
0x18d: {  	(erf) = vpow2.f32 v6;
	_ =	sdelay $0x4  }
0x18e: {  	v6 =	vld [tilespmem:$0x160];
	_ =	sdelay $0x1  }
0x18f: {  	v7 =	vor.u32 $0x180, v2;
	_ =	sdelay $0x1  }
0x190: {  	v12 =	vadd.s32 $0x3681, v0;
	v9 =	vpop (erf)  }
0x191: {  	v63 =	vor.u32 $0x601, v1;
	v9 =	vmul.f32 v9, v6;
	_ =	sdelay $0x1  }
0x192: {  	[tilespmem:v7+s24+$0x0] =	vst.idx.msk $0xffff, v9  }
0x193: {  	[tilespmem:v10+s17+$0x0] =	vst.idx.msk $0xffff, v9  }
0x194: {  	v7 =	vld.idx.msk [tilespmem:v12+s17+$0x0], $0xffff  }
0x195: {  	v9 =	vld.idx.msk [tilespmem:v63+s21+$0x0], $0xffff;
	_ =	sdelay $0x4  }
0x196: {  	v7 =	vadd.f32 v9, v7;
	_ =	sdelay $0x1  }
0x197: {  	v9 =	vmul.f32 $2.000000030e-01, v7  }
0x198: {  	vm9 =	vge.f32 v7, $0.0e+00  }
0x199: {  	v7 =	vsel vm9, v7, v9  }
0x19a: {  	v7 =	vmul.f32 $1.442695020e+00, v7;
	_ =	sdelay $0x1  }
0x19b: {  	(erf) = vpow2.f32 v7;
	_ =	sdelay $0x6  }
0x19c: {  	v7 =	vor.u32 $0x181, v2;
	_ =	sdelay $0x1  }
0x19d: {  	v10 =	vadd.s32 $0x3682, v0;
	v9 =	vpop (erf)  }
0x19e: {  	v63 =	vor.u32 $0x602, v1;
	v9 =	vmul.f32 v9, v6;
	_ =	sdelay $0x1  }
0x19f: {  	[tilespmem:v7+s24+$0x0] =	vst.idx.msk $0xffff, v9  }
0x1a0: {  	[tilespmem:v12+s17+$0x0] =	vst.idx.msk $0xffff, v9  }
0x1a1: {  	v7 =	vld.idx.msk [tilespmem:v10+s17+$0x0], $0xffff  }
0x1a2: {  	v9 =	vld.idx.msk [tilespmem:v63+s21+$0x0], $0xffff;
	_ =	sdelay $0x4  }
0x1a3: {  	v7 =	vadd.f32 v9, v7;
	_ =	sdelay $0x1  }
0x1a4: {  	v9 =	vmul.f32 $2.000000030e-01, v7  }
0x1a5: {  	vm10 =	vge.f32 v7, $0.0e+00  }
0x1a6: {  	v7 =	vsel vm10, v7, v9  }
0x1a7: {  	v7 =	vmul.f32 $1.442695020e+00, v7;
	_ =	sdelay $0x1  }
0x1a8: {  	(erf) = vpow2.f32 v7;
	_ =	sdelay $0x6  }
0x1a9: {  	v7 =	vor.u32 $0x182, v2;
	_ =	sdelay $0x1  }
0x1aa: {  	v12 =	vadd.s32 $0x3683, v0;
	v9 =	vpop (erf)  }
0x1ab: {  	v63 =	vor.u32 $0x603, v1;
	v9 =	vmul.f32 v9, v6;
	_ =	sdelay $0x1  }
0x1ac: {  	[tilespmem:v7+s24+$0x0] =	vst.idx.msk $0xffff, v9  }
0x1ad: {  	[tilespmem:v10+s17+$0x0] =	vst.idx.msk $0xffff, v9  }
0x1ae: {  	v7 =	vld.idx.msk [tilespmem:v12+s17+$0x0], $0xffff  }
0x1af: {  	v9 =	vld.idx.msk [tilespmem:v63+s21+$0x0], $0xffff;
	_ =	sdelay $0x4  }
0x1b0: {  	v7 =	vadd.f32 v9, v7;
	_ =	sdelay $0x1  }
0x1b1: {  	v9 =	vmul.f32 $2.000000030e-01, v7  }
0x1b2: {  	vm11 =	vge.f32 v7, $0.0e+00  }
0x1b3: {  	v7 =	vsel vm11, v7, v9  }
0x1b4: {  	v7 =	vmul.f32 $1.442695020e+00, v7;
	_ =	sdelay $0x1  }
0x1b5: {  	(erf) = vpow2.f32 v7;
	_ =	sdelay $0x6  }
0x1b6: {  	v7 =	vor.u32 $0x183, v2;
	_ =	sdelay $0x1  }
0x1b7: {  	v10 =	vadd.s32 $0x3F80, v0;
	v9 =	vpop (erf)  }
0x1b8: {  	v6 =	vmul.f32 v9, v6;
	v9 =	vor.u32 $0x700, v1;
	_ =	sdelay $0x1  }
0x1b9: {  	[tilespmem:v7+s24+$0x0] =	vst.idx.msk $0xffff, v6  }
0x1ba: {  	[tilespmem:v12+s17+$0x0] =	vst.idx.msk $0xffff, v6  }
0x1bb: {  	v6 =	vld.idx.msk [tilespmem:v10+s17+$0x0], $0xffff  }
0x1bc: {  	v7 =	vld.idx.msk [tilespmem:v9+s21+$0x0], $0xffff;
	_ =	sdelay $0x4  }
0x1bd: {  	v6 =	vadd.f32 v7, v6;
	_ =	sdelay $0x1  }
0x1be: {  	v7 =	vmul.f32 $2.000000030e-01, v6  }
0x1bf: {  	vm12 =	vge.f32 v6, $0.0e+00  }
0x1c0: {  	v6 =	vsel vm12, v6, v7  }
0x1c1: {  	v6 =	vmul.f32 $1.442695020e+00, v6;
	_ =	sdelay $0x1  }
0x1c2: {  	(erf) = vpow2.f32 v6;
	_ =	sdelay $0x4  }
0x1c3: {  	v6 =	vld [tilespmem:$0x170];
	_ =	sdelay $0x1  }
0x1c4: {  	v7 =	vor.u32 $0x1C0, v2;
	_ =	sdelay $0x1  }
0x1c5: {  	v12 =	vadd.s32 $0x3F81, v0;
	v9 =	vpop (erf)  }
0x1c6: {  	v63 =	vor.u32 $0x701, v1;
	v9 =	vmul.f32 v9, v6;
	_ =	sdelay $0x1  }
0x1c7: {  	[tilespmem:v7+s24+$0x0] =	vst.idx.msk $0xffff, v9  }
0x1c8: {  	[tilespmem:v10+s17+$0x0] =	vst.idx.msk $0xffff, v9  }
0x1c9: {  	v7 =	vld.idx.msk [tilespmem:v12+s17+$0x0], $0xffff  }
0x1ca: {  	v9 =	vld.idx.msk [tilespmem:v63+s21+$0x0], $0xffff;
	_ =	sdelay $0x4  }
0x1cb: {  	v7 =	vadd.f32 v9, v7;
	_ =	sdelay $0x1  }
0x1cc: {  	v9 =	vmul.f32 $2.000000030e-01, v7  }
0x1cd: {  	vm13 =	vge.f32 v7, $0.0e+00  }
0x1ce: {  	v7 =	vsel vm13, v7, v9  }
0x1cf: {  	v7 =	vmul.f32 $1.442695020e+00, v7;
	_ =	sdelay $0x1  }
0x1d0: {  	(erf) = vpow2.f32 v7;
	_ =	sdelay $0x6  }
0x1d1: {  	v7 =	vor.u32 $0x1C1, v2;
	_ =	sdelay $0x1  }
0x1d2: {  	v10 =	vadd.s32 $0x3F82, v0;
	v9 =	vpop (erf)  }
0x1d3: {  	v63 =	vor.u32 $0x702, v1;
	v9 =	vmul.f32 v9, v6;
	_ =	sdelay $0x1  }
0x1d4: {  	[tilespmem:v7+s24+$0x0] =	vst.idx.msk $0xffff, v9  }
0x1d5: {  	[tilespmem:v12+s17+$0x0] =	vst.idx.msk $0xffff, v9  }
0x1d6: {  	v7 =	vld.idx.msk [tilespmem:v10+s17+$0x0], $0xffff  }
0x1d7: {  	v9 =	vld.idx.msk [tilespmem:v63+s21+$0x0], $0xffff;
	_ =	sdelay $0x4  }
0x1d8: {  	v7 =	vadd.f32 v9, v7;
	_ =	sdelay $0x1  }
0x1d9: {  	v9 =	vmul.f32 $2.000000030e-01, v7  }
0x1da: {  	vm14 =	vge.f32 v7, $0.0e+00  }
0x1db: {  	v7 =	vsel vm14, v7, v9  }
0x1dc: {  	v7 =	vmul.f32 $1.442695020e+00, v7;
	_ =	sdelay $0x1  }
0x1dd: {  	(erf) = vpow2.f32 v7;
	_ =	sdelay $0x6  }
0x1de: {  	v7 =	vor.u32 $0x1C2, v2;
	_ =	sdelay $0x1  }
0x1df: {  	v12 =	vadd.s32 $0x3F83, v0;
	v9 =	vpop (erf)  }
0x1e0: {  	v63 =	vor.u32 $0x703, v1;
	v9 =	vmul.f32 v9, v6;
	_ =	sdelay $0x1  }
0x1e1: {  	[tilespmem:v7+s24+$0x0] =	vst.idx.msk $0xffff, v9  }
0x1e2: {  	[tilespmem:v10+s17+$0x0] =	vst.idx.msk $0xffff, v9  }
0x1e3: {  	v7 =	vld.idx.msk [tilespmem:v12+s17+$0x0], $0xffff  }
0x1e4: {  	v9 =	vld.idx.msk [tilespmem:v63+s21+$0x0], $0xffff;
	_ =	sdelay $0x4  }
0x1e5: {  	v7 =	vadd.f32 v9, v7;
	_ =	sdelay $0x1  }
0x1e6: {  	v9 =	vmul.f32 $2.000000030e-01, v7  }
0x1e7: {  	vm15 =	vge.f32 v7, $0.0e+00  }
0x1e8: {  	v7 =	vsel vm15, v7, v9  }
0x1e9: {  	v7 =	vmul.f32 $1.442695020e+00, v7;
	_ =	sdelay $0x1  }
0x1ea: {  	(erf) = vpow2.f32 v7;
	_ =	sdelay $0x5  }
0x1eb: {  	v7 =	vmov s25  }
0x1ec: {  	v9 =	vor.u32 $0x1C3, v2;
	v7 =	vand.u32 $0xFFFFFFFC, v7  }
0x1ed: {  	v7 =	vbroadcast v7, $0x0  }
0x1ee: {  	v10 =	vpop (erf)  }
0x1ef: {  	v6 =	vmul.f32 v10, v6;
	_ =	sdelay $0x1  }
0x1f0: {  	[tilespmem:v9+s24+$0x0] =	vst.idx.msk $0xffff, v6  }
0x1f1: {  	[tilespmem:v12+s17+$0x0] =	vst.idx.msk $0xffff, v6  }
0x1f2: {  	s28 =	simm.s32 $0x1C0;
	v6 =	vld.idx.msk [tilespmem:v7+s24+$0x0], $0xffff  }
0x1f3: {  	s29 =	simm.s32 $0x1;
	v7 =	vld [tilespmem:s28+$0xFFFFFFC0]  }
0x1f4: {  	v10 =	vmov s29;
	v9 =	vld [tilespmem:s28+$0xFFFFFFD0]  }
0x1f5: {  	v10 =	vand.u32 $0xFFFFFFFD, v10  }
0x1f6: {  	v10 =	vbroadcast v10, $0x0;
	_ =	sdelay $0x1  }
0x1f7: {  	v7 =	vmul.f32 v7, v6  }
0x1f8: {  	v6 =	vmul.f32 v9, v6  }
0x1f9: {  	[tilespmem:s28+$0xFFFFFFC0] =	vst v7  }
0x1fa: {  	[tilespmem:s28+$0xFFFFFFD0] =	vst v6;
	v7 =	vld [tilespmem:s28+$0xFFFFFFE0]  }
0x1fb: {  	s29 =	simm.s32 $0x2;
	v6 =	vld.idx.msk [tilespmem:v10+s24+$0x0], $0xffff  }
0x1fc: {  	v9 =	vld [tilespmem:s28+$0xFFFFFFF0];
	v10 =	vmov s29  }
0x1fd: {  	v10 =	vand.u32 $0xFFFFFFFE, v10  }
0x1fe: {  	v10 =	vbroadcast v10, $0x0;
	_ =	sdelay $0x1  }
0x1ff: {  	v7 =	vmul.f32 v7, v6  }
0x200: {  	v6 =	vmul.f32 v9, v6  }
0x201: {  	[tilespmem:s28+$0xFFFFFFE0] =	vst v7  }
0x202: {  	[tilespmem:s28+$0xFFFFFFF0] =	vst v6;
	v6 =	vld [tilespmem:s28+$0x10]  }
0x203: {  	v7 =	vld.idx.msk [tilespmem:v10+s24+$0x0], $0xffff  }
0x204: {  	v9 =	vld [tilespmem:s28+$0x0];
	_ =	sdelay $0x1  }
0x205: {  	s29 =	simm.s32 $0x3  }
0x206: {  	v10 =	vmov s29  }
0x207: {  	v6 =	vmul.f32 v6, v7  }
0x208: {  	v7 =	vmul.f32 v9, v7  }
0x209: {  	v63 =	vld [tilespmem:s28+$0x30];
	[tilespmem:s28+$0x10] =	vst v6  }
0x20a: {  	v9 =	vld [tilespmem:s28+$0x20];
	[tilespmem:s28+$0x0] =	vst v7  }
0x20b: {  	s29 =	simm.s32 $0x4;
	v6 =	vld.idx.msk [tilespmem:v10+s24+$0x0], $0xffff  }
0x20c: {  	v7 =	vmov s29  }
0x20d: {  	v7 =	vand.u32 $0xFFFFFFFC, v7  }
0x20e: {  	s30 =	simm.s32 $0x8;
	v7 =	vbroadcast v7, $0x0  }
.LBB2_5:
0x20f: {  	p0 =	sne.s32 s30, $0x1FC  }
0x210: {  	v9 =	vmul.f32 v9, v6;
	v6 =	vmul.f32 v63, v6;
	_ =	sdelay $0x1  }
0x211: {  	[tilespmem:s28+$0x20] =	vst v9  }
0x212: {  	[tilespmem:s28+$0x30] =	vst v6  }
0x213: {  	s28 =	sadd.s32 $0x90, s28;
	v6 =	vld.idx.msk [tilespmem:v7+s24+$0x0], $0xffff  }
0x214: {  	s31 =	sadd.s32 $0x1, s29;
	v7 =	vld [tilespmem:s28+$0xFFFFFFC0]  }
0x215: {  	v10 =	vmov s31;
	v9 =	vld [tilespmem:s28+$0xFFFFFFD0]  }
0x216: {  	v10 =	vand.u32 $0xFFFFFFFD, v10  }
0x217: {  	v10 =	vbroadcast v10, $0x0;
	_ =	sdelay $0x1  }
0x218: {  	v7 =	vmul.f32 v7, v6  }
0x219: {  	v6 =	vmul.f32 v9, v6  }
0x21a: {  	[tilespmem:s28+$0xFFFFFFC0] =	vst v7  }
0x21b: {  	[tilespmem:s28+$0xFFFFFFD0] =	vst v6  }
0x21c: {  	v6 =	vld.idx.msk [tilespmem:v10+s24+$0x0], $0xffff  }
0x21d: {  	s31 =	sadd.s32 $0x2, s29;
	v7 =	vld [tilespmem:s28+$0xFFFFFFE0]  }
0x21e: {  	v10 =	vmov s31;
	v9 =	vld [tilespmem:s28+$0xFFFFFFF0]  }
0x21f: {  	v10 =	vand.u32 $0xFFFFFFFE, v10  }
0x220: {  	v10 =	vbroadcast v10, $0x0;
	_ =	sdelay $0x1  }
0x221: {  	v7 =	vmul.f32 v7, v6  }
0x222: {  	v6 =	vmul.f32 v9, v6  }
0x223: {  	[tilespmem:s28+$0xFFFFFFE0] =	vst v7  }
0x224: {  	[tilespmem:s28+$0xFFFFFFF0] =	vst v6;
	v6 =	vld [tilespmem:s28+$0x10]  }
0x225: {  	v7 =	vld.idx.msk [tilespmem:v10+s24+$0x0], $0xffff  }
0x226: {  	v9 =	vld [tilespmem:s28+$0x0];
	_ =	sdelay $0x2  }
0x227: {  	s31 =	sadd.s32 $0x3, s29;
	s29 =	smov.u32 s30  }
0x228: {  	v10 =	vmov s31  }
0x229: {  	v6 =	vmul.f32 v6, v7;
	v9 =	vmul.f32 v9, v7;
	_ =	sdelay $0x1  }
0x22a: {  	[tilespmem:s28+$0x10] =	vst v6  }
0x22b: {  	[tilespmem:s28+$0x0] =	vst v9;
	v63 =	vld [tilespmem:s28+$0x30]  }
.Ltmp1:
0x22c: {  	v6 =	vld.idx.msk [tilespmem:v10+s24+$0x0], $0xffff;
	(pc) =	sbr.rel @p0 .LBB2_5-.Ltmp1, $4  }
0x22d: {  	v9 =	vld [tilespmem:s28+$0x20]  }
0x22e: {  	v7 =	vmov s30  }
0x22f: {  	v7 =	vand.u32 $0xFFFFFFFC, v7  }
0x230: {  	s30 =	sadd.s32 $0x4, s30;
	v7 =	vbroadcast v7, $0x0  }
0x231: {  	_ = 	snop  }
0x232: {  	v9 =	vmul.f32 v9, v6  }
0x233: {  	v6 =	vmul.f32 v63, v6  }
0x234: {  	[tilespmem:s28+$0x20] =	vst v9  }
0x235: {  	[tilespmem:s28+$0x30] =	vst v6  }
0x236: {  	s28 =	sadd.s32 $0x90, s28;
	v6 =	vld.idx.msk [tilespmem:v7+s24+$0x0], $0xffff  }
0x237: {  	s30 =	sadd.s32 $0x1, s29;
	v7 =	vld [tilespmem:s28+$0xFFFFFFC0]  }
0x238: {  	v10 =	vmov s30;
	v9 =	vld [tilespmem:s28+$0xFFFFFFD0]  }
0x239: {  	v10 =	vand.u32 $0xFFFFFFFD, v10  }
0x23a: {  	v10 =	vbroadcast v10, $0x0;
	_ =	sdelay $0x1  }
0x23b: {  	v7 =	vmul.f32 v7, v6  }
0x23c: {  	v6 =	vmul.f32 v9, v6  }
0x23d: {  	[tilespmem:s28+$0xFFFFFFC0] =	vst v7  }
0x23e: {  	[tilespmem:s28+$0xFFFFFFD0] =	vst v6;
	v7 =	vld [tilespmem:s28+$0xFFFFFFE0]  }
0x23f: {  	s31 =	sadd.s32 $0x2, s29;
	v6 =	vld.idx.msk [tilespmem:v10+s24+$0x0], $0xffff  }
0x240: {  	v9 =	vld [tilespmem:s28+$0xFFFFFFF0];
	v10 =	vmov s31  }
0x241: {  	v10 =	vand.u32 $0xFFFFFFFE, v10  }
0x242: {  	v10 =	vbroadcast v10, $0x0;
	_ =	sdelay $0x1  }
0x243: {  	v7 =	vmul.f32 v7, v6  }
0x244: {  	v6 =	vmul.f32 v9, v6  }
0x245: {  	[tilespmem:s28+$0xFFFFFFE0] =	vst v7  }
0x246: {  	[tilespmem:s28+$0xFFFFFFF0] =	vst v6;
	v6 =	vld [tilespmem:s28+$0x10]  }
0x247: {  	v7 =	vld.idx.msk [tilespmem:v10+s24+$0x0], $0xffff  }
0x248: {  	v9 =	vld [tilespmem:s28+$0x0];
	_ =	sdelay $0x1  }
0x249: {  	s31 =	sadd.s32 $0x3, s29  }
0x24a: {  	v10 =	vmov s31  }
0x24b: {  	v6 =	vmul.f32 v6, v7  }
0x24c: {  	v7 =	vmul.f32 v9, v7  }
0x24d: {  	[tilespmem:s28+$0x10] =	vst v6  }
0x24e: {  	[tilespmem:s28+$0x0] =	vst v7;
	v7 =	vld [tilespmem:s28+$0x20]  }
0x24f: {  	v6 =	vld.idx.msk [tilespmem:v10+s24+$0x0], $0xffff  }
0x250: {  	v9 =	vld [tilespmem:s28+$0x30];
	_ =	sdelay $0x3  }
0x251: {  	v7 =	vmul.f32 v7, v6  }
0x252: {  	s26 =	sadd.s32 $0x1, s26;
	v6 =	vmul.f32 v9, v6  }
0x253: {  	p0 =	sne.s32 s26, $0x4F;
	[tilespmem:s28+$0x20] =	vst v7  }
.Ltmp2:
0x254: {  	[tilespmem:s28+$0x30] =	vst v6;
	(pc) =	sbr.rel @p0 .LBB2_4-.Ltmp2, $4  }
0x255: {  	[spmem:s1] =	stream.indirect.scatter.add.f32 [tilespmem:s17], [sflag:$0x3], $0x90, s19, s19, $0xb8;
	[tilespmem:$0x1BB80] =	vst v63  }
0x256: {  	_ =	swait.ge [sflag:s18], $0x4800  }
0x257: {  	[sflag:s18] =	ssyncset.done $0x0  }
0x258: {  	[sflag:s18] =	ssyncadd.s32 $0xFFFFB800  }
0x259: {  	s3 =	sadd.s32 $0x1, s3  }
0x25a: {  	s25 =	sshll.u32 s2, $0x6;
	[bflag:$0x0] =	sbarrier.arrive $0xFFFF;
	p0 =	sne.s32 s3, s16  }
.Ltmp3:
0x25b: {  	s26 =	sshrl.u32 s9, $0x3;
	s25 =	sor.u32 $0x1C03, s25;
	(pc) =	sbr.rel @p0 .LBB2_1-.Ltmp3, $4  }
0x25c: {  	[hbm:s15], [sflag:s25] =	dma.local [spmem:s26], $0x2D00  }
0x25d: {  	_ =	swait.ge [sflag:s18], $0x2D00  }
0x25e: {  	[sflag:s18] =	ssyncset.done $0x0  }
0x25f: {  	[sflag:s18] =	ssyncadd.s32 $0xFFFFD300  }
0x260: {  	_ =	sfence.sel $0x180000  }
0x261: {  	[bflag:$0x0] =	sbarrier.arrive $0xFFFF  }
0x262: {  	p0 =	sne.s32 s2, $0x0;
	_ =	strace $0x90000047  }
0x263: {  	s0 =	sadd.s32 @!p0 $0x100000, s0;
	[bflag:$0x2] =	sbarrier.arrive $0xFFFF  }
0x264: {  	[sflag:s0] =	ssyncadd.tile.s32 @!p0 $0x1;
	_ =	shalt  }
.Lfunc_end2:
_tile_overlayer_lowered:
.L_overlay_start_2:
0x265: {  	(tag) =	ssettag $0x2  }
0x266: {  	s0 =	rddreg [dreg:$0x0];
	s2 =	stileid.u32  }
0x267: {  	s1 =	rddreg [dreg:$0x1];
	p0 =	sne.s32 s2, $0x0  }
0x268: {  	s3 =	rddreg [dreg:$0x2];
	[bflag:$0x3] =	sbarrier.arrive $0xFFFF;
	s2 =	simm.s32 @!p0 $0x1C03  }
0x269: {  	[timem:s3], [sflag:s2] =	dma.local @!p0 [hbm:s0], s1  }
0x26a: {  	s0 =	simm.s32 @!p0 $0x3  }
0x26b: {  	_ =	swait.ge @!p0 [sflag:s0], s1  }
0x26c: {  	s1 =	ssub.s32 @!p0 $0x0, s1;
	[sflag:s0] =	ssyncset.done @!p0 $0x0  }
0x26d: {  	[sflag:s0] =	ssyncadd.s32 @!p0 s1  }
0x26e: {  	[bflag:$0x3] =	sbarrier.arrive $0xFFFF  }
0x26f: {  	_ =	shalt  }

</sc_bundles>
